<compile_context>
chip_gen: v7x
topology: tpu7x:2x2x1
jax: 0.10.2.dev20260603
libtpu: 0.0.44.dev20260713+nightly
codegen_flags: <defaults>
</compile_context>

<pallas_src>
import functools

import jax
import jax.numpy as jnp
from jax import lax
from jax.experimental import pallas as pl
from jax.experimental.pallas import tpu as pltpu
from jax.experimental.pallas import tpu_sc as plsc

_NC, _NS, _L = 2, 16, 16
_NW = _NC * _NS
_G = 16
_NBUF = 4


def _mesh():
    return plsc.VectorSubcoreMesh(
        core_axis_name="c", subcore_axis_name="s",
        num_cores=_NC, num_subcores=_NS)


def _wid():
    return lax.axis_index("s") * _NC + lax.axis_index("c")


def _take_via(ref, vec, perm):
    ref[...] = vec
    return plsc.load_gather(ref, [perm])


def _sims_call(zz, srcg, dstg, EWP, NCHUNK, NB):
    N, D2 = zz.shape
    E_pad = EWP * _NW
    NK = D2 // _L
    NKH = NK // 2
    slop = _NBUF * _G
    NGRP = EWP // _L

    def body(zz_h, src_h, dst_h, os_h, ot_h,
             idx_s, idx_d, rows, ss_v, st_v, tr_a, tr_b, sems):
        w = _wid()
        base = pl.multiple_of(w * EWP, 8)
        pltpu.sync_copy(src_h.at[pl.ds(base, EWP + slop)], idx_s)
        pltpu.sync_copy(dst_h.at[pl.ds(base, EWP + slop)], idx_d)

        lane = lax.iota(jnp.int32, _L)
        izero = jnp.zeros((_L,), jnp.int32)

        def issue(c, b):
            off = pl.multiple_of(c * _G, _G)
            s_sl = idx_s.at[pl.ds(off, _G)]
            d_sl = idx_d.at[pl.ds(off, _G)]
            pltpu.async_copy(zz_h.at[s_sl], rows[2 * b + 0], sems[b])
            pltpu.async_copy(zz_h.at[d_sl], rows[2 * b + 1], sems[b])

        def drain(c, b):
            off = pl.multiple_of(c * _G, _G)
            s_sl = idx_s.at[pl.ds(off, _G)]
            d_sl = idx_d.at[pl.ds(off, _G)]
            pltpu.make_async_copy(zz_h.at[s_sl], rows[2 * b + 0], sems[b]).wait()
            pltpu.make_async_copy(zz_h.at[d_sl], rows[2 * b + 1], sems[b]).wait()

        for b in range(_NBUF):
            issue(b, b)

        zero = jnp.zeros((_L,), jnp.float32)
        NKH = D2 // 2 // _L

        def chunk(c, b):
            drain(c, b)
            rs, rd = rows[2 * b + 0], rows[2 * b + 1]
            off = pl.multiple_of(c * _G, _G)

            def edge(e, carry):
                a_s = rs[e, pl.ds(0, _L)] * rd[e, pl.ds(0, _L)]
                a_t = (rs[e, pl.ds(NKH * _L, _L)]
                       * rd[e, pl.ds(NKH * _L, _L)])
                for k in range(1, NKH):
                    a_s += rs[e, pl.ds(k * _L, _L)] * rd[e, pl.ds(k * _L, _L)]
                    a_t += (rs[e, pl.ds((NKH + k) * _L, _L)]
                            * rd[e, pl.ds((NKH + k) * _L, _L)])
                eo = pl.multiple_of(e * _L, _L)
                tr_a[pl.ds(eo, _L)] = a_s
                tr_b[pl.ds(eo, _L)] = a_t
                return carry

            lax.fori_loop(0, _G, edge, None)

            jv = lane * _L
            accs = plsc.load_gather(tr_a, [jv])
            acct = plsc.load_gather(tr_b, [jv])
            for l in range(1, _L):
                jv = jv + 1
                accs = accs + plsc.load_gather(tr_a, [jv])
                acct = acct + plsc.load_gather(tr_b, [jv])
            ss_v[pl.ds(off, _L)] = accs
            st_v[pl.ds(off, _L)] = acct
            issue(c + _NBUF, b)

        def outer(i, _):
            for b in range(_NBUF):
                chunk(i * _NBUF + b, b)
            return _

        lax.fori_loop(0, NCHUNK // _NBUF, outer, None)
        for b in range(_NBUF):
            drain(NCHUNK + b, b)
        pltpu.sync_copy(ss_v, os_h.at[pl.ds(base, EWP)])
        pltpu.sync_copy(st_v, ot_h.at[pl.ds(base, EWP)])

    f = pl.kernel(
        body,
        out_type=[jax.ShapeDtypeStruct((E_pad,), jnp.float32),
                  jax.ShapeDtypeStruct((E_pad,), jnp.float32)],
        mesh=_mesh(),
        compiler_params=pltpu.CompilerParams(needs_layout_passes=False),
        scratch_types=[
            pltpu.VMEM((EWP + slop,), jnp.int32),
            pltpu.VMEM((EWP + slop,), jnp.int32),
            [pltpu.VMEM((_G, D2), jnp.float32) for _ in range(2 * _NBUF)],
            pltpu.VMEM((EWP,), jnp.float32),
            pltpu.VMEM((EWP,), jnp.float32),
            pltpu.VMEM((_G * _L,), jnp.float32),
            pltpu.VMEM((_G * _L,), jnp.float32),
            [pltpu.SemaphoreType.DMA for _ in range(_NBUF)],
        ],
    )
    return f(zz, srcg, dstg)


def _segmax_call(sims_s, sims_t, srcb, EWP, NB):
    NGRP = EWP // _L

    def body(vs_h, vt_h, idx_h, out_h, idxv, vs_v, vt_v, bs, bt, sh_i, sh_f):
        w = _wid()
        base = pl.multiple_of(w * EWP, 8)
        pltpu.sync_copy(idx_h.at[pl.ds(base, EWP)], idxv)
        pltpu.sync_copy(vs_h.at[pl.ds(base, EWP)], vs_v)
        pltpu.sync_copy(vt_h.at[pl.ds(base, EWP)], vt_v)

        neg = jnp.full((_L,), -jnp.inf, jnp.float32)

        def init(i, _):
            off = pl.multiple_of(i * _L, _L)
            bs[pl.ds(off, _L)] = neg
            bt[pl.ds(off, _L)] = neg
            return _

        lax.fori_loop(0, NB // _L, init, None)

        lane = lax.iota(jnp.int32, _L)

        def grp(g, carry):
            off = pl.multiple_of(g * _L, _L)
            idx = idxv[pl.ds(off, _L)]
            vs = vs_v[pl.ds(off, _L)]
            vt = vt_v[pl.ds(off, _L)]
            sidx, ss = plsc.sort_key_val(idx, vs)
            _, st = plsc.sort_key_val(idx, vt)
            for k in (1, 2, 4, 8):
                perm = (lane + k) & (_L - 1)
                same = _take_via(sh_i, sidx, perm) == sidx
                ss = jnp.where(same, jnp.maximum(ss, _take_via(sh_f, ss, perm)), ss)
                st = jnp.where(same, jnp.maximum(st, _take_via(sh_f, st, perm)), st)
            prev = _take_via(sh_i, sidx, (lane + _L - 1) & (_L - 1))
            first = (lane == 0) | (sidx != prev)
            cur_s = plsc.load_gather(bs, [sidx])
            plsc.store_scatter(bs, [sidx], jnp.maximum(cur_s, ss), mask=first)
            cur_t = plsc.load_gather(bt, [sidx])
            plsc.store_scatter(bt, [sidx], jnp.maximum(cur_t, st), mask=first)
            return carry

        lax.fori_loop(0, NGRP, grp, None)
        ob = pl.multiple_of(w * 2 * NB, 8)
        pltpu.sync_copy(bs, out_h.at[pl.ds(ob, NB)])
        pltpu.sync_copy(bt, out_h.at[pl.ds(ob + NB, NB)])

    f = pl.kernel(
        body,
        out_type=[jax.ShapeDtypeStruct((_NW * 2 * NB,), jnp.float32)],
        mesh=_mesh(),
        compiler_params=pltpu.CompilerParams(needs_layout_passes=False),
        scratch_types=[
            pltpu.VMEM((EWP,), jnp.int32),
            pltpu.VMEM((EWP,), jnp.float32),
            pltpu.VMEM((EWP,), jnp.float32),
            pltpu.VMEM((NB,), jnp.float32),
            pltpu.VMEM((NB,), jnp.float32),
            pltpu.VMEM((_L,), jnp.int32),
            pltpu.VMEM((_L,), jnp.float32),
        ],
    )
    return f(sims_s, sims_t, srcb)[0]


def _maxmerge_call(maxbins):
    NW, _, NB = maxbins.shape

    def body(x_ref, os_ref, ot_ref):
        m = jnp.max(x_ref[...], axis=0)
        m = jnp.where(jnp.isfinite(m), m, 0.0)
        os_ref[...] = m[0]
        ot_ref[...] = m[1]

    return pl.pallas_call(
        body,
        out_shape=[jax.ShapeDtypeStruct((NB,), jnp.float32),
                   jax.ShapeDtypeStruct((NB,), jnp.float32)],
    )(maxbins)


def _segsum_call(sims_s, sims_t, srcb, ms, mt, EWP, NB):
    NGRP = EWP // _L

    def body(vs_h, vt_h, idx_h, ms_h, mt_h, out_h,
             idxv, vs_v, vt_v, ms_v, mt_v, b0, b1, b2, sh_i, sh_f):
        w = _wid()
        base = pl.multiple_of(w * EWP, 8)
        pltpu.sync_copy(idx_h.at[pl.ds(base, EWP)], idxv)
        pltpu.sync_copy(vs_h.at[pl.ds(base, EWP)], vs_v)
        pltpu.sync_copy(vt_h.at[pl.ds(base, EWP)], vt_v)
        pltpu.sync_copy(ms_h, ms_v)
        pltpu.sync_copy(mt_h, mt_v)

        zero = jnp.zeros((_L,), jnp.float32)

        def init(i, _):
            off = pl.multiple_of(i * _L, _L)
            b0[pl.ds(off, _L)] = zero
            b1[pl.ds(off, _L)] = zero
            b2[pl.ds(off, _L)] = zero
            return _

        lax.fori_loop(0, NB // _L, init, None)

        lane = lax.iota(jnp.int32, _L)

        def grp(g, carry):
            off = pl.multiple_of(g * _L, _L)
            idx = idxv[pl.ds(off, _L)]
            vs = vs_v[pl.ds(off, _L)]
            vt = vt_v[pl.ds(off, _L)]
            ms = plsc.load_gather(ms_v, [idx])
            mt = plsc.load_gather(mt_v, [idx])
            ws = jnp.exp(vs - ms)
            wt = jnp.exp(vt - mt)
            nu = wt * (vt - vs)
            sidx, sws = plsc.sort_key_val(idx, ws)
            _, swt = plsc.sort_key_val(idx, wt)
            _, snu = plsc.sort_key_val(idx, nu)
            fz = jnp.zeros((_L,), jnp.float32)
            for k in (1, 2, 4, 8):
                pm = jnp.minimum(lane + k, _L - 1)
                ok = (lane + k < _L) & (_take_via(sh_i, sidx, pm) == sidx)
                sws = sws + jnp.where(ok, _take_via(sh_f, sws, pm), fz)
                swt = swt + jnp.where(ok, _take_via(sh_f, swt, pm), fz)
                snu = snu + jnp.where(ok, _take_via(sh_f, snu, pm), fz)
            prev = _take_via(sh_i, sidx, (lane + _L - 1) & (_L - 1))
            first = (lane == 0) | (sidx != prev)
            c0 = plsc.load_gather(b0, [sidx])
            plsc.store_scatter(b0, [sidx], c0 + sws, mask=first)
            c1 = plsc.load_gather(b1, [sidx])
            plsc.store_scatter(b1, [sidx], c1 + swt, mask=first)
            c2 = plsc.load_gather(b2, [sidx])
            plsc.store_scatter(b2, [sidx], c2 + snu, mask=first)
            return carry

        lax.fori_loop(0, NGRP, grp, None)
        ob = pl.multiple_of(w * 3 * NB, 8)
        pltpu.sync_copy(b0, out_h.at[pl.ds(ob, NB)])
        pltpu.sync_copy(b1, out_h.at[pl.ds(ob + NB, NB)])
        pltpu.sync_copy(b2, out_h.at[pl.ds(ob + 2 * NB, NB)])

    f = pl.kernel(
        body,
        out_type=[jax.ShapeDtypeStruct((_NW * 3 * NB,), jnp.float32)],
        mesh=_mesh(),
        compiler_params=pltpu.CompilerParams(needs_layout_passes=False),
        scratch_types=[
            pltpu.VMEM((EWP,), jnp.int32),
            pltpu.VMEM((EWP,), jnp.float32),
            pltpu.VMEM((EWP,), jnp.float32),
            pltpu.VMEM((NB,), jnp.float32),
            pltpu.VMEM((NB,), jnp.float32),
            pltpu.VMEM((NB,), jnp.float32),
            pltpu.VMEM((NB,), jnp.float32),
            pltpu.VMEM((NB,), jnp.float32),
            pltpu.VMEM((_L,), jnp.int32),
            pltpu.VMEM((_L,), jnp.float32),
        ],
    )
    return f(sims_s, sims_t, srcb, ms, mt)[0]


def _final_call(partials, ms_a, mt_a, N):
    NW, _, NB = partials.shape

    def body(p_ref, ms_ref, mt_ref, o_ref):
        s = jnp.sum(p_ref[...], axis=0)
        S_s = s[0:1, :]
        S_t = s[1:2, :]
        nu = s[2:3, :]
        ms = ms_ref[...].reshape(1, NB)
        mt = mt_ref[...].reshape(1, NB)
        col = lax.broadcasted_iota(jnp.int32, (1, NB), 1)
        mask = (S_t >= 0.5) & (col < N)
        St1 = jnp.where(mask, S_t, 1.0)
        Ss1 = jnp.where(mask, S_s, 1.0)
        term = jnp.where(
            mask, nu / St1 + ms - mt + jnp.log(Ss1) - jnp.log(St1), 0.0)
        o_ref[0, 0] = jnp.sum(term) / N

    return pl.pallas_call(
        body,
        out_shape=jax.ShapeDtypeStruct((1, 1), jnp.float32),
        out_specs=pl.BlockSpec(memory_space=pltpu.SMEM),
    )(partials, ms_a, mt_a)


def kernel(z_s, z_t, e_s, e_t):
    N, D = z_s.shape
    E = e_t.shape[1]
    src = e_t[0]
    dst = e_t[1]

    EW = E // _NW
    step = _G * _NBUF
    EWP = ((EW + step - 1) // step) * step
    NCHUNK = EWP // _G
    NB = ((N + 1 + _L - 1) // _L) * _L

    slop = _NBUF * _G
    padw = EWP - EW
    src2 = src.reshape(_NW, EW)
    dst2 = dst.reshape(_NW, EW)
    srcg = jnp.pad(src2, ((0, 0), (0, padw))).reshape(-1)
    dstg = jnp.pad(dst2, ((0, 0), (0, padw))).reshape(-1)
    srcg = jnp.concatenate([srcg, jnp.zeros((slop,), jnp.int32)])
    dstg = jnp.concatenate([dstg, jnp.zeros((slop,), jnp.int32)])
    srcb = jnp.pad(src2, ((0, 0), (0, padw)), constant_values=N).reshape(-1)

    zz = jnp.concatenate([z_s, z_t], axis=1)
    sims_s, sims_t = _sims_call(zz, srcg, dstg, EWP, NCHUNK, NB)
    maxbins = _segmax_call(sims_s, sims_t, srcb, EWP, NB)
    ms, mt = _maxmerge_call(maxbins.reshape(_NW, 2, NB))
    partials = _segsum_call(sims_s, sims_t, srcb, ms, mt, EWP, NB)
    out = _final_call(partials.reshape(_NW, 3, NB), ms, mt, N)
    return out.reshape(())

# --- scband reference (transcript-rebuilt; emitter-appended) ---
"""Pipeline reference for scband-structural-similarity-12635793784922 (READ-ONLY COPY).

The authoritative reference and input builder live on the scoring server;
editing this copy changes nothing except your own understanding.
"""

import jax, jax.numpy as jnp
import numpy as np


def _scatter_log_softmax(sims, seg, num_segments):
    mx = jax.ops.segment_max(sims, seg, num_segments=num_segments)
    mx = jnp.where(jnp.isfinite(mx), mx, 0.0)
    shifted = sims - mx[seg]
    denom = jax.ops.segment_sum(jnp.exp(shifted), seg, num_segments=num_segments)
    denom = jnp.where(denom > 0, denom, 1.0)
    return shifted - jnp.log(denom)[seg]


def setup_inputs(seed: int = 0) -> dict:
    key = jax.random.key(seed)
    k1, k2, k3, k4 = jax.random.split(key, 4)
    N, D, E = 10000, 256, 160000
    z_s = jax.random.normal(k1, (N, D), dtype=jnp.float32)
    z_t = jax.random.normal(k2, (N, D), dtype=jnp.float32)
    e_s = jax.random.randint(k3, (2, E), 0, N, dtype=jnp.int32)
    e_t = jax.random.randint(k4, (2, E), 0, N, dtype=jnp.int32)
    return {"z_s": z_s, "z_t": z_t, "e_s": e_s, "e_t": e_t}


def reference(z_s, z_t, e_s, e_t):
    # same_ei=True -> e_u = e_t (e_s unused in the union step)
    N = z_s.shape[0]
    e_u = e_t
    src, dst = e_u[0], e_u[1]
    # kernel(z[e0], z[e1]) realized as per-edge dot-product similarity
    sims_s = jnp.sum(jnp.take(z_s, src, axis=0) * jnp.take(z_s, dst, axis=0), axis=-1)
    sims_t = jnp.sum(jnp.take(z_t, src, axis=0) * jnp.take(z_t, dst, axis=0), axis=-1)
    ls_s = _scatter_log_softmax(sims_s, src, N)
    ls_t = _scatter_log_softmax(sims_t, src, N)
    # F.kl_div(input=ls_s, target=ls_t, reduction='none', log_target=True)
    # = exp(ls_t) * (ls_t - ls_s)
    kl = jnp.exp(ls_t) * (ls_t - ls_s)
    per_node = jax.ops.segment_sum(kl, src, num_segments=N)
    return jnp.mean(per_node)

if __name__ == "__main__":
    import jax
    _d = setup_inputs()
    print(jax.jit(kernel)(*tuple(_d.values())))

</pallas_src>

<mosaic_0001>
#map = affine_map<(d0, d1) -> (0)>
module attributes {stable_mosaic.version = 14 : i64} {
  func.func @body(%arg0: i32, %arg1: i32, %arg2: memref<161792xf32, #tpu.memory_space<hbm>>, %arg3: memref<161792xf32, #tpu.memory_space<hbm>>, %arg4: memref<161792xi32, #tpu.memory_space<hbm>>, %arg5: memref<10016xf32, #tpu.memory_space<hbm>>, %arg6: memref<10016xf32, #tpu.memory_space<hbm>>, %arg7: memref<961536xf32, #tpu.memory_space<hbm>>, %arg8: memref<5056xi32, #tpu.memory_space<vmem>>, %arg9: memref<5056xf32, #tpu.memory_space<vmem>>, %arg10: memref<5056xf32, #tpu.memory_space<vmem>>, %arg11: memref<10016xf32, #tpu.memory_space<vmem>>, %arg12: memref<10016xf32, #tpu.memory_space<vmem>>, %arg13: memref<10016xf32, #tpu.memory_space<vmem>>, %arg14: memref<10016xf32, #tpu.memory_space<vmem>>, %arg15: memref<10016xf32, #tpu.memory_space<vmem>>, %arg16: memref<16xi32, #tpu.memory_space<vmem>>, %arg17: memref<16xf32, #tpu.memory_space<vmem>>) attributes {dimension_semantics = [#tpu.dimension_semantics<core_parallel>, #tpu.dimension_semantics<subcore_parallel>], iteration_bounds = array<i64: 2, 16>, scalar_prefetch = 0 : i64, scratch_operands = 10 : i64, tpu.core_type = #tpu.core_type<sc_vector_subcore>, window_params = [{transform_indices = #map}, {transform_indices = #map}, {transform_indices = #map}, {transform_indices = #map}, {transform_indices = #map}, {transform_indices = #map}]} {
    %mul3A = arith.constant 2 : i32
    %mul3A_0 = arith.muli %arg1, %mul3A : i32
    %add3A = arith.addi %mul3A_0, %arg0 : i32
    %mul3A_1 = arith.constant 5056 : i32
    %mul3A_2 = arith.muli %add3A, %mul3A_1 : i32
    %multiple_of3A = tpu.assume_multiple %mul3A_2, 8 : i32
    "tpu.region"() ({
      %run_scoped3A = tpu.sem_alloc : memref<!tpu.dma_semaphore, #tpu.memory_space<semaphore_mem>>
      %dma_start3A = tpu.memref_slice %arg4[%multiple_of3A] : memref<161792xi32, #tpu.memory_space<hbm>> -> memref<5056xi32, #tpu.memory_space<hbm>>
      %dma_start3A_22 = tpu.memref_slice %arg4[%multiple_of3A] : memref<161792xi32, #tpu.memory_space<hbm>> -> memref<5056xi32, #tpu.memory_space<hbm>>
      tpu.enqueue_dma source(%dma_start3A_22 : memref<5056xi32, #tpu.memory_space<hbm>>) target(%arg8 : memref<5056xi32, #tpu.memory_space<vmem>>) target_semaphore(%run_scoped3A : memref<!tpu.dma_semaphore, #tpu.memory_space<semaphore_mem>>)
      %dma_wait3A = tpu.memref_slice %arg4[%multiple_of3A] : memref<161792xi32, #tpu.memory_space<hbm>> -> memref<5056xi32, #tpu.memory_space<hbm>>
      %dma_wait3A_23 = tpu.memref_slice %arg4[%multiple_of3A] : memref<161792xi32, #tpu.memory_space<hbm>> -> memref<5056xi32, #tpu.memory_space<hbm>>
      tpu.wait_dma2 semaphore(%run_scoped3A : memref<!tpu.dma_semaphore, #tpu.memory_space<semaphore_mem>>) src(%dma_wait3A_23 : memref<5056xi32, #tpu.memory_space<hbm>>) dst(%arg8 : memref<5056xi32, #tpu.memory_space<vmem>>)
      tpu.yield
    }) : () -> ()
    "tpu.region"() ({
      %run_scoped3A = tpu.sem_alloc : memref<!tpu.dma_semaphore, #tpu.memory_space<semaphore_mem>>
      %dma_start3A = tpu.memref_slice %arg2[%multiple_of3A] : memref<161792xf32, #tpu.memory_space<hbm>> -> memref<5056xf32, #tpu.memory_space<hbm>>
      %dma_start3A_22 = tpu.memref_slice %arg2[%multiple_of3A] : memref<161792xf32, #tpu.memory_space<hbm>> -> memref<5056xf32, #tpu.memory_space<hbm>>
      tpu.enqueue_dma source(%dma_start3A_22 : memref<5056xf32, #tpu.memory_space<hbm>>) target(%arg9 : memref<5056xf32, #tpu.memory_space<vmem>>) target_semaphore(%run_scoped3A : memref<!tpu.dma_semaphore, #tpu.memory_space<semaphore_mem>>)
      %dma_wait3A = tpu.memref_slice %arg2[%multiple_of3A] : memref<161792xf32, #tpu.memory_space<hbm>> -> memref<5056xf32, #tpu.memory_space<hbm>>
      %dma_wait3A_23 = tpu.memref_slice %arg2[%multiple_of3A] : memref<161792xf32, #tpu.memory_space<hbm>> -> memref<5056xf32, #tpu.memory_space<hbm>>
      tpu.wait_dma2 semaphore(%run_scoped3A : memref<!tpu.dma_semaphore, #tpu.memory_space<semaphore_mem>>) src(%dma_wait3A_23 : memref<5056xf32, #tpu.memory_space<hbm>>) dst(%arg9 : memref<5056xf32, #tpu.memory_space<vmem>>)
      tpu.yield
    }) : () -> ()
    "tpu.region"() ({
      %run_scoped3A = tpu.sem_alloc : memref<!tpu.dma_semaphore, #tpu.memory_space<semaphore_mem>>
      %dma_start3A = tpu.memref_slice %arg3[%multiple_of3A] : memref<161792xf32, #tpu.memory_space<hbm>> -> memref<5056xf32, #tpu.memory_space<hbm>>
      %dma_start3A_22 = tpu.memref_slice %arg3[%multiple_of3A] : memref<161792xf32, #tpu.memory_space<hbm>> -> memref<5056xf32, #tpu.memory_space<hbm>>
      tpu.enqueue_dma source(%dma_start3A_22 : memref<5056xf32, #tpu.memory_space<hbm>>) target(%arg10 : memref<5056xf32, #tpu.memory_space<vmem>>) target_semaphore(%run_scoped3A : memref<!tpu.dma_semaphore, #tpu.memory_space<semaphore_mem>>)
      %dma_wait3A = tpu.memref_slice %arg3[%multiple_of3A] : memref<161792xf32, #tpu.memory_space<hbm>> -> memref<5056xf32, #tpu.memory_space<hbm>>
      %dma_wait3A_23 = tpu.memref_slice %arg3[%multiple_of3A] : memref<161792xf32, #tpu.memory_space<hbm>> -> memref<5056xf32, #tpu.memory_space<hbm>>
      tpu.wait_dma2 semaphore(%run_scoped3A : memref<!tpu.dma_semaphore, #tpu.memory_space<semaphore_mem>>) src(%dma_wait3A_23 : memref<5056xf32, #tpu.memory_space<hbm>>) dst(%arg10 : memref<5056xf32, #tpu.memory_space<vmem>>)
      tpu.yield
    }) : () -> ()
    "tpu.region"() ({
      %run_scoped3A = tpu.sem_alloc : memref<!tpu.dma_semaphore, #tpu.memory_space<semaphore_mem>>
      tpu.enqueue_dma source(%arg5 : memref<10016xf32, #tpu.memory_space<hbm>>) target(%arg11 : memref<10016xf32, #tpu.memory_space<vmem>>) target_semaphore(%run_scoped3A : memref<!tpu.dma_semaphore, #tpu.memory_space<semaphore_mem>>)
      tpu.wait_dma2 semaphore(%run_scoped3A : memref<!tpu.dma_semaphore, #tpu.memory_space<semaphore_mem>>) src(%arg5 : memref<10016xf32, #tpu.memory_space<hbm>>) dst(%arg11 : memref<10016xf32, #tpu.memory_space<vmem>>)
      tpu.yield
    }) : () -> ()
    "tpu.region"() ({
      %run_scoped3A = tpu.sem_alloc : memref<!tpu.dma_semaphore, #tpu.memory_space<semaphore_mem>>
      tpu.enqueue_dma source(%arg6 : memref<10016xf32, #tpu.memory_space<hbm>>) target(%arg12 : memref<10016xf32, #tpu.memory_space<vmem>>) target_semaphore(%run_scoped3A : memref<!tpu.dma_semaphore, #tpu.memory_space<semaphore_mem>>)
      tpu.wait_dma2 semaphore(%run_scoped3A : memref<!tpu.dma_semaphore, #tpu.memory_space<semaphore_mem>>) src(%arg6 : memref<10016xf32, #tpu.memory_space<hbm>>) dst(%arg12 : memref<10016xf32, #tpu.memory_space<vmem>>)
      tpu.yield
    }) : () -> ()
    %broadcast_in_dim3A = arith.constant 0.000000e+00 : f32
    %broadcast_in_dim3A_3 = vector.broadcast %broadcast_in_dim3A : f32 to vector<16xf32>
    %scan3A = arith.constant 0 : i32
    %scan3A_4 = arith.constant 626 : i32
    %scan3A_5 = arith.addi %scan3A, %scan3A_4 : i32
    %scan3A_6 = arith.constant 1 : i32
    scf.for %scan3A_22 = %scan3A to %scan3A_5 step %scan3A_6  : i32 {
      %mul3A_23 = arith.constant 16 : i32
      %mul3A_24 = arith.muli %scan3A_22, %mul3A_23 : i32
      %multiple_of3A_25 = tpu.assume_multiple %mul3A_24, 16 : i32
      %swap3A = arith.index_cast %multiple_of3A_25 : i32 to index
      %swap3A_26 = tpu.vector_load %arg13[%swap3A] {strides = array<i32>} : memref<10016xf32, #tpu.memory_space<vmem>>, vector<16xf32>,
      tpu.vector_store %arg13[%swap3A], %broadcast_in_dim3A_3 {strides = array<i32>} : memref<10016xf32, #tpu.memory_space<vmem>>, vector<16xf32>,
      %swap3A_27 = arith.index_cast %multiple_of3A_25 : i32 to index
      %swap3A_28 = tpu.vector_load %arg14[%swap3A_27] {strides = array<i32>} : memref<10016xf32, #tpu.memory_space<vmem>>, vector<16xf32>,
      tpu.vector_store %arg14[%swap3A_27], %broadcast_in_dim3A_3 {strides = array<i32>} : memref<10016xf32, #tpu.memory_space<vmem>>, vector<16xf32>,
      %swap3A_29 = arith.index_cast %multiple_of3A_25 : i32 to index
      %swap3A_30 = tpu.vector_load %arg15[%swap3A_29] {strides = array<i32>} : memref<10016xf32, #tpu.memory_space<vmem>>, vector<16xf32>,
      tpu.vector_store %arg15[%swap3A_29], %broadcast_in_dim3A_3 {strides = array<i32>} : memref<10016xf32, #tpu.memory_space<vmem>>, vector<16xf32>,
    }
    %scan3A_7 = arith.constant 626 : i32
    %iota3A = tpu.iota {dimensions = array<i32: 0>} : vector<16xi32>
    %scan3A_8 = arith.constant 0 : i32
    %scan3A_9 = arith.constant 316 : i32
    %scan3A_10 = arith.addi %scan3A_8, %scan3A_9 : i32
    %scan3A_11 = arith.constant 1 : i32
    scf.for %scan3A_22 = %scan3A_8 to %scan3A_10 step %scan3A_11  : i32 {
      %mul3A_23 = arith.constant 16 : i32
      %mul3A_24 = arith.muli %scan3A_22, %mul3A_23 : i32
      %multiple_of3A_25 = tpu.assume_multiple %mul3A_24, 16 : i32
      %get3A = arith.index_cast %multiple_of3A_25 : i32 to index
      %get3A_26 = tpu.vector_load %arg8[%get3A] {strides = array<i32>} : memref<5056xi32, #tpu.memory_space<vmem>>, vector<16xi32>,
      %get3A_27 = arith.index_cast %multiple_of3A_25 : i32 to index
      %get3A_28 = tpu.vector_load %arg9[%get3A_27] {strides = array<i32>} : memref<5056xf32, #tpu.memory_space<vmem>>, vector<16xf32>,
      %get3A_29 = arith.index_cast %multiple_of3A_25 : i32 to index
      %get3A_30 = tpu.vector_load %arg10[%get3A_29] {strides = array<i32>} : memref<5056xf32, #tpu.memory_space<vmem>>, vector<16xf32>,
      %gather3A = tpu.vector_load_idx %arg11[%get3A_26] : memref<10016xf32, #tpu.memory_space<vmem>>[vector<16xi32>], vector<16xf32>,
      %gather3A_31 = tpu.vector_load_idx %arg12[%get3A_26] : memref<10016xf32, #tpu.memory_space<vmem>>[vector<16xi32>], vector<16xf32>,
      %sub3A = arith.subf %get3A_28, %gather3A : vector<16xf32>
      %exp3A = math.exp %sub3A : vector<16xf32>
      %sub3A_32 = arith.subf %get3A_30, %gather3A_31 : vector<16xf32>
      %exp3A_33 = math.exp %sub3A_32 : vector<16xf32>
      %sub3A_34 = arith.subf %get3A_30, %get3A_28 : vector<16xf32>
      %mul3A_35 = arith.mulf %exp3A_33, %sub3A_34 : vector<16xf32>
      %masked_sort3A = arith.constant dense<true> : vector<16xi1>
      %masked_sort3A_36 = arith.constant -2147483648 : i32
      %masked_sort3A_37 = vector.broadcast %masked_sort3A_36 : i32 to vector<16xi32>
      %masked_sort3A_38 = arith.xori %get3A_26, %masked_sort3A_37 : vector<16xi32>
      %masked_sort3A_39, %masked_sort3A_40, %masked_sort3A_41 = tpu.sort %masked_sort3A_38, %exp3A masked %masked_sort3A : (vector<16xi32>, vector<16xf32>, vector<16xi1>) -> (vector<16xi1>, vector<16xi32>, vector<16xf32>)
      %masked_sort3A_42 = arith.xori %masked_sort3A_40, %masked_sort3A_37 : vector<16xi32>
      %masked_sort3A_43 = arith.constant dense<true> : vector<16xi1>
      %masked_sort3A_44 = arith.constant -2147483648 : i32
      %masked_sort3A_45 = vector.broadcast %masked_sort3A_44 : i32 to vector<16xi32>
      %masked_sort3A_46 = arith.xori %get3A_26, %masked_sort3A_45 : vector<16xi32>
      %masked_sort3A_47, %masked_sort3A_48, %masked_sort3A_49 = tpu.sort %masked_sort3A_46, %exp3A_33 masked %masked_sort3A_43 : (vector<16xi32>, vector<16xf32>, vector<16xi1>) -> (vector<16xi1>, vector<16xi32>, vector<16xf32>)
      %masked_sort3A_50 = arith.xori %masked_sort3A_48, %masked_sort3A_45 : vector<16xi32>
      %masked_sort3A_51 = arith.constant dense<true> : vector<16xi1>
      %masked_sort3A_52 = arith.constant -2147483648 : i32
      %masked_sort3A_53 = vector.broadcast %masked_sort3A_52 : i32 to vector<16xi32>
      %masked_sort3A_54 = arith.xori %get3A_26, %masked_sort3A_53 : vector<16xi32>
      %masked_sort3A_55, %masked_sort3A_56, %masked_sort3A_57 = tpu.sort %masked_sort3A_54, %mul3A_35 masked %masked_sort3A_51 : (vector<16xi32>, vector<16xf32>, vector<16xi1>) -> (vector<16xi1>, vector<16xi32>, vector<16xf32>)
      %masked_sort3A_58 = arith.xori %masked_sort3A_56, %masked_sort3A_53 : vector<16xi32>
      %broadcast_in_dim3A_59 = arith.constant 0.000000e+00 : f32
      %broadcast_in_dim3A_60 = vector.broadcast %broadcast_in_dim3A_59 : f32 to vector<16xf32>
      %add3A_61 = arith.constant 1 : i32
      %add3A_62 = vector.broadcast %add3A_61 : i32 to vector<16xi32>
      %add3A_63 = arith.addi %iota3A, %add3A_62 : vector<16xi32>
      %min3A = arith.constant 15 : i32
      %min3A_64 = vector.broadcast %min3A : i32 to vector<16xi32>
      %min3A_65 = arith.minsi %add3A_63, %min3A_64 : vector<16xi32>
      %add3A_66 = arith.constant 1 : i32
      %add3A_67 = vector.broadcast %add3A_66 : i32 to vector<16xi32>
      %add3A_68 = arith.addi %iota3A, %add3A_67 : vector<16xi32>
      %lt3A = arith.constant 16 : i32
      %lt3A_69 = vector.broadcast %lt3A : i32 to vector<16xi32>
      %lt3A_70 = arith.cmpi slt, %add3A_68, %lt3A_69 : vector<16xi32>
      %swap3A = arith.constant 0 : index
      %swap3A_71 = tpu.vector_load %arg16[%swap3A] {strides = array<i32>} : memref<16xi32, #tpu.memory_space<vmem>>, vector<16xi32>,
      tpu.vector_store %arg16[%swap3A], %masked_sort3A_42 {strides = array<i32>} : memref<16xi32, #tpu.memory_space<vmem>>, vector<16xi32>,
      %gather3A_72 = tpu.vector_load_idx %arg16[%min3A_65] : memref<16xi32, #tpu.memory_space<vmem>>[vector<16xi32>], vector<16xi32>,
      %eq3A = arith.cmpi eq, %gather3A_72, %masked_sort3A_42 : vector<16xi32>
      %and3A = arith.andi %lt3A_70, %eq3A : vector<16xi1>
      %swap3A_73 = arith.constant 0 : index
      %swap3A_74 = tpu.vector_load %arg17[%swap3A_73] {strides = array<i32>} : memref<16xf32, #tpu.memory_space<vmem>>, vector<16xf32>,
      tpu.vector_store %arg17[%swap3A_73], %masked_sort3A_41 {strides = array<i32>} : memref<16xf32, #tpu.memory_space<vmem>>, vector<16xf32>,
      %gather3A_75 = tpu.vector_load_idx %arg17[%min3A_65] : memref<16xf32, #tpu.memory_space<vmem>>[vector<16xi32>], vector<16xf32>,
      %select_n3A = arith.select %and3A, %gather3A_75, %broadcast_in_dim3A_60 : vector<16xi1>, vector<16xf32>
      %add3A_76 = arith.addf %masked_sort3A_41, %select_n3A : vector<16xf32>
      %swap3A_77 = arith.constant 0 : index
      %swap3A_78 = tpu.vector_load %arg17[%swap3A_77] {strides = array<i32>} : memref<16xf32, #tpu.memory_space<vmem>>, vector<16xf32>,
      tpu.vector_store %arg17[%swap3A_77], %masked_sort3A_49 {strides = array<i32>} : memref<16xf32, #tpu.memory_space<vmem>>, vector<16xf32>,
      %gather3A_79 = tpu.vector_load_idx %arg17[%min3A_65] : memref<16xf32, #tpu.memory_space<vmem>>[vector<16xi32>], vector<16xf32>,
      %select_n3A_80 = arith.select %and3A, %gather3A_79, %broadcast_in_dim3A_60 : vector<16xi1>, vector<16xf32>
      %add3A_81 = arith.addf %masked_sort3A_49, %select_n3A_80 : vector<16xf32>
      %swap3A_82 = arith.constant 0 : index
      %swap3A_83 = tpu.vector_load %arg17[%swap3A_82] {strides = array<i32>} : memref<16xf32, #tpu.memory_space<vmem>>, vector<16xf32>,
      tpu.vector_store %arg17[%swap3A_82], %masked_sort3A_57 {strides = array<i32>} : memref<16xf32, #tpu.memory_space<vmem>>, vector<16xf32>,
      %gather3A_84 = tpu.vector_load_idx %arg17[%min3A_65] : memref<16xf32, #tpu.memory_space<vmem>>[vector<16xi32>], vector<16xf32>,
      %select_n3A_85 = arith.select %and3A, %gather3A_84, %broadcast_in_dim3A_60 : vector<16xi1>, vector<16xf32>
      %add3A_86 = arith.addf %masked_sort3A_57, %select_n3A_85 : vector<16xf32>
      %add3A_87 = arith.constant 2 : i32
      %add3A_88 = vector.broadcast %add3A_87 : i32 to vector<16xi32>
      %add3A_89 = arith.addi %iota3A, %add3A_88 : vector<16xi32>
      %min3A_90 = arith.constant 15 : i32
      %min3A_91 = vector.broadcast %min3A_90 : i32 to vector<16xi32>
      %min3A_92 = arith.minsi %add3A_89, %min3A_91 : vector<16xi32>
      %add3A_93 = arith.constant 2 : i32
      %add3A_94 = vector.broadcast %add3A_93 : i32 to vector<16xi32>
      %add3A_95 = arith.addi %iota3A, %add3A_94 : vector<16xi32>
      %lt3A_96 = arith.constant 16 : i32
      %lt3A_97 = vector.broadcast %lt3A_96 : i32 to vector<16xi32>
      %lt3A_98 = arith.cmpi slt, %add3A_95, %lt3A_97 : vector<16xi32>
      %swap3A_99 = arith.constant 0 : index
      %swap3A_100 = tpu.vector_load %arg16[%swap3A_99] {strides = array<i32>} : memref<16xi32, #tpu.memory_space<vmem>>, vector<16xi32>,
      tpu.vector_store %arg16[%swap3A_99], %masked_sort3A_42 {strides = array<i32>} : memref<16xi32, #tpu.memory_space<vmem>>, vector<16xi32>,
      %gather3A_101 = tpu.vector_load_idx %arg16[%min3A_92] : memref<16xi32, #tpu.memory_space<vmem>>[vector<16xi32>], vector<16xi32>,
      %eq3A_102 = arith.cmpi eq, %gather3A_101, %masked_sort3A_42 : vector<16xi32>
      %and3A_103 = arith.andi %lt3A_98, %eq3A_102 : vector<16xi1>
      %swap3A_104 = arith.constant 0 : index
      %swap3A_105 = tpu.vector_load %arg17[%swap3A_104] {strides = array<i32>} : memref<16xf32, #tpu.memory_space<vmem>>, vector<16xf32>,
      tpu.vector_store %arg17[%swap3A_104], %add3A_76 {strides = array<i32>} : memref<16xf32, #tpu.memory_space<vmem>>, vector<16xf32>,
      %gather3A_106 = tpu.vector_load_idx %arg17[%min3A_92] : memref<16xf32, #tpu.memory_space<vmem>>[vector<16xi32>], vector<16xf32>,
      %select_n3A_107 = arith.select %and3A_103, %gather3A_106, %broadcast_in_dim3A_60 : vector<16xi1>, vector<16xf32>
      %add3A_108 = arith.addf %add3A_76, %select_n3A_107 : vector<16xf32>
      %swap3A_109 = arith.constant 0 : index
      %swap3A_110 = tpu.vector_load %arg17[%swap3A_109] {strides = array<i32>} : memref<16xf32, #tpu.memory_space<vmem>>, vector<16xf32>,
      tpu.vector_store %arg17[%swap3A_109], %add3A_81 {strides = array<i32>} : memref<16xf32, #tpu.memory_space<vmem>>, vector<16xf32>,
      %gather3A_111 = tpu.vector_load_idx %arg17[%min3A_92] : memref<16xf32, #tpu.memory_space<vmem>>[vector<16xi32>], vector<16xf32>,
      %select_n3A_112 = arith.select %and3A_103, %gather3A_111, %broadcast_in_dim3A_60 : vector<16xi1>, vector<16xf32>
      %add3A_113 = arith.addf %add3A_81, %select_n3A_112 : vector<16xf32>
      %swap3A_114 = arith.constant 0 : index
      %swap3A_115 = tpu.vector_load %arg17[%swap3A_114] {strides = array<i32>} : memref<16xf32, #tpu.memory_space<vmem>>, vector<16xf32>,
      tpu.vector_store %arg17[%swap3A_114], %add3A_86 {strides = array<i32>} : memref<16xf32, #tpu.memory_space<vmem>>, vector<16xf32>,
      %gather3A_116 = tpu.vector_load_idx %arg17[%min3A_92] : memref<16xf32, #tpu.memory_space<vmem>>[vector<16xi32>], vector<16xf32>,
      %select_n3A_117 = arith.select %and3A_103, %gather3A_116, %broadcast_in_dim3A_60 : vector<16xi1>, vector<16xf32>
      %add3A_118 = arith.addf %add3A_86, %select_n3A_117 : vector<16xf32>
      %add3A_119 = arith.constant 4 : i32
      %add3A_120 = vector.broadcast %add3A_119 : i32 to vector<16xi32>
      %add3A_121 = arith.addi %iota3A, %add3A_120 : vector<16xi32>
      %min3A_122 = arith.constant 15 : i32
      %min3A_123 = vector.broadcast %min3A_122 : i32 to vector<16xi32>
      %min3A_124 = arith.minsi %add3A_121, %min3A_123 : vector<16xi32>
      %add3A_125 = arith.constant 4 : i32
      %add3A_126 = vector.broadcast %add3A_125 : i32 to vector<16xi32>
      %add3A_127 = arith.addi %iota3A, %add3A_126 : vector<16xi32>
      %lt3A_128 = arith.constant 16 : i32
      %lt3A_129 = vector.broadcast %lt3A_128 : i32 to vector<16xi32>
      %lt3A_130 = arith.cmpi slt, %add3A_127, %lt3A_129 : vector<16xi32>
      %swap3A_131 = arith.constant 0 : index
      %swap3A_132 = tpu.vector_load %arg16[%swap3A_131] {strides = array<i32>} : memref<16xi32, #tpu.memory_space<vmem>>, vector<16xi32>,
      tpu.vector_store %arg16[%swap3A_131], %masked_sort3A_42 {strides = array<i32>} : memref<16xi32, #tpu.memory_space<vmem>>, vector<16xi32>,
      %gather3A_133 = tpu.vector_load_idx %arg16[%min3A_124] : memref<16xi32, #tpu.memory_space<vmem>>[vector<16xi32>], vector<16xi32>,
      %eq3A_134 = arith.cmpi eq, %gather3A_133, %masked_sort3A_42 : vector<16xi32>
      %and3A_135 = arith.andi %lt3A_130, %eq3A_134 : vector<16xi1>
      %swap3A_136 = arith.constant 0 : index
      %swap3A_137 = tpu.vector_load %arg17[%swap3A_136] {strides = array<i32>} : memref<16xf32, #tpu.memory_space<vmem>>, vector<16xf32>,
      tpu.vector_store %arg17[%swap3A_136], %add3A_108 {strides = array<i32>} : memref<16xf32, #tpu.memory_space<vmem>>, vector<16xf32>,
      %gather3A_138 = tpu.vector_load_idx %arg17[%min3A_124] : memref<16xf32, #tpu.memory_space<vmem>>[vector<16xi32>], vector<16xf32>,
      %select_n3A_139 = arith.select %and3A_135, %gather3A_138, %broadcast_in_dim3A_60 : vector<16xi1>, vector<16xf32>
      %add3A_140 = arith.addf %add3A_108, %select_n3A_139 : vector<16xf32>
      %swap3A_141 = arith.constant 0 : index
      %swap3A_142 = tpu.vector_load %arg17[%swap3A_141] {strides = array<i32>} : memref<16xf32, #tpu.memory_space<vmem>>, vector<16xf32>,
      tpu.vector_store %arg17[%swap3A_141], %add3A_113 {strides = array<i32>} : memref<16xf32, #tpu.memory_space<vmem>>, vector<16xf32>,
      %gather3A_143 = tpu.vector_load_idx %arg17[%min3A_124] : memref<16xf32, #tpu.memory_space<vmem>>[vector<16xi32>], vector<16xf32>,
      %select_n3A_144 = arith.select %and3A_135, %gather3A_143, %broadcast_in_dim3A_60 : vector<16xi1>, vector<16xf32>
      %add3A_145 = arith.addf %add3A_113, %select_n3A_144 : vector<16xf32>
      %swap3A_146 = arith.constant 0 : index
      %swap3A_147 = tpu.vector_load %arg17[%swap3A_146] {strides = array<i32>} : memref<16xf32, #tpu.memory_space<vmem>>, vector<16xf32>,
      tpu.vector_store %arg17[%swap3A_146], %add3A_118 {strides = array<i32>} : memref<16xf32, #tpu.memory_space<vmem>>, vector<16xf32>,
      %gather3A_148 = tpu.vector_load_idx %arg17[%min3A_124] : memref<16xf32, #tpu.memory_space<vmem>>[vector<16xi32>], vector<16xf32>,
      %select_n3A_149 = arith.select %and3A_135, %gather3A_148, %broadcast_in_dim3A_60 : vector<16xi1>, vector<16xf32>
      %add3A_150 = arith.addf %add3A_118, %select_n3A_149 : vector<16xf32>
      %add3A_151 = arith.constant 8 : i32
      %add3A_152 = vector.broadcast %add3A_151 : i32 to vector<16xi32>
      %add3A_153 = arith.addi %iota3A, %add3A_152 : vector<16xi32>
      %min3A_154 = arith.constant 15 : i32
      %min3A_155 = vector.broadcast %min3A_154 : i32 to vector<16xi32>
      %min3A_156 = arith.minsi %add3A_153, %min3A_155 : vector<16xi32>
      %add3A_157 = arith.constant 8 : i32
      %add3A_158 = vector.broadcast %add3A_157 : i32 to vector<16xi32>
      %add3A_159 = arith.addi %iota3A, %add3A_158 : vector<16xi32>
      %lt3A_160 = arith.constant 16 : i32
      %lt3A_161 = vector.broadcast %lt3A_160 : i32 to vector<16xi32>
      %lt3A_162 = arith.cmpi slt, %add3A_159, %lt3A_161 : vector<16xi32>
      %swap3A_163 = arith.constant 0 : index
      %swap3A_164 = tpu.vector_load %arg16[%swap3A_163] {strides = array<i32>} : memref<16xi32, #tpu.memory_space<vmem>>, vector<16xi32>,
      tpu.vector_store %arg16[%swap3A_163], %masked_sort3A_42 {strides = array<i32>} : memref<16xi32, #tpu.memory_space<vmem>>, vector<16xi32>,
      %gather3A_165 = tpu.vector_load_idx %arg16[%min3A_156] : memref<16xi32, #tpu.memory_space<vmem>>[vector<16xi32>], vector<16xi32>,
      %eq3A_166 = arith.cmpi eq, %gather3A_165, %masked_sort3A_42 : vector<16xi32>
      %and3A_167 = arith.andi %lt3A_162, %eq3A_166 : vector<16xi1>
      %swap3A_168 = arith.constant 0 : index
      %swap3A_169 = tpu.vector_load %arg17[%swap3A_168] {strides = array<i32>} : memref<16xf32, #tpu.memory_space<vmem>>, vector<16xf32>,
      tpu.vector_store %arg17[%swap3A_168], %add3A_140 {strides = array<i32>} : memref<16xf32, #tpu.memory_space<vmem>>, vector<16xf32>,
      %gather3A_170 = tpu.vector_load_idx %arg17[%min3A_156] : memref<16xf32, #tpu.memory_space<vmem>>[vector<16xi32>], vector<16xf32>,
      %select_n3A_171 = arith.select %and3A_167, %gather3A_170, %broadcast_in_dim3A_60 : vector<16xi1>, vector<16xf32>
      %add3A_172 = arith.addf %add3A_140, %select_n3A_171 : vector<16xf32>
      %swap3A_173 = arith.constant 0 : index
      %swap3A_174 = tpu.vector_load %arg17[%swap3A_173] {strides = array<i32>} : memref<16xf32, #tpu.memory_space<vmem>>, vector<16xf32>,
      tpu.vector_store %arg17[%swap3A_173], %add3A_145 {strides = array<i32>} : memref<16xf32, #tpu.memory_space<vmem>>, vector<16xf32>,
      %gather3A_175 = tpu.vector_load_idx %arg17[%min3A_156] : memref<16xf32, #tpu.memory_space<vmem>>[vector<16xi32>], vector<16xf32>,
      %select_n3A_176 = arith.select %and3A_167, %gather3A_175, %broadcast_in_dim3A_60 : vector<16xi1>, vector<16xf32>
      %add3A_177 = arith.addf %add3A_145, %select_n3A_176 : vector<16xf32>
      %swap3A_178 = arith.constant 0 : index
      %swap3A_179 = tpu.vector_load %arg17[%swap3A_178] {strides = array<i32>} : memref<16xf32, #tpu.memory_space<vmem>>, vector<16xf32>,
      tpu.vector_store %arg17[%swap3A_178], %add3A_150 {strides = array<i32>} : memref<16xf32, #tpu.memory_space<vmem>>, vector<16xf32>,
      %gather3A_180 = tpu.vector_load_idx %arg17[%min3A_156] : memref<16xf32, #tpu.memory_space<vmem>>[vector<16xi32>], vector<16xf32>,
      %select_n3A_181 = arith.select %and3A_167, %gather3A_180, %broadcast_in_dim3A_60 : vector<16xi1>, vector<16xf32>
      %add3A_182 = arith.addf %add3A_150, %select_n3A_181 : vector<16xf32>
      %add3A_183 = arith.constant 16 : i32
      %add3A_184 = vector.broadcast %add3A_183 : i32 to vector<16xi32>
      %add3A_185 = arith.addi %iota3A, %add3A_184 : vector<16xi32>
      %sub3A_186 = arith.constant 1 : i32
      %sub3A_187 = vector.broadcast %sub3A_186 : i32 to vector<16xi32>
      %sub3A_188 = arith.subi %add3A_185, %sub3A_187 : vector<16xi32>
      %and3A_189 = arith.constant 15 : i32
      %and3A_190 = vector.broadcast %and3A_189 : i32 to vector<16xi32>
      %and3A_191 = arith.andi %sub3A_188, %and3A_190 : vector<16xi32>
      %swap3A_192 = arith.constant 0 : index
      %swap3A_193 = tpu.vector_load %arg16[%swap3A_192] {strides = array<i32>} : memref<16xi32, #tpu.memory_space<vmem>>, vector<16xi32>,
      tpu.vector_store %arg16[%swap3A_192], %masked_sort3A_42 {strides = array<i32>} : memref<16xi32, #tpu.memory_space<vmem>>, vector<16xi32>,
      %gather3A_194 = tpu.vector_load_idx %arg16[%and3A_191] : memref<16xi32, #tpu.memory_space<vmem>>[vector<16xi32>], vector<16xi32>,
      %eq3A_195 = arith.constant 0 : i32
      %eq3A_196 = vector.broadcast %eq3A_195 : i32 to vector<16xi32>
      %eq3A_197 = arith.cmpi eq, %iota3A, %eq3A_196 : vector<16xi32>
      %ne3A = arith.cmpi ne, %masked_sort3A_42, %gather3A_194 : vector<16xi32>
      %or3A = arith.ori %eq3A_197, %ne3A : vector<16xi1>
      %gather3A_198 = tpu.vector_load_idx %arg13[%masked_sort3A_42] : memref<10016xf32, #tpu.memory_space<vmem>>[vector<16xi32>], vector<16xf32>,
      %add3A_199 = arith.addf %gather3A_198, %add3A_172 : vector<16xf32>
      tpu.vector_store_idx %arg13[%masked_sort3A_42], %add3A_199 masked %or3A : memref<10016xf32, #tpu.memory_space<vmem>>[vector<16xi32>], vector<16xf32>, vector<16xi1>
      %gather3A_200 = tpu.vector_load_idx %arg14[%masked_sort3A_42] : memref<10016xf32, #tpu.memory_space<vmem>>[vector<16xi32>], vector<16xf32>,
      %add3A_201 = arith.addf %gather3A_200, %add3A_177 : vector<16xf32>
      tpu.vector_store_idx %arg14[%masked_sort3A_42], %add3A_201 masked %or3A : memref<10016xf32, #tpu.memory_space<vmem>>[vector<16xi32>], vector<16xf32>, vector<16xi1>
      %gather3A_202 = tpu.vector_load_idx %arg15[%masked_sort3A_42] : memref<10016xf32, #tpu.memory_space<vmem>>[vector<16xi32>], vector<16xf32>,
      %add3A_203 = arith.addf %gather3A_202, %add3A_182 : vector<16xf32>
      tpu.vector_store_idx %arg15[%masked_sort3A_42], %add3A_203 masked %or3A : memref<10016xf32, #tpu.memory_space<vmem>>[vector<16xi32>], vector<16xf32>, vector<16xi1>
    }
    %scan3A_12 = arith.constant 316 : i32
    %mul3A_13 = arith.constant 3 : i32
    %mul3A_14 = arith.muli %add3A, %mul3A_13 : i32
    %mul3A_15 = arith.constant 10016 : i32
    %mul3A_16 = arith.muli %mul3A_14, %mul3A_15 : i32
    %multiple_of3A_17 = tpu.assume_multiple %mul3A_16, 8 : i32
    "tpu.region"() ({
      %run_scoped3A = tpu.sem_alloc : memref<!tpu.dma_semaphore, #tpu.memory_space<semaphore_mem>>
      %dma_start3A = tpu.memref_slice %arg7[%multiple_of3A_17] : memref<961536xf32, #tpu.memory_space<hbm>> -> memref<10016xf32, #tpu.memory_space<hbm>>
      %dma_start3A_22 = tpu.memref_slice %arg7[%multiple_of3A_17] : memref<961536xf32, #tpu.memory_space<hbm>> -> memref<10016xf32, #tpu.memory_space<hbm>>
      tpu.enqueue_dma source(%arg13 : memref<10016xf32, #tpu.memory_space<vmem>>) target(%dma_start3A_22 : memref<10016xf32, #tpu.memory_space<hbm>>) target_semaphore(%run_scoped3A : memref<!tpu.dma_semaphore, #tpu.memory_space<semaphore_mem>>)
      %dma_wait3A = tpu.memref_slice %arg7[%multiple_of3A_17] : memref<961536xf32, #tpu.memory_space<hbm>> -> memref<10016xf32, #tpu.memory_space<hbm>>
      %dma_wait3A_23 = tpu.memref_slice %arg7[%multiple_of3A_17] : memref<961536xf32, #tpu.memory_space<hbm>> -> memref<10016xf32, #tpu.memory_space<hbm>>
      tpu.wait_dma2 semaphore(%run_scoped3A : memref<!tpu.dma_semaphore, #tpu.memory_space<semaphore_mem>>) src(%arg13 : memref<10016xf32, #tpu.memory_space<vmem>>) dst(%dma_wait3A_23 : memref<10016xf32, #tpu.memory_space<hbm>>)
      tpu.yield
    }) : () -> ()
    %add3A_18 = arith.constant 10016 : i32
    %add3A_19 = arith.addi %multiple_of3A_17, %add3A_18 : i32
    "tpu.region"() ({
      %run_scoped3A = tpu.sem_alloc : memref<!tpu.dma_semaphore, #tpu.memory_space<semaphore_mem>>
      %dma_start3A = tpu.memref_slice %arg7[%add3A_19] : memref<961536xf32, #tpu.memory_space<hbm>> -> memref<10016xf32, #tpu.memory_space<hbm>>
      %dma_start3A_22 = tpu.memref_slice %arg7[%add3A_19] : memref<961536xf32, #tpu.memory_space<hbm>> -> memref<10016xf32, #tpu.memory_space<hbm>>
      tpu.enqueue_dma source(%arg14 : memref<10016xf32, #tpu.memory_space<vmem>>) target(%dma_start3A_22 : memref<10016xf32, #tpu.memory_space<hbm>>) target_semaphore(%run_scoped3A : memref<!tpu.dma_semaphore, #tpu.memory_space<semaphore_mem>>)
      %dma_wait3A = tpu.memref_slice %arg7[%add3A_19] : memref<961536xf32, #tpu.memory_space<hbm>> -> memref<10016xf32, #tpu.memory_space<hbm>>
      %dma_wait3A_23 = tpu.memref_slice %arg7[%add3A_19] : memref<961536xf32, #tpu.memory_space<hbm>> -> memref<10016xf32, #tpu.memory_space<hbm>>
      tpu.wait_dma2 semaphore(%run_scoped3A : memref<!tpu.dma_semaphore, #tpu.memory_space<semaphore_mem>>) src(%arg14 : memref<10016xf32, #tpu.memory_space<vmem>>) dst(%dma_wait3A_23 : memref<10016xf32, #tpu.memory_space<hbm>>)
      tpu.yield
    }) : () -> ()
    %add3A_20 = arith.constant 20032 : i32
    %add3A_21 = arith.addi %multiple_of3A_17, %add3A_20 : i32
    "tpu.region"() ({
      %run_scoped3A = tpu.sem_alloc : memref<!tpu.dma_semaphore, #tpu.memory_space<semaphore_mem>>
      %dma_start3A = tpu.memref_slice %arg7[%add3A_21] : memref<961536xf32, #tpu.memory_space<hbm>> -> memref<10016xf32, #tpu.memory_space<hbm>>
      %dma_start3A_22 = tpu.memref_slice %arg7[%add3A_21] : memref<961536xf32, #tpu.memory_space<hbm>> -> memref<10016xf32, #tpu.memory_space<hbm>>
      tpu.enqueue_dma source(%arg15 : memref<10016xf32, #tpu.memory_space<vmem>>) target(%dma_start3A_22 : memref<10016xf32, #tpu.memory_space<hbm>>) target_semaphore(%run_scoped3A : memref<!tpu.dma_semaphore, #tpu.memory_space<semaphore_mem>>)
      %dma_wait3A = tpu.memref_slice %arg7[%add3A_21] : memref<961536xf32, #tpu.memory_space<hbm>> -> memref<10016xf32, #tpu.memory_space<hbm>>
      %dma_wait3A_23 = tpu.memref_slice %arg7[%add3A_21] : memref<961536xf32, #tpu.memory_space<hbm>> -> memref<10016xf32, #tpu.memory_space<hbm>>
      tpu.wait_dma2 semaphore(%run_scoped3A : memref<!tpu.dma_semaphore, #tpu.memory_space<semaphore_mem>>) src(%arg15 : memref<10016xf32, #tpu.memory_space<vmem>>) dst(%dma_wait3A_23 : memref<10016xf32, #tpu.memory_space<hbm>>)
      tpu.yield
    }) : () -> ()
    return
  }
}

#map = affine_map<(d0, d1) -> (0, 0)>
#map1 = affine_map<(d0, d1) -> (0)>
module attributes {stable_mosaic.version = 14 : i64} {
  func.func @body(%arg0: i32, %arg1: i32, %arg2: memref<10000x512xf32, #tpu.memory_space<hbm>>, %arg3: memref<161856xi32, #tpu.memory_space<hbm>>, %arg4: memref<161856xi32, #tpu.memory_space<hbm>>, %arg5: memref<161792xf32, #tpu.memory_space<hbm>>, %arg6: memref<161792xf32, #tpu.memory_space<hbm>>, %arg7: memref<5120xi32, #tpu.memory_space<vmem>>, %arg8: memref<5120xi32, #tpu.memory_space<vmem>>, %arg9: memref<16x512xf32, #tpu.memory_space<vmem>>, %arg10: memref<16x512xf32, #tpu.memory_space<vmem>>, %arg11: memref<16x512xf32, #tpu.memory_space<vmem>>, %arg12: memref<16x512xf32, #tpu.memory_space<vmem>>, %arg13: memref<16x512xf32, #tpu.memory_space<vmem>>, %arg14: memref<16x512xf32, #tpu.memory_space<vmem>>, %arg15: memref<16x512xf32, #tpu.memory_space<vmem>>, %arg16: memref<16x512xf32, #tpu.memory_space<vmem>>, %arg17: memref<5056xf32, #tpu.memory_space<vmem>>, %arg18: memref<5056xf32, #tpu.memory_space<vmem>>, %arg19: memref<256xf32, #tpu.memory_space<vmem>>, %arg20: memref<256xf32, #tpu.memory_space<vmem>>, %arg21: memref<!tpu.dma_semaphore, #tpu.memory_space<semaphore_mem>>, %arg22: memref<!tpu.dma_semaphore, #tpu.memory_space<semaphore_mem>>, %arg23: memref<!tpu.dma_semaphore, #tpu.memory_space<semaphore_mem>>, %arg24: memref<!tpu.dma_semaphore, #tpu.memory_space<semaphore_mem>>) attributes {dimension_semantics = [#tpu.dimension_semantics<core_parallel>, #tpu.dimension_semantics<subcore_parallel>], iteration_bounds = array<i64: 2, 16>, scalar_prefetch = 0 : i64, scratch_operands = 18 : i64, tpu.core_type = #tpu.core_type<sc_vector_subcore>, window_params = [{transform_indices = #map}, {transform_indices = #map1}, {transform_indices = #map1}, {transform_indices = #map1}, {transform_indices = #map1}]} {
    %mul3A = arith.constant 2 : i32
    %mul3A_0 = arith.muli %arg1, %mul3A : i32
    %add3A = arith.addi %mul3A_0, %arg0 : i32
    %mul3A_1 = arith.constant 5056 : i32
    %mul3A_2 = arith.muli %add3A, %mul3A_1 : i32
    %multiple_of3A = tpu.assume_multiple %mul3A_2, 8 : i32
    "tpu.region"() ({
      %run_scoped3A = tpu.sem_alloc : memref<!tpu.dma_semaphore, #tpu.memory_space<semaphore_mem>>
      %dma_start3A_88 = tpu.memref_slice %arg3[%multiple_of3A] : memref<161856xi32, #tpu.memory_space<hbm>> -> memref<5120xi32, #tpu.memory_space<hbm>>
      %dma_start3A_89 = tpu.memref_slice %arg3[%multiple_of3A] : memref<161856xi32, #tpu.memory_space<hbm>> -> memref<5120xi32, #tpu.memory_space<hbm>>
      tpu.enqueue_dma source(%dma_start3A_89 : memref<5120xi32, #tpu.memory_space<hbm>>) target(%arg7 : memref<5120xi32, #tpu.memory_space<vmem>>) target_semaphore(%run_scoped3A : memref<!tpu.dma_semaphore, #tpu.memory_space<semaphore_mem>>)
      %dma_wait3A_90 = tpu.memref_slice %arg3[%multiple_of3A] : memref<161856xi32, #tpu.memory_space<hbm>> -> memref<5120xi32, #tpu.memory_space<hbm>>
      %dma_wait3A_91 = tpu.memref_slice %arg3[%multiple_of3A] : memref<161856xi32, #tpu.memory_space<hbm>> -> memref<5120xi32, #tpu.memory_space<hbm>>
      tpu.wait_dma2 semaphore(%run_scoped3A : memref<!tpu.dma_semaphore, #tpu.memory_space<semaphore_mem>>) src(%dma_wait3A_91 : memref<5120xi32, #tpu.memory_space<hbm>>) dst(%arg7 : memref<5120xi32, #tpu.memory_space<vmem>>)
      tpu.yield
    }) : () -> ()
    "tpu.region"() ({
      %run_scoped3A = tpu.sem_alloc : memref<!tpu.dma_semaphore, #tpu.memory_space<semaphore_mem>>
      %dma_start3A_88 = tpu.memref_slice %arg4[%multiple_of3A] : memref<161856xi32, #tpu.memory_space<hbm>> -> memref<5120xi32, #tpu.memory_space<hbm>>
      %dma_start3A_89 = tpu.memref_slice %arg4[%multiple_of3A] : memref<161856xi32, #tpu.memory_space<hbm>> -> memref<5120xi32, #tpu.memory_space<hbm>>
      tpu.enqueue_dma source(%dma_start3A_89 : memref<5120xi32, #tpu.memory_space<hbm>>) target(%arg8 : memref<5120xi32, #tpu.memory_space<vmem>>) target_semaphore(%run_scoped3A : memref<!tpu.dma_semaphore, #tpu.memory_space<semaphore_mem>>)
      %dma_wait3A_90 = tpu.memref_slice %arg4[%multiple_of3A] : memref<161856xi32, #tpu.memory_space<hbm>> -> memref<5120xi32, #tpu.memory_space<hbm>>
      %dma_wait3A_91 = tpu.memref_slice %arg4[%multiple_of3A] : memref<161856xi32, #tpu.memory_space<hbm>> -> memref<5120xi32, #tpu.memory_space<hbm>>
      tpu.wait_dma2 semaphore(%run_scoped3A : memref<!tpu.dma_semaphore, #tpu.memory_space<semaphore_mem>>) src(%dma_wait3A_91 : memref<5120xi32, #tpu.memory_space<hbm>>) dst(%arg8 : memref<5120xi32, #tpu.memory_space<vmem>>)
      tpu.yield
    }) : () -> ()
    %iota3A = tpu.iota {dimensions = array<i32: 0>} : vector<16xi32>
    %broadcast_in_dim3A = arith.constant 0 : i32
    %broadcast_in_dim3A_3 = vector.broadcast %broadcast_in_dim3A : i32 to vector<16xi32>
    %multiple_of3A_4 = arith.constant 0 : i32
    %multiple_of3A_5 = tpu.assume_multiple %multiple_of3A_4, 16 : i32
    %dma_start3A = tpu.memref_slice %arg7[%multiple_of3A_5] : memref<5120xi32, #tpu.memory_space<vmem>> -> memref<16xi32, #tpu.memory_space<vmem>>
    %dma_start3A_6 = arith.constant 0 : i32
    %dma_start3A_7 = arith.constant 0 : i32
    %dma_start3A_8 = tpu.memref_slice %arg2[%dma_start3A_6, %dma_start3A_7] : memref<10000x512xf32, #tpu.memory_space<hbm>> -> memref<10000x512xf32, #tpu.memory_space<hbm>>
    tpu.enqueue_indirect_dma source(%dma_start3A_8 : memref<10000x512xf32, #tpu.memory_space<hbm>>) target(%arg9 : memref<16x512xf32, #tpu.memory_space<vmem>>) offsets(%dma_start3A : memref<16xi32, #tpu.memory_space<vmem>>) semaphore(%arg21 : memref<!tpu.dma_semaphore, #tpu.memory_space<semaphore_mem>>)
    %dma_start3A_9 = tpu.memref_slice %arg8[%multiple_of3A_5] : memref<5120xi32, #tpu.memory_space<vmem>> -> memref<16xi32, #tpu.memory_space<vmem>>
    %dma_start3A_10 = arith.constant 0 : i32
    %dma_start3A_11 = arith.constant 0 : i32
    %dma_start3A_12 = tpu.memref_slice %arg2[%dma_start3A_10, %dma_start3A_11] : memref<10000x512xf32, #tpu.memory_space<hbm>> -> memref<10000x512xf32, #tpu.memory_space<hbm>>
    tpu.enqueue_indirect_dma source(%dma_start3A_12 : memref<10000x512xf32, #tpu.memory_space<hbm>>) target(%arg10 : memref<16x512xf32, #tpu.memory_space<vmem>>) offsets(%dma_start3A_9 : memref<16xi32, #tpu.memory_space<vmem>>) semaphore(%arg21 : memref<!tpu.dma_semaphore, #tpu.memory_space<semaphore_mem>>)
    %multiple_of3A_13 = arith.constant 16 : i32
    %multiple_of3A_14 = tpu.assume_multiple %multiple_of3A_13, 16 : i32
    %dma_start3A_15 = tpu.memref_slice %arg7[%multiple_of3A_14] : memref<5120xi32, #tpu.memory_space<vmem>> -> memref<16xi32, #tpu.memory_space<vmem>>
    %dma_start3A_16 = arith.constant 0 : i32
    %dma_start3A_17 = arith.constant 0 : i32
    %dma_start3A_18 = tpu.memref_slice %arg2[%dma_start3A_16, %dma_start3A_17] : memref<10000x512xf32, #tpu.memory_space<hbm>> -> memref<10000x512xf32, #tpu.memory_space<hbm>>
    tpu.enqueue_indirect_dma source(%dma_start3A_18 : memref<10000x512xf32, #tpu.memory_space<hbm>>) target(%arg11 : memref<16x512xf32, #tpu.memory_space<vmem>>) offsets(%dma_start3A_15 : memref<16xi32, #tpu.memory_space<vmem>>) semaphore(%arg22 : memref<!tpu.dma_semaphore, #tpu.memory_space<semaphore_mem>>)
    %dma_start3A_19 = tpu.memref_slice %arg8[%multiple_of3A_14] : memref<5120xi32, #tpu.memory_space<vmem>> -> memref<16xi32, #tpu.memory_space<vmem>>
    %dma_start3A_20 = arith.constant 0 : i32
    %dma_start3A_21 = arith.constant 0 : i32
    %dma_start3A_22 = tpu.memref_slice %arg2[%dma_start3A_20, %dma_start3A_21] : memref<10000x512xf32, #tpu.memory_space<hbm>> -> memref<10000x512xf32, #tpu.memory_space<hbm>>
    tpu.enqueue_indirect_dma source(%dma_start3A_22 : memref<10000x512xf32, #tpu.memory_space<hbm>>) target(%arg12 : memref<16x512xf32, #tpu.memory_space<vmem>>) offsets(%dma_start3A_19 : memref<16xi32, #tpu.memory_space<vmem>>) semaphore(%arg22 : memref<!tpu.dma_semaphore, #tpu.memory_space<semaphore_mem>>)
    %multiple_of3A_23 = arith.constant 32 : i32
    %multiple_of3A_24 = tpu.assume_multiple %multiple_of3A_23, 16 : i32
    %dma_start3A_25 = tpu.memref_slice %arg7[%multiple_of3A_24] : memref<5120xi32, #tpu.memory_space<vmem>> -> memref<16xi32, #tpu.memory_space<vmem>>
    %dma_start3A_26 = arith.constant 0 : i32
    %dma_start3A_27 = arith.constant 0 : i32
    %dma_start3A_28 = tpu.memref_slice %arg2[%dma_start3A_26, %dma_start3A_27] : memref<10000x512xf32, #tpu.memory_space<hbm>> -> memref<10000x512xf32, #tpu.memory_space<hbm>>
    tpu.enqueue_indirect_dma source(%dma_start3A_28 : memref<10000x512xf32, #tpu.memory_space<hbm>>) target(%arg13 : memref<16x512xf32, #tpu.memory_space<vmem>>) offsets(%dma_start3A_25 : memref<16xi32, #tpu.memory_space<vmem>>) semaphore(%arg23 : memref<!tpu.dma_semaphore, #tpu.memory_space<semaphore_mem>>)
    %dma_start3A_29 = tpu.memref_slice %arg8[%multiple_of3A_24] : memref<5120xi32, #tpu.memory_space<vmem>> -> memref<16xi32, #tpu.memory_space<vmem>>
    %dma_start3A_30 = arith.constant 0 : i32
    %dma_start3A_31 = arith.constant 0 : i32
    %dma_start3A_32 = tpu.memref_slice %arg2[%dma_start3A_30, %dma_start3A_31] : memref<10000x512xf32, #tpu.memory_space<hbm>> -> memref<10000x512xf32, #tpu.memory_space<hbm>>
    tpu.enqueue_indirect_dma source(%dma_start3A_32 : memref<10000x512xf32, #tpu.memory_space<hbm>>) target(%arg14 : memref<16x512xf32, #tpu.memory_space<vmem>>) offsets(%dma_start3A_29 : memref<16xi32, #tpu.memory_space<vmem>>) semaphore(%arg23 : memref<!tpu.dma_semaphore, #tpu.memory_space<semaphore_mem>>)
    %multiple_of3A_33 = arith.constant 48 : i32
    %multiple_of3A_34 = tpu.assume_multiple %multiple_of3A_33, 16 : i32
    %dma_start3A_35 = tpu.memref_slice %arg7[%multiple_of3A_34] : memref<5120xi32, #tpu.memory_space<vmem>> -> memref<16xi32, #tpu.memory_space<vmem>>
    %dma_start3A_36 = arith.constant 0 : i32
    %dma_start3A_37 = arith.constant 0 : i32
    %dma_start3A_38 = tpu.memref_slice %arg2[%dma_start3A_36, %dma_start3A_37] : memref<10000x512xf32, #tpu.memory_space<hbm>> -> memref<10000x512xf32, #tpu.memory_space<hbm>>
    tpu.enqueue_indirect_dma source(%dma_start3A_38 : memref<10000x512xf32, #tpu.memory_space<hbm>>) target(%arg15 : memref<16x512xf32, #tpu.memory_space<vmem>>) offsets(%dma_start3A_35 : memref<16xi32, #tpu.memory_space<vmem>>) semaphore(%arg24 : memref<!tpu.dma_semaphore, #tpu.memory_space<semaphore_mem>>)
    %dma_start3A_39 = tpu.memref_slice %arg8[%multiple_of3A_34] : memref<5120xi32, #tpu.memory_space<vmem>> -> memref<16xi32, #tpu.memory_space<vmem>>
    %dma_start3A_40 = arith.constant 0 : i32
    %dma_start3A_41 = arith.constant 0 : i32
    %dma_start3A_42 = tpu.memref_slice %arg2[%dma_start3A_40, %dma_start3A_41] : memref<10000x512xf32, #tpu.memory_space<hbm>> -> memref<10000x512xf32, #tpu.memory_space<hbm>>
    tpu.enqueue_indirect_dma source(%dma_start3A_42 : memref<10000x512xf32, #tpu.memory_space<hbm>>) target(%arg16 : memref<16x512xf32, #tpu.memory_space<vmem>>) offsets(%dma_start3A_39 : memref<16xi32, #tpu.memory_space<vmem>>) semaphore(%arg24 : memref<!tpu.dma_semaphore, #tpu.memory_space<semaphore_mem>>)
    %broadcast_in_dim3A_43 = arith.constant 0.000000e+00 : f32
    %broadcast_in_dim3A_44 = vector.broadcast %broadcast_in_dim3A_43 : f32 to vector<16xf32>
    %scan3A = arith.constant 0 : i32
    %scan3A_45 = arith.constant 79 : i32
    %scan3A_46 = arith.addi %scan3A, %scan3A_45 : i32
    %scan3A_47 = arith.constant 1 : i32
    scf.for %scan3A_88 = %scan3A to %scan3A_46 step %scan3A_47  : i32 {
      %mul3A_89 = arith.constant 4 : i32
      %mul3A_90 = arith.muli %scan3A_88, %mul3A_89 : i32
      %add3A_91 = arith.constant 0 : i32
      %add3A_92 = arith.addi %mul3A_90, %add3A_91 : i32
      %mul3A_93 = arith.constant 16 : i32
      %mul3A_94 = arith.muli %add3A_92, %mul3A_93 : i32
      %multiple_of3A_95 = tpu.assume_multiple %mul3A_94, 16 : i32
      %dma_wait3A_96 = tpu.memref_slice %arg7[%multiple_of3A_95] : memref<5120xi32, #tpu.memory_space<vmem>> -> memref<16xi32, #tpu.memory_space<vmem>>
      %dma_wait3A_97 = arith.constant 0 : i32
      %dma_wait3A_98 = arith.constant 0 : i32
      %dma_wait3A_99 = tpu.memref_slice %arg2[%dma_wait3A_97, %dma_wait3A_98] : memref<10000x512xf32, #tpu.memory_space<hbm>> -> memref<10000x512xf32, #tpu.memory_space<hbm>>
      tpu.wait_indirect_dma semaphore(%arg21 : memref<!tpu.dma_semaphore, #tpu.memory_space<semaphore_mem>>) src(%dma_wait3A_99 : memref<10000x512xf32, #tpu.memory_space<hbm>>) dst(%arg9 : memref<16x512xf32, #tpu.memory_space<vmem>>)
      %dma_wait3A_100 = tpu.memref_slice %arg8[%multiple_of3A_95] : memref<5120xi32, #tpu.memory_space<vmem>> -> memref<16xi32, #tpu.memory_space<vmem>>
      %dma_wait3A_101 = arith.constant 0 : i32
      %dma_wait3A_102 = arith.constant 0 : i32
      %dma_wait3A_103 = tpu.memref_slice %arg2[%dma_wait3A_101, %dma_wait3A_102] : memref<10000x512xf32, #tpu.memory_space<hbm>> -> memref<10000x512xf32, #tpu.memory_space<hbm>>
      tpu.wait_indirect_dma semaphore(%arg21 : memref<!tpu.dma_semaphore, #tpu.memory_space<semaphore_mem>>) src(%dma_wait3A_103 : memref<10000x512xf32, #tpu.memory_space<hbm>>) dst(%arg10 : memref<16x512xf32, #tpu.memory_space<vmem>>)
      %mul3A_104 = arith.constant 16 : i32
      %mul3A_105 = arith.muli %add3A_92, %mul3A_104 : i32
      %multiple_of3A_106 = tpu.assume_multiple %mul3A_105, 16 : i32
      %scan3A_107 = arith.constant 0 : i32
      %scan3A_108 = arith.constant 16 : i32
      %scan3A_109 = arith.addi %scan3A_107, %scan3A_108 : i32
      %scan3A_110 = arith.constant 1 : i32
      scf.for %scan3A_687 = %scan3A_107 to %scan3A_109 step %scan3A_110  : i32 {
        %get3A = arith.index_cast %scan3A_687 : i32 to index
        %get3A_688 = arith.constant 0 : index
        %get3A_689 = tpu.vector_load %arg9[%get3A, %get3A_688] {strides = array<i32>} : memref<16x512xf32, #tpu.memory_space<vmem>>, vector<16xf32>,
        %get3A_690 = arith.index_cast %scan3A_687 : i32 to index
        %get3A_691 = arith.constant 0 : index
        %get3A_692 = tpu.vector_load %arg10[%get3A_690, %get3A_691] {strides = array<i32>} : memref<16x512xf32, #tpu.memory_space<vmem>>, vector<16xf32>,
        %mul3A_693 = arith.mulf %get3A_689, %get3A_692 : vector<16xf32>
        %get3A_694 = arith.index_cast %scan3A_687 : i32 to index
        %get3A_695 = arith.constant 256 : index
        %get3A_696 = tpu.vector_load %arg9[%get3A_694, %get3A_695] {strides = array<i32>} : memref<16x512xf32, #tpu.memory_space<vmem>>, vector<16xf32>,
        %get3A_697 = arith.index_cast %scan3A_687 : i32 to index
        %get3A_698 = arith.constant 256 : index
        %get3A_699 = tpu.vector_load %arg10[%get3A_697, %get3A_698] {strides = array<i32>} : memref<16x512xf32, #tpu.memory_space<vmem>>, vector<16xf32>,
        %mul3A_700 = arith.mulf %get3A_696, %get3A_699 : vector<16xf32>
        %get3A_701 = arith.index_cast %scan3A_687 : i32 to index
        %get3A_702 = arith.constant 16 : index
        %get3A_703 = tpu.vector_load %arg9[%get3A_701, %get3A_702] {strides = array<i32>} : memref<16x512xf32, #tpu.memory_space<vmem>>, vector<16xf32>,
        %get3A_704 = arith.index_cast %scan3A_687 : i32 to index
        %get3A_705 = arith.constant 16 : index
        %get3A_706 = tpu.vector_load %arg10[%get3A_704, %get3A_705] {strides = array<i32>} : memref<16x512xf32, #tpu.memory_space<vmem>>, vector<16xf32>,
        %mul3A_707 = arith.mulf %get3A_703, %get3A_706 : vector<16xf32>
        %add3A_708 = arith.addf %mul3A_693, %mul3A_707 : vector<16xf32>
        %get3A_709 = arith.index_cast %scan3A_687 : i32 to index
        %get3A_710 = arith.constant 272 : index
        %get3A_711 = tpu.vector_load %arg9[%get3A_709, %get3A_710] {strides = array<i32>} : memref<16x512xf32, #tpu.memory_space<vmem>>, vector<16xf32>,
        %get3A_712 = arith.index_cast %scan3A_687 : i32 to index
        %get3A_713 = arith.constant 272 : index
        %get3A_714 = tpu.vector_load %arg10[%get3A_712, %get3A_713] {strides = array<i32>} : memref<16x512xf32, #tpu.memory_space<vmem>>, vector<16xf32>,
        %mul3A_715 = arith.mulf %get3A_711, %get3A_714 : vector<16xf32>
        %add3A_716 = arith.addf %mul3A_700, %mul3A_715 : vector<16xf32>
        %get3A_717 = arith.index_cast %scan3A_687 : i32 to index
        %get3A_718 = arith.constant 32 : index
        %get3A_719 = tpu.vector_load %arg9[%get3A_717, %get3A_718] {strides = array<i32>} : memref<16x512xf32, #tpu.memory_space<vmem>>, vector<16xf32>,
        %get3A_720 = arith.index_cast %scan3A_687 : i32 to index
        %get3A_721 = arith.constant 32 : index
        %get3A_722 = tpu.vector_load %arg10[%get3A_720, %get3A_721] {strides = array<i32>} : memref<16x512xf32, #tpu.memory_space<vmem>>, vector<16xf32>,
        %mul3A_723 = arith.mulf %get3A_719, %get3A_722 : vector<16xf32>
        %add3A_724 = arith.addf %add3A_708, %mul3A_723 : vector<16xf32>
        %get3A_725 = arith.index_cast %scan3A_687 : i32 to index
        %get3A_726 = arith.constant 288 : index
        %get3A_727 = tpu.vector_load %arg9[%get3A_725, %get3A_726] {strides = array<i32>} : memref<16x512xf32, #tpu.memory_space<vmem>>, vector<16xf32>,
        %get3A_728 = arith.index_cast %scan3A_687 : i32 to index
        %get3A_729 = arith.constant 288 : index
        %get3A_730 = tpu.vector_load %arg10[%get3A_728, %get3A_729] {strides = array<i32>} : memref<16x512xf32, #tpu.memory_space<vmem>>, vector<16xf32>,
        %mul3A_731 = arith.mulf %get3A_727, %get3A_730 : vector<16xf32>
        %add3A_732 = arith.addf %add3A_716, %mul3A_731 : vector<16xf32>
        %get3A_733 = arith.index_cast %scan3A_687 : i32 to index
        %get3A_734 = arith.constant 48 : index
        %get3A_735 = tpu.vector_load %arg9[%get3A_733, %get3A_734] {strides = array<i32>} : memref<16x512xf32, #tpu.memory_space<vmem>>, vector<16xf32>,
        %get3A_736 = arith.index_cast %scan3A_687 : i32 to index
        %get3A_737 = arith.constant 48 : index
        %get3A_738 = tpu.vector_load %arg10[%get3A_736, %get3A_737] {strides = array<i32>} : memref<16x512xf32, #tpu.memory_space<vmem>>, vector<16xf32>,
        %mul3A_739 = arith.mulf %get3A_735, %get3A_738 : vector<16xf32>
        %add3A_740 = arith.addf %add3A_724, %mul3A_739 : vector<16xf32>
        %get3A_741 = arith.index_cast %scan3A_687 : i32 to index
        %get3A_742 = arith.constant 304 : index
        %get3A_743 = tpu.vector_load %arg9[%get3A_741, %get3A_742] {strides = array<i32>} : memref<16x512xf32, #tpu.memory_space<vmem>>, vector<16xf32>,
        %get3A_744 = arith.index_cast %scan3A_687 : i32 to index
        %get3A_745 = arith.constant 304 : index
        %get3A_746 = tpu.vector_load %arg10[%get3A_744, %get3A_745] {strides = array<i32>} : memref<16x512xf32, #tpu.memory_space<vmem>>, vector<16xf32>,
        %mul3A_747 = arith.mulf %get3A_743, %get3A_746 : vector<16xf32>
        %add3A_748 = arith.addf %add3A_732, %mul3A_747 : vector<16xf32>
        %get3A_749 = arith.index_cast %scan3A_687 : i32 to index
        %get3A_750 = arith.constant 64 : index
        %get3A_751 = tpu.vector_load %arg9[%get3A_749, %get3A_750] {strides = array<i32>} : memref<16x512xf32, #tpu.memory_space<vmem>>, vector<16xf32>,
        %get3A_752 = arith.index_cast %scan3A_687 : i32 to index
        %get3A_753 = arith.constant 64 : index
        %get3A_754 = tpu.vector_load %arg10[%get3A_752, %get3A_753] {strides = array<i32>} : memref<16x512xf32, #tpu.memory_space<vmem>>, vector<16xf32>,
        %mul3A_755 = arith.mulf %get3A_751, %get3A_754 : vector<16xf32>
        %add3A_756 = arith.addf %add3A_740, %mul3A_755 : vector<16xf32>
        %get3A_757 = arith.index_cast %scan3A_687 : i32 to index
        %get3A_758 = arith.constant 320 : index
        %get3A_759 = tpu.vector_load %arg9[%get3A_757, %get3A_758] {strides = array<i32>} : memref<16x512xf32, #tpu.memory_space<vmem>>, vector<16xf32>,
        %get3A_760 = arith.index_cast %scan3A_687 : i32 to index
        %get3A_761 = arith.constant 320 : index
        %get3A_762 = tpu.vector_load %arg10[%get3A_760, %get3A_761] {strides = array<i32>} : memref<16x512xf32, #tpu.memory_space<vmem>>, vector<16xf32>,
        %mul3A_763 = arith.mulf %get3A_759, %get3A_762 : vector<16xf32>
        %add3A_764 = arith.addf %add3A_748, %mul3A_763 : vector<16xf32>
        %get3A_765 = arith.index_cast %scan3A_687 : i32 to index
        %get3A_766 = arith.constant 80 : index
        %get3A_767 = tpu.vector_load %arg9[%get3A_765, %get3A_766] {strides = array<i32>} : memref<16x512xf32, #tpu.memory_space<vmem>>, vector<16xf32>,
        %get3A_768 = arith.index_cast %scan3A_687 : i32 to index
        %get3A_769 = arith.constant 80 : index
        %get3A_770 = tpu.vector_load %arg10[%get3A_768, %get3A_769] {strides = array<i32>} : memref<16x512xf32, #tpu.memory_space<vmem>>, vector<16xf32>,
        %mul3A_771 = arith.mulf %get3A_767, %get3A_770 : vector<16xf32>
        %add3A_772 = arith.addf %add3A_756, %mul3A_771 : vector<16xf32>
        %get3A_773 = arith.index_cast %scan3A_687 : i32 to index
        %get3A_774 = arith.constant 336 : index
        %get3A_775 = tpu.vector_load %arg9[%get3A_773, %get3A_774] {strides = array<i32>} : memref<16x512xf32, #tpu.memory_space<vmem>>, vector<16xf32>,
        %get3A_776 = arith.index_cast %scan3A_687 : i32 to index
        %get3A_777 = arith.constant 336 : index
        %get3A_778 = tpu.vector_load %arg10[%get3A_776, %get3A_777] {strides = array<i32>} : memref<16x512xf32, #tpu.memory_space<vmem>>, vector<16xf32>,
        %mul3A_779 = arith.mulf %get3A_775, %get3A_778 : vector<16xf32>
        %add3A_780 = arith.addf %add3A_764, %mul3A_779 : vector<16xf32>
        %get3A_781 = arith.index_cast %scan3A_687 : i32 to index
        %get3A_782 = arith.constant 96 : index
        %get3A_783 = tpu.vector_load %arg9[%get3A_781, %get3A_782] {strides = array<i32>} : memref<16x512xf32, #tpu.memory_space<vmem>>, vector<16xf32>,
        %get3A_784 = arith.index_cast %scan3A_687 : i32 to index
        %get3A_785 = arith.constant 96 : index
        %get3A_786 = tpu.vector_load %arg10[%get3A_784, %get3A_785] {strides = array<i32>} : memref<16x512xf32, #tpu.memory_space<vmem>>, vector<16xf32>,
        %mul3A_787 = arith.mulf %get3A_783, %get3A_786 : vector<16xf32>
        %add3A_788 = arith.addf %add3A_772, %mul3A_787 : vector<16xf32>
        %get3A_789 = arith.index_cast %scan3A_687 : i32 to index
        %get3A_790 = arith.constant 352 : index
        %get3A_791 = tpu.vector_load %arg9[%get3A_789, %get3A_790] {strides = array<i32>} : memref<16x512xf32, #tpu.memory_space<vmem>>, vector<16xf32>,
        %get3A_792 = arith.index_cast %scan3A_687 : i32 to index
        %get3A_793 = arith.constant 352 : index
        %get3A_794 = tpu.vector_load %arg10[%get3A_792, %get3A_793] {strides = array<i32>} : memref<16x512xf32, #tpu.memory_space<vmem>>, vector<16xf32>,
        %mul3A_795 = arith.mulf %get3A_791, %get3A_794 : vector<16xf32>
        %add3A_796 = arith.addf %add3A_780, %mul3A_795 : vector<16xf32>
        %get3A_797 = arith.index_cast %scan3A_687 : i32 to index
        %get3A_798 = arith.constant 112 : index
        %get3A_799 = tpu.vector_load %arg9[%get3A_797, %get3A_798] {strides = array<i32>} : memref<16x512xf32, #tpu.memory_space<vmem>>, vector<16xf32>,
        %get3A_800 = arith.index_cast %scan3A_687 : i32 to index
        %get3A_801 = arith.constant 112 : index
        %get3A_802 = tpu.vector_load %arg10[%get3A_800, %get3A_801] {strides = array<i32>} : memref<16x512xf32, #tpu.memory_space<vmem>>, vector<16xf32>,
        %mul3A_803 = arith.mulf %get3A_799, %get3A_802 : vector<16xf32>
        %add3A_804 = arith.addf %add3A_788, %mul3A_803 : vector<16xf32>
        %get3A_805 = arith.index_cast %scan3A_687 : i32 to index
        %get3A_806 = arith.constant 368 : index
        %get3A_807 = tpu.vector_load %arg9[%get3A_805, %get3A_806] {strides = array<i32>} : memref<16x512xf32, #tpu.memory_space<vmem>>, vector<16xf32>,
        %get3A_808 = arith.index_cast %scan3A_687 : i32 to index
        %get3A_809 = arith.constant 368 : index
        %get3A_810 = tpu.vector_load %arg10[%get3A_808, %get3A_809] {strides = array<i32>} : memref<16x512xf32, #tpu.memory_space<vmem>>, vector<16xf32>,
        %mul3A_811 = arith.mulf %get3A_807, %get3A_810 : vector<16xf32>
        %add3A_812 = arith.addf %add3A_796, %mul3A_811 : vector<16xf32>
        %get3A_813 = arith.index_cast %scan3A_687 : i32 to index
        %get3A_814 = arith.constant 128 : index
        %get3A_815 = tpu.vector_load %arg9[%get3A_813, %get3A_814] {strides = array<i32>} : memref<16x512xf32, #tpu.memory_space<vmem>>, vector<16xf32>,
        %get3A_816 = arith.index_cast %scan3A_687 : i32 to index
        %get3A_817 = arith.constant 128 : index
        %get3A_818 = tpu.vector_load %arg10[%get3A_816, %get3A_817] {strides = array<i32>} : memref<16x512xf32, #tpu.memory_space<vmem>>, vector<16xf32>,
        %mul3A_819 = arith.mulf %get3A_815, %get3A_818 : vector<16xf32>
        %add3A_820 = arith.addf %add3A_804, %mul3A_819 : vector<16xf32>
        %get3A_821 = arith.index_cast %scan3A_687 : i32 to index
        %get3A_822 = arith.constant 384 : index
        %get3A_823 = tpu.vector_load %arg9[%get3A_821, %get3A_822] {strides = array<i32>} : memref<16x512xf32, #tpu.memory_space<vmem>>, vector<16xf32>,
        %get3A_824 = arith.index_cast %scan3A_687 : i32 to index
        %get3A_825 = arith.constant 384 : index
        %get3A_826 = tpu.vector_load %arg10[%get3A_824, %get3A_825] {strides = array<i32>} : memref<16x512xf32, #tpu.memory_space<vmem>>, vector<16xf32>,
        %mul3A_827 = arith.mulf %get3A_823, %get3A_826 : vector<16xf32>
        %add3A_828 = arith.addf %add3A_812, %mul3A_827 : vector<16xf32>
        %get3A_829 = arith.index_cast %scan3A_687 : i32 to index
        %get3A_830 = arith.constant 144 : index
        %get3A_831 = tpu.vector_load %arg9[%get3A_829, %get3A_830] {strides = array<i32>} : memref<16x512xf32, #tpu.memory_space<vmem>>, vector<16xf32>,
        %get3A_832 = arith.index_cast %scan3A_687 : i32 to index
        %get3A_833 = arith.constant 144 : index
        %get3A_834 = tpu.vector_load %arg10[%get3A_832, %get3A_833] {strides = array<i32>} : memref<16x512xf32, #tpu.memory_space<vmem>>, vector<16xf32>,
        %mul3A_835 = arith.mulf %get3A_831, %get3A_834 : vector<16xf32>
        %add3A_836 = arith.addf %add3A_820, %mul3A_835 : vector<16xf32>
        %get3A_837 = arith.index_cast %scan3A_687 : i32 to index
        %get3A_838 = arith.constant 400 : index
        %get3A_839 = tpu.vector_load %arg9[%get3A_837, %get3A_838] {strides = array<i32>} : memref<16x512xf32, #tpu.memory_space<vmem>>, vector<16xf32>,
        %get3A_840 = arith.index_cast %scan3A_687 : i32 to index
        %get3A_841 = arith.constant 400 : index
        %get3A_842 = tpu.vector_load %arg10[%get3A_840, %get3A_841] {strides = array<i32>} : memref<16x512xf32, #tpu.memory_space<vmem>>, vector<16xf32>,
        %mul3A_843 = arith.mulf %get3A_839, %get3A_842 : vector<16xf32>
        %add3A_844 = arith.addf %add3A_828, %mul3A_843 : vector<16xf32>
        %get3A_845 = arith.index_cast %scan3A_687 : i32 to index
        %get3A_846 = arith.constant 160 : index
        %get3A_847 = tpu.vector_load %arg9[%get3A_845, %get3A_846] {strides = array<i32>} : memref<16x512xf32, #tpu.memory_space<vmem>>, vector<16xf32>,
        %get3A_848 = arith.index_cast %scan3A_687 : i32 to index
        %get3A_849 = arith.constant 160 : index
        %get3A_850 = tpu.vector_load %arg10[%get3A_848, %get3A_849] {strides = array<i32>} : memref<16x512xf32, #tpu.memory_space<vmem>>, vector<16xf32>,
        %mul3A_851 = arith.mulf %get3A_847, %get3A_850 : vector<16xf32>
        %add3A_852 = arith.addf %add3A_836, %mul3A_851 : vector<16xf32>
        %get3A_853 = arith.index_cast %scan3A_687 : i32 to index
        %get3A_854 = arith.constant 416 : index
        %get3A_855 = tpu.vector_load %arg9[%get3A_853, %get3A_854] {strides = array<i32>} : memref<16x512xf32, #tpu.memory_space<vmem>>, vector<16xf32>,
        %get3A_856 = arith.index_cast %scan3A_687 : i32 to index
        %get3A_857 = arith.constant 416 : index
        %get3A_858 = tpu.vector_load %arg10[%get3A_856, %get3A_857] {strides = array<i32>} : memref<16x512xf32, #tpu.memory_space<vmem>>, vector<16xf32>,
        %mul3A_859 = arith.mulf %get3A_855, %get3A_858 : vector<16xf32>
        %add3A_860 = arith.addf %add3A_844, %mul3A_859 : vector<16xf32>
        %get3A_861 = arith.index_cast %scan3A_687 : i32 to index
        %get3A_862 = arith.constant 176 : index
        %get3A_863 = tpu.vector_load %arg9[%get3A_861, %get3A_862] {strides = array<i32>} : memref<16x512xf32, #tpu.memory_space<vmem>>, vector<16xf32>,
        %get3A_864 = arith.index_cast %scan3A_687 : i32 to index
        %get3A_865 = arith.constant 176 : index
        %get3A_866 = tpu.vector_load %arg10[%get3A_864, %get3A_865] {strides = array<i32>} : memref<16x512xf32, #tpu.memory_space<vmem>>, vector<16xf32>,
        %mul3A_867 = arith.mulf %get3A_863, %get3A_866 : vector<16xf32>
        %add3A_868 = arith.addf %add3A_852, %mul3A_867 : vector<16xf32>
        %get3A_869 = arith.index_cast %scan3A_687 : i32 to index
        %get3A_870 = arith.constant 432 : index
        %get3A_871 = tpu.vector_load %arg9[%get3A_869, %get3A_870] {strides = array<i32>} : memref<16x512xf32, #tpu.memory_space<vmem>>, vector<16xf32>,
        %get3A_872 = arith.index_cast %scan3A_687 : i32 to index
        %get3A_873 = arith.constant 432 : index
        %get3A_874 = tpu.vector_load %arg10[%get3A_872, %get3A_873] {strides = array<i32>} : memref<16x512xf32, #tpu.memory_space<vmem>>, vector<16xf32>,
        %mul3A_875 = arith.mulf %get3A_871, %get3A_874 : vector<16xf32>
        %add3A_876 = arith.addf %add3A_860, %mul3A_875 : vector<16xf32>
        %get3A_877 = arith.index_cast %scan3A_687 : i32 to index
        %get3A_878 = arith.constant 192 : index
        %get3A_879 = tpu.vector_load %arg9[%get3A_877, %get3A_878] {strides = array<i32>} : memref<16x512xf32, #tpu.memory_space<vmem>>, vector<16xf32>,
        %get3A_880 = arith.index_cast %scan3A_687 : i32 to index
        %get3A_881 = arith.constant 192 : index
        %get3A_882 = tpu.vector_load %arg10[%get3A_880, %get3A_881] {strides = array<i32>} : memref<16x512xf32, #tpu.memory_space<vmem>>, vector<16xf32>,
        %mul3A_883 = arith.mulf %get3A_879, %get3A_882 : vector<16xf32>
        %add3A_884 = arith.addf %add3A_868, %mul3A_883 : vector<16xf32>
        %get3A_885 = arith.index_cast %scan3A_687 : i32 to index
        %get3A_886 = arith.constant 448 : index
        %get3A_887 = tpu.vector_load %arg9[%get3A_885, %get3A_886] {strides = array<i32>} : memref<16x512xf32, #tpu.memory_space<vmem>>, vector<16xf32>,
        %get3A_888 = arith.index_cast %scan3A_687 : i32 to index
        %get3A_889 = arith.constant 448 : index
        %get3A_890 = tpu.vector_load %arg10[%get3A_888, %get3A_889] {strides = array<i32>} : memref<16x512xf32, #tpu.memory_space<vmem>>, vector<16xf32>,
        %mul3A_891 = arith.mulf %get3A_887, %get3A_890 : vector<16xf32>
        %add3A_892 = arith.addf %add3A_876, %mul3A_891 : vector<16xf32>
        %get3A_893 = arith.index_cast %scan3A_687 : i32 to index
        %get3A_894 = arith.constant 208 : index
        %get3A_895 = tpu.vector_load %arg9[%get3A_893, %get3A_894] {strides = array<i32>} : memref<16x512xf32, #tpu.memory_space<vmem>>, vector<16xf32>,
        %get3A_896 = arith.index_cast %scan3A_687 : i32 to index
        %get3A_897 = arith.constant 208 : index
        %get3A_898 = tpu.vector_load %arg10[%get3A_896, %get3A_897] {strides = array<i32>} : memref<16x512xf32, #tpu.memory_space<vmem>>, vector<16xf32>,
        %mul3A_899 = arith.mulf %get3A_895, %get3A_898 : vector<16xf32>
        %add3A_900 = arith.addf %add3A_884, %mul3A_899 : vector<16xf32>
        %get3A_901 = arith.index_cast %scan3A_687 : i32 to index
        %get3A_902 = arith.constant 464 : index
        %get3A_903 = tpu.vector_load %arg9[%get3A_901, %get3A_902] {strides = array<i32>} : memref<16x512xf32, #tpu.memory_space<vmem>>, vector<16xf32>,
        %get3A_904 = arith.index_cast %scan3A_687 : i32 to index
        %get3A_905 = arith.constant 464 : index
        %get3A_906 = tpu.vector_load %arg10[%get3A_904, %get3A_905] {strides = array<i32>} : memref<16x512xf32, #tpu.memory_space<vmem>>, vector<16xf32>,
        %mul3A_907 = arith.mulf %get3A_903, %get3A_906 : vector<16xf32>
        %add3A_908 = arith.addf %add3A_892, %mul3A_907 : vector<16xf32>
        %get3A_909 = arith.index_cast %scan3A_687 : i32 to index
        %get3A_910 = arith.constant 224 : index
        %get3A_911 = tpu.vector_load %arg9[%get3A_909, %get3A_910] {strides = array<i32>} : memref<16x512xf32, #tpu.memory_space<vmem>>, vector<16xf32>,
        %get3A_912 = arith.index_cast %scan3A_687 : i32 to index
        %get3A_913 = arith.constant 224 : index
        %get3A_914 = tpu.vector_load %arg10[%get3A_912, %get3A_913] {strides = array<i32>} : memref<16x512xf32, #tpu.memory_space<vmem>>, vector<16xf32>,
        %mul3A_915 = arith.mulf %get3A_911, %get3A_914 : vector<16xf32>
        %add3A_916 = arith.addf %add3A_900, %mul3A_915 : vector<16xf32>
        %get3A_917 = arith.index_cast %scan3A_687 : i32 to index
        %get3A_918 = arith.constant 480 : index
        %get3A_919 = tpu.vector_load %arg9[%get3A_917, %get3A_918] {strides = array<i32>} : memref<16x512xf32, #tpu.memory_space<vmem>>, vector<16xf32>,
        %get3A_920 = arith.index_cast %scan3A_687 : i32 to index
        %get3A_921 = arith.constant 480 : index
        %get3A_922 = tpu.vector_load %arg10[%get3A_920, %get3A_921] {strides = array<i32>} : memref<16x512xf32, #tpu.memory_space<vmem>>, vector<16xf32>,
        %mul3A_923 = arith.mulf %get3A_919, %get3A_922 : vector<16xf32>
        %add3A_924 = arith.addf %add3A_908, %mul3A_923 : vector<16xf32>
        %get3A_925 = arith.index_cast %scan3A_687 : i32 to index
        %get3A_926 = arith.constant 240 : index
        %get3A_927 = tpu.vector_load %arg9[%get3A_925, %get3A_926] {strides = array<i32>} : memref<16x512xf32, #tpu.memory_space<vmem>>, vector<16xf32>,
        %get3A_928 = arith.index_cast %scan3A_687 : i32 to index
        %get3A_929 = arith.constant 240 : index
        %get3A_930 = tpu.vector_load %arg10[%get3A_928, %get3A_929] {strides = array<i32>} : memref<16x512xf32, #tpu.memory_space<vmem>>, vector<16xf32>,
        %mul3A_931 = arith.mulf %get3A_927, %get3A_930 : vector<16xf32>
        %add3A_932 = arith.addf %add3A_916, %mul3A_931 : vector<16xf32>
        %get3A_933 = arith.index_cast %scan3A_687 : i32 to index
        %get3A_934 = arith.constant 496 : index
        %get3A_935 = tpu.vector_load %arg9[%get3A_933, %get3A_934] {strides = array<i32>} : memref<16x512xf32, #tpu.memory_space<vmem>>, vector<16xf32>,
        %get3A_936 = arith.index_cast %scan3A_687 : i32 to index
        %get3A_937 = arith.constant 496 : index
        %get3A_938 = tpu.vector_load %arg10[%get3A_936, %get3A_937] {strides = array<i32>} : memref<16x512xf32, #tpu.memory_space<vmem>>, vector<16xf32>,
        %mul3A_939 = arith.mulf %get3A_935, %get3A_938 : vector<16xf32>
        %add3A_940 = arith.addf %add3A_924, %mul3A_939 : vector<16xf32>
        %mul3A_941 = arith.constant 16 : i32
        %mul3A_942 = arith.muli %scan3A_687, %mul3A_941 : i32
        %multiple_of3A_943 = tpu.assume_multiple %mul3A_942, 16 : i32
        %swap3A_944 = arith.index_cast %multiple_of3A_943 : i32 to index
        %swap3A_945 = tpu.vector_load %arg19[%swap3A_944] {strides = array<i32>} : memref<256xf32, #tpu.memory_space<vmem>>, vector<16xf32>,
        tpu.vector_store %arg19[%swap3A_944], %add3A_932 {strides = array<i32>} : memref<256xf32, #tpu.memory_space<vmem>>, vector<16xf32>,
        %swap3A_946 = arith.index_cast %multiple_of3A_943 : i32 to index
        %swap3A_947 = tpu.vector_load %arg20[%swap3A_946] {strides = array<i32>} : memref<256xf32, #tpu.memory_space<vmem>>, vector<16xf32>,
        tpu.vector_store %arg20[%swap3A_946], %add3A_940 {strides = array<i32>} : memref<256xf32, #tpu.memory_space<vmem>>, vector<16xf32>,
      }
      %scan3A_111 = arith.constant 16 : i32
      %mul3A_112 = arith.constant 16 : i32
      %mul3A_113 = vector.broadcast %mul3A_112 : i32 to vector<16xi32>
      %mul3A_114 = arith.muli %iota3A, %mul3A_113 : vector<16xi32>
      %gather3A = tpu.vector_load_idx %arg19[%mul3A_114] : memref<256xf32, #tpu.memory_space<vmem>>[vector<16xi32>], vector<16xf32>,
      %gather3A_115 = tpu.vector_load_idx %arg20[%mul3A_114] : memref<256xf32, #tpu.memory_space<vmem>>[vector<16xi32>], vector<16xf32>,
      %add3A_116 = arith.constant 1 : i32
      %add3A_117 = vector.broadcast %add3A_116 : i32 to vector<16xi32>
      %add3A_118 = arith.addi %mul3A_114, %add3A_117 : vector<16xi32>
      %gather3A_119 = tpu.vector_load_idx %arg19[%add3A_118] : memref<256xf32, #tpu.memory_space<vmem>>[vector<16xi32>], vector<16xf32>,
      %add3A_120 = arith.addf %gather3A, %gather3A_119 : vector<16xf32>
      %gather3A_121 = tpu.vector_load_idx %arg20[%add3A_118] : memref<256xf32, #tpu.memory_space<vmem>>[vector<16xi32>], vector<16xf32>,
      %add3A_122 = arith.addf %gather3A_115, %gather3A_121 : vector<16xf32>
      %add3A_123 = arith.constant 1 : i32
      %add3A_124 = vector.broadcast %add3A_123 : i32 to vector<16xi32>
      %add3A_125 = arith.addi %add3A_118, %add3A_124 : vector<16xi32>
      %gather3A_126 = tpu.vector_load_idx %arg19[%add3A_125] : memref<256xf32, #tpu.memory_space<vmem>>[vector<16xi32>], vector<16xf32>,
      %add3A_127 = arith.addf %add3A_120, %gather3A_126 : vector<16xf32>
      %gather3A_128 = tpu.vector_load_idx %arg20[%add3A_125] : memref<256xf32, #tpu.memory_space<vmem>>[vector<16xi32>], vector<16xf32>,
      %add3A_129 = arith.addf %add3A_122, %gather3A_128 : vector<16xf32>
      %add3A_130 = arith.constant 1 : i32
      %add3A_131 = vector.broadcast %add3A_130 : i32 to vector<16xi32>
      %add3A_132 = arith.addi %add3A_125, %add3A_131 : vector<16xi32>
      %gather3A_133 = tpu.vector_load_idx %arg19[%add3A_132] : memref<256xf32, #tpu.memory_space<vmem>>[vector<16xi32>], vector<16xf32>,
      %add3A_134 = arith.addf %add3A_127, %gather3A_133 : vector<16xf32>
      %gather3A_135 = tpu.vector_load_idx %arg20[%add3A_132] : memref<256xf32, #tpu.memory_space<vmem>>[vector<16xi32>], vector<16xf32>,
      %add3A_136 = arith.addf %add3A_129, %gather3A_135 : vector<16xf32>
      %add3A_137 = arith.constant 1 : i32
      %add3A_138 = vector.broadcast %add3A_137 : i32 to vector<16xi32>
      %add3A_139 = arith.addi %add3A_132, %add3A_138 : vector<16xi32>
      %gather3A_140 = tpu.vector_load_idx %arg19[%add3A_139] : memref<256xf32, #tpu.memory_space<vmem>>[vector<16xi32>], vector<16xf32>,
      %add3A_141 = arith.addf %add3A_134, %gather3A_140 : vector<16xf32>
      %gather3A_142 = tpu.vector_load_idx %arg20[%add3A_139] : memref<256xf32, #tpu.memory_space<vmem>>[vector<16xi32>], vector<16xf32>,
      %add3A_143 = arith.addf %add3A_136, %gather3A_142 : vector<16xf32>
      %add3A_144 = arith.constant 1 : i32
      %add3A_145 = vector.broadcast %add3A_144 : i32 to vector<16xi32>
      %add3A_146 = arith.addi %add3A_139, %add3A_145 : vector<16xi32>
      %gather3A_147 = tpu.vector_load_idx %arg19[%add3A_146] : memref<256xf32, #tpu.memory_space<vmem>>[vector<16xi32>], vector<16xf32>,
      %add3A_148 = arith.addf %add3A_141, %gather3A_147 : vector<16xf32>
      %gather3A_149 = tpu.vector_load_idx %arg20[%add3A_146] : memref<256xf32, #tpu.memory_space<vmem>>[vector<16xi32>], vector<16xf32>,
      %add3A_150 = arith.addf %add3A_143, %gather3A_149 : vector<16xf32>
      %add3A_151 = arith.constant 1 : i32
      %add3A_152 = vector.broadcast %add3A_151 : i32 to vector<16xi32>
      %add3A_153 = arith.addi %add3A_146, %add3A_152 : vector<16xi32>
      %gather3A_154 = tpu.vector_load_idx %arg19[%add3A_153] : memref<256xf32, #tpu.memory_space<vmem>>[vector<16xi32>], vector<16xf32>,
      %add3A_155 = arith.addf %add3A_148, %gather3A_154 : vector<16xf32>
      %gather3A_156 = tpu.vector_load_idx %arg20[%add3A_153] : memref<256xf32, #tpu.memory_space<vmem>>[vector<16xi32>], vector<16xf32>,
      %add3A_157 = arith.addf %add3A_150, %gather3A_156 : vector<16xf32>
      %add3A_158 = arith.constant 1 : i32
      %add3A_159 = vector.broadcast %add3A_158 : i32 to vector<16xi32>
      %add3A_160 = arith.addi %add3A_153, %add3A_159 : vector<16xi32>
      %gather3A_161 = tpu.vector_load_idx %arg19[%add3A_160] : memref<256xf32, #tpu.memory_space<vmem>>[vector<16xi32>], vector<16xf32>,
      %add3A_162 = arith.addf %add3A_155, %gather3A_161 : vector<16xf32>
      %gather3A_163 = tpu.vector_load_idx %arg20[%add3A_160] : memref<256xf32, #tpu.memory_space<vmem>>[vector<16xi32>], vector<16xf32>,
      %add3A_164 = arith.addf %add3A_157, %gather3A_163 : vector<16xf32>
      %add3A_165 = arith.constant 1 : i32
      %add3A_166 = vector.broadcast %add3A_165 : i32 to vector<16xi32>
      %add3A_167 = arith.addi %add3A_160, %add3A_166 : vector<16xi32>
      %gather3A_168 = tpu.vector_load_idx %arg19[%add3A_167] : memref<256xf32, #tpu.memory_space<vmem>>[vector<16xi32>], vector<16xf32>,
      %add3A_169 = arith.addf %add3A_162, %gather3A_168 : vector<16xf32>
      %gather3A_170 = tpu.vector_load_idx %arg20[%add3A_167] : memref<256xf32, #tpu.memory_space<vmem>>[vector<16xi32>], vector<16xf32>,
      %add3A_171 = arith.addf %add3A_164, %gather3A_170 : vector<16xf32>
      %add3A_172 = arith.constant 1 : i32
      %add3A_173 = vector.broadcast %add3A_172 : i32 to vector<16xi32>
      %add3A_174 = arith.addi %add3A_167, %add3A_173 : vector<16xi32>
      %gather3A_175 = tpu.vector_load_idx %arg19[%add3A_174] : memref<256xf32, #tpu.memory_space<vmem>>[vector<16xi32>], vector<16xf32>,
      %add3A_176 = arith.addf %add3A_169, %gather3A_175 : vector<16xf32>
      %gather3A_177 = tpu.vector_load_idx %arg20[%add3A_174] : memref<256xf32, #tpu.memory_space<vmem>>[vector<16xi32>], vector<16xf32>,
      %add3A_178 = arith.addf %add3A_171, %gather3A_177 : vector<16xf32>
      %add3A_179 = arith.constant 1 : i32
      %add3A_180 = vector.broadcast %add3A_179 : i32 to vector<16xi32>
      %add3A_181 = arith.addi %add3A_174, %add3A_180 : vector<16xi32>
      %gather3A_182 = tpu.vector_load_idx %arg19[%add3A_181] : memref<256xf32, #tpu.memory_space<vmem>>[vector<16xi32>], vector<16xf32>,
      %add3A_183 = arith.addf %add3A_176, %gather3A_182 : vector<16xf32>
      %gather3A_184 = tpu.vector_load_idx %arg20[%add3A_181] : memref<256xf32, #tpu.memory_space<vmem>>[vector<16xi32>], vector<16xf32>,
      %add3A_185 = arith.addf %add3A_178, %gather3A_184 : vector<16xf32>
      %add3A_186 = arith.constant 1 : i32
      %add3A_187 = vector.broadcast %add3A_186 : i32 to vector<16xi32>
      %add3A_188 = arith.addi %add3A_181, %add3A_187 : vector<16xi32>
      %gather3A_189 = tpu.vector_load_idx %arg19[%add3A_188] : memref<256xf32, #tpu.memory_space<vmem>>[vector<16xi32>], vector<16xf32>,
      %add3A_190 = arith.addf %add3A_183, %gather3A_189 : vector<16xf32>
      %gather3A_191 = tpu.vector_load_idx %arg20[%add3A_188] : memref<256xf32, #tpu.memory_space<vmem>>[vector<16xi32>], vector<16xf32>,
      %add3A_192 = arith.addf %add3A_185, %gather3A_191 : vector<16xf32>
      %add3A_193 = arith.constant 1 : i32
      %add3A_194 = vector.broadcast %add3A_193 : i32 to vector<16xi32>
      %add3A_195 = arith.addi %add3A_188, %add3A_194 : vector<16xi32>
      %gather3A_196 = tpu.vector_load_idx %arg19[%add3A_195] : memref<256xf32, #tpu.memory_space<vmem>>[vector<16xi32>], vector<16xf32>,
      %add3A_197 = arith.addf %add3A_190, %gather3A_196 : vector<16xf32>
      %gather3A_198 = tpu.vector_load_idx %arg20[%add3A_195] : memref<256xf32, #tpu.memory_space<vmem>>[vector<16xi32>], vector<16xf32>,
      %add3A_199 = arith.addf %add3A_192, %gather3A_198 : vector<16xf32>
      %add3A_200 = arith.constant 1 : i32
      %add3A_201 = vector.broadcast %add3A_200 : i32 to vector<16xi32>
      %add3A_202 = arith.addi %add3A_195, %add3A_201 : vector<16xi32>
      %gather3A_203 = tpu.vector_load_idx %arg19[%add3A_202] : memref<256xf32, #tpu.memory_space<vmem>>[vector<16xi32>], vector<16xf32>,
      %add3A_204 = arith.addf %add3A_197, %gather3A_203 : vector<16xf32>
      %gather3A_205 = tpu.vector_load_idx %arg20[%add3A_202] : memref<256xf32, #tpu.memory_space<vmem>>[vector<16xi32>], vector<16xf32>,
      %add3A_206 = arith.addf %add3A_199, %gather3A_205 : vector<16xf32>
      %add3A_207 = arith.constant 1 : i32
      %add3A_208 = vector.broadcast %add3A_207 : i32 to vector<16xi32>
      %add3A_209 = arith.addi %add3A_202, %add3A_208 : vector<16xi32>
      %gather3A_210 = tpu.vector_load_idx %arg19[%add3A_209] : memref<256xf32, #tpu.memory_space<vmem>>[vector<16xi32>], vector<16xf32>,
      %add3A_211 = arith.addf %add3A_204, %gather3A_210 : vector<16xf32>
      %gather3A_212 = tpu.vector_load_idx %arg20[%add3A_209] : memref<256xf32, #tpu.memory_space<vmem>>[vector<16xi32>], vector<16xf32>,
      %add3A_213 = arith.addf %add3A_206, %gather3A_212 : vector<16xf32>
      %add3A_214 = arith.constant 1 : i32
      %add3A_215 = vector.broadcast %add3A_214 : i32 to vector<16xi32>
      %add3A_216 = arith.addi %add3A_209, %add3A_215 : vector<16xi32>
      %gather3A_217 = tpu.vector_load_idx %arg19[%add3A_216] : memref<256xf32, #tpu.memory_space<vmem>>[vector<16xi32>], vector<16xf32>,
      %add3A_218 = arith.addf %add3A_211, %gather3A_217 : vector<16xf32>
      %gather3A_219 = tpu.vector_load_idx %arg20[%add3A_216] : memref<256xf32, #tpu.memory_space<vmem>>[vector<16xi32>], vector<16xf32>,
      %add3A_220 = arith.addf %add3A_213, %gather3A_219 : vector<16xf32>
      %swap3A = arith.index_cast %multiple_of3A_106 : i32 to index
      %swap3A_221 = tpu.vector_load %arg17[%swap3A] {strides = array<i32>} : memref<5056xf32, #tpu.memory_space<vmem>>, vector<16xf32>,
      tpu.vector_store %arg17[%swap3A], %add3A_218 {strides = array<i32>} : memref<5056xf32, #tpu.memory_space<vmem>>, vector<16xf32>,
      %swap3A_222 = arith.index_cast %multiple_of3A_106 : i32 to index
      %swap3A_223 = tpu.vector_load %arg18[%swap3A_222] {strides = array<i32>} : memref<5056xf32, #tpu.memory_space<vmem>>, vector<16xf32>,
      tpu.vector_store %arg18[%swap3A_222], %add3A_220 {strides = array<i32>} : memref<5056xf32, #tpu.memory_space<vmem>>, vector<16xf32>,
      %add3A_224 = arith.constant 4 : i32
      %add3A_225 = arith.addi %add3A_92, %add3A_224 : i32
      %mul3A_226 = arith.constant 16 : i32
      %mul3A_227 = arith.muli %add3A_225, %mul3A_226 : i32
      %multiple_of3A_228 = tpu.assume_multiple %mul3A_227, 16 : i32
      %dma_start3A_229 = tpu.memref_slice %arg7[%multiple_of3A_228] : memref<5120xi32, #tpu.memory_space<vmem>> -> memref<16xi32, #tpu.memory_space<vmem>>
      %dma_start3A_230 = arith.constant 0 : i32
      %dma_start3A_231 = arith.constant 0 : i32
      %dma_start3A_232 = tpu.memref_slice %arg2[%dma_start3A_230, %dma_start3A_231] : memref<10000x512xf32, #tpu.memory_space<hbm>> -> memref<10000x512xf32, #tpu.memory_space<hbm>>
      tpu.enqueue_indirect_dma source(%dma_start3A_232 : memref<10000x512xf32, #tpu.memory_space<hbm>>) target(%arg9 : memref<16x512xf32, #tpu.memory_space<vmem>>) offsets(%dma_start3A_229 : memref<16xi32, #tpu.memory_space<vmem>>) semaphore(%arg21 : memref<!tpu.dma_semaphore, #tpu.memory_space<semaphore_mem>>)
      %dma_start3A_233 = tpu.memref_slice %arg8[%multiple_of3A_228] : memref<5120xi32, #tpu.memory_space<vmem>> -> memref<16xi32, #tpu.memory_space<vmem>>
      %dma_start3A_234 = arith.constant 0 : i32
      %dma_start3A_235 = arith.constant 0 : i32
      %dma_start3A_236 = tpu.memref_slice %arg2[%dma_start3A_234, %dma_start3A_235] : memref<10000x512xf32, #tpu.memory_space<hbm>> -> memref<10000x512xf32, #tpu.memory_space<hbm>>
      tpu.enqueue_indirect_dma source(%dma_start3A_236 : memref<10000x512xf32, #tpu.memory_space<hbm>>) target(%arg10 : memref<16x512xf32, #tpu.memory_space<vmem>>) offsets(%dma_start3A_233 : memref<16xi32, #tpu.memory_space<vmem>>) semaphore(%arg21 : memref<!tpu.dma_semaphore, #tpu.memory_space<semaphore_mem>>)
      %mul3A_237 = arith.constant 4 : i32
      %mul3A_238 = arith.muli %scan3A_88, %mul3A_237 : i32
      %add3A_239 = arith.constant 1 : i32
      %add3A_240 = arith.addi %mul3A_238, %add3A_239 : i32
      %mul3A_241 = arith.constant 16 : i32
      %mul3A_242 = arith.muli %add3A_240, %mul3A_241 : i32
      %multiple_of3A_243 = tpu.assume_multiple %mul3A_242, 16 : i32
      %dma_wait3A_244 = tpu.memref_slice %arg7[%multiple_of3A_243] : memref<5120xi32, #tpu.memory_space<vmem>> -> memref<16xi32, #tpu.memory_space<vmem>>
      %dma_wait3A_245 = arith.constant 0 : i32
      %dma_wait3A_246 = arith.constant 0 : i32
      %dma_wait3A_247 = tpu.memref_slice %arg2[%dma_wait3A_245, %dma_wait3A_246] : memref<10000x512xf32, #tpu.memory_space<hbm>> -> memref<10000x512xf32, #tpu.memory_space<hbm>>
      tpu.wait_indirect_dma semaphore(%arg22 : memref<!tpu.dma_semaphore, #tpu.memory_space<semaphore_mem>>) src(%dma_wait3A_247 : memref<10000x512xf32, #tpu.memory_space<hbm>>) dst(%arg11 : memref<16x512xf32, #tpu.memory_space<vmem>>)
      %dma_wait3A_248 = tpu.memref_slice %arg8[%multiple_of3A_243] : memref<5120xi32, #tpu.memory_space<vmem>> -> memref<16xi32, #tpu.memory_space<vmem>>
      %dma_wait3A_249 = arith.constant 0 : i32
      %dma_wait3A_250 = arith.constant 0 : i32
      %dma_wait3A_251 = tpu.memref_slice %arg2[%dma_wait3A_249, %dma_wait3A_250] : memref<10000x512xf32, #tpu.memory_space<hbm>> -> memref<10000x512xf32, #tpu.memory_space<hbm>>
      tpu.wait_indirect_dma semaphore(%arg22 : memref<!tpu.dma_semaphore, #tpu.memory_space<semaphore_mem>>) src(%dma_wait3A_251 : memref<10000x512xf32, #tpu.memory_space<hbm>>) dst(%arg12 : memref<16x512xf32, #tpu.memory_space<vmem>>)
      %mul3A_252 = arith.constant 16 : i32
      %mul3A_253 = arith.muli %add3A_240, %mul3A_252 : i32
      %multiple_of3A_254 = tpu.assume_multiple %mul3A_253, 16 : i32
      %scan3A_255 = arith.constant 0 : i32
      %scan3A_256 = arith.constant 16 : i32
      %scan3A_257 = arith.addi %scan3A_255, %scan3A_256 : i32
      %scan3A_258 = arith.constant 1 : i32
      scf.for %scan3A_687 = %scan3A_255 to %scan3A_257 step %scan3A_258  : i32 {
        %get3A = arith.index_cast %scan3A_687 : i32 to index
        %get3A_688 = arith.constant 0 : index
        %get3A_689 = tpu.vector_load %arg11[%get3A, %get3A_688] {strides = array<i32>} : memref<16x512xf32, #tpu.memory_space<vmem>>, vector<16xf32>,
        %get3A_690 = arith.index_cast %scan3A_687 : i32 to index
        %get3A_691 = arith.constant 0 : index
        %get3A_692 = tpu.vector_load %arg12[%get3A_690, %get3A_691] {strides = array<i32>} : memref<16x512xf32, #tpu.memory_space<vmem>>, vector<16xf32>,
        %mul3A_693 = arith.mulf %get3A_689, %get3A_692 : vector<16xf32>
        %get3A_694 = arith.index_cast %scan3A_687 : i32 to index
        %get3A_695 = arith.constant 256 : index
        %get3A_696 = tpu.vector_load %arg11[%get3A_694, %get3A_695] {strides = array<i32>} : memref<16x512xf32, #tpu.memory_space<vmem>>, vector<16xf32>,
        %get3A_697 = arith.index_cast %scan3A_687 : i32 to index
        %get3A_698 = arith.constant 256 : index
        %get3A_699 = tpu.vector_load %arg12[%get3A_697, %get3A_698] {strides = array<i32>} : memref<16x512xf32, #tpu.memory_space<vmem>>, vector<16xf32>,
        %mul3A_700 = arith.mulf %get3A_696, %get3A_699 : vector<16xf32>
        %get3A_701 = arith.index_cast %scan3A_687 : i32 to index
        %get3A_702 = arith.constant 16 : index
        %get3A_703 = tpu.vector_load %arg11[%get3A_701, %get3A_702] {strides = array<i32>} : memref<16x512xf32, #tpu.memory_space<vmem>>, vector<16xf32>,
        %get3A_704 = arith.index_cast %scan3A_687 : i32 to index
        %get3A_705 = arith.constant 16 : index
        %get3A_706 = tpu.vector_load %arg12[%get3A_704, %get3A_705] {strides = array<i32>} : memref<16x512xf32, #tpu.memory_space<vmem>>, vector<16xf32>,
        %mul3A_707 = arith.mulf %get3A_703, %get3A_706 : vector<16xf32>
        %add3A_708 = arith.addf %mul3A_693, %mul3A_707 : vector<16xf32>
        %get3A_709 = arith.index_cast %scan3A_687 : i32 to index
        %get3A_710 = arith.constant 272 : index
        %get3A_711 = tpu.vector_load %arg11[%get3A_709, %get3A_710] {strides = array<i32>} : memref<16x512xf32, #tpu.memory_space<vmem>>, vector<16xf32>,
        %get3A_712 = arith.index_cast %scan3A_687 : i32 to index
        %get3A_713 = arith.constant 272 : index
        %get3A_714 = tpu.vector_load %arg12[%get3A_712, %get3A_713] {strides = array<i32>} : memref<16x512xf32, #tpu.memory_space<vmem>>, vector<16xf32>,
        %mul3A_715 = arith.mulf %get3A_711, %get3A_714 : vector<16xf32>
        %add3A_716 = arith.addf %mul3A_700, %mul3A_715 : vector<16xf32>
        %get3A_717 = arith.index_cast %scan3A_687 : i32 to index
        %get3A_718 = arith.constant 32 : index
        %get3A_719 = tpu.vector_load %arg11[%get3A_717, %get3A_718] {strides = array<i32>} : memref<16x512xf32, #tpu.memory_space<vmem>>, vector<16xf32>,
        %get3A_720 = arith.index_cast %scan3A_687 : i32 to index
        %get3A_721 = arith.constant 32 : index
        %get3A_722 = tpu.vector_load %arg12[%get3A_720, %get3A_721] {strides = array<i32>} : memref<16x512xf32, #tpu.memory_space<vmem>>, vector<16xf32>,
        %mul3A_723 = arith.mulf %get3A_719, %get3A_722 : vector<16xf32>
        %add3A_724 = arith.addf %add3A_708, %mul3A_723 : vector<16xf32>
        %get3A_725 = arith.index_cast %scan3A_687 : i32 to index
        %get3A_726 = arith.constant 288 : index
        %get3A_727 = tpu.vector_load %arg11[%get3A_725, %get3A_726] {strides = array<i32>} : memref<16x512xf32, #tpu.memory_space<vmem>>, vector<16xf32>,
        %get3A_728 = arith.index_cast %scan3A_687 : i32 to index
        %get3A_729 = arith.constant 288 : index
        %get3A_730 = tpu.vector_load %arg12[%get3A_728, %get3A_729] {strides = array<i32>} : memref<16x512xf32, #tpu.memory_space<vmem>>, vector<16xf32>,
        %mul3A_731 = arith.mulf %get3A_727, %get3A_730 : vector<16xf32>
        %add3A_732 = arith.addf %add3A_716, %mul3A_731 : vector<16xf32>
        %get3A_733 = arith.index_cast %scan3A_687 : i32 to index
        %get3A_734 = arith.constant 48 : index
        %get3A_735 = tpu.vector_load %arg11[%get3A_733, %get3A_734] {strides = array<i32>} : memref<16x512xf32, #tpu.memory_space<vmem>>, vector<16xf32>,
        %get3A_736 = arith.index_cast %scan3A_687 : i32 to index
        %get3A_737 = arith.constant 48 : index
        %get3A_738 = tpu.vector_load %arg12[%get3A_736, %get3A_737] {strides = array<i32>} : memref<16x512xf32, #tpu.memory_space<vmem>>, vector<16xf32>,
        %mul3A_739 = arith.mulf %get3A_735, %get3A_738 : vector<16xf32>
        %add3A_740 = arith.addf %add3A_724, %mul3A_739 : vector<16xf32>
        %get3A_741 = arith.index_cast %scan3A_687 : i32 to index
        %get3A_742 = arith.constant 304 : index
        %get3A_743 = tpu.vector_load %arg11[%get3A_741, %get3A_742] {strides = array<i32>} : memref<16x512xf32, #tpu.memory_space<vmem>>, vector<16xf32>,
        %get3A_744 = arith.index_cast %scan3A_687 : i32 to index
        %get3A_745 = arith.constant 304 : index
        %get3A_746 = tpu.vector_load %arg12[%get3A_744, %get3A_745] {strides = array<i32>} : memref<16x512xf32, #tpu.memory_space<vmem>>, vector<16xf32>,
        %mul3A_747 = arith.mulf %get3A_743, %get3A_746 : vector<16xf32>
        %add3A_748 = arith.addf %add3A_732, %mul3A_747 : vector<16xf32>
        %get3A_749 = arith.index_cast %scan3A_687 : i32 to index
        %get3A_750 = arith.constant 64 : index
        %get3A_751 = tpu.vector_load %arg11[%get3A_749, %get3A_750] {strides = array<i32>} : memref<16x512xf32, #tpu.memory_space<vmem>>, vector<16xf32>,
        %get3A_752 = arith.index_cast %scan3A_687 : i32 to index
        %get3A_753 = arith.constant 64 : index
        %get3A_754 = tpu.vector_load %arg12[%get3A_752, %get3A_753] {strides = array<i32>} : memref<16x512xf32, #tpu.memory_space<vmem>>, vector<16xf32>,
        %mul3A_755 = arith.mulf %get3A_751, %get3A_754 : vector<16xf32>
        %add3A_756 = arith.addf %add3A_740, %mul3A_755 : vector<16xf32>
        %get3A_757 = arith.index_cast %scan3A_687 : i32 to index
        %get3A_758 = arith.constant 320 : index
        %get3A_759 = tpu.vector_load %arg11[%get3A_757, %get3A_758] {strides = array<i32>} : memref<16x512xf32, #tpu.memory_space<vmem>>, vector<16xf32>,
        %get3A_760 = arith.index_cast %scan3A_687 : i32 to index
        %get3A_761 = arith.constant 320 : index
        %get3A_762 = tpu.vector_load %arg12[%get3A_760, %get3A_761] {strides = array<i32>} : memref<16x512xf32, #tpu.memory_space<vmem>>, vector<16xf32>,
        %mul3A_763 = arith.mulf %get3A_759, %get3A_762 : vector<16xf32>
        %add3A_764 = arith.addf %add3A_748, %mul3A_763 : vector<16xf32>
        %get3A_765 = arith.index_cast %scan3A_687 : i32 to index
        %get3A_766 = arith.constant 80 : index
        %get3A_767 = tpu.vector_load %arg11[%get3A_765, %get3A_766] {strides = array<i32>} : memref<16x512xf32, #tpu.memory_space<vmem>>, vector<16xf32>,
        %get3A_768 = arith.index_cast %scan3A_687 : i32 to index
        %get3A_769 = arith.constant 80 : index
        %get3A_770 = tpu.vector_load %arg12[%get3A_768, %get3A_769] {strides = array<i32>} : memref<16x512xf32, #tpu.memory_space<vmem>>, vector<16xf32>,
        %mul3A_771 = arith.mulf %get3A_767, %get3A_770 : vector<16xf32>
        %add3A_772 = arith.addf %add3A_756, %mul3A_771 : vector<16xf32>
        %get3A_773 = arith.index_cast %scan3A_687 : i32 to index
        %get3A_774 = arith.constant 336 : index
        %get3A_775 = tpu.vector_load %arg11[%get3A_773, %get3A_774] {strides = array<i32>} : memref<16x512xf32, #tpu.memory_space<vmem>>, vector<16xf32>,
        %get3A_776 = arith.index_cast %scan3A_687 : i32 to index
        %get3A_777 = arith.constant 336 : index
        %get3A_778 = tpu.vector_load %arg12[%get3A_776, %get3A_777] {strides = array<i32>} : memref<16x512xf32, #tpu.memory_space<vmem>>, vector<16xf32>,
        %mul3A_779 = arith.mulf %get3A_775, %get3A_778 : vector<16xf32>
        %add3A_780 = arith.addf %add3A_764, %mul3A_779 : vector<16xf32>
        %get3A_781 = arith.index_cast %scan3A_687 : i32 to index
        %get3A_782 = arith.constant 96 : index
        %get3A_783 = tpu.vector_load %arg11[%get3A_781, %get3A_782] {strides = array<i32>} : memref<16x512xf32, #tpu.memory_space<vmem>>, vector<16xf32>,
        %get3A_784 = arith.index_cast %scan3A_687 : i32 to index
        %get3A_785 = arith.constant 96 : index
        %get3A_786 = tpu.vector_load %arg12[%get3A_784, %get3A_785] {strides = array<i32>} : memref<16x512xf32, #tpu.memory_space<vmem>>, vector<16xf32>,
        %mul3A_787 = arith.mulf %get3A_783, %get3A_786 : vector<16xf32>
        %add3A_788 = arith.addf %add3A_772, %mul3A_787 : vector<16xf32>
        %get3A_789 = arith.index_cast %scan3A_687 : i32 to index
        %get3A_790 = arith.constant 352 : index
        %get3A_791 = tpu.vector_load %arg11[%get3A_789, %get3A_790] {strides = array<i32>} : memref<16x512xf32, #tpu.memory_space<vmem>>, vector<16xf32>,
        %get3A_792 = arith.index_cast %scan3A_687 : i32 to index
        %get3A_793 = arith.constant 352 : index
        %get3A_794 = tpu.vector_load %arg12[%get3A_792, %get3A_793] {strides = array<i32>} : memref<16x512xf32, #tpu.memory_space<vmem>>, vector<16xf32>,
        %mul3A_795 = arith.mulf %get3A_791, %get3A_794 : vector<16xf32>
        %add3A_796 = arith.addf %add3A_780, %mul3A_795 : vector<16xf32>
        %get3A_797 = arith.index_cast %scan3A_687 : i32 to index
        %get3A_798 = arith.constant 112 : index
        %get3A_799 = tpu.vector_load %arg11[%get3A_797, %get3A_798] {strides = array<i32>} : memref<16x512xf32, #tpu.memory_space<vmem>>, vector<16xf32>,
        %get3A_800 = arith.index_cast %scan3A_687 : i32 to index
        %get3A_801 = arith.constant 112 : index
        %get3A_802 = tpu.vector_load %arg12[%get3A_800, %get3A_801] {strides = array<i32>} : memref<16x512xf32, #tpu.memory_space<vmem>>, vector<16xf32>,
        %mul3A_803 = arith.mulf %get3A_799, %get3A_802 : vector<16xf32>
        %add3A_804 = arith.addf %add3A_788, %mul3A_803 : vector<16xf32>
        %get3A_805 = arith.index_cast %scan3A_687 : i32 to index
        %get3A_806 = arith.constant 368 : index
        %get3A_807 = tpu.vector_load %arg11[%get3A_805, %get3A_806] {strides = array<i32>} : memref<16x512xf32, #tpu.memory_space<vmem>>, vector<16xf32>,
        %get3A_808 = arith.index_cast %scan3A_687 : i32 to index
        %get3A_809 = arith.constant 368 : index
        %get3A_810 = tpu.vector_load %arg12[%get3A_808, %get3A_809] {strides = array<i32>} : memref<16x512xf32, #tpu.memory_space<vmem>>, vector<16xf32>,
        %mul3A_811 = arith.mulf %get3A_807, %get3A_810 : vector<16xf32>
        %add3A_812 = arith.addf %add3A_796, %mul3A_811 : vector<16xf32>
        %get3A_813 = arith.index_cast %scan3A_687 : i32 to index
        %get3A_814 = arith.constant 128 : index
        %get3A_815 = tpu.vector_load %arg11[%get3A_813, %get3A_814] {strides = array<i32>} : memref<16x512xf32, #tpu.memory_space<vmem>>, vector<16xf32>,
        %get3A_816 = arith.index_cast %scan3A_687 : i32 to index
        %get3A_817 = arith.constant 128 : index
        %get3A_818 = tpu.vector_load %arg12[%get3A_816, %get3A_817] {strides = array<i32>} : memref<16x512xf32, #tpu.memory_space<vmem>>, vector<16xf32>,
        %mul3A_819 = arith.mulf %get3A_815, %get3A_818 : vector<16xf32>
        %add3A_820 = arith.addf %add3A_804, %mul3A_819 : vector<16xf32>
        %get3A_821 = arith.index_cast %scan3A_687 : i32 to index
        %get3A_822 = arith.constant 384 : index
        %get3A_823 = tpu.vector_load %arg11[%get3A_821, %get3A_822] {strides = array<i32>} : memref<16x512xf32, #tpu.memory_space<vmem>>, vector<16xf32>,
        %get3A_824 = arith.index_cast %scan3A_687 : i32 to index
        %get3A_825 = arith.constant 384 : index
        %get3A_826 = tpu.vector_load %arg12[%get3A_824, %get3A_825] {strides = array<i32>} : memref<16x512xf32, #tpu.memory_space<vmem>>, vector<16xf32>,
        %mul3A_827 = arith.mulf %get3A_823, %get3A_826 : vector<16xf32>
        %add3A_828 = arith.addf %add3A_812, %mul3A_827 : vector<16xf32>
        %get3A_829 = arith.index_cast %scan3A_687 : i32 to index
        %get3A_830 = arith.constant 144 : index
        %get3A_831 = tpu.vector_load %arg11[%get3A_829, %get3A_830] {strides = array<i32>} : memref<16x512xf32, #tpu.memory_space<vmem>>, vector<16xf32>,
        %get3A_832 = arith.index_cast %scan3A_687 : i32 to index
        %get3A_833 = arith.constant 144 : index
        %get3A_834 = tpu.vector_load %arg12[%get3A_832, %get3A_833] {strides = array<i32>} : memref<16x512xf32, #tpu.memory_space<vmem>>, vector<16xf32>,
        %mul3A_835 = arith.mulf %get3A_831, %get3A_834 : vector<16xf32>
        %add3A_836 = arith.addf %add3A_820, %mul3A_835 : vector<16xf32>
        %get3A_837 = arith.index_cast %scan3A_687 : i32 to index
        %get3A_838 = arith.constant 400 : index
        %get3A_839 = tpu.vector_load %arg11[%get3A_837, %get3A_838] {strides = array<i32>} : memref<16x512xf32, #tpu.memory_space<vmem>>, vector<16xf32>,
        %get3A_840 = arith.index_cast %scan3A_687 : i32 to index
        %get3A_841 = arith.constant 400 : index
        %get3A_842 = tpu.vector_load %arg12[%get3A_840, %get3A_841] {strides = array<i32>} : memref<16x512xf32, #tpu.memory_space<vmem>>, vector<16xf32>,
        %mul3A_843 = arith.mulf %get3A_839, %get3A_842 : vector<16xf32>
        %add3A_844 = arith.addf %add3A_828, %mul3A_843 : vector<16xf32>
        %get3A_845 = arith.index_cast %scan3A_687 : i32 to index
        %get3A_846 = arith.constant 160 : index
        %get3A_847 = tpu.vector_load %arg11[%get3A_845, %get3A_846] {strides = array<i32>} : memref<16x512xf32, #tpu.memory_space<vmem>>, vector<16xf32>,
        %get3A_848 = arith.index_cast %scan3A_687 : i32 to index
        %get3A_849 = arith.constant 160 : index
        %get3A_850 = tpu.vector_load %arg12[%get3A_848, %get3A_849] {strides = array<i32>} : memref<16x512xf32, #tpu.memory_space<vmem>>, vector<16xf32>,
        %mul3A_851 = arith.mulf %get3A_847, %get3A_850 : vector<16xf32>
        %add3A_852 = arith.addf %add3A_836, %mul3A_851 : vector<16xf32>
        %get3A_853 = arith.index_cast %scan3A_687 : i32 to index
        %get3A_854 = arith.constant 416 : index
        %get3A_855 = tpu.vector_load %arg11[%get3A_853, %get3A_854] {strides = array<i32>} : memref<16x512xf32, #tpu.memory_space<vmem>>, vector<16xf32>,
        %get3A_856 = arith.index_cast %scan3A_687 : i32 to index
        %get3A_857 = arith.constant 416 : index
        %get3A_858 = tpu.vector_load %arg12[%get3A_856, %get3A_857] {strides = array<i32>} : memref<16x512xf32, #tpu.memory_space<vmem>>, vector<16xf32>,
        %mul3A_859 = arith.mulf %get3A_855, %get3A_858 : vector<16xf32>
        %add3A_860 = arith.addf %add3A_844, %mul3A_859 : vector<16xf32>
        %get3A_861 = arith.index_cast %scan3A_687 : i32 to index
        %get3A_862 = arith.constant 176 : index
        %get3A_863 = tpu.vector_load %arg11[%get3A_861, %get3A_862] {strides = array<i32>} : memref<16x512xf32, #tpu.memory_space<vmem>>, vector<16xf32>,
        %get3A_864 = arith.index_cast %scan3A_687 : i32 to index
        %get3A_865 = arith.constant 176 : index
        %get3A_866 = tpu.vector_load %arg12[%get3A_864, %get3A_865] {strides = array<i32>} : memref<16x512xf32, #tpu.memory_space<vmem>>, vector<16xf32>,
        %mul3A_867 = arith.mulf %get3A_863, %get3A_866 : vector<16xf32>
        %add3A_868 = arith.addf %add3A_852, %mul3A_867 : vector<16xf32>
        %get3A_869 = arith.index_cast %scan3A_687 : i32 to index
        %get3A_870 = arith.constant 432 : index
        %get3A_871 = tpu.vector_load %arg11[%get3A_869, %get3A_870] {strides = array<i32>} : memref<16x512xf32, #tpu.memory_space<vmem>>, vector<16xf32>,
        %get3A_872 = arith.index_cast %scan3A_687 : i32 to index
        %get3A_873 = arith.constant 432 : index
        %get3A_874 = tpu.vector_load %arg12[%get3A_872, %get3A_873] {strides = array<i32>} : memref<16x512xf32, #tpu.memory_space<vmem>>, vector<16xf32>,
        %mul3A_875 = arith.mulf %get3A_871, %get3A_874 : vector<16xf32>
        %add3A_876 = arith.addf %add3A_860, %mul3A_875 : vector<16xf32>
        %get3A_877 = arith.index_cast %scan3A_687 : i32 to index
        %get3A_878 = arith.constant 192 : index
        %get3A_879 = tpu.vector_load %arg11[%get3A_877, %get3A_878] {strides = array<i32>} : memref<16x512xf32, #tpu.memory_space<vmem>>, vector<16xf32>,
        %get3A_880 = arith.index_cast %scan3A_687 : i32 to index
        %get3A_881 = arith.constant 192 : index
        %get3A_882 = tpu.vector_load %arg12[%get3A_880, %get3A_881] {strides = array<i32>} : memref<16x512xf32, #tpu.memory_space<vmem>>, vector<16xf32>,
        %mul3A_883 = arith.mulf %get3A_879, %get3A_882 : vector<16xf32>
        %add3A_884 = arith.addf %add3A_868, %mul3A_883 : vector<16xf32>
        %get3A_885 = arith.index_cast %scan3A_687 : i32 to index
        %get3A_886 = arith.constant 448 : index
        %get3A_887 = tpu.vector_load %arg11[%get3A_885, %get3A_886] {strides = array<i32>} : memref<16x512xf32, #tpu.memory_space<vmem>>, vector<16xf32>,
        %get3A_888 = arith.index_cast %scan3A_687 : i32 to index
        %get3A_889 = arith.constant 448 : index
        %get3A_890 = tpu.vector_load %arg12[%get3A_888, %get3A_889] {strides = array<i32>} : memref<16x512xf32, #tpu.memory_space<vmem>>, vector<16xf32>,
        %mul3A_891 = arith.mulf %get3A_887, %get3A_890 : vector<16xf32>
        %add3A_892 = arith.addf %add3A_876, %mul3A_891 : vector<16xf32>
        %get3A_893 = arith.index_cast %scan3A_687 : i32 to index
        %get3A_894 = arith.constant 208 : index
        %get3A_895 = tpu.vector_load %arg11[%get3A_893, %get3A_894] {strides = array<i32>} : memref<16x512xf32, #tpu.memory_space<vmem>>, vector<16xf32>,
        %get3A_896 = arith.index_cast %scan3A_687 : i32 to index
        %get3A_897 = arith.constant 208 : index
        %get3A_898 = tpu.vector_load %arg12[%get3A_896, %get3A_897] {strides = array<i32>} : memref<16x512xf32, #tpu.memory_space<vmem>>, vector<16xf32>,
        %mul3A_899 = arith.mulf %get3A_895, %get3A_898 : vector<16xf32>
        %add3A_900 = arith.addf %add3A_884, %mul3A_899 : vector<16xf32>
        %get3A_901 = arith.index_cast %scan3A_687 : i32 to index
        %get3A_902 = arith.constant 464 : index
        %get3A_903 = tpu.vector_load %arg11[%get3A_901, %get3A_902] {strides = array<i32>} : memref<16x512xf32, #tpu.memory_space<vmem>>, vector<16xf32>,
        %get3A_904 = arith.index_cast %scan3A_687 : i32 to index
        %get3A_905 = arith.constant 464 : index
        %get3A_906 = tpu.vector_load %arg12[%get3A_904, %get3A_905] {strides = array<i32>} : memref<16x512xf32, #tpu.memory_space<vmem>>, vector<16xf32>,
        %mul3A_907 = arith.mulf %get3A_903, %get3A_906 : vector<16xf32>
        %add3A_908 = arith.addf %add3A_892, %mul3A_907 : vector<16xf32>
        %get3A_909 = arith.index_cast %scan3A_687 : i32 to index
        %get3A_910 = arith.constant 224 : index
        %get3A_911 = tpu.vector_load %arg11[%get3A_909, %get3A_910] {strides = array<i32>} : memref<16x512xf32, #tpu.memory_space<vmem>>, vector<16xf32>,
        %get3A_912 = arith.index_cast %scan3A_687 : i32 to index
        %get3A_913 = arith.constant 224 : index
        %get3A_914 = tpu.vector_load %arg12[%get3A_912, %get3A_913] {strides = array<i32>} : memref<16x512xf32, #tpu.memory_space<vmem>>, vector<16xf32>,
        %mul3A_915 = arith.mulf %get3A_911, %get3A_914 : vector<16xf32>
        %add3A_916 = arith.addf %add3A_900, %mul3A_915 : vector<16xf32>
        %get3A_917 = arith.index_cast %scan3A_687 : i32 to index
        %get3A_918 = arith.constant 480 : index
        %get3A_919 = tpu.vector_load %arg11[%get3A_917, %get3A_918] {strides = array<i32>} : memref<16x512xf32, #tpu.memory_space<vmem>>, vector<16xf32>,
        %get3A_920 = arith.index_cast %scan3A_687 : i32 to index
        %get3A_921 = arith.constant 480 : index
        %get3A_922 = tpu.vector_load %arg12[%get3A_920, %get3A_921] {strides = array<i32>} : memref<16x512xf32, #tpu.memory_space<vmem>>, vector<16xf32>,
        %mul3A_923 = arith.mulf %get3A_919, %get3A_922 : vector<16xf32>
        %add3A_924 = arith.addf %add3A_908, %mul3A_923 : vector<16xf32>
        %get3A_925 = arith.index_cast %scan3A_687 : i32 to index
        %get3A_926 = arith.constant 240 : index
        %get3A_927 = tpu.vector_load %arg11[%get3A_925, %get3A_926] {strides = array<i32>} : memref<16x512xf32, #tpu.memory_space<vmem>>, vector<16xf32>,
        %get3A_928 = arith.index_cast %scan3A_687 : i32 to index
        %get3A_929 = arith.constant 240 : index
        %get3A_930 = tpu.vector_load %arg12[%get3A_928, %get3A_929] {strides = array<i32>} : memref<16x512xf32, #tpu.memory_space<vmem>>, vector<16xf32>,
        %mul3A_931 = arith.mulf %get3A_927, %get3A_930 : vector<16xf32>
        %add3A_932 = arith.addf %add3A_916, %mul3A_931 : vector<16xf32>
        %get3A_933 = arith.index_cast %scan3A_687 : i32 to index
        %get3A_934 = arith.constant 496 : index
        %get3A_935 = tpu.vector_load %arg11[%get3A_933, %get3A_934] {strides = array<i32>} : memref<16x512xf32, #tpu.memory_space<vmem>>, vector<16xf32>,
        %get3A_936 = arith.index_cast %scan3A_687 : i32 to index
        %get3A_937 = arith.constant 496 : index
        %get3A_938 = tpu.vector_load %arg12[%get3A_936, %get3A_937] {strides = array<i32>} : memref<16x512xf32, #tpu.memory_space<vmem>>, vector<16xf32>,
        %mul3A_939 = arith.mulf %get3A_935, %get3A_938 : vector<16xf32>
        %add3A_940 = arith.addf %add3A_924, %mul3A_939 : vector<16xf32>
        %mul3A_941 = arith.constant 16 : i32
        %mul3A_942 = arith.muli %scan3A_687, %mul3A_941 : i32
        %multiple_of3A_943 = tpu.assume_multiple %mul3A_942, 16 : i32
        %swap3A_944 = arith.index_cast %multiple_of3A_943 : i32 to index
        %swap3A_945 = tpu.vector_load %arg19[%swap3A_944] {strides = array<i32>} : memref<256xf32, #tpu.memory_space<vmem>>, vector<16xf32>,
        tpu.vector_store %arg19[%swap3A_944], %add3A_932 {strides = array<i32>} : memref<256xf32, #tpu.memory_space<vmem>>, vector<16xf32>,
        %swap3A_946 = arith.index_cast %multiple_of3A_943 : i32 to index
        %swap3A_947 = tpu.vector_load %arg20[%swap3A_946] {strides = array<i32>} : memref<256xf32, #tpu.memory_space<vmem>>, vector<16xf32>,
        tpu.vector_store %arg20[%swap3A_946], %add3A_940 {strides = array<i32>} : memref<256xf32, #tpu.memory_space<vmem>>, vector<16xf32>,
      }
      %scan3A_259 = arith.constant 16 : i32
      %mul3A_260 = arith.constant 16 : i32
      %mul3A_261 = vector.broadcast %mul3A_260 : i32 to vector<16xi32>
      %mul3A_262 = arith.muli %iota3A, %mul3A_261 : vector<16xi32>
      %gather3A_263 = tpu.vector_load_idx %arg19[%mul3A_262] : memref<256xf32, #tpu.memory_space<vmem>>[vector<16xi32>], vector<16xf32>,
      %gather3A_264 = tpu.vector_load_idx %arg20[%mul3A_262] : memref<256xf32, #tpu.memory_space<vmem>>[vector<16xi32>], vector<16xf32>,
      %add3A_265 = arith.constant 1 : i32
      %add3A_266 = vector.broadcast %add3A_265 : i32 to vector<16xi32>
      %add3A_267 = arith.addi %mul3A_262, %add3A_266 : vector<16xi32>
      %gather3A_268 = tpu.vector_load_idx %arg19[%add3A_267] : memref<256xf32, #tpu.memory_space<vmem>>[vector<16xi32>], vector<16xf32>,
      %add3A_269 = arith.addf %gather3A_263, %gather3A_268 : vector<16xf32>
      %gather3A_270 = tpu.vector_load_idx %arg20[%add3A_267] : memref<256xf32, #tpu.memory_space<vmem>>[vector<16xi32>], vector<16xf32>,
      %add3A_271 = arith.addf %gather3A_264, %gather3A_270 : vector<16xf32>
      %add3A_272 = arith.constant 1 : i32
      %add3A_273 = vector.broadcast %add3A_272 : i32 to vector<16xi32>
      %add3A_274 = arith.addi %add3A_267, %add3A_273 : vector<16xi32>
      %gather3A_275 = tpu.vector_load_idx %arg19[%add3A_274] : memref<256xf32, #tpu.memory_space<vmem>>[vector<16xi32>], vector<16xf32>,
      %add3A_276 = arith.addf %add3A_269, %gather3A_275 : vector<16xf32>
      %gather3A_277 = tpu.vector_load_idx %arg20[%add3A_274] : memref<256xf32, #tpu.memory_space<vmem>>[vector<16xi32>], vector<16xf32>,
      %add3A_278 = arith.addf %add3A_271, %gather3A_277 : vector<16xf32>
      %add3A_279 = arith.constant 1 : i32
      %add3A_280 = vector.broadcast %add3A_279 : i32 to vector<16xi32>
      %add3A_281 = arith.addi %add3A_274, %add3A_280 : vector<16xi32>
      %gather3A_282 = tpu.vector_load_idx %arg19[%add3A_281] : memref<256xf32, #tpu.memory_space<vmem>>[vector<16xi32>], vector<16xf32>,
      %add3A_283 = arith.addf %add3A_276, %gather3A_282 : vector<16xf32>
      %gather3A_284 = tpu.vector_load_idx %arg20[%add3A_281] : memref<256xf32, #tpu.memory_space<vmem>>[vector<16xi32>], vector<16xf32>,
      %add3A_285 = arith.addf %add3A_278, %gather3A_284 : vector<16xf32>
      %add3A_286 = arith.constant 1 : i32
      %add3A_287 = vector.broadcast %add3A_286 : i32 to vector<16xi32>
      %add3A_288 = arith.addi %add3A_281, %add3A_287 : vector<16xi32>
      %gather3A_289 = tpu.vector_load_idx %arg19[%add3A_288] : memref<256xf32, #tpu.memory_space<vmem>>[vector<16xi32>], vector<16xf32>,
      %add3A_290 = arith.addf %add3A_283, %gather3A_289 : vector<16xf32>
      %gather3A_291 = tpu.vector_load_idx %arg20[%add3A_288] : memref<256xf32, #tpu.memory_space<vmem>>[vector<16xi32>], vector<16xf32>,
      %add3A_292 = arith.addf %add3A_285, %gather3A_291 : vector<16xf32>
      %add3A_293 = arith.constant 1 : i32
      %add3A_294 = vector.broadcast %add3A_293 : i32 to vector<16xi32>
      %add3A_295 = arith.addi %add3A_288, %add3A_294 : vector<16xi32>
      %gather3A_296 = tpu.vector_load_idx %arg19[%add3A_295] : memref<256xf32, #tpu.memory_space<vmem>>[vector<16xi32>], vector<16xf32>,
      %add3A_297 = arith.addf %add3A_290, %gather3A_296 : vector<16xf32>
      %gather3A_298 = tpu.vector_load_idx %arg20[%add3A_295] : memref<256xf32, #tpu.memory_space<vmem>>[vector<16xi32>], vector<16xf32>,
      %add3A_299 = arith.addf %add3A_292, %gather3A_298 : vector<16xf32>
      %add3A_300 = arith.constant 1 : i32
      %add3A_301 = vector.broadcast %add3A_300 : i32 to vector<16xi32>
      %add3A_302 = arith.addi %add3A_295, %add3A_301 : vector<16xi32>
      %gather3A_303 = tpu.vector_load_idx %arg19[%add3A_302] : memref<256xf32, #tpu.memory_space<vmem>>[vector<16xi32>], vector<16xf32>,
      %add3A_304 = arith.addf %add3A_297, %gather3A_303 : vector<16xf32>
      %gather3A_305 = tpu.vector_load_idx %arg20[%add3A_302] : memref<256xf32, #tpu.memory_space<vmem>>[vector<16xi32>], vector<16xf32>,
      %add3A_306 = arith.addf %add3A_299, %gather3A_305 : vector<16xf32>
      %add3A_307 = arith.constant 1 : i32
      %add3A_308 = vector.broadcast %add3A_307 : i32 to vector<16xi32>
      %add3A_309 = arith.addi %add3A_302, %add3A_308 : vector<16xi32>
      %gather3A_310 = tpu.vector_load_idx %arg19[%add3A_309] : memref<256xf32, #tpu.memory_space<vmem>>[vector<16xi32>], vector<16xf32>,
      %add3A_311 = arith.addf %add3A_304, %gather3A_310 : vector<16xf32>
      %gather3A_312 = tpu.vector_load_idx %arg20[%add3A_309] : memref<256xf32, #tpu.memory_space<vmem>>[vector<16xi32>], vector<16xf32>,
      %add3A_313 = arith.addf %add3A_306, %gather3A_312 : vector<16xf32>
      %add3A_314 = arith.constant 1 : i32
      %add3A_315 = vector.broadcast %add3A_314 : i32 to vector<16xi32>
      %add3A_316 = arith.addi %add3A_309, %add3A_315 : vector<16xi32>
      %gather3A_317 = tpu.vector_load_idx %arg19[%add3A_316] : memref<256xf32, #tpu.memory_space<vmem>>[vector<16xi32>], vector<16xf32>,
      %add3A_318 = arith.addf %add3A_311, %gather3A_317 : vector<16xf32>
      %gather3A_319 = tpu.vector_load_idx %arg20[%add3A_316] : memref<256xf32, #tpu.memory_space<vmem>>[vector<16xi32>], vector<16xf32>,
      %add3A_320 = arith.addf %add3A_313, %gather3A_319 : vector<16xf32>
      %add3A_321 = arith.constant 1 : i32
      %add3A_322 = vector.broadcast %add3A_321 : i32 to vector<16xi32>
      %add3A_323 = arith.addi %add3A_316, %add3A_322 : vector<16xi32>
      %gather3A_324 = tpu.vector_load_idx %arg19[%add3A_323] : memref<256xf32, #tpu.memory_space<vmem>>[vector<16xi32>], vector<16xf32>,
      %add3A_325 = arith.addf %add3A_318, %gather3A_324 : vector<16xf32>
      %gather3A_326 = tpu.vector_load_idx %arg20[%add3A_323] : memref<256xf32, #tpu.memory_space<vmem>>[vector<16xi32>], vector<16xf32>,
      %add3A_327 = arith.addf %add3A_320, %gather3A_326 : vector<16xf32>
      %add3A_328 = arith.constant 1 : i32
      %add3A_329 = vector.broadcast %add3A_328 : i32 to vector<16xi32>
      %add3A_330 = arith.addi %add3A_323, %add3A_329 : vector<16xi32>
      %gather3A_331 = tpu.vector_load_idx %arg19[%add3A_330] : memref<256xf32, #tpu.memory_space<vmem>>[vector<16xi32>], vector<16xf32>,
      %add3A_332 = arith.addf %add3A_325, %gather3A_331 : vector<16xf32>
      %gather3A_333 = tpu.vector_load_idx %arg20[%add3A_330] : memref<256xf32, #tpu.memory_space<vmem>>[vector<16xi32>], vector<16xf32>,
      %add3A_334 = arith.addf %add3A_327, %gather3A_333 : vector<16xf32>
      %add3A_335 = arith.constant 1 : i32
      %add3A_336 = vector.broadcast %add3A_335 : i32 to vector<16xi32>
      %add3A_337 = arith.addi %add3A_330, %add3A_336 : vector<16xi32>
      %gather3A_338 = tpu.vector_load_idx %arg19[%add3A_337] : memref<256xf32, #tpu.memory_space<vmem>>[vector<16xi32>], vector<16xf32>,
      %add3A_339 = arith.addf %add3A_332, %gather3A_338 : vector<16xf32>
      %gather3A_340 = tpu.vector_load_idx %arg20[%add3A_337] : memref<256xf32, #tpu.memory_space<vmem>>[vector<16xi32>], vector<16xf32>,
      %add3A_341 = arith.addf %add3A_334, %gather3A_340 : vector<16xf32>
      %add3A_342 = arith.constant 1 : i32
      %add3A_343 = vector.broadcast %add3A_342 : i32 to vector<16xi32>
      %add3A_344 = arith.addi %add3A_337, %add3A_343 : vector<16xi32>
      %gather3A_345 = tpu.vector_load_idx %arg19[%add3A_344] : memref<256xf32, #tpu.memory_space<vmem>>[vector<16xi32>], vector<16xf32>,
      %add3A_346 = arith.addf %add3A_339, %gather3A_345 : vector<16xf32>
      %gather3A_347 = tpu.vector_load_idx %arg20[%add3A_344] : memref<256xf32, #tpu.memory_space<vmem>>[vector<16xi32>], vector<16xf32>,
      %add3A_348 = arith.addf %add3A_341, %gather3A_347 : vector<16xf32>
      %add3A_349 = arith.constant 1 : i32
      %add3A_350 = vector.broadcast %add3A_349 : i32 to vector<16xi32>
      %add3A_351 = arith.addi %add3A_344, %add3A_350 : vector<16xi32>
      %gather3A_352 = tpu.vector_load_idx %arg19[%add3A_351] : memref<256xf32, #tpu.memory_space<vmem>>[vector<16xi32>], vector<16xf32>,
      %add3A_353 = arith.addf %add3A_346, %gather3A_352 : vector<16xf32>
      %gather3A_354 = tpu.vector_load_idx %arg20[%add3A_351] : memref<256xf32, #tpu.memory_space<vmem>>[vector<16xi32>], vector<16xf32>,
      %add3A_355 = arith.addf %add3A_348, %gather3A_354 : vector<16xf32>
      %add3A_356 = arith.constant 1 : i32
      %add3A_357 = vector.broadcast %add3A_356 : i32 to vector<16xi32>
      %add3A_358 = arith.addi %add3A_351, %add3A_357 : vector<16xi32>
      %gather3A_359 = tpu.vector_load_idx %arg19[%add3A_358] : memref<256xf32, #tpu.memory_space<vmem>>[vector<16xi32>], vector<16xf32>,
      %add3A_360 = arith.addf %add3A_353, %gather3A_359 : vector<16xf32>
      %gather3A_361 = tpu.vector_load_idx %arg20[%add3A_358] : memref<256xf32, #tpu.memory_space<vmem>>[vector<16xi32>], vector<16xf32>,
      %add3A_362 = arith.addf %add3A_355, %gather3A_361 : vector<16xf32>
      %add3A_363 = arith.constant 1 : i32
      %add3A_364 = vector.broadcast %add3A_363 : i32 to vector<16xi32>
      %add3A_365 = arith.addi %add3A_358, %add3A_364 : vector<16xi32>
      %gather3A_366 = tpu.vector_load_idx %arg19[%add3A_365] : memref<256xf32, #tpu.memory_space<vmem>>[vector<16xi32>], vector<16xf32>,
      %add3A_367 = arith.addf %add3A_360, %gather3A_366 : vector<16xf32>
      %gather3A_368 = tpu.vector_load_idx %arg20[%add3A_365] : memref<256xf32, #tpu.memory_space<vmem>>[vector<16xi32>], vector<16xf32>,
      %add3A_369 = arith.addf %add3A_362, %gather3A_368 : vector<16xf32>
      %swap3A_370 = arith.index_cast %multiple_of3A_254 : i32 to index
      %swap3A_371 = tpu.vector_load %arg17[%swap3A_370] {strides = array<i32>} : memref<5056xf32, #tpu.memory_space<vmem>>, vector<16xf32>,
      tpu.vector_store %arg17[%swap3A_370], %add3A_367 {strides = array<i32>} : memref<5056xf32, #tpu.memory_space<vmem>>, vector<16xf32>,
      %swap3A_372 = arith.index_cast %multiple_of3A_254 : i32 to index
      %swap3A_373 = tpu.vector_load %arg18[%swap3A_372] {strides = array<i32>} : memref<5056xf32, #tpu.memory_space<vmem>>, vector<16xf32>,
      tpu.vector_store %arg18[%swap3A_372], %add3A_369 {strides = array<i32>} : memref<5056xf32, #tpu.memory_space<vmem>>, vector<16xf32>,
      %add3A_374 = arith.constant 4 : i32
      %add3A_375 = arith.addi %add3A_240, %add3A_374 : i32
      %mul3A_376 = arith.constant 16 : i32
      %mul3A_377 = arith.muli %add3A_375, %mul3A_376 : i32
      %multiple_of3A_378 = tpu.assume_multiple %mul3A_377, 16 : i32
      %dma_start3A_379 = tpu.memref_slice %arg7[%multiple_of3A_378] : memref<5120xi32, #tpu.memory_space<vmem>> -> memref<16xi32, #tpu.memory_space<vmem>>
      %dma_start3A_380 = arith.constant 0 : i32
      %dma_start3A_381 = arith.constant 0 : i32
      %dma_start3A_382 = tpu.memref_slice %arg2[%dma_start3A_380, %dma_start3A_381] : memref<10000x512xf32, #tpu.memory_space<hbm>> -> memref<10000x512xf32, #tpu.memory_space<hbm>>
      tpu.enqueue_indirect_dma source(%dma_start3A_382 : memref<10000x512xf32, #tpu.memory_space<hbm>>) target(%arg11 : memref<16x512xf32, #tpu.memory_space<vmem>>) offsets(%dma_start3A_379 : memref<16xi32, #tpu.memory_space<vmem>>) semaphore(%arg22 : memref<!tpu.dma_semaphore, #tpu.memory_space<semaphore_mem>>)
      %dma_start3A_383 = tpu.memref_slice %arg8[%multiple_of3A_378] : memref<5120xi32, #tpu.memory_space<vmem>> -> memref<16xi32, #tpu.memory_space<vmem>>
      %dma_start3A_384 = arith.constant 0 : i32
      %dma_start3A_385 = arith.constant 0 : i32
      %dma_start3A_386 = tpu.memref_slice %arg2[%dma_start3A_384, %dma_start3A_385] : memref<10000x512xf32, #tpu.memory_space<hbm>> -> memref<10000x512xf32, #tpu.memory_space<hbm>>
      tpu.enqueue_indirect_dma source(%dma_start3A_386 : memref<10000x512xf32, #tpu.memory_space<hbm>>) target(%arg12 : memref<16x512xf32, #tpu.memory_space<vmem>>) offsets(%dma_start3A_383 : memref<16xi32, #tpu.memory_space<vmem>>) semaphore(%arg22 : memref<!tpu.dma_semaphore, #tpu.memory_space<semaphore_mem>>)
      %mul3A_387 = arith.constant 4 : i32
      %mul3A_388 = arith.muli %scan3A_88, %mul3A_387 : i32
      %add3A_389 = arith.constant 2 : i32
      %add3A_390 = arith.addi %mul3A_388, %add3A_389 : i32
      %mul3A_391 = arith.constant 16 : i32
      %mul3A_392 = arith.muli %add3A_390, %mul3A_391 : i32
      %multiple_of3A_393 = tpu.assume_multiple %mul3A_392, 16 : i32
      %dma_wait3A_394 = tpu.memref_slice %arg7[%multiple_of3A_393] : memref<5120xi32, #tpu.memory_space<vmem>> -> memref<16xi32, #tpu.memory_space<vmem>>
      %dma_wait3A_395 = arith.constant 0 : i32
      %dma_wait3A_396 = arith.constant 0 : i32
      %dma_wait3A_397 = tpu.memref_slice %arg2[%dma_wait3A_395, %dma_wait3A_396] : memref<10000x512xf32, #tpu.memory_space<hbm>> -> memref<10000x512xf32, #tpu.memory_space<hbm>>
      tpu.wait_indirect_dma semaphore(%arg23 : memref<!tpu.dma_semaphore, #tpu.memory_space<semaphore_mem>>) src(%dma_wait3A_397 : memref<10000x512xf32, #tpu.memory_space<hbm>>) dst(%arg13 : memref<16x512xf32, #tpu.memory_space<vmem>>)
      %dma_wait3A_398 = tpu.memref_slice %arg8[%multiple_of3A_393] : memref<5120xi32, #tpu.memory_space<vmem>> -> memref<16xi32, #tpu.memory_space<vmem>>
      %dma_wait3A_399 = arith.constant 0 : i32
      %dma_wait3A_400 = arith.constant 0 : i32
      %dma_wait3A_401 = tpu.memref_slice %arg2[%dma_wait3A_399, %dma_wait3A_400] : memref<10000x512xf32, #tpu.memory_space<hbm>> -> memref<10000x512xf32, #tpu.memory_space<hbm>>
      tpu.wait_indirect_dma semaphore(%arg23 : memref<!tpu.dma_semaphore, #tpu.memory_space<semaphore_mem>>) src(%dma_wait3A_401 : memref<10000x512xf32, #tpu.memory_space<hbm>>) dst(%arg14 : memref<16x512xf32, #tpu.memory_space<vmem>>)
      %mul3A_402 = arith.constant 16 : i32
      %mul3A_403 = arith.muli %add3A_390, %mul3A_402 : i32
      %multiple_of3A_404 = tpu.assume_multiple %mul3A_403, 16 : i32
      %scan3A_405 = arith.constant 0 : i32
      %scan3A_406 = arith.constant 16 : i32
      %scan3A_407 = arith.addi %scan3A_405, %scan3A_406 : i32
      %scan3A_408 = arith.constant 1 : i32
      scf.for %scan3A_687 = %scan3A_405 to %scan3A_407 step %scan3A_408  : i32 {
        %get3A = arith.index_cast %scan3A_687 : i32 to index
        %get3A_688 = arith.constant 0 : index
        %get3A_689 = tpu.vector_load %arg13[%get3A, %get3A_688] {strides = array<i32>} : memref<16x512xf32, #tpu.memory_space<vmem>>, vector<16xf32>,
        %get3A_690 = arith.index_cast %scan3A_687 : i32 to index
        %get3A_691 = arith.constant 0 : index
        %get3A_692 = tpu.vector_load %arg14[%get3A_690, %get3A_691] {strides = array<i32>} : memref<16x512xf32, #tpu.memory_space<vmem>>, vector<16xf32>,
        %mul3A_693 = arith.mulf %get3A_689, %get3A_692 : vector<16xf32>
        %get3A_694 = arith.index_cast %scan3A_687 : i32 to index
        %get3A_695 = arith.constant 256 : index
        %get3A_696 = tpu.vector_load %arg13[%get3A_694, %get3A_695] {strides = array<i32>} : memref<16x512xf32, #tpu.memory_space<vmem>>, vector<16xf32>,
        %get3A_697 = arith.index_cast %scan3A_687 : i32 to index
        %get3A_698 = arith.constant 256 : index
        %get3A_699 = tpu.vector_load %arg14[%get3A_697, %get3A_698] {strides = array<i32>} : memref<16x512xf32, #tpu.memory_space<vmem>>, vector<16xf32>,
        %mul3A_700 = arith.mulf %get3A_696, %get3A_699 : vector<16xf32>
        %get3A_701 = arith.index_cast %scan3A_687 : i32 to index
        %get3A_702 = arith.constant 16 : index
        %get3A_703 = tpu.vector_load %arg13[%get3A_701, %get3A_702] {strides = array<i32>} : memref<16x512xf32, #tpu.memory_space<vmem>>, vector<16xf32>,
        %get3A_704 = arith.index_cast %scan3A_687 : i32 to index
        %get3A_705 = arith.constant 16 : index
        %get3A_706 = tpu.vector_load %arg14[%get3A_704, %get3A_705] {strides = array<i32>} : memref<16x512xf32, #tpu.memory_space<vmem>>, vector<16xf32>,
        %mul3A_707 = arith.mulf %get3A_703, %get3A_706 : vector<16xf32>
        %add3A_708 = arith.addf %mul3A_693, %mul3A_707 : vector<16xf32>
        %get3A_709 = arith.index_cast %scan3A_687 : i32 to index
        %get3A_710 = arith.constant 272 : index
        %get3A_711 = tpu.vector_load %arg13[%get3A_709, %get3A_710] {strides = array<i32>} : memref<16x512xf32, #tpu.memory_space<vmem>>, vector<16xf32>,
        %get3A_712 = arith.index_cast %scan3A_687 : i32 to index
        %get3A_713 = arith.constant 272 : index
        %get3A_714 = tpu.vector_load %arg14[%get3A_712, %get3A_713] {strides = array<i32>} : memref<16x512xf32, #tpu.memory_space<vmem>>, vector<16xf32>,
        %mul3A_715 = arith.mulf %get3A_711, %get3A_714 : vector<16xf32>
        %add3A_716 = arith.addf %mul3A_700, %mul3A_715 : vector<16xf32>
        %get3A_717 = arith.index_cast %scan3A_687 : i32 to index
        %get3A_718 = arith.constant 32 : index
        %get3A_719 = tpu.vector_load %arg13[%get3A_717, %get3A_718] {strides = array<i32>} : memref<16x512xf32, #tpu.memory_space<vmem>>, vector<16xf32>,
        %get3A_720 = arith.index_cast %scan3A_687 : i32 to index
        %get3A_721 = arith.constant 32 : index
        %get3A_722 = tpu.vector_load %arg14[%get3A_720, %get3A_721] {strides = array<i32>} : memref<16x512xf32, #tpu.memory_space<vmem>>, vector<16xf32>,
        %mul3A_723 = arith.mulf %get3A_719, %get3A_722 : vector<16xf32>
        %add3A_724 = arith.addf %add3A_708, %mul3A_723 : vector<16xf32>
        %get3A_725 = arith.index_cast %scan3A_687 : i32 to index
        %get3A_726 = arith.constant 288 : index
        %get3A_727 = tpu.vector_load %arg13[%get3A_725, %get3A_726] {strides = array<i32>} : memref<16x512xf32, #tpu.memory_space<vmem>>, vector<16xf32>,
        %get3A_728 = arith.index_cast %scan3A_687 : i32 to index
        %get3A_729 = arith.constant 288 : index
        %get3A_730 = tpu.vector_load %arg14[%get3A_728, %get3A_729] {strides = array<i32>} : memref<16x512xf32, #tpu.memory_space<vmem>>, vector<16xf32>,
        %mul3A_731 = arith.mulf %get3A_727, %get3A_730 : vector<16xf32>
        %add3A_732 = arith.addf %add3A_716, %mul3A_731 : vector<16xf32>
        %get3A_733 = arith.index_cast %scan3A_687 : i32 to index
        %get3A_734 = arith.constant 48 : index
        %get3A_735 = tpu.vector_load %arg13[%get3A_733, %get3A_734] {strides = array<i32>} : memref<16x512xf32, #tpu.memory_space<vmem>>, vector<16xf32>,
        %get3A_736 = arith.index_cast %scan3A_687 : i32 to index
        %get3A_737 = arith.constant 48 : index
        %get3A_738 = tpu.vector_load %arg14[%get3A_736, %get3A_737] {strides = array<i32>} : memref<16x512xf32, #tpu.memory_space<vmem>>, vector<16xf32>,
        %mul3A_739 = arith.mulf %get3A_735, %get3A_738 : vector<16xf32>
        %add3A_740 = arith.addf %add3A_724, %mul3A_739 : vector<16xf32>
        %get3A_741 = arith.index_cast %scan3A_687 : i32 to index
        %get3A_742 = arith.constant 304 : index
        %get3A_743 = tpu.vector_load %arg13[%get3A_741, %get3A_742] {strides = array<i32>} : memref<16x512xf32, #tpu.memory_space<vmem>>, vector<16xf32>,
        %get3A_744 = arith.index_cast %scan3A_687 : i32 to index
        %get3A_745 = arith.constant 304 : index
        %get3A_746 = tpu.vector_load %arg14[%get3A_744, %get3A_745] {strides = array<i32>} : memref<16x512xf32, #tpu.memory_space<vmem>>, vector<16xf32>,
        %mul3A_747 = arith.mulf %get3A_743, %get3A_746 : vector<16xf32>
        %add3A_748 = arith.addf %add3A_732, %mul3A_747 : vector<16xf32>
        %get3A_749 = arith.index_cast %scan3A_687 : i32 to index
        %get3A_750 = arith.constant 64 : index
        %get3A_751 = tpu.vector_load %arg13[%get3A_749, %get3A_750] {strides = array<i32>} : memref<16x512xf32, #tpu.memory_space<vmem>>, vector<16xf32>,
        %get3A_752 = arith.index_cast %scan3A_687 : i32 to index
        %get3A_753 = arith.constant 64 : index
        %get3A_754 = tpu.vector_load %arg14[%get3A_752, %get3A_753] {strides = array<i32>} : memref<16x512xf32, #tpu.memory_space<vmem>>, vector<16xf32>,
        %mul3A_755 = arith.mulf %get3A_751, %get3A_754 : vector<16xf32>
        %add3A_756 = arith.addf %add3A_740, %mul3A_755 : vector<16xf32>
        %get3A_757 = arith.index_cast %scan3A_687 : i32 to index
        %get3A_758 = arith.constant 320 : index
        %get3A_759 = tpu.vector_load %arg13[%get3A_757, %get3A_758] {strides = array<i32>} : memref<16x512xf32, #tpu.memory_space<vmem>>, vector<16xf32>,
        %get3A_760 = arith.index_cast %scan3A_687 : i32 to index
        %get3A_761 = arith.constant 320 : index
        %get3A_762 = tpu.vector_load %arg14[%get3A_760, %get3A_761] {strides = array<i32>} : memref<16x512xf32, #tpu.memory_space<vmem>>, vector<16xf32>,
        %mul3A_763 = arith.mulf %get3A_759, %get3A_762 : vector<16xf32>
        %add3A_764 = arith.addf %add3A_748, %mul3A_763 : vector<16xf32>
        %get3A_765 = arith.index_cast %scan3A_687 : i32 to index
        %get3A_766 = arith.constant 80 : index
        %get3A_767 = tpu.vector_load %arg13[%get3A_765, %get3A_766] {strides = array<i32>} : memref<16x512xf32, #tpu.memory_space<vmem>>, vector<16xf32>,
        %get3A_768 = arith.index_cast %scan3A_687 : i32 to index
        %get3A_769 = arith.constant 80 : index
        %get3A_770 = tpu.vector_load %arg14[%get3A_768, %get3A_769] {strides = array<i32>} : memref<16x512xf32, #tpu.memory_space<vmem>>, vector<16xf32>,
        %mul3A_771 = arith.mulf %get3A_767, %get3A_770 : vector<16xf32>
        %add3A_772 = arith.addf %add3A_756, %mul3A_771 : vector<16xf32>
        %get3A_773 = arith.index_cast %scan3A_687 : i32 to index
        %get3A_774 = arith.constant 336 : index
        %get3A_775 = tpu.vector_load %arg13[%get3A_773, %get3A_774] {strides = array<i32>} : memref<16x512xf32, #tpu.memory_space<vmem>>, vector<16xf32>,
        %get3A_776 = arith.index_cast %scan3A_687 : i32 to index
        %get3A_777 = arith.constant 336 : index
        %get3A_778 = tpu.vector_load %arg14[%get3A_776, %get3A_777] {strides = array<i32>} : memref<16x512xf32, #tpu.memory_space<vmem>>, vector<16xf32>,
        %mul3A_779 = arith.mulf %get3A_775, %get3A_778 : vector<16xf32>
        %add3A_780 = arith.addf %add3A_764, %mul3A_779 : vector<16xf32>
        %get3A_781 = arith.index_cast %scan3A_687 : i32 to index
        %get3A_782 = arith.constant 96 : index
        %get3A_783 = tpu.vector_load %arg13[%get3A_781, %get3A_782] {strides = array<i32>} : memref<16x512xf32, #tpu.memory_space<vmem>>, vector<16xf32>,
        %get3A_784 = arith.index_cast %scan3A_687 : i32 to index
        %get3A_785 = arith.constant 96 : index
        %get3A_786 = tpu.vector_load %arg14[%get3A_784, %get3A_785] {strides = array<i32>} : memref<16x512xf32, #tpu.memory_space<vmem>>, vector<16xf32>,
        %mul3A_787 = arith.mulf %get3A_783, %get3A_786 : vector<16xf32>
        %add3A_788 = arith.addf %add3A_772, %mul3A_787 : vector<16xf32>
        %get3A_789 = arith.index_cast %scan3A_687 : i32 to index
        %get3A_790 = arith.constant 352 : index
        %get3A_791 = tpu.vector_load %arg13[%get3A_789, %get3A_790] {strides = array<i32>} : memref<16x512xf32, #tpu.memory_space<vmem>>, vector<16xf32>,
        %get3A_792 = arith.index_cast %scan3A_687 : i32 to index
        %get3A_793 = arith.constant 352 : index
        %get3A_794 = tpu.vector_load %arg14[%get3A_792, %get3A_793] {strides = array<i32>} : memref<16x512xf32, #tpu.memory_space<vmem>>, vector<16xf32>,
        %mul3A_795 = arith.mulf %get3A_791, %get3A_794 : vector<16xf32>
        %add3A_796 = arith.addf %add3A_780, %mul3A_795 : vector<16xf32>
        %get3A_797 = arith.index_cast %scan3A_687 : i32 to index
        %get3A_798 = arith.constant 112 : index
        %get3A_799 = tpu.vector_load %arg13[%get3A_797, %get3A_798] {strides = array<i32>} : memref<16x512xf32, #tpu.memory_space<vmem>>, vector<16xf32>,
        %get3A_800 = arith.index_cast %scan3A_687 : i32 to index
        %get3A_801 = arith.constant 112 : index
        %get3A_802 = tpu.vector_load %arg14[%get3A_800, %get3A_801] {strides = array<i32>} : memref<16x512xf32, #tpu.memory_space<vmem>>, vector<16xf32>,
        %mul3A_803 = arith.mulf %get3A_799, %get3A_802 : vector<16xf32>
        %add3A_804 = arith.addf %add3A_788, %mul3A_803 : vector<16xf32>
        %get3A_805 = arith.index_cast %scan3A_687 : i32 to index
        %get3A_806 = arith.constant 368 : index
        %get3A_807 = tpu.vector_load %arg13[%get3A_805, %get3A_806] {strides = array<i32>} : memref<16x512xf32, #tpu.memory_space<vmem>>, vector<16xf32>,
        %get3A_808 = arith.index_cast %scan3A_687 : i32 to index
        %get3A_809 = arith.constant 368 : index
        %get3A_810 = tpu.vector_load %arg14[%get3A_808, %get3A_809] {strides = array<i32>} : memref<16x512xf32, #tpu.memory_space<vmem>>, vector<16xf32>,
        %mul3A_811 = arith.mulf %get3A_807, %get3A_810 : vector<16xf32>
        %add3A_812 = arith.addf %add3A_796, %mul3A_811 : vector<16xf32>
        %get3A_813 = arith.index_cast %scan3A_687 : i32 to index
        %get3A_814 = arith.constant 128 : index
        %get3A_815 = tpu.vector_load %arg13[%get3A_813, %get3A_814] {strides = array<i32>} : memref<16x512xf32, #tpu.memory_space<vmem>>, vector<16xf32>,
        %get3A_816 = arith.index_cast %scan3A_687 : i32 to index
        %get3A_817 = arith.constant 128 : index
        %get3A_818 = tpu.vector_load %arg14[%get3A_816, %get3A_817] {strides = array<i32>} : memref<16x512xf32, #tpu.memory_space<vmem>>, vector<16xf32>,
        %mul3A_819 = arith.mulf %get3A_815, %get3A_818 : vector<16xf32>
        %add3A_820 = arith.addf %add3A_804, %mul3A_819 : vector<16xf32>
        %get3A_821 = arith.index_cast %scan3A_687 : i32 to index
        %get3A_822 = arith.constant 384 : index
        %get3A_823 = tpu.vector_load %arg13[%get3A_821, %get3A_822] {strides = array<i32>} : memref<16x512xf32, #tpu.memory_space<vmem>>, vector<16xf32>,
        %get3A_824 = arith.index_cast %scan3A_687 : i32 to index
        %get3A_825 = arith.constant 384 : index
        %get3A_826 = tpu.vector_load %arg14[%get3A_824, %get3A_825] {strides = array<i32>} : memref<16x512xf32, #tpu.memory_space<vmem>>, vector<16xf32>,
        %mul3A_827 = arith.mulf %get3A_823, %get3A_826 : vector<16xf32>
        %add3A_828 = arith.addf %add3A_812, %mul3A_827 : vector<16xf32>
        %get3A_829 = arith.index_cast %scan3A_687 : i32 to index
        %get3A_830 = arith.constant 144 : index
        %get3A_831 = tpu.vector_load %arg13[%get3A_829, %get3A_830] {strides = array<i32>} : memref<16x512xf32, #tpu.memory_space<vmem>>, vector<16xf32>,
        %get3A_832 = arith.index_cast %scan3A_687 : i32 to index
        %get3A_833 = arith.constant 144 : index
        %get3A_834 = tpu.vector_load %arg14[%get3A_832, %get3A_833] {strides = array<i32>} : memref<16x512xf32, #tpu.memory_space<vmem>>, vector<16xf32>,
        %mul3A_835 = arith.mulf %get3A_831, %get3A_834 : vector<16xf32>
        %add3A_836 = arith.addf %add3A_820, %mul3A_835 : vector<16xf32>
        %get3A_837 = arith.index_cast %scan3A_687 : i32 to index
        %get3A_838 = arith.constant 400 : index
        %get3A_839 = tpu.vector_load %arg13[%get3A_837, %get3A_838] {strides = array<i32>} : memref<16x512xf32, #tpu.memory_space<vmem>>, vector<16xf32>,
        %get3A_840 = arith.index_cast %scan3A_687 : i32 to index
        %get3A_841 = arith.constant 400 : index
        %get3A_842 = tpu.vector_load %arg14[%get3A_840, %get3A_841] {strides = array<i32>} : memref<16x512xf32, #tpu.memory_space<vmem>>, vector<16xf32>,
        %mul3A_843 = arith.mulf %get3A_839, %get3A_842 : vector<16xf32>
        %add3A_844 = arith.addf %add3A_828, %mul3A_843 : vector<16xf32>
        %get3A_845 = arith.index_cast %scan3A_687 : i32 to index
        %get3A_846 = arith.constant 160 : index
        %get3A_847 = tpu.vector_load %arg13[%get3A_845, %get3A_846] {strides = array<i32>} : memref<16x512xf32, #tpu.memory_space<vmem>>, vector<16xf32>,
        %get3A_848 = arith.index_cast %scan3A_687 : i32 to index
        %get3A_849 = arith.constant 160 : index
        %get3A_850 = tpu.vector_load %arg14[%get3A_848, %get3A_849] {strides = array<i32>} : memref<16x512xf32, #tpu.memory_space<vmem>>, vector<16xf32>,
        %mul3A_851 = arith.mulf %get3A_847, %get3A_850 : vector<16xf32>
        %add3A_852 = arith.addf %add3A_836, %mul3A_851 : vector<16xf32>
        %get3A_853 = arith.index_cast %scan3A_687 : i32 to index
        %get3A_854 = arith.constant 416 : index
        %get3A_855 = tpu.vector_load %arg13[%get3A_853, %get3A_854] {strides = array<i32>} : memref<16x512xf32, #tpu.memory_space<vmem>>, vector<16xf32>,
        %get3A_856 = arith.index_cast %scan3A_687 : i32 to index
        %get3A_857 = arith.constant 416 : index
        %get3A_858 = tpu.vector_load %arg14[%get3A_856, %get3A_857] {strides = array<i32>} : memref<16x512xf32, #tpu.memory_space<vmem>>, vector<16xf32>,
        %mul3A_859 = arith.mulf %get3A_855, %get3A_858 : vector<16xf32>
        %add3A_860 = arith.addf %add3A_844, %mul3A_859 : vector<16xf32>
        %get3A_861 = arith.index_cast %scan3A_687 : i32 to index
        %get3A_862 = arith.constant 176 : index
        %get3A_863 = tpu.vector_load %arg13[%get3A_861, %get3A_862] {strides = array<i32>} : memref<16x512xf32, #tpu.memory_space<vmem>>, vector<16xf32>,
        %get3A_864 = arith.index_cast %scan3A_687 : i32 to index
        %get3A_865 = arith.constant 176 : index
        %get3A_866 = tpu.vector_load %arg14[%get3A_864, %get3A_865] {strides = array<i32>} : memref<16x512xf32, #tpu.memory_space<vmem>>, vector<16xf32>,
        %mul3A_867 = arith.mulf %get3A_863, %get3A_866 : vector<16xf32>
        %add3A_868 = arith.addf %add3A_852, %mul3A_867 : vector<16xf32>
        %get3A_869 = arith.index_cast %scan3A_687 : i32 to index
        %get3A_870 = arith.constant 432 : index
        %get3A_871 = tpu.vector_load %arg13[%get3A_869, %get3A_870] {strides = array<i32>} : memref<16x512xf32, #tpu.memory_space<vmem>>, vector<16xf32>,
        %get3A_872 = arith.index_cast %scan3A_687 : i32 to index
        %get3A_873 = arith.constant 432 : index
        %get3A_874 = tpu.vector_load %arg14[%get3A_872, %get3A_873] {strides = array<i32>} : memref<16x512xf32, #tpu.memory_space<vmem>>, vector<16xf32>,
        %mul3A_875 = arith.mulf %get3A_871, %get3A_874 : vector<16xf32>
        %add3A_876 = arith.addf %add3A_860, %mul3A_875 : vector<16xf32>
        %get3A_877 = arith.index_cast %scan3A_687 : i32 to index
        %get3A_878 = arith.constant 192 : index
        %get3A_879 = tpu.vector_load %arg13[%get3A_877, %get3A_878] {strides = array<i32>} : memref<16x512xf32, #tpu.memory_space<vmem>>, vector<16xf32>,
        %get3A_880 = arith.index_cast %scan3A_687 : i32 to index
        %get3A_881 = arith.constant 192 : index
        %get3A_882 = tpu.vector_load %arg14[%get3A_880, %get3A_881] {strides = array<i32>} : memref<16x512xf32, #tpu.memory_space<vmem>>, vector<16xf32>,
        %mul3A_883 = arith.mulf %get3A_879, %get3A_882 : vector<16xf32>
        %add3A_884 = arith.addf %add3A_868, %mul3A_883 : vector<16xf32>
        %get3A_885 = arith.index_cast %scan3A_687 : i32 to index
        %get3A_886 = arith.constant 448 : index
        %get3A_887 = tpu.vector_load %arg13[%get3A_885, %get3A_886] {strides = array<i32>} : memref<16x512xf32, #tpu.memory_space<vmem>>, vector<16xf32>,
        %get3A_888 = arith.index_cast %scan3A_687 : i32 to index
        %get3A_889 = arith.constant 448 : index
        %get3A_890 = tpu.vector_load %arg14[%get3A_888, %get3A_889] {strides = array<i32>} : memref<16x512xf32, #tpu.memory_space<vmem>>, vector<16xf32>,
        %mul3A_891 = arith.mulf %get3A_887, %get3A_890 : vector<16xf32>
        %add3A_892 = arith.addf %add3A_876, %mul3A_891 : vector<16xf32>
        %get3A_893 = arith.index_cast %scan3A_687 : i32 to index
        %get3A_894 = arith.constant 208 : index
        %get3A_895 = tpu.vector_load %arg13[%get3A_893, %get3A_894] {strides = array<i32>} : memref<16x512xf32, #tpu.memory_space<vmem>>, vector<16xf32>,
        %get3A_896 = arith.index_cast %scan3A_687 : i32 to index
        %get3A_897 = arith.constant 208 : index
        %get3A_898 = tpu.vector_load %arg14[%get3A_896, %get3A_897] {strides = array<i32>} : memref<16x512xf32, #tpu.memory_space<vmem>>, vector<16xf32>,
        %mul3A_899 = arith.mulf %get3A_895, %get3A_898 : vector<16xf32>
        %add3A_900 = arith.addf %add3A_884, %mul3A_899 : vector<16xf32>
        %get3A_901 = arith.index_cast %scan3A_687 : i32 to index
        %get3A_902 = arith.constant 464 : index
        %get3A_903 = tpu.vector_load %arg13[%get3A_901, %get3A_902] {strides = array<i32>} : memref<16x512xf32, #tpu.memory_space<vmem>>, vector<16xf32>,
        %get3A_904 = arith.index_cast %scan3A_687 : i32 to index
        %get3A_905 = arith.constant 464 : index
        %get3A_906 = tpu.vector_load %arg14[%get3A_904, %get3A_905] {strides = array<i32>} : memref<16x512xf32, #tpu.memory_space<vmem>>, vector<16xf32>,
        %mul3A_907 = arith.mulf %get3A_903, %get3A_906 : vector<16xf32>
        %add3A_908 = arith.addf %add3A_892, %mul3A_907 : vector<16xf32>
        %get3A_909 = arith.index_cast %scan3A_687 : i32 to index
        %get3A_910 = arith.constant 224 : index
        %get3A_911 = tpu.vector_load %arg13[%get3A_909, %get3A_910] {strides = array<i32>} : memref<16x512xf32, #tpu.memory_space<vmem>>, vector<16xf32>,
        %get3A_912 = arith.index_cast %scan3A_687 : i32 to index
        %get3A_913 = arith.constant 224 : index
        %get3A_914 = tpu.vector_load %arg14[%get3A_912, %get3A_913] {strides = array<i32>} : memref<16x512xf32, #tpu.memory_space<vmem>>, vector<16xf32>,
        %mul3A_915 = arith.mulf %get3A_911, %get3A_914 : vector<16xf32>
        %add3A_916 = arith.addf %add3A_900, %mul3A_915 : vector<16xf32>
        %get3A_917 = arith.index_cast %scan3A_687 : i32 to index
        %get3A_918 = arith.constant 480 : index
        %get3A_919 = tpu.vector_load %arg13[%get3A_917, %get3A_918] {strides = array<i32>} : memref<16x512xf32, #tpu.memory_space<vmem>>, vector<16xf32>,
        %get3A_920 = arith.index_cast %scan3A_687 : i32 to index
        %get3A_921 = arith.constant 480 : index
        %get3A_922 = tpu.vector_load %arg14[%get3A_920, %get3A_921] {strides = array<i32>} : memref<16x512xf32, #tpu.memory_space<vmem>>, vector<16xf32>,
        %mul3A_923 = arith.mulf %get3A_919, %get3A_922 : vector<16xf32>
        %add3A_924 = arith.addf %add3A_908, %mul3A_923 : vector<16xf32>
        %get3A_925 = arith.index_cast %scan3A_687 : i32 to index
        %get3A_926 = arith.constant 240 : index
        %get3A_927 = tpu.vector_load %arg13[%get3A_925, %get3A_926] {strides = array<i32>} : memref<16x512xf32, #tpu.memory_space<vmem>>, vector<16xf32>,
        %get3A_928 = arith.index_cast %scan3A_687 : i32 to index
        %get3A_929 = arith.constant 240 : index
        %get3A_930 = tpu.vector_load %arg14[%get3A_928, %get3A_929] {strides = array<i32>} : memref<16x512xf32, #tpu.memory_space<vmem>>, vector<16xf32>,
        %mul3A_931 = arith.mulf %get3A_927, %get3A_930 : vector<16xf32>
        %add3A_932 = arith.addf %add3A_916, %mul3A_931 : vector<16xf32>
        %get3A_933 = arith.index_cast %scan3A_687 : i32 to index
        %get3A_934 = arith.constant 496 : index
        %get3A_935 = tpu.vector_load %arg13[%get3A_933, %get3A_934] {strides = array<i32>} : memref<16x512xf32, #tpu.memory_space<vmem>>, vector<16xf32>,
        %get3A_936 = arith.index_cast %scan3A_687 : i32 to index
        %get3A_937 = arith.constant 496 : index
        %get3A_938 = tpu.vector_load %arg14[%get3A_936, %get3A_937] {strides = array<i32>} : memref<16x512xf32, #tpu.memory_space<vmem>>, vector<16xf32>,
        %mul3A_939 = arith.mulf %get3A_935, %get3A_938 : vector<16xf32>
        %add3A_940 = arith.addf %add3A_924, %mul3A_939 : vector<16xf32>
        %mul3A_941 = arith.constant 16 : i32
        %mul3A_942 = arith.muli %scan3A_687, %mul3A_941 : i32
        %multiple_of3A_943 = tpu.assume_multiple %mul3A_942, 16 : i32
        %swap3A_944 = arith.index_cast %multiple_of3A_943 : i32 to index
        %swap3A_945 = tpu.vector_load %arg19[%swap3A_944] {strides = array<i32>} : memref<256xf32, #tpu.memory_space<vmem>>, vector<16xf32>,
        tpu.vector_store %arg19[%swap3A_944], %add3A_932 {strides = array<i32>} : memref<256xf32, #tpu.memory_space<vmem>>, vector<16xf32>,
        %swap3A_946 = arith.index_cast %multiple_of3A_943 : i32 to index
        %swap3A_947 = tpu.vector_load %arg20[%swap3A_946] {strides = array<i32>} : memref<256xf32, #tpu.memory_space<vmem>>, vector<16xf32>,
        tpu.vector_store %arg20[%swap3A_946], %add3A_940 {strides = array<i32>} : memref<256xf32, #tpu.memory_space<vmem>>, vector<16xf32>,
      }
      %scan3A_409 = arith.constant 16 : i32
      %mul3A_410 = arith.constant 16 : i32
      %mul3A_411 = vector.broadcast %mul3A_410 : i32 to vector<16xi32>
      %mul3A_412 = arith.muli %iota3A, %mul3A_411 : vector<16xi32>
      %gather3A_413 = tpu.vector_load_idx %arg19[%mul3A_412] : memref<256xf32, #tpu.memory_space<vmem>>[vector<16xi32>], vector<16xf32>,
      %gather3A_414 = tpu.vector_load_idx %arg20[%mul3A_412] : memref<256xf32, #tpu.memory_space<vmem>>[vector<16xi32>], vector<16xf32>,
      %add3A_415 = arith.constant 1 : i32
      %add3A_416 = vector.broadcast %add3A_415 : i32 to vector<16xi32>
      %add3A_417 = arith.addi %mul3A_412, %add3A_416 : vector<16xi32>
      %gather3A_418 = tpu.vector_load_idx %arg19[%add3A_417] : memref<256xf32, #tpu.memory_space<vmem>>[vector<16xi32>], vector<16xf32>,
      %add3A_419 = arith.addf %gather3A_413, %gather3A_418 : vector<16xf32>
      %gather3A_420 = tpu.vector_load_idx %arg20[%add3A_417] : memref<256xf32, #tpu.memory_space<vmem>>[vector<16xi32>], vector<16xf32>,
      %add3A_421 = arith.addf %gather3A_414, %gather3A_420 : vector<16xf32>
      %add3A_422 = arith.constant 1 : i32
      %add3A_423 = vector.broadcast %add3A_422 : i32 to vector<16xi32>
      %add3A_424 = arith.addi %add3A_417, %add3A_423 : vector<16xi32>
      %gather3A_425 = tpu.vector_load_idx %arg19[%add3A_424] : memref<256xf32, #tpu.memory_space<vmem>>[vector<16xi32>], vector<16xf32>,
      %add3A_426 = arith.addf %add3A_419, %gather3A_425 : vector<16xf32>
      %gather3A_427 = tpu.vector_load_idx %arg20[%add3A_424] : memref<256xf32, #tpu.memory_space<vmem>>[vector<16xi32>], vector<16xf32>,
      %add3A_428 = arith.addf %add3A_421, %gather3A_427 : vector<16xf32>
      %add3A_429 = arith.constant 1 : i32
      %add3A_430 = vector.broadcast %add3A_429 : i32 to vector<16xi32>
      %add3A_431 = arith.addi %add3A_424, %add3A_430 : vector<16xi32>
      %gather3A_432 = tpu.vector_load_idx %arg19[%add3A_431] : memref<256xf32, #tpu.memory_space<vmem>>[vector<16xi32>], vector<16xf32>,
      %add3A_433 = arith.addf %add3A_426, %gather3A_432 : vector<16xf32>
      %gather3A_434 = tpu.vector_load_idx %arg20[%add3A_431] : memref<256xf32, #tpu.memory_space<vmem>>[vector<16xi32>], vector<16xf32>,
      %add3A_435 = arith.addf %add3A_428, %gather3A_434 : vector<16xf32>
      %add3A_436 = arith.constant 1 : i32
      %add3A_437 = vector.broadcast %add3A_436 : i32 to vector<16xi32>
      %add3A_438 = arith.addi %add3A_431, %add3A_437 : vector<16xi32>
      %gather3A_439 = tpu.vector_load_idx %arg19[%add3A_438] : memref<256xf32, #tpu.memory_space<vmem>>[vector<16xi32>], vector<16xf32>,
      %add3A_440 = arith.addf %add3A_433, %gather3A_439 : vector<16xf32>
      %gather3A_441 = tpu.vector_load_idx %arg20[%add3A_438] : memref<256xf32, #tpu.memory_space<vmem>>[vector<16xi32>], vector<16xf32>,
      %add3A_442 = arith.addf %add3A_435, %gather3A_441 : vector<16xf32>
      %add3A_443 = arith.constant 1 : i32
      %add3A_444 = vector.broadcast %add3A_443 : i32 to vector<16xi32>
      %add3A_445 = arith.addi %add3A_438, %add3A_444 : vector<16xi32>
      %gather3A_446 = tpu.vector_load_idx %arg19[%add3A_445] : memref<256xf32, #tpu.memory_space<vmem>>[vector<16xi32>], vector<16xf32>,
      %add3A_447 = arith.addf %add3A_440, %gather3A_446 : vector<16xf32>
      %gather3A_448 = tpu.vector_load_idx %arg20[%add3A_445] : memref<256xf32, #tpu.memory_space<vmem>>[vector<16xi32>], vector<16xf32>,
      %add3A_449 = arith.addf %add3A_442, %gather3A_448 : vector<16xf32>
      %add3A_450 = arith.constant 1 : i32
      %add3A_451 = vector.broadcast %add3A_450 : i32 to vector<16xi32>
      %add3A_452 = arith.addi %add3A_445, %add3A_451 : vector<16xi32>
      %gather3A_453 = tpu.vector_load_idx %arg19[%add3A_452] : memref<256xf32, #tpu.memory_space<vmem>>[vector<16xi32>], vector<16xf32>,
      %add3A_454 = arith.addf %add3A_447, %gather3A_453 : vector<16xf32>
      %gather3A_455 = tpu.vector_load_idx %arg20[%add3A_452] : memref<256xf32, #tpu.memory_space<vmem>>[vector<16xi32>], vector<16xf32>,
      %add3A_456 = arith.addf %add3A_449, %gather3A_455 : vector<16xf32>
      %add3A_457 = arith.constant 1 : i32
      %add3A_458 = vector.broadcast %add3A_457 : i32 to vector<16xi32>
      %add3A_459 = arith.addi %add3A_452, %add3A_458 : vector<16xi32>
      %gather3A_460 = tpu.vector_load_idx %arg19[%add3A_459] : memref<256xf32, #tpu.memory_space<vmem>>[vector<16xi32>], vector<16xf32>,
      %add3A_461 = arith.addf %add3A_454, %gather3A_460 : vector<16xf32>
      %gather3A_462 = tpu.vector_load_idx %arg20[%add3A_459] : memref<256xf32, #tpu.memory_space<vmem>>[vector<16xi32>], vector<16xf32>,
      %add3A_463 = arith.addf %add3A_456, %gather3A_462 : vector<16xf32>
      %add3A_464 = arith.constant 1 : i32
      %add3A_465 = vector.broadcast %add3A_464 : i32 to vector<16xi32>
      %add3A_466 = arith.addi %add3A_459, %add3A_465 : vector<16xi32>
      %gather3A_467 = tpu.vector_load_idx %arg19[%add3A_466] : memref<256xf32, #tpu.memory_space<vmem>>[vector<16xi32>], vector<16xf32>,
      %add3A_468 = arith.addf %add3A_461, %gather3A_467 : vector<16xf32>
      %gather3A_469 = tpu.vector_load_idx %arg20[%add3A_466] : memref<256xf32, #tpu.memory_space<vmem>>[vector<16xi32>], vector<16xf32>,
      %add3A_470 = arith.addf %add3A_463, %gather3A_469 : vector<16xf32>
      %add3A_471 = arith.constant 1 : i32
      %add3A_472 = vector.broadcast %add3A_471 : i32 to vector<16xi32>
      %add3A_473 = arith.addi %add3A_466, %add3A_472 : vector<16xi32>
      %gather3A_474 = tpu.vector_load_idx %arg19[%add3A_473] : memref<256xf32, #tpu.memory_space<vmem>>[vector<16xi32>], vector<16xf32>,
      %add3A_475 = arith.addf %add3A_468, %gather3A_474 : vector<16xf32>
      %gather3A_476 = tpu.vector_load_idx %arg20[%add3A_473] : memref<256xf32, #tpu.memory_space<vmem>>[vector<16xi32>], vector<16xf32>,
      %add3A_477 = arith.addf %add3A_470, %gather3A_476 : vector<16xf32>
      %add3A_478 = arith.constant 1 : i32
      %add3A_479 = vector.broadcast %add3A_478 : i32 to vector<16xi32>
      %add3A_480 = arith.addi %add3A_473, %add3A_479 : vector<16xi32>
      %gather3A_481 = tpu.vector_load_idx %arg19[%add3A_480] : memref<256xf32, #tpu.memory_space<vmem>>[vector<16xi32>], vector<16xf32>,
      %add3A_482 = arith.addf %add3A_475, %gather3A_481 : vector<16xf32>
      %gather3A_483 = tpu.vector_load_idx %arg20[%add3A_480] : memref<256xf32, #tpu.memory_space<vmem>>[vector<16xi32>], vector<16xf32>,
      %add3A_484 = arith.addf %add3A_477, %gather3A_483 : vector<16xf32>
      %add3A_485 = arith.constant 1 : i32
      %add3A_486 = vector.broadcast %add3A_485 : i32 to vector<16xi32>
      %add3A_487 = arith.addi %add3A_480, %add3A_486 : vector<16xi32>
      %gather3A_488 = tpu.vector_load_idx %arg19[%add3A_487] : memref<256xf32, #tpu.memory_space<vmem>>[vector<16xi32>], vector<16xf32>,
      %add3A_489 = arith.addf %add3A_482, %gather3A_488 : vector<16xf32>
      %gather3A_490 = tpu.vector_load_idx %arg20[%add3A_487] : memref<256xf32, #tpu.memory_space<vmem>>[vector<16xi32>], vector<16xf32>,
      %add3A_491 = arith.addf %add3A_484, %gather3A_490 : vector<16xf32>
      %add3A_492 = arith.constant 1 : i32
      %add3A_493 = vector.broadcast %add3A_492 : i32 to vector<16xi32>
      %add3A_494 = arith.addi %add3A_487, %add3A_493 : vector<16xi32>
      %gather3A_495 = tpu.vector_load_idx %arg19[%add3A_494] : memref<256xf32, #tpu.memory_space<vmem>>[vector<16xi32>], vector<16xf32>,
      %add3A_496 = arith.addf %add3A_489, %gather3A_495 : vector<16xf32>
      %gather3A_497 = tpu.vector_load_idx %arg20[%add3A_494] : memref<256xf32, #tpu.memory_space<vmem>>[vector<16xi32>], vector<16xf32>,
      %add3A_498 = arith.addf %add3A_491, %gather3A_497 : vector<16xf32>
      %add3A_499 = arith.constant 1 : i32
      %add3A_500 = vector.broadcast %add3A_499 : i32 to vector<16xi32>
      %add3A_501 = arith.addi %add3A_494, %add3A_500 : vector<16xi32>
      %gather3A_502 = tpu.vector_load_idx %arg19[%add3A_501] : memref<256xf32, #tpu.memory_space<vmem>>[vector<16xi32>], vector<16xf32>,
      %add3A_503 = arith.addf %add3A_496, %gather3A_502 : vector<16xf32>
      %gather3A_504 = tpu.vector_load_idx %arg20[%add3A_501] : memref<256xf32, #tpu.memory_space<vmem>>[vector<16xi32>], vector<16xf32>,
      %add3A_505 = arith.addf %add3A_498, %gather3A_504 : vector<16xf32>
      %add3A_506 = arith.constant 1 : i32
      %add3A_507 = vector.broadcast %add3A_506 : i32 to vector<16xi32>
      %add3A_508 = arith.addi %add3A_501, %add3A_507 : vector<16xi32>
      %gather3A_509 = tpu.vector_load_idx %arg19[%add3A_508] : memref<256xf32, #tpu.memory_space<vmem>>[vector<16xi32>], vector<16xf32>,
      %add3A_510 = arith.addf %add3A_503, %gather3A_509 : vector<16xf32>
      %gather3A_511 = tpu.vector_load_idx %arg20[%add3A_508] : memref<256xf32, #tpu.memory_space<vmem>>[vector<16xi32>], vector<16xf32>,
      %add3A_512 = arith.addf %add3A_505, %gather3A_511 : vector<16xf32>
      %add3A_513 = arith.constant 1 : i32
      %add3A_514 = vector.broadcast %add3A_513 : i32 to vector<16xi32>
      %add3A_515 = arith.addi %add3A_508, %add3A_514 : vector<16xi32>
      %gather3A_516 = tpu.vector_load_idx %arg19[%add3A_515] : memref<256xf32, #tpu.memory_space<vmem>>[vector<16xi32>], vector<16xf32>,
      %add3A_517 = arith.addf %add3A_510, %gather3A_516 : vector<16xf32>
      %gather3A_518 = tpu.vector_load_idx %arg20[%add3A_515] : memref<256xf32, #tpu.memory_space<vmem>>[vector<16xi32>], vector<16xf32>,
      %add3A_519 = arith.addf %add3A_512, %gather3A_518 : vector<16xf32>
      %swap3A_520 = arith.index_cast %multiple_of3A_404 : i32 to index
      %swap3A_521 = tpu.vector_load %arg17[%swap3A_520] {strides = array<i32>} : memref<5056xf32, #tpu.memory_space<vmem>>, vector<16xf32>,
      tpu.vector_store %arg17[%swap3A_520], %add3A_517 {strides = array<i32>} : memref<5056xf32, #tpu.memory_space<vmem>>, vector<16xf32>,
      %swap3A_522 = arith.index_cast %multiple_of3A_404 : i32 to index
      %swap3A_523 = tpu.vector_load %arg18[%swap3A_522] {strides = array<i32>} : memref<5056xf32, #tpu.memory_space<vmem>>, vector<16xf32>,
      tpu.vector_store %arg18[%swap3A_522], %add3A_519 {strides = array<i32>} : memref<5056xf32, #tpu.memory_space<vmem>>, vector<16xf32>,
      %add3A_524 = arith.constant 4 : i32
      %add3A_525 = arith.addi %add3A_390, %add3A_524 : i32
      %mul3A_526 = arith.constant 16 : i32
      %mul3A_527 = arith.muli %add3A_525, %mul3A_526 : i32
      %multiple_of3A_528 = tpu.assume_multiple %mul3A_527, 16 : i32
      %dma_start3A_529 = tpu.memref_slice %arg7[%multiple_of3A_528] : memref<5120xi32, #tpu.memory_space<vmem>> -> memref<16xi32, #tpu.memory_space<vmem>>
      %dma_start3A_530 = arith.constant 0 : i32
      %dma_start3A_531 = arith.constant 0 : i32
      %dma_start3A_532 = tpu.memref_slice %arg2[%dma_start3A_530, %dma_start3A_531] : memref<10000x512xf32, #tpu.memory_space<hbm>> -> memref<10000x512xf32, #tpu.memory_space<hbm>>
      tpu.enqueue_indirect_dma source(%dma_start3A_532 : memref<10000x512xf32, #tpu.memory_space<hbm>>) target(%arg13 : memref<16x512xf32, #tpu.memory_space<vmem>>) offsets(%dma_start3A_529 : memref<16xi32, #tpu.memory_space<vmem>>) semaphore(%arg23 : memref<!tpu.dma_semaphore, #tpu.memory_space<semaphore_mem>>)
      %dma_start3A_533 = tpu.memref_slice %arg8[%multiple_of3A_528] : memref<5120xi32, #tpu.memory_space<vmem>> -> memref<16xi32, #tpu.memory_space<vmem>>
      %dma_start3A_534 = arith.constant 0 : i32
      %dma_start3A_535 = arith.constant 0 : i32
      %dma_start3A_536 = tpu.memref_slice %arg2[%dma_start3A_534, %dma_start3A_535] : memref<10000x512xf32, #tpu.memory_space<hbm>> -> memref<10000x512xf32, #tpu.memory_space<hbm>>
      tpu.enqueue_indirect_dma source(%dma_start3A_536 : memref<10000x512xf32, #tpu.memory_space<hbm>>) target(%arg14 : memref<16x512xf32, #tpu.memory_space<vmem>>) offsets(%dma_start3A_533 : memref<16xi32, #tpu.memory_space<vmem>>) semaphore(%arg23 : memref<!tpu.dma_semaphore, #tpu.memory_space<semaphore_mem>>)
      %mul3A_537 = arith.constant 4 : i32
      %mul3A_538 = arith.muli %scan3A_88, %mul3A_537 : i32
      %add3A_539 = arith.constant 3 : i32
      %add3A_540 = arith.addi %mul3A_538, %add3A_539 : i32
      %mul3A_541 = arith.constant 16 : i32
      %mul3A_542 = arith.muli %add3A_540, %mul3A_541 : i32
      %multiple_of3A_543 = tpu.assume_multiple %mul3A_542, 16 : i32
      %dma_wait3A_544 = tpu.memref_slice %arg7[%multiple_of3A_543] : memref<5120xi32, #tpu.memory_space<vmem>> -> memref<16xi32, #tpu.memory_space<vmem>>
      %dma_wait3A_545 = arith.constant 0 : i32
      %dma_wait3A_546 = arith.constant 0 : i32
      %dma_wait3A_547 = tpu.memref_slice %arg2[%dma_wait3A_545, %dma_wait3A_546] : memref<10000x512xf32, #tpu.memory_space<hbm>> -> memref<10000x512xf32, #tpu.memory_space<hbm>>
      tpu.wait_indirect_dma semaphore(%arg24 : memref<!tpu.dma_semaphore, #tpu.memory_space<semaphore_mem>>) src(%dma_wait3A_547 : memref<10000x512xf32, #tpu.memory_space<hbm>>) dst(%arg15 : memref<16x512xf32, #tpu.memory_space<vmem>>)
      %dma_wait3A_548 = tpu.memref_slice %arg8[%multiple_of3A_543] : memref<5120xi32, #tpu.memory_space<vmem>> -> memref<16xi32, #tpu.memory_space<vmem>>
      %dma_wait3A_549 = arith.constant 0 : i32
      %dma_wait3A_550 = arith.constant 0 : i32
      %dma_wait3A_551 = tpu.memref_slice %arg2[%dma_wait3A_549, %dma_wait3A_550] : memref<10000x512xf32, #tpu.memory_space<hbm>> -> memref<10000x512xf32, #tpu.memory_space<hbm>>
      tpu.wait_indirect_dma semaphore(%arg24 : memref<!tpu.dma_semaphore, #tpu.memory_space<semaphore_mem>>) src(%dma_wait3A_551 : memref<10000x512xf32, #tpu.memory_space<hbm>>) dst(%arg16 : memref<16x512xf32, #tpu.memory_space<vmem>>)
      %mul3A_552 = arith.constant 16 : i32
      %mul3A_553 = arith.muli %add3A_540, %mul3A_552 : i32
      %multiple_of3A_554 = tpu.assume_multiple %mul3A_553, 16 : i32
      %scan3A_555 = arith.constant 0 : i32
      %scan3A_556 = arith.constant 16 : i32
      %scan3A_557 = arith.addi %scan3A_555, %scan3A_556 : i32
      %scan3A_558 = arith.constant 1 : i32
      scf.for %scan3A_687 = %scan3A_555 to %scan3A_557 step %scan3A_558  : i32 {
        %get3A = arith.index_cast %scan3A_687 : i32 to index
        %get3A_688 = arith.constant 0 : index
        %get3A_689 = tpu.vector_load %arg15[%get3A, %get3A_688] {strides = array<i32>} : memref<16x512xf32, #tpu.memory_space<vmem>>, vector<16xf32>,
        %get3A_690 = arith.index_cast %scan3A_687 : i32 to index
        %get3A_691 = arith.constant 0 : index
        %get3A_692 = tpu.vector_load %arg16[%get3A_690, %get3A_691] {strides = array<i32>} : memref<16x512xf32, #tpu.memory_space<vmem>>, vector<16xf32>,
        %mul3A_693 = arith.mulf %get3A_689, %get3A_692 : vector<16xf32>
        %get3A_694 = arith.index_cast %scan3A_687 : i32 to index
        %get3A_695 = arith.constant 256 : index
        %get3A_696 = tpu.vector_load %arg15[%get3A_694, %get3A_695] {strides = array<i32>} : memref<16x512xf32, #tpu.memory_space<vmem>>, vector<16xf32>,
        %get3A_697 = arith.index_cast %scan3A_687 : i32 to index
        %get3A_698 = arith.constant 256 : index
        %get3A_699 = tpu.vector_load %arg16[%get3A_697, %get3A_698] {strides = array<i32>} : memref<16x512xf32, #tpu.memory_space<vmem>>, vector<16xf32>,
        %mul3A_700 = arith.mulf %get3A_696, %get3A_699 : vector<16xf32>
        %get3A_701 = arith.index_cast %scan3A_687 : i32 to index
        %get3A_702 = arith.constant 16 : index
        %get3A_703 = tpu.vector_load %arg15[%get3A_701, %get3A_702] {strides = array<i32>} : memref<16x512xf32, #tpu.memory_space<vmem>>, vector<16xf32>,
        %get3A_704 = arith.index_cast %scan3A_687 : i32 to index
        %get3A_705 = arith.constant 16 : index
        %get3A_706 = tpu.vector_load %arg16[%get3A_704, %get3A_705] {strides = array<i32>} : memref<16x512xf32, #tpu.memory_space<vmem>>, vector<16xf32>,
        %mul3A_707 = arith.mulf %get3A_703, %get3A_706 : vector<16xf32>
        %add3A_708 = arith.addf %mul3A_693, %mul3A_707 : vector<16xf32>
        %get3A_709 = arith.index_cast %scan3A_687 : i32 to index
        %get3A_710 = arith.constant 272 : index
        %get3A_711 = tpu.vector_load %arg15[%get3A_709, %get3A_710] {strides = array<i32>} : memref<16x512xf32, #tpu.memory_space<vmem>>, vector<16xf32>,
        %get3A_712 = arith.index_cast %scan3A_687 : i32 to index
        %get3A_713 = arith.constant 272 : index
        %get3A_714 = tpu.vector_load %arg16[%get3A_712, %get3A_713] {strides = array<i32>} : memref<16x512xf32, #tpu.memory_space<vmem>>, vector<16xf32>,
        %mul3A_715 = arith.mulf %get3A_711, %get3A_714 : vector<16xf32>
        %add3A_716 = arith.addf %mul3A_700, %mul3A_715 : vector<16xf32>
        %get3A_717 = arith.index_cast %scan3A_687 : i32 to index
        %get3A_718 = arith.constant 32 : index
        %get3A_719 = tpu.vector_load %arg15[%get3A_717, %get3A_718] {strides = array<i32>} : memref<16x512xf32, #tpu.memory_space<vmem>>, vector<16xf32>,
        %get3A_720 = arith.index_cast %scan3A_687 : i32 to index
        %get3A_721 = arith.constant 32 : index
        %get3A_722 = tpu.vector_load %arg16[%get3A_720, %get3A_721] {strides = array<i32>} : memref<16x512xf32, #tpu.memory_space<vmem>>, vector<16xf32>,
        %mul3A_723 = arith.mulf %get3A_719, %get3A_722 : vector<16xf32>
        %add3A_724 = arith.addf %add3A_708, %mul3A_723 : vector<16xf32>
        %get3A_725 = arith.index_cast %scan3A_687 : i32 to index
        %get3A_726 = arith.constant 288 : index
        %get3A_727 = tpu.vector_load %arg15[%get3A_725, %get3A_726] {strides = array<i32>} : memref<16x512xf32, #tpu.memory_space<vmem>>, vector<16xf32>,
        %get3A_728 = arith.index_cast %scan3A_687 : i32 to index
        %get3A_729 = arith.constant 288 : index
        %get3A_730 = tpu.vector_load %arg16[%get3A_728, %get3A_729] {strides = array<i32>} : memref<16x512xf32, #tpu.memory_space<vmem>>, vector<16xf32>,
        %mul3A_731 = arith.mulf %get3A_727, %get3A_730 : vector<16xf32>
        %add3A_732 = arith.addf %add3A_716, %mul3A_731 : vector<16xf32>
        %get3A_733 = arith.index_cast %scan3A_687 : i32 to index
        %get3A_734 = arith.constant 48 : index
        %get3A_735 = tpu.vector_load %arg15[%get3A_733, %get3A_734] {strides = array<i32>} : memref<16x512xf32, #tpu.memory_space<vmem>>, vector<16xf32>,
        %get3A_736 = arith.index_cast %scan3A_687 : i32 to index
        %get3A_737 = arith.constant 48 : index
        %get3A_738 = tpu.vector_load %arg16[%get3A_736, %get3A_737] {strides = array<i32>} : memref<16x512xf32, #tpu.memory_space<vmem>>, vector<16xf32>,
        %mul3A_739 = arith.mulf %get3A_735, %get3A_738 : vector<16xf32>
        %add3A_740 = arith.addf %add3A_724, %mul3A_739 : vector<16xf32>
        %get3A_741 = arith.index_cast %scan3A_687 : i32 to index
        %get3A_742 = arith.constant 304 : index
        %get3A_743 = tpu.vector_load %arg15[%get3A_741, %get3A_742] {strides = array<i32>} : memref<16x512xf32, #tpu.memory_space<vmem>>, vector<16xf32>,
        %get3A_744 = arith.index_cast %scan3A_687 : i32 to index
        %get3A_745 = arith.constant 304 : index
        %get3A_746 = tpu.vector_load %arg16[%get3A_744, %get3A_745] {strides = array<i32>} : memref<16x512xf32, #tpu.memory_space<vmem>>, vector<16xf32>,
        %mul3A_747 = arith.mulf %get3A_743, %get3A_746 : vector<16xf32>
        %add3A_748 = arith.addf %add3A_732, %mul3A_747 : vector<16xf32>
        %get3A_749 = arith.index_cast %scan3A_687 : i32 to index
        %get3A_750 = arith.constant 64 : index
        %get3A_751 = tpu.vector_load %arg15[%get3A_749, %get3A_750] {strides = array<i32>} : memref<16x512xf32, #tpu.memory_space<vmem>>, vector<16xf32>,
        %get3A_752 = arith.index_cast %scan3A_687 : i32 to index
        %get3A_753 = arith.constant 64 : index
        %get3A_754 = tpu.vector_load %arg16[%get3A_752, %get3A_753] {strides = array<i32>} : memref<16x512xf32, #tpu.memory_space<vmem>>, vector<16xf32>,
        %mul3A_755 = arith.mulf %get3A_751, %get3A_754 : vector<16xf32>
        %add3A_756 = arith.addf %add3A_740, %mul3A_755 : vector<16xf32>
        %get3A_757 = arith.index_cast %scan3A_687 : i32 to index
        %get3A_758 = arith.constant 320 : index
        %get3A_759 = tpu.vector_load %arg15[%get3A_757, %get3A_758] {strides = array<i32>} : memref<16x512xf32, #tpu.memory_space<vmem>>, vector<16xf32>,
        %get3A_760 = arith.index_cast %scan3A_687 : i32 to index
        %get3A_761 = arith.constant 320 : index
        %get3A_762 = tpu.vector_load %arg16[%get3A_760, %get3A_761] {strides = array<i32>} : memref<16x512xf32, #tpu.memory_space<vmem>>, vector<16xf32>,
        %mul3A_763 = arith.mulf %get3A_759, %get3A_762 : vector<16xf32>
        %add3A_764 = arith.addf %add3A_748, %mul3A_763 : vector<16xf32>
        %get3A_765 = arith.index_cast %scan3A_687 : i32 to index
        %get3A_766 = arith.constant 80 : index
        %get3A_767 = tpu.vector_load %arg15[%get3A_765, %get3A_766] {strides = array<i32>} : memref<16x512xf32, #tpu.memory_space<vmem>>, vector<16xf32>,
        %get3A_768 = arith.index_cast %scan3A_687 : i32 to index
        %get3A_769 = arith.constant 80 : index
        %get3A_770 = tpu.vector_load %arg16[%get3A_768, %get3A_769] {strides = array<i32>} : memref<16x512xf32, #tpu.memory_space<vmem>>, vector<16xf32>,
        %mul3A_771 = arith.mulf %get3A_767, %get3A_770 : vector<16xf32>
        %add3A_772 = arith.addf %add3A_756, %mul3A_771 : vector<16xf32>
        %get3A_773 = arith.index_cast %scan3A_687 : i32 to index
        %get3A_774 = arith.constant 336 : index
        %get3A_775 = tpu.vector_load %arg15[%get3A_773, %get3A_774] {strides = array<i32>} : memref<16x512xf32, #tpu.memory_space<vmem>>, vector<16xf32>,
        %get3A_776 = arith.index_cast %scan3A_687 : i32 to index
        %get3A_777 = arith.constant 336 : index
        %get3A_778 = tpu.vector_load %arg16[%get3A_776, %get3A_777] {strides = array<i32>} : memref<16x512xf32, #tpu.memory_space<vmem>>, vector<16xf32>,
        %mul3A_779 = arith.mulf %get3A_775, %get3A_778 : vector<16xf32>
        %add3A_780 = arith.addf %add3A_764, %mul3A_779 : vector<16xf32>
        %get3A_781 = arith.index_cast %scan3A_687 : i32 to index
        %get3A_782 = arith.constant 96 : index
        %get3A_783 = tpu.vector_load %arg15[%get3A_781, %get3A_782] {strides = array<i32>} : memref<16x512xf32, #tpu.memory_space<vmem>>, vector<16xf32>,
        %get3A_784 = arith.index_cast %scan3A_687 : i32 to index
        %get3A_785 = arith.constant 96 : index
        %get3A_786 = tpu.vector_load %arg16[%get3A_784, %get3A_785] {strides = array<i32>} : memref<16x512xf32, #tpu.memory_space<vmem>>, vector<16xf32>,
        %mul3A_787 = arith.mulf %get3A_783, %get3A_786 : vector<16xf32>
        %add3A_788 = arith.addf %add3A_772, %mul3A_787 : vector<16xf32>
        %get3A_789 = arith.index_cast %scan3A_687 : i32 to index
        %get3A_790 = arith.constant 352 : index
        %get3A_791 = tpu.vector_load %arg15[%get3A_789, %get3A_790] {strides = array<i32>} : memref<16x512xf32, #tpu.memory_space<vmem>>, vector<16xf32>,
        %get3A_792 = arith.index_cast %scan3A_687 : i32 to index
        %get3A_793 = arith.constant 352 : index
        %get3A_794 = tpu.vector_load %arg16[%get3A_792, %get3A_793] {strides = array<i32>} : memref<16x512xf32, #tpu.memory_space<vmem>>, vector<16xf32>,
        %mul3A_795 = arith.mulf %get3A_791, %get3A_794 : vector<16xf32>
        %add3A_796 = arith.addf %add3A_780, %mul3A_795 : vector<16xf32>
        %get3A_797 = arith.index_cast %scan3A_687 : i32 to index
        %get3A_798 = arith.constant 112 : index
        %get3A_799 = tpu.vector_load %arg15[%get3A_797, %get3A_798] {strides = array<i32>} : memref<16x512xf32, #tpu.memory_space<vmem>>, vector<16xf32>,
        %get3A_800 = arith.index_cast %scan3A_687 : i32 to index
        %get3A_801 = arith.constant 112 : index
        %get3A_802 = tpu.vector_load %arg16[%get3A_800, %get3A_801] {strides = array<i32>} : memref<16x512xf32, #tpu.memory_space<vmem>>, vector<16xf32>,
        %mul3A_803 = arith.mulf %get3A_799, %get3A_802 : vector<16xf32>
        %add3A_804 = arith.addf %add3A_788, %mul3A_803 : vector<16xf32>
        %get3A_805 = arith.index_cast %scan3A_687 : i32 to index
        %get3A_806 = arith.constant 368 : index
        %get3A_807 = tpu.vector_load %arg15[%get3A_805, %get3A_806] {strides = array<i32>} : memref<16x512xf32, #tpu.memory_space<vmem>>, vector<16xf32>,
        %get3A_808 = arith.index_cast %scan3A_687 : i32 to index
        %get3A_809 = arith.constant 368 : index
        %get3A_810 = tpu.vector_load %arg16[%get3A_808, %get3A_809] {strides = array<i32>} : memref<16x512xf32, #tpu.memory_space<vmem>>, vector<16xf32>,
        %mul3A_811 = arith.mulf %get3A_807, %get3A_810 : vector<16xf32>
        %add3A_812 = arith.addf %add3A_796, %mul3A_811 : vector<16xf32>
        %get3A_813 = arith.index_cast %scan3A_687 : i32 to index
        %get3A_814 = arith.constant 128 : index
        %get3A_815 = tpu.vector_load %arg15[%get3A_813, %get3A_814] {strides = array<i32>} : memref<16x512xf32, #tpu.memory_space<vmem>>, vector<16xf32>,
        %get3A_816 = arith.index_cast %scan3A_687 : i32 to index
        %get3A_817 = arith.constant 128 : index
        %get3A_818 = tpu.vector_load %arg16[%get3A_816, %get3A_817] {strides = array<i32>} : memref<16x512xf32, #tpu.memory_space<vmem>>, vector<16xf32>,
        %mul3A_819 = arith.mulf %get3A_815, %get3A_818 : vector<16xf32>
        %add3A_820 = arith.addf %add3A_804, %mul3A_819 : vector<16xf32>
        %get3A_821 = arith.index_cast %scan3A_687 : i32 to index
        %get3A_822 = arith.constant 384 : index
        %get3A_823 = tpu.vector_load %arg15[%get3A_821, %get3A_822] {strides = array<i32>} : memref<16x512xf32, #tpu.memory_space<vmem>>, vector<16xf32>,
        %get3A_824 = arith.index_cast %scan3A_687 : i32 to index
        %get3A_825 = arith.constant 384 : index
        %get3A_826 = tpu.vector_load %arg16[%get3A_824, %get3A_825] {strides = array<i32>} : memref<16x512xf32, #tpu.memory_space<vmem>>, vector<16xf32>,
        %mul3A_827 = arith.mulf %get3A_823, %get3A_826 : vector<16xf32>
        %add3A_828 = arith.addf %add3A_812, %mul3A_827 : vector<16xf32>
        %get3A_829 = arith.index_cast %scan3A_687 : i32 to index
        %get3A_830 = arith.constant 144 : index
        %get3A_831 = tpu.vector_load %arg15[%get3A_829, %get3A_830] {strides = array<i32>} : memref<16x512xf32, #tpu.memory_space<vmem>>, vector<16xf32>,
        %get3A_832 = arith.index_cast %scan3A_687 : i32 to index
        %get3A_833 = arith.constant 144 : index
        %get3A_834 = tpu.vector_load %arg16[%get3A_832, %get3A_833] {strides = array<i32>} : memref<16x512xf32, #tpu.memory_space<vmem>>, vector<16xf32>,
        %mul3A_835 = arith.mulf %get3A_831, %get3A_834 : vector<16xf32>
        %add3A_836 = arith.addf %add3A_820, %mul3A_835 : vector<16xf32>
        %get3A_837 = arith.index_cast %scan3A_687 : i32 to index
        %get3A_838 = arith.constant 400 : index
        %get3A_839 = tpu.vector_load %arg15[%get3A_837, %get3A_838] {strides = array<i32>} : memref<16x512xf32, #tpu.memory_space<vmem>>, vector<16xf32>,
        %get3A_840 = arith.index_cast %scan3A_687 : i32 to index
        %get3A_841 = arith.constant 400 : index
        %get3A_842 = tpu.vector_load %arg16[%get3A_840, %get3A_841] {strides = array<i32>} : memref<16x512xf32, #tpu.memory_space<vmem>>, vector<16xf32>,
        %mul3A_843 = arith.mulf %get3A_839, %get3A_842 : vector<16xf32>
        %add3A_844 = arith.addf %add3A_828, %mul3A_843 : vector<16xf32>
        %get3A_845 = arith.index_cast %scan3A_687 : i32 to index
        %get3A_846 = arith.constant 160 : index
        %get3A_847 = tpu.vector_load %arg15[%get3A_845, %get3A_846] {strides = array<i32>} : memref<16x512xf32, #tpu.memory_space<vmem>>, vector<16xf32>,
        %get3A_848 = arith.index_cast %scan3A_687 : i32 to index
        %get3A_849 = arith.constant 160 : index
        %get3A_850 = tpu.vector_load %arg16[%get3A_848, %get3A_849] {strides = array<i32>} : memref<16x512xf32, #tpu.memory_space<vmem>>, vector<16xf32>,
        %mul3A_851 = arith.mulf %get3A_847, %get3A_850 : vector<16xf32>
        %add3A_852 = arith.addf %add3A_836, %mul3A_851 : vector<16xf32>
        %get3A_853 = arith.index_cast %scan3A_687 : i32 to index
        %get3A_854 = arith.constant 416 : index
        %get3A_855 = tpu.vector_load %arg15[%get3A_853, %get3A_854] {strides = array<i32>} : memref<16x512xf32, #tpu.memory_space<vmem>>, vector<16xf32>,
        %get3A_856 = arith.index_cast %scan3A_687 : i32 to index
        %get3A_857 = arith.constant 416 : index
        %get3A_858 = tpu.vector_load %arg16[%get3A_856, %get3A_857] {strides = array<i32>} : memref<16x512xf32, #tpu.memory_space<vmem>>, vector<16xf32>,
        %mul3A_859 = arith.mulf %get3A_855, %get3A_858 : vector<16xf32>
        %add3A_860 = arith.addf %add3A_844, %mul3A_859 : vector<16xf32>
        %get3A_861 = arith.index_cast %scan3A_687 : i32 to index
        %get3A_862 = arith.constant 176 : index
        %get3A_863 = tpu.vector_load %arg15[%get3A_861, %get3A_862] {strides = array<i32>} : memref<16x512xf32, #tpu.memory_space<vmem>>, vector<16xf32>,
        %get3A_864 = arith.index_cast %scan3A_687 : i32 to index
        %get3A_865 = arith.constant 176 : index
        %get3A_866 = tpu.vector_load %arg16[%get3A_864, %get3A_865] {strides = array<i32>} : memref<16x512xf32, #tpu.memory_space<vmem>>, vector<16xf32>,
        %mul3A_867 = arith.mulf %get3A_863, %get3A_866 : vector<16xf32>
        %add3A_868 = arith.addf %add3A_852, %mul3A_867 : vector<16xf32>
        %get3A_869 = arith.index_cast %scan3A_687 : i32 to index
        %get3A_870 = arith.constant 432 : index
        %get3A_871 = tpu.vector_load %arg15[%get3A_869, %get3A_870] {strides = array<i32>} : memref<16x512xf32, #tpu.memory_space<vmem>>, vector<16xf32>,
        %get3A_872 = arith.index_cast %scan3A_687 : i32 to index
        %get3A_873 = arith.constant 432 : index
        %get3A_874 = tpu.vector_load %arg16[%get3A_872, %get3A_873] {strides = array<i32>} : memref<16x512xf32, #tpu.memory_space<vmem>>, vector<16xf32>,
        %mul3A_875 = arith.mulf %get3A_871, %get3A_874 : vector<16xf32>
        %add3A_876 = arith.addf %add3A_860, %mul3A_875 : vector<16xf32>
        %get3A_877 = arith.index_cast %scan3A_687 : i32 to index
        %get3A_878 = arith.constant 192 : index
        %get3A_879 = tpu.vector_load %arg15[%get3A_877, %get3A_878] {strides = array<i32>} : memref<16x512xf32, #tpu.memory_space<vmem>>, vector<16xf32>,
        %get3A_880 = arith.index_cast %scan3A_687 : i32 to index
        %get3A_881 = arith.constant 192 : index
        %get3A_882 = tpu.vector_load %arg16[%get3A_880, %get3A_881] {strides = array<i32>} : memref<16x512xf32, #tpu.memory_space<vmem>>, vector<16xf32>,
        %mul3A_883 = arith.mulf %get3A_879, %get3A_882 : vector<16xf32>
        %add3A_884 = arith.addf %add3A_868, %mul3A_883 : vector<16xf32>
        %get3A_885 = arith.index_cast %scan3A_687 : i32 to index
        %get3A_886 = arith.constant 448 : index
        %get3A_887 = tpu.vector_load %arg15[%get3A_885, %get3A_886] {strides = array<i32>} : memref<16x512xf32, #tpu.memory_space<vmem>>, vector<16xf32>,
        %get3A_888 = arith.index_cast %scan3A_687 : i32 to index
        %get3A_889 = arith.constant 448 : index
        %get3A_890 = tpu.vector_load %arg16[%get3A_888, %get3A_889] {strides = array<i32>} : memref<16x512xf32, #tpu.memory_space<vmem>>, vector<16xf32>,
        %mul3A_891 = arith.mulf %get3A_887, %get3A_890 : vector<16xf32>
        %add3A_892 = arith.addf %add3A_876, %mul3A_891 : vector<16xf32>
        %get3A_893 = arith.index_cast %scan3A_687 : i32 to index
        %get3A_894 = arith.constant 208 : index
        %get3A_895 = tpu.vector_load %arg15[%get3A_893, %get3A_894] {strides = array<i32>} : memref<16x512xf32, #tpu.memory_space<vmem>>, vector<16xf32>,
        %get3A_896 = arith.index_cast %scan3A_687 : i32 to index
        %get3A_897 = arith.constant 208 : index
        %get3A_898 = tpu.vector_load %arg16[%get3A_896, %get3A_897] {strides = array<i32>} : memref<16x512xf32, #tpu.memory_space<vmem>>, vector<16xf32>,
        %mul3A_899 = arith.mulf %get3A_895, %get3A_898 : vector<16xf32>
        %add3A_900 = arith.addf %add3A_884, %mul3A_899 : vector<16xf32>
        %get3A_901 = arith.index_cast %scan3A_687 : i32 to index
        %get3A_902 = arith.constant 464 : index
        %get3A_903 = tpu.vector_load %arg15[%get3A_901, %get3A_902] {strides = array<i32>} : memref<16x512xf32, #tpu.memory_space<vmem>>, vector<16xf32>,
        %get3A_904 = arith.index_cast %scan3A_687 : i32 to index
        %get3A_905 = arith.constant 464 : index
        %get3A_906 = tpu.vector_load %arg16[%get3A_904, %get3A_905] {strides = array<i32>} : memref<16x512xf32, #tpu.memory_space<vmem>>, vector<16xf32>,
        %mul3A_907 = arith.mulf %get3A_903, %get3A_906 : vector<16xf32>
        %add3A_908 = arith.addf %add3A_892, %mul3A_907 : vector<16xf32>
        %get3A_909 = arith.index_cast %scan3A_687 : i32 to index
        %get3A_910 = arith.constant 224 : index
        %get3A_911 = tpu.vector_load %arg15[%get3A_909, %get3A_910] {strides = array<i32>} : memref<16x512xf32, #tpu.memory_space<vmem>>, vector<16xf32>,
        %get3A_912 = arith.index_cast %scan3A_687 : i32 to index
        %get3A_913 = arith.constant 224 : index
        %get3A_914 = tpu.vector_load %arg16[%get3A_912, %get3A_913] {strides = array<i32>} : memref<16x512xf32, #tpu.memory_space<vmem>>, vector<16xf32>,
        %mul3A_915 = arith.mulf %get3A_911, %get3A_914 : vector<16xf32>
        %add3A_916 = arith.addf %add3A_900, %mul3A_915 : vector<16xf32>
        %get3A_917 = arith.index_cast %scan3A_687 : i32 to index
        %get3A_918 = arith.constant 480 : index
        %get3A_919 = tpu.vector_load %arg15[%get3A_917, %get3A_918] {strides = array<i32>} : memref<16x512xf32, #tpu.memory_space<vmem>>, vector<16xf32>,
        %get3A_920 = arith.index_cast %scan3A_687 : i32 to index
        %get3A_921 = arith.constant 480 : index
        %get3A_922 = tpu.vector_load %arg16[%get3A_920, %get3A_921] {strides = array<i32>} : memref<16x512xf32, #tpu.memory_space<vmem>>, vector<16xf32>,
        %mul3A_923 = arith.mulf %get3A_919, %get3A_922 : vector<16xf32>
        %add3A_924 = arith.addf %add3A_908, %mul3A_923 : vector<16xf32>
        %get3A_925 = arith.index_cast %scan3A_687 : i32 to index
        %get3A_926 = arith.constant 240 : index
        %get3A_927 = tpu.vector_load %arg15[%get3A_925, %get3A_926] {strides = array<i32>} : memref<16x512xf32, #tpu.memory_space<vmem>>, vector<16xf32>,
        %get3A_928 = arith.index_cast %scan3A_687 : i32 to index
        %get3A_929 = arith.constant 240 : index
        %get3A_930 = tpu.vector_load %arg16[%get3A_928, %get3A_929] {strides = array<i32>} : memref<16x512xf32, #tpu.memory_space<vmem>>, vector<16xf32>,
        %mul3A_931 = arith.mulf %get3A_927, %get3A_930 : vector<16xf32>
        %add3A_932 = arith.addf %add3A_916, %mul3A_931 : vector<16xf32>
        %get3A_933 = arith.index_cast %scan3A_687 : i32 to index
        %get3A_934 = arith.constant 496 : index
        %get3A_935 = tpu.vector_load %arg15[%get3A_933, %get3A_934] {strides = array<i32>} : memref<16x512xf32, #tpu.memory_space<vmem>>, vector<16xf32>,
        %get3A_936 = arith.index_cast %scan3A_687 : i32 to index
        %get3A_937 = arith.constant 496 : index
        %get3A_938 = tpu.vector_load %arg16[%get3A_936, %get3A_937] {strides = array<i32>} : memref<16x512xf32, #tpu.memory_space<vmem>>, vector<16xf32>,
        %mul3A_939 = arith.mulf %get3A_935, %get3A_938 : vector<16xf32>
        %add3A_940 = arith.addf %add3A_924, %mul3A_939 : vector<16xf32>
        %mul3A_941 = arith.constant 16 : i32
        %mul3A_942 = arith.muli %scan3A_687, %mul3A_941 : i32
        %multiple_of3A_943 = tpu.assume_multiple %mul3A_942, 16 : i32
        %swap3A_944 = arith.index_cast %multiple_of3A_943 : i32 to index
        %swap3A_945 = tpu.vector_load %arg19[%swap3A_944] {strides = array<i32>} : memref<256xf32, #tpu.memory_space<vmem>>, vector<16xf32>,
        tpu.vector_store %arg19[%swap3A_944], %add3A_932 {strides = array<i32>} : memref<256xf32, #tpu.memory_space<vmem>>, vector<16xf32>,
        %swap3A_946 = arith.index_cast %multiple_of3A_943 : i32 to index
        %swap3A_947 = tpu.vector_load %arg20[%swap3A_946] {strides = array<i32>} : memref<256xf32, #tpu.memory_space<vmem>>, vector<16xf32>,
        tpu.vector_store %arg20[%swap3A_946], %add3A_940 {strides = array<i32>} : memref<256xf32, #tpu.memory_space<vmem>>, vector<16xf32>,
      }
      %scan3A_559 = arith.constant 16 : i32
      %mul3A_560 = arith.constant 16 : i32
      %mul3A_561 = vector.broadcast %mul3A_560 : i32 to vector<16xi32>
      %mul3A_562 = arith.muli %iota3A, %mul3A_561 : vector<16xi32>
      %gather3A_563 = tpu.vector_load_idx %arg19[%mul3A_562] : memref<256xf32, #tpu.memory_space<vmem>>[vector<16xi32>], vector<16xf32>,
      %gather3A_564 = tpu.vector_load_idx %arg20[%mul3A_562] : memref<256xf32, #tpu.memory_space<vmem>>[vector<16xi32>], vector<16xf32>,
      %add3A_565 = arith.constant 1 : i32
      %add3A_566 = vector.broadcast %add3A_565 : i32 to vector<16xi32>
      %add3A_567 = arith.addi %mul3A_562, %add3A_566 : vector<16xi32>
      %gather3A_568 = tpu.vector_load_idx %arg19[%add3A_567] : memref<256xf32, #tpu.memory_space<vmem>>[vector<16xi32>], vector<16xf32>,
      %add3A_569 = arith.addf %gather3A_563, %gather3A_568 : vector<16xf32>
      %gather3A_570 = tpu.vector_load_idx %arg20[%add3A_567] : memref<256xf32, #tpu.memory_space<vmem>>[vector<16xi32>], vector<16xf32>,
      %add3A_571 = arith.addf %gather3A_564, %gather3A_570 : vector<16xf32>
      %add3A_572 = arith.constant 1 : i32
      %add3A_573 = vector.broadcast %add3A_572 : i32 to vector<16xi32>
      %add3A_574 = arith.addi %add3A_567, %add3A_573 : vector<16xi32>
      %gather3A_575 = tpu.vector_load_idx %arg19[%add3A_574] : memref<256xf32, #tpu.memory_space<vmem>>[vector<16xi32>], vector<16xf32>,
      %add3A_576 = arith.addf %add3A_569, %gather3A_575 : vector<16xf32>
      %gather3A_577 = tpu.vector_load_idx %arg20[%add3A_574] : memref<256xf32, #tpu.memory_space<vmem>>[vector<16xi32>], vector<16xf32>,
      %add3A_578 = arith.addf %add3A_571, %gather3A_577 : vector<16xf32>
      %add3A_579 = arith.constant 1 : i32
      %add3A_580 = vector.broadcast %add3A_579 : i32 to vector<16xi32>
      %add3A_581 = arith.addi %add3A_574, %add3A_580 : vector<16xi32>
      %gather3A_582 = tpu.vector_load_idx %arg19[%add3A_581] : memref<256xf32, #tpu.memory_space<vmem>>[vector<16xi32>], vector<16xf32>,
      %add3A_583 = arith.addf %add3A_576, %gather3A_582 : vector<16xf32>
      %gather3A_584 = tpu.vector_load_idx %arg20[%add3A_581] : memref<256xf32, #tpu.memory_space<vmem>>[vector<16xi32>], vector<16xf32>,
      %add3A_585 = arith.addf %add3A_578, %gather3A_584 : vector<16xf32>
      %add3A_586 = arith.constant 1 : i32
      %add3A_587 = vector.broadcast %add3A_586 : i32 to vector<16xi32>
      %add3A_588 = arith.addi %add3A_581, %add3A_587 : vector<16xi32>
      %gather3A_589 = tpu.vector_load_idx %arg19[%add3A_588] : memref<256xf32, #tpu.memory_space<vmem>>[vector<16xi32>], vector<16xf32>,
      %add3A_590 = arith.addf %add3A_583, %gather3A_589 : vector<16xf32>
      %gather3A_591 = tpu.vector_load_idx %arg20[%add3A_588] : memref<256xf32, #tpu.memory_space<vmem>>[vector<16xi32>], vector<16xf32>,
      %add3A_592 = arith.addf %add3A_585, %gather3A_591 : vector<16xf32>
      %add3A_593 = arith.constant 1 : i32
      %add3A_594 = vector.broadcast %add3A_593 : i32 to vector<16xi32>
      %add3A_595 = arith.addi %add3A_588, %add3A_594 : vector<16xi32>
      %gather3A_596 = tpu.vector_load_idx %arg19[%add3A_595] : memref<256xf32, #tpu.memory_space<vmem>>[vector<16xi32>], vector<16xf32>,
      %add3A_597 = arith.addf %add3A_590, %gather3A_596 : vector<16xf32>
      %gather3A_598 = tpu.vector_load_idx %arg20[%add3A_595] : memref<256xf32, #tpu.memory_space<vmem>>[vector<16xi32>], vector<16xf32>,
      %add3A_599 = arith.addf %add3A_592, %gather3A_598 : vector<16xf32>
      %add3A_600 = arith.constant 1 : i32
      %add3A_601 = vector.broadcast %add3A_600 : i32 to vector<16xi32>
      %add3A_602 = arith.addi %add3A_595, %add3A_601 : vector<16xi32>
      %gather3A_603 = tpu.vector_load_idx %arg19[%add3A_602] : memref<256xf32, #tpu.memory_space<vmem>>[vector<16xi32>], vector<16xf32>,
      %add3A_604 = arith.addf %add3A_597, %gather3A_603 : vector<16xf32>
      %gather3A_605 = tpu.vector_load_idx %arg20[%add3A_602] : memref<256xf32, #tpu.memory_space<vmem>>[vector<16xi32>], vector<16xf32>,
      %add3A_606 = arith.addf %add3A_599, %gather3A_605 : vector<16xf32>
      %add3A_607 = arith.constant 1 : i32
      %add3A_608 = vector.broadcast %add3A_607 : i32 to vector<16xi32>
      %add3A_609 = arith.addi %add3A_602, %add3A_608 : vector<16xi32>
      %gather3A_610 = tpu.vector_load_idx %arg19[%add3A_609] : memref<256xf32, #tpu.memory_space<vmem>>[vector<16xi32>], vector<16xf32>,
      %add3A_611 = arith.addf %add3A_604, %gather3A_610 : vector<16xf32>
      %gather3A_612 = tpu.vector_load_idx %arg20[%add3A_609] : memref<256xf32, #tpu.memory_space<vmem>>[vector<16xi32>], vector<16xf32>,
      %add3A_613 = arith.addf %add3A_606, %gather3A_612 : vector<16xf32>
      %add3A_614 = arith.constant 1 : i32
      %add3A_615 = vector.broadcast %add3A_614 : i32 to vector<16xi32>
      %add3A_616 = arith.addi %add3A_609, %add3A_615 : vector<16xi32>
      %gather3A_617 = tpu.vector_load_idx %arg19[%add3A_616] : memref<256xf32, #tpu.memory_space<vmem>>[vector<16xi32>], vector<16xf32>,
      %add3A_618 = arith.addf %add3A_611, %gather3A_617 : vector<16xf32>
      %gather3A_619 = tpu.vector_load_idx %arg20[%add3A_616] : memref<256xf32, #tpu.memory_space<vmem>>[vector<16xi32>], vector<16xf32>,
      %add3A_620 = arith.addf %add3A_613, %gather3A_619 : vector<16xf32>
      %add3A_621 = arith.constant 1 : i32
      %add3A_622 = vector.broadcast %add3A_621 : i32 to vector<16xi32>
      %add3A_623 = arith.addi %add3A_616, %add3A_622 : vector<16xi32>
      %gather3A_624 = tpu.vector_load_idx %arg19[%add3A_623] : memref<256xf32, #tpu.memory_space<vmem>>[vector<16xi32>], vector<16xf32>,
      %add3A_625 = arith.addf %add3A_618, %gather3A_624 : vector<16xf32>
      %gather3A_626 = tpu.vector_load_idx %arg20[%add3A_623] : memref<256xf32, #tpu.memory_space<vmem>>[vector<16xi32>], vector<16xf32>,
      %add3A_627 = arith.addf %add3A_620, %gather3A_626 : vector<16xf32>
      %add3A_628 = arith.constant 1 : i32
      %add3A_629 = vector.broadcast %add3A_628 : i32 to vector<16xi32>
      %add3A_630 = arith.addi %add3A_623, %add3A_629 : vector<16xi32>
      %gather3A_631 = tpu.vector_load_idx %arg19[%add3A_630] : memref<256xf32, #tpu.memory_space<vmem>>[vector<16xi32>], vector<16xf32>,
      %add3A_632 = arith.addf %add3A_625, %gather3A_631 : vector<16xf32>
      %gather3A_633 = tpu.vector_load_idx %arg20[%add3A_630] : memref<256xf32, #tpu.memory_space<vmem>>[vector<16xi32>], vector<16xf32>,
      %add3A_634 = arith.addf %add3A_627, %gather3A_633 : vector<16xf32>
      %add3A_635 = arith.constant 1 : i32
      %add3A_636 = vector.broadcast %add3A_635 : i32 to vector<16xi32>
      %add3A_637 = arith.addi %add3A_630, %add3A_636 : vector<16xi32>
      %gather3A_638 = tpu.vector_load_idx %arg19[%add3A_637] : memref<256xf32, #tpu.memory_space<vmem>>[vector<16xi32>], vector<16xf32>,
      %add3A_639 = arith.addf %add3A_632, %gather3A_638 : vector<16xf32>
      %gather3A_640 = tpu.vector_load_idx %arg20[%add3A_637] : memref<256xf32, #tpu.memory_space<vmem>>[vector<16xi32>], vector<16xf32>,
      %add3A_641 = arith.addf %add3A_634, %gather3A_640 : vector<16xf32>
      %add3A_642 = arith.constant 1 : i32
      %add3A_643 = vector.broadcast %add3A_642 : i32 to vector<16xi32>
      %add3A_644 = arith.addi %add3A_637, %add3A_643 : vector<16xi32>
      %gather3A_645 = tpu.vector_load_idx %arg19[%add3A_644] : memref<256xf32, #tpu.memory_space<vmem>>[vector<16xi32>], vector<16xf32>,
      %add3A_646 = arith.addf %add3A_639, %gather3A_645 : vector<16xf32>
      %gather3A_647 = tpu.vector_load_idx %arg20[%add3A_644] : memref<256xf32, #tpu.memory_space<vmem>>[vector<16xi32>], vector<16xf32>,
      %add3A_648 = arith.addf %add3A_641, %gather3A_647 : vector<16xf32>
      %add3A_649 = arith.constant 1 : i32
      %add3A_650 = vector.broadcast %add3A_649 : i32 to vector<16xi32>
      %add3A_651 = arith.addi %add3A_644, %add3A_650 : vector<16xi32>
      %gather3A_652 = tpu.vector_load_idx %arg19[%add3A_651] : memref<256xf32, #tpu.memory_space<vmem>>[vector<16xi32>], vector<16xf32>,
      %add3A_653 = arith.addf %add3A_646, %gather3A_652 : vector<16xf32>
      %gather3A_654 = tpu.vector_load_idx %arg20[%add3A_651] : memref<256xf32, #tpu.memory_space<vmem>>[vector<16xi32>], vector<16xf32>,
      %add3A_655 = arith.addf %add3A_648, %gather3A_654 : vector<16xf32>
      %add3A_656 = arith.constant 1 : i32
      %add3A_657 = vector.broadcast %add3A_656 : i32 to vector<16xi32>
      %add3A_658 = arith.addi %add3A_651, %add3A_657 : vector<16xi32>
      %gather3A_659 = tpu.vector_load_idx %arg19[%add3A_658] : memref<256xf32, #tpu.memory_space<vmem>>[vector<16xi32>], vector<16xf32>,
      %add3A_660 = arith.addf %add3A_653, %gather3A_659 : vector<16xf32>
      %gather3A_661 = tpu.vector_load_idx %arg20[%add3A_658] : memref<256xf32, #tpu.memory_space<vmem>>[vector<16xi32>], vector<16xf32>,
      %add3A_662 = arith.addf %add3A_655, %gather3A_661 : vector<16xf32>
      %add3A_663 = arith.constant 1 : i32
      %add3A_664 = vector.broadcast %add3A_663 : i32 to vector<16xi32>
      %add3A_665 = arith.addi %add3A_658, %add3A_664 : vector<16xi32>
      %gather3A_666 = tpu.vector_load_idx %arg19[%add3A_665] : memref<256xf32, #tpu.memory_space<vmem>>[vector<16xi32>], vector<16xf32>,
      %add3A_667 = arith.addf %add3A_660, %gather3A_666 : vector<16xf32>
      %gather3A_668 = tpu.vector_load_idx %arg20[%add3A_665] : memref<256xf32, #tpu.memory_space<vmem>>[vector<16xi32>], vector<16xf32>,
      %add3A_669 = arith.addf %add3A_662, %gather3A_668 : vector<16xf32>
      %swap3A_670 = arith.index_cast %multiple_of3A_554 : i32 to index
      %swap3A_671 = tpu.vector_load %arg17[%swap3A_670] {strides = array<i32>} : memref<5056xf32, #tpu.memory_space<vmem>>, vector<16xf32>,
      tpu.vector_store %arg17[%swap3A_670], %add3A_667 {strides = array<i32>} : memref<5056xf32, #tpu.memory_space<vmem>>, vector<16xf32>,
      %swap3A_672 = arith.index_cast %multiple_of3A_554 : i32 to index
      %swap3A_673 = tpu.vector_load %arg18[%swap3A_672] {strides = array<i32>} : memref<5056xf32, #tpu.memory_space<vmem>>, vector<16xf32>,
      tpu.vector_store %arg18[%swap3A_672], %add3A_669 {strides = array<i32>} : memref<5056xf32, #tpu.memory_space<vmem>>, vector<16xf32>,
      %add3A_674 = arith.constant 4 : i32
      %add3A_675 = arith.addi %add3A_540, %add3A_674 : i32
      %mul3A_676 = arith.constant 16 : i32
      %mul3A_677 = arith.muli %add3A_675, %mul3A_676 : i32
      %multiple_of3A_678 = tpu.assume_multiple %mul3A_677, 16 : i32
      %dma_start3A_679 = tpu.memref_slice %arg7[%multiple_of3A_678] : memref<5120xi32, #tpu.memory_space<vmem>> -> memref<16xi32, #tpu.memory_space<vmem>>
      %dma_start3A_680 = arith.constant 0 : i32
      %dma_start3A_681 = arith.constant 0 : i32
      %dma_start3A_682 = tpu.memref_slice %arg2[%dma_start3A_680, %dma_start3A_681] : memref<10000x512xf32, #tpu.memory_space<hbm>> -> memref<10000x512xf32, #tpu.memory_space<hbm>>
      tpu.enqueue_indirect_dma source(%dma_start3A_682 : memref<10000x512xf32, #tpu.memory_space<hbm>>) target(%arg15 : memref<16x512xf32, #tpu.memory_space<vmem>>) offsets(%dma_start3A_679 : memref<16xi32, #tpu.memory_space<vmem>>) semaphore(%arg24 : memref<!tpu.dma_semaphore, #tpu.memory_space<semaphore_mem>>)
      %dma_start3A_683 = tpu.memref_slice %arg8[%multiple_of3A_678] : memref<5120xi32, #tpu.memory_space<vmem>> -> memref<16xi32, #tpu.memory_space<vmem>>
      %dma_start3A_684 = arith.constant 0 : i32
      %dma_start3A_685 = arith.constant 0 : i32
      %dma_start3A_686 = tpu.memref_slice %arg2[%dma_start3A_684, %dma_start3A_685] : memref<10000x512xf32, #tpu.memory_space<hbm>> -> memref<10000x512xf32, #tpu.memory_space<hbm>>
      tpu.enqueue_indirect_dma source(%dma_start3A_686 : memref<10000x512xf32, #tpu.memory_space<hbm>>) target(%arg16 : memref<16x512xf32, #tpu.memory_space<vmem>>) offsets(%dma_start3A_683 : memref<16xi32, #tpu.memory_space<vmem>>) semaphore(%arg24 : memref<!tpu.dma_semaphore, #tpu.memory_space<semaphore_mem>>)
    }
    %scan3A_48 = arith.constant 79 : i32
    %multiple_of3A_49 = arith.constant 5056 : i32
    %multiple_of3A_50 = tpu.assume_multiple %multiple_of3A_49, 16 : i32
    %dma_wait3A = tpu.memref_slice %arg7[%multiple_of3A_50] : memref<5120xi32, #tpu.memory_space<vmem>> -> memref<16xi32, #tpu.memory_space<vmem>>
    %dma_wait3A_51 = arith.constant 0 : i32
    %dma_wait3A_52 = arith.constant 0 : i32
    %dma_wait3A_53 = tpu.memref_slice %arg2[%dma_wait3A_51, %dma_wait3A_52] : memref<10000x512xf32, #tpu.memory_space<hbm>> -> memref<10000x512xf32, #tpu.memory_space<hbm>>
    tpu.wait_indirect_dma semaphore(%arg21 : memref<!tpu.dma_semaphore, #tpu.memory_space<semaphore_mem>>) src(%dma_wait3A_53 : memref<10000x512xf32, #tpu.memory_space<hbm>>) dst(%arg9 : memref<16x512xf32, #tpu.memory_space<vmem>>)
    %dma_wait3A_54 = tpu.memref_slice %arg8[%multiple_of3A_50] : memref<5120xi32, #tpu.memory_space<vmem>> -> memref<16xi32, #tpu.memory_space<vmem>>
    %dma_wait3A_55 = arith.constant 0 : i32
    %dma_wait3A_56 = arith.constant 0 : i32
    %dma_wait3A_57 = tpu.memref_slice %arg2[%dma_wait3A_55, %dma_wait3A_56] : memref<10000x512xf32, #tpu.memory_space<hbm>> -> memref<10000x512xf32, #tpu.memory_space<hbm>>
    tpu.wait_indirect_dma semaphore(%arg21 : memref<!tpu.dma_semaphore, #tpu.memory_space<semaphore_mem>>) src(%dma_wait3A_57 : memref<10000x512xf32, #tpu.memory_space<hbm>>) dst(%arg10 : memref<16x512xf32, #tpu.memory_space<vmem>>)
    %multiple_of3A_58 = arith.constant 5072 : i32
    %multiple_of3A_59 = tpu.assume_multiple %multiple_of3A_58, 16 : i32
    %dma_wait3A_60 = tpu.memref_slice %arg7[%multiple_of3A_59] : memref<5120xi32, #tpu.memory_space<vmem>> -> memref<16xi32, #tpu.memory_space<vmem>>
    %dma_wait3A_61 = arith.constant 0 : i32
    %dma_wait3A_62 = arith.constant 0 : i32
    %dma_wait3A_63 = tpu.memref_slice %arg2[%dma_wait3A_61, %dma_wait3A_62] : memref<10000x512xf32, #tpu.memory_space<hbm>> -> memref<10000x512xf32, #tpu.memory_space<hbm>>
    tpu.wait_indirect_dma semaphore(%arg22 : memref<!tpu.dma_semaphore, #tpu.memory_space<semaphore_mem>>) src(%dma_wait3A_63 : memref<10000x512xf32, #tpu.memory_space<hbm>>) dst(%arg11 : memref<16x512xf32, #tpu.memory_space<vmem>>)
    %dma_wait3A_64 = tpu.memref_slice %arg8[%multiple_of3A_59] : memref<5120xi32, #tpu.memory_space<vmem>> -> memref<16xi32, #tpu.memory_space<vmem>>
    %dma_wait3A_65 = arith.constant 0 : i32
    %dma_wait3A_66 = arith.constant 0 : i32
    %dma_wait3A_67 = tpu.memref_slice %arg2[%dma_wait3A_65, %dma_wait3A_66] : memref<10000x512xf32, #tpu.memory_space<hbm>> -> memref<10000x512xf32, #tpu.memory_space<hbm>>
    tpu.wait_indirect_dma semaphore(%arg22 : memref<!tpu.dma_semaphore, #tpu.memory_space<semaphore_mem>>) src(%dma_wait3A_67 : memref<10000x512xf32, #tpu.memory_space<hbm>>) dst(%arg12 : memref<16x512xf32, #tpu.memory_space<vmem>>)
    %multiple_of3A_68 = arith.constant 5088 : i32
    %multiple_of3A_69 = tpu.assume_multiple %multiple_of3A_68, 16 : i32
    %dma_wait3A_70 = tpu.memref_slice %arg7[%multiple_of3A_69] : memref<5120xi32, #tpu.memory_space<vmem>> -> memref<16xi32, #tpu.memory_space<vmem>>
    %dma_wait3A_71 = arith.constant 0 : i32
    %dma_wait3A_72 = arith.constant 0 : i32
    %dma_wait3A_73 = tpu.memref_slice %arg2[%dma_wait3A_71, %dma_wait3A_72] : memref<10000x512xf32, #tpu.memory_space<hbm>> -> memref<10000x512xf32, #tpu.memory_space<hbm>>
    tpu.wait_indirect_dma semaphore(%arg23 : memref<!tpu.dma_semaphore, #tpu.memory_space<semaphore_mem>>) src(%dma_wait3A_73 : memref<10000x512xf32, #tpu.memory_space<hbm>>) dst(%arg13 : memref<16x512xf32, #tpu.memory_space<vmem>>)
    %dma_wait3A_74 = tpu.memref_slice %arg8[%multiple_of3A_69] : memref<5120xi32, #tpu.memory_space<vmem>> -> memref<16xi32, #tpu.memory_space<vmem>>
    %dma_wait3A_75 = arith.constant 0 : i32
    %dma_wait3A_76 = arith.constant 0 : i32
    %dma_wait3A_77 = tpu.memref_slice %arg2[%dma_wait3A_75, %dma_wait3A_76] : memref<10000x512xf32, #tpu.memory_space<hbm>> -> memref<10000x512xf32, #tpu.memory_space<hbm>>
    tpu.wait_indirect_dma semaphore(%arg23 : memref<!tpu.dma_semaphore, #tpu.memory_space<semaphore_mem>>) src(%dma_wait3A_77 : memref<10000x512xf32, #tpu.memory_space<hbm>>) dst(%arg14 : memref<16x512xf32, #tpu.memory_space<vmem>>)
    %multiple_of3A_78 = arith.constant 5104 : i32
    %multiple_of3A_79 = tpu.assume_multiple %multiple_of3A_78, 16 : i32
    %dma_wait3A_80 = tpu.memref_slice %arg7[%multiple_of3A_79] : memref<5120xi32, #tpu.memory_space<vmem>> -> memref<16xi32, #tpu.memory_space<vmem>>
    %dma_wait3A_81 = arith.constant 0 : i32
    %dma_wait3A_82 = arith.constant 0 : i32
    %dma_wait3A_83 = tpu.memref_slice %arg2[%dma_wait3A_81, %dma_wait3A_82] : memref<10000x512xf32, #tpu.memory_space<hbm>> -> memref<10000x512xf32, #tpu.memory_space<hbm>>
    tpu.wait_indirect_dma semaphore(%arg24 : memref<!tpu.dma_semaphore, #tpu.memory_space<semaphore_mem>>) src(%dma_wait3A_83 : memref<10000x512xf32, #tpu.memory_space<hbm>>) dst(%arg15 : memref<16x512xf32, #tpu.memory_space<vmem>>)
    %dma_wait3A_84 = tpu.memref_slice %arg8[%multiple_of3A_79] : memref<5120xi32, #tpu.memory_space<vmem>> -> memref<16xi32, #tpu.memory_space<vmem>>
    %dma_wait3A_85 = arith.constant 0 : i32
    %dma_wait3A_86 = arith.constant 0 : i32
    %dma_wait3A_87 = tpu.memref_slice %arg2[%dma_wait3A_85, %dma_wait3A_86] : memref<10000x512xf32, #tpu.memory_space<hbm>> -> memref<10000x512xf32, #tpu.memory_space<hbm>>
    tpu.wait_indirect_dma semaphore(%arg24 : memref<!tpu.dma_semaphore, #tpu.memory_space<semaphore_mem>>) src(%dma_wait3A_87 : memref<10000x512xf32, #tpu.memory_space<hbm>>) dst(%arg16 : memref<16x512xf32, #tpu.memory_space<vmem>>)
    "tpu.region"() ({
      %run_scoped3A = tpu.sem_alloc : memref<!tpu.dma_semaphore, #tpu.memory_space<semaphore_mem>>
      %dma_start3A_88 = tpu.memref_slice %arg5[%multiple_of3A] : memref<161792xf32, #tpu.memory_space<hbm>> -> memref<5056xf32, #tpu.memory_space<hbm>>
      %dma_start3A_89 = tpu.memref_slice %arg5[%multiple_of3A] : memref<161792xf32, #tpu.memory_space<hbm>> -> memref<5056xf32, #tpu.memory_space<hbm>>
      tpu.enqueue_dma source(%arg17 : memref<5056xf32, #tpu.memory_space<vmem>>) target(%dma_start3A_89 : memref<5056xf32, #tpu.memory_space<hbm>>) target_semaphore(%run_scoped3A : memref<!tpu.dma_semaphore, #tpu.memory_space<semaphore_mem>>)
      %dma_wait3A_90 = tpu.memref_slice %arg5[%multiple_of3A] : memref<161792xf32, #tpu.memory_space<hbm>> -> memref<5056xf32, #tpu.memory_space<hbm>>
      %dma_wait3A_91 = tpu.memref_slice %arg5[%multiple_of3A] : memref<161792xf32, #tpu.memory_space<hbm>> -> memref<5056xf32, #tpu.memory_space<hbm>>
      tpu.wait_dma2 semaphore(%run_scoped3A : memref<!tpu.dma_semaphore, #tpu.memory_space<semaphore_mem>>) src(%arg17 : memref<5056xf32, #tpu.memory_space<vmem>>) dst(%dma_wait3A_91 : memref<5056xf32, #tpu.memory_space<hbm>>)
      tpu.yield
    }) : () -> ()
    "tpu.region"() ({
      %run_scoped3A = tpu.sem_alloc : memref<!tpu.dma_semaphore, #tpu.memory_space<semaphore_mem>>
      %dma_start3A_88 = tpu.memref_slice %arg6[%multiple_of3A] : memref<161792xf32, #tpu.memory_space<hbm>> -> memref<5056xf32, #tpu.memory_space<hbm>>
      %dma_start3A_89 = tpu.memref_slice %arg6[%multiple_of3A] : memref<161792xf32, #tpu.memory_space<hbm>> -> memref<5056xf32, #tpu.memory_space<hbm>>
      tpu.enqueue_dma source(%arg18 : memref<5056xf32, #tpu.memory_space<vmem>>) target(%dma_start3A_89 : memref<5056xf32, #tpu.memory_space<hbm>>) target_semaphore(%run_scoped3A : memref<!tpu.dma_semaphore, #tpu.memory_space<semaphore_mem>>)
      %dma_wait3A_90 = tpu.memref_slice %arg6[%multiple_of3A] : memref<161792xf32, #tpu.memory_space<hbm>> -> memref<5056xf32, #tpu.memory_space<hbm>>
      %dma_wait3A_91 = tpu.memref_slice %arg6[%multiple_of3A] : memref<161792xf32, #tpu.memory_space<hbm>> -> memref<5056xf32, #tpu.memory_space<hbm>>
      tpu.wait_dma2 semaphore(%run_scoped3A : memref<!tpu.dma_semaphore, #tpu.memory_space<semaphore_mem>>) src(%arg18 : memref<5056xf32, #tpu.memory_space<vmem>>) dst(%dma_wait3A_91 : memref<5056xf32, #tpu.memory_space<hbm>>)
      tpu.yield
    }) : () -> ()
    return
  }
}

#map = affine_map<(d0, d1) -> (0)>
module attributes {stable_mosaic.version = 14 : i64} {
  func.func @body(%arg0: i32, %arg1: i32, %arg2: memref<161792xf32, #tpu.memory_space<hbm>>, %arg3: memref<161792xf32, #tpu.memory_space<hbm>>, %arg4: memref<161792xi32, #tpu.memory_space<hbm>>, %arg5: memref<641024xf32, #tpu.memory_space<hbm>>, %arg6: memref<5056xi32, #tpu.memory_space<vmem>>, %arg7: memref<5056xf32, #tpu.memory_space<vmem>>, %arg8: memref<5056xf32, #tpu.memory_space<vmem>>, %arg9: memref<10016xf32, #tpu.memory_space<vmem>>, %arg10: memref<10016xf32, #tpu.memory_space<vmem>>, %arg11: memref<16xi32, #tpu.memory_space<vmem>>, %arg12: memref<16xf32, #tpu.memory_space<vmem>>) attributes {dimension_semantics = [#tpu.dimension_semantics<core_parallel>, #tpu.dimension_semantics<subcore_parallel>], iteration_bounds = array<i64: 2, 16>, scalar_prefetch = 0 : i64, scratch_operands = 7 : i64, tpu.core_type = #tpu.core_type<sc_vector_subcore>, window_params = [{transform_indices = #map}, {transform_indices = #map}, {transform_indices = #map}, {transform_indices = #map}]} {
    %mul3A = arith.constant 2 : i32
    %mul3A_0 = arith.muli %arg1, %mul3A : i32
    %add3A = arith.addi %mul3A_0, %arg0 : i32
    %mul3A_1 = arith.constant 5056 : i32
    %mul3A_2 = arith.muli %add3A, %mul3A_1 : i32
    %multiple_of3A = tpu.assume_multiple %mul3A_2, 8 : i32
    "tpu.region"() ({
      %run_scoped3A = tpu.sem_alloc : memref<!tpu.dma_semaphore, #tpu.memory_space<semaphore_mem>>
      %dma_start3A = tpu.memref_slice %arg4[%multiple_of3A] : memref<161792xi32, #tpu.memory_space<hbm>> -> memref<5056xi32, #tpu.memory_space<hbm>>
      %dma_start3A_20 = tpu.memref_slice %arg4[%multiple_of3A] : memref<161792xi32, #tpu.memory_space<hbm>> -> memref<5056xi32, #tpu.memory_space<hbm>>
      tpu.enqueue_dma source(%dma_start3A_20 : memref<5056xi32, #tpu.memory_space<hbm>>) target(%arg6 : memref<5056xi32, #tpu.memory_space<vmem>>) target_semaphore(%run_scoped3A : memref<!tpu.dma_semaphore, #tpu.memory_space<semaphore_mem>>)
      %dma_wait3A = tpu.memref_slice %arg4[%multiple_of3A] : memref<161792xi32, #tpu.memory_space<hbm>> -> memref<5056xi32, #tpu.memory_space<hbm>>
      %dma_wait3A_21 = tpu.memref_slice %arg4[%multiple_of3A] : memref<161792xi32, #tpu.memory_space<hbm>> -> memref<5056xi32, #tpu.memory_space<hbm>>
      tpu.wait_dma2 semaphore(%run_scoped3A : memref<!tpu.dma_semaphore, #tpu.memory_space<semaphore_mem>>) src(%dma_wait3A_21 : memref<5056xi32, #tpu.memory_space<hbm>>) dst(%arg6 : memref<5056xi32, #tpu.memory_space<vmem>>)
      tpu.yield
    }) : () -> ()
    "tpu.region"() ({
      %run_scoped3A = tpu.sem_alloc : memref<!tpu.dma_semaphore, #tpu.memory_space<semaphore_mem>>
      %dma_start3A = tpu.memref_slice %arg2[%multiple_of3A] : memref<161792xf32, #tpu.memory_space<hbm>> -> memref<5056xf32, #tpu.memory_space<hbm>>
      %dma_start3A_20 = tpu.memref_slice %arg2[%multiple_of3A] : memref<161792xf32, #tpu.memory_space<hbm>> -> memref<5056xf32, #tpu.memory_space<hbm>>
      tpu.enqueue_dma source(%dma_start3A_20 : memref<5056xf32, #tpu.memory_space<hbm>>) target(%arg7 : memref<5056xf32, #tpu.memory_space<vmem>>) target_semaphore(%run_scoped3A : memref<!tpu.dma_semaphore, #tpu.memory_space<semaphore_mem>>)
      %dma_wait3A = tpu.memref_slice %arg2[%multiple_of3A] : memref<161792xf32, #tpu.memory_space<hbm>> -> memref<5056xf32, #tpu.memory_space<hbm>>
      %dma_wait3A_21 = tpu.memref_slice %arg2[%multiple_of3A] : memref<161792xf32, #tpu.memory_space<hbm>> -> memref<5056xf32, #tpu.memory_space<hbm>>
      tpu.wait_dma2 semaphore(%run_scoped3A : memref<!tpu.dma_semaphore, #tpu.memory_space<semaphore_mem>>) src(%dma_wait3A_21 : memref<5056xf32, #tpu.memory_space<hbm>>) dst(%arg7 : memref<5056xf32, #tpu.memory_space<vmem>>)
      tpu.yield
    }) : () -> ()
    "tpu.region"() ({
      %run_scoped3A = tpu.sem_alloc : memref<!tpu.dma_semaphore, #tpu.memory_space<semaphore_mem>>
      %dma_start3A = tpu.memref_slice %arg3[%multiple_of3A] : memref<161792xf32, #tpu.memory_space<hbm>> -> memref<5056xf32, #tpu.memory_space<hbm>>
      %dma_start3A_20 = tpu.memref_slice %arg3[%multiple_of3A] : memref<161792xf32, #tpu.memory_space<hbm>> -> memref<5056xf32, #tpu.memory_space<hbm>>
      tpu.enqueue_dma source(%dma_start3A_20 : memref<5056xf32, #tpu.memory_space<hbm>>) target(%arg8 : memref<5056xf32, #tpu.memory_space<vmem>>) target_semaphore(%run_scoped3A : memref<!tpu.dma_semaphore, #tpu.memory_space<semaphore_mem>>)
      %dma_wait3A = tpu.memref_slice %arg3[%multiple_of3A] : memref<161792xf32, #tpu.memory_space<hbm>> -> memref<5056xf32, #tpu.memory_space<hbm>>
      %dma_wait3A_21 = tpu.memref_slice %arg3[%multiple_of3A] : memref<161792xf32, #tpu.memory_space<hbm>> -> memref<5056xf32, #tpu.memory_space<hbm>>
      tpu.wait_dma2 semaphore(%run_scoped3A : memref<!tpu.dma_semaphore, #tpu.memory_space<semaphore_mem>>) src(%dma_wait3A_21 : memref<5056xf32, #tpu.memory_space<hbm>>) dst(%arg8 : memref<5056xf32, #tpu.memory_space<vmem>>)
      tpu.yield
    }) : () -> ()
    %broadcast_in_dim3A = arith.constant 0xFF800000 : f32
    %broadcast_in_dim3A_3 = vector.broadcast %broadcast_in_dim3A : f32 to vector<16xf32>
    %scan3A = arith.constant 0 : i32
    %scan3A_4 = arith.constant 626 : i32
    %scan3A_5 = arith.addi %scan3A, %scan3A_4 : i32
    %scan3A_6 = arith.constant 1 : i32
    scf.for %scan3A_20 = %scan3A to %scan3A_5 step %scan3A_6  : i32 {
      %mul3A_21 = arith.constant 16 : i32
      %mul3A_22 = arith.muli %scan3A_20, %mul3A_21 : i32
      %multiple_of3A_23 = tpu.assume_multiple %mul3A_22, 16 : i32
      %swap3A = arith.index_cast %multiple_of3A_23 : i32 to index
      %swap3A_24 = tpu.vector_load %arg9[%swap3A] {strides = array<i32>} : memref<10016xf32, #tpu.memory_space<vmem>>, vector<16xf32>,
      tpu.vector_store %arg9[%swap3A], %broadcast_in_dim3A_3 {strides = array<i32>} : memref<10016xf32, #tpu.memory_space<vmem>>, vector<16xf32>,
      %swap3A_25 = arith.index_cast %multiple_of3A_23 : i32 to index
      %swap3A_26 = tpu.vector_load %arg10[%swap3A_25] {strides = array<i32>} : memref<10016xf32, #tpu.memory_space<vmem>>, vector<16xf32>,
      tpu.vector_store %arg10[%swap3A_25], %broadcast_in_dim3A_3 {strides = array<i32>} : memref<10016xf32, #tpu.memory_space<vmem>>, vector<16xf32>,
    }
    %scan3A_7 = arith.constant 626 : i32
    %iota3A = tpu.iota {dimensions = array<i32: 0>} : vector<16xi32>
    %scan3A_8 = arith.constant 0 : i32
    %scan3A_9 = arith.constant 316 : i32
    %scan3A_10 = arith.addi %scan3A_8, %scan3A_9 : i32
    %scan3A_11 = arith.constant 1 : i32
    scf.for %scan3A_20 = %scan3A_8 to %scan3A_10 step %scan3A_11  : i32 {
      %mul3A_21 = arith.constant 16 : i32
      %mul3A_22 = arith.muli %scan3A_20, %mul3A_21 : i32
      %multiple_of3A_23 = tpu.assume_multiple %mul3A_22, 16 : i32
      %get3A = arith.index_cast %multiple_of3A_23 : i32 to index
      %get3A_24 = tpu.vector_load %arg6[%get3A] {strides = array<i32>} : memref<5056xi32, #tpu.memory_space<vmem>>, vector<16xi32>,
      %get3A_25 = arith.index_cast %multiple_of3A_23 : i32 to index
      %get3A_26 = tpu.vector_load %arg7[%get3A_25] {strides = array<i32>} : memref<5056xf32, #tpu.memory_space<vmem>>, vector<16xf32>,
      %get3A_27 = arith.index_cast %multiple_of3A_23 : i32 to index
      %get3A_28 = tpu.vector_load %arg8[%get3A_27] {strides = array<i32>} : memref<5056xf32, #tpu.memory_space<vmem>>, vector<16xf32>,
      %masked_sort3A = arith.constant dense<true> : vector<16xi1>
      %masked_sort3A_29 = arith.constant -2147483648 : i32
      %masked_sort3A_30 = vector.broadcast %masked_sort3A_29 : i32 to vector<16xi32>
      %masked_sort3A_31 = arith.xori %get3A_24, %masked_sort3A_30 : vector<16xi32>
      %masked_sort3A_32, %masked_sort3A_33, %masked_sort3A_34 = tpu.sort %masked_sort3A_31, %get3A_26 masked %masked_sort3A : (vector<16xi32>, vector<16xf32>, vector<16xi1>) -> (vector<16xi1>, vector<16xi32>, vector<16xf32>)
      %masked_sort3A_35 = arith.xori %masked_sort3A_33, %masked_sort3A_30 : vector<16xi32>
      %masked_sort3A_36 = arith.constant dense<true> : vector<16xi1>
      %masked_sort3A_37 = arith.constant -2147483648 : i32
      %masked_sort3A_38 = vector.broadcast %masked_sort3A_37 : i32 to vector<16xi32>
      %masked_sort3A_39 = arith.xori %get3A_24, %masked_sort3A_38 : vector<16xi32>
      %masked_sort3A_40, %masked_sort3A_41, %masked_sort3A_42 = tpu.sort %masked_sort3A_39, %get3A_28 masked %masked_sort3A_36 : (vector<16xi32>, vector<16xf32>, vector<16xi1>) -> (vector<16xi1>, vector<16xi32>, vector<16xf32>)
      %masked_sort3A_43 = arith.xori %masked_sort3A_41, %masked_sort3A_38 : vector<16xi32>
      %add3A_44 = arith.constant 1 : i32
      %add3A_45 = vector.broadcast %add3A_44 : i32 to vector<16xi32>
      %add3A_46 = arith.addi %iota3A, %add3A_45 : vector<16xi32>
      %and3A = arith.constant 15 : i32
      %and3A_47 = vector.broadcast %and3A : i32 to vector<16xi32>
      %and3A_48 = arith.andi %add3A_46, %and3A_47 : vector<16xi32>
      %swap3A = arith.constant 0 : index
      %swap3A_49 = tpu.vector_load %arg11[%swap3A] {strides = array<i32>} : memref<16xi32, #tpu.memory_space<vmem>>, vector<16xi32>,
      tpu.vector_store %arg11[%swap3A], %masked_sort3A_35 {strides = array<i32>} : memref<16xi32, #tpu.memory_space<vmem>>, vector<16xi32>,
      %gather3A = tpu.vector_load_idx %arg11[%and3A_48] : memref<16xi32, #tpu.memory_space<vmem>>[vector<16xi32>], vector<16xi32>,
      %eq3A = arith.cmpi eq, %gather3A, %masked_sort3A_35 : vector<16xi32>
      %swap3A_50 = arith.constant 0 : index
      %swap3A_51 = tpu.vector_load %arg12[%swap3A_50] {strides = array<i32>} : memref<16xf32, #tpu.memory_space<vmem>>, vector<16xf32>,
      tpu.vector_store %arg12[%swap3A_50], %masked_sort3A_34 {strides = array<i32>} : memref<16xf32, #tpu.memory_space<vmem>>, vector<16xf32>,
      %gather3A_52 = tpu.vector_load_idx %arg12[%and3A_48] : memref<16xf32, #tpu.memory_space<vmem>>[vector<16xi32>], vector<16xf32>,
      %max3A = arith.maximumf %masked_sort3A_34, %gather3A_52 : vector<16xf32>
      %select_n3A = arith.select %eq3A, %max3A, %masked_sort3A_34 : vector<16xi1>, vector<16xf32>
      %swap3A_53 = arith.constant 0 : index
      %swap3A_54 = tpu.vector_load %arg12[%swap3A_53] {strides = array<i32>} : memref<16xf32, #tpu.memory_space<vmem>>, vector<16xf32>,
      tpu.vector_store %arg12[%swap3A_53], %masked_sort3A_42 {strides = array<i32>} : memref<16xf32, #tpu.memory_space<vmem>>, vector<16xf32>,
      %gather3A_55 = tpu.vector_load_idx %arg12[%and3A_48] : memref<16xf32, #tpu.memory_space<vmem>>[vector<16xi32>], vector<16xf32>,
      %max3A_56 = arith.maximumf %masked_sort3A_42, %gather3A_55 : vector<16xf32>
      %select_n3A_57 = arith.select %eq3A, %max3A_56, %masked_sort3A_42 : vector<16xi1>, vector<16xf32>
      %add3A_58 = arith.constant 2 : i32
      %add3A_59 = vector.broadcast %add3A_58 : i32 to vector<16xi32>
      %add3A_60 = arith.addi %iota3A, %add3A_59 : vector<16xi32>
      %and3A_61 = arith.constant 15 : i32
      %and3A_62 = vector.broadcast %and3A_61 : i32 to vector<16xi32>
      %and3A_63 = arith.andi %add3A_60, %and3A_62 : vector<16xi32>
      %swap3A_64 = arith.constant 0 : index
      %swap3A_65 = tpu.vector_load %arg11[%swap3A_64] {strides = array<i32>} : memref<16xi32, #tpu.memory_space<vmem>>, vector<16xi32>,
      tpu.vector_store %arg11[%swap3A_64], %masked_sort3A_35 {strides = array<i32>} : memref<16xi32, #tpu.memory_space<vmem>>, vector<16xi32>,
      %gather3A_66 = tpu.vector_load_idx %arg11[%and3A_63] : memref<16xi32, #tpu.memory_space<vmem>>[vector<16xi32>], vector<16xi32>,
      %eq3A_67 = arith.cmpi eq, %gather3A_66, %masked_sort3A_35 : vector<16xi32>
      %swap3A_68 = arith.constant 0 : index
      %swap3A_69 = tpu.vector_load %arg12[%swap3A_68] {strides = array<i32>} : memref<16xf32, #tpu.memory_space<vmem>>, vector<16xf32>,
      tpu.vector_store %arg12[%swap3A_68], %select_n3A {strides = array<i32>} : memref<16xf32, #tpu.memory_space<vmem>>, vector<16xf32>,
      %gather3A_70 = tpu.vector_load_idx %arg12[%and3A_63] : memref<16xf32, #tpu.memory_space<vmem>>[vector<16xi32>], vector<16xf32>,
      %max3A_71 = arith.maximumf %select_n3A, %gather3A_70 : vector<16xf32>
      %select_n3A_72 = arith.select %eq3A_67, %max3A_71, %select_n3A : vector<16xi1>, vector<16xf32>
      %swap3A_73 = arith.constant 0 : index
      %swap3A_74 = tpu.vector_load %arg12[%swap3A_73] {strides = array<i32>} : memref<16xf32, #tpu.memory_space<vmem>>, vector<16xf32>,
      tpu.vector_store %arg12[%swap3A_73], %select_n3A_57 {strides = array<i32>} : memref<16xf32, #tpu.memory_space<vmem>>, vector<16xf32>,
      %gather3A_75 = tpu.vector_load_idx %arg12[%and3A_63] : memref<16xf32, #tpu.memory_space<vmem>>[vector<16xi32>], vector<16xf32>,
      %max3A_76 = arith.maximumf %select_n3A_57, %gather3A_75 : vector<16xf32>
      %select_n3A_77 = arith.select %eq3A_67, %max3A_76, %select_n3A_57 : vector<16xi1>, vector<16xf32>
      %add3A_78 = arith.constant 4 : i32
      %add3A_79 = vector.broadcast %add3A_78 : i32 to vector<16xi32>
      %add3A_80 = arith.addi %iota3A, %add3A_79 : vector<16xi32>
      %and3A_81 = arith.constant 15 : i32
      %and3A_82 = vector.broadcast %and3A_81 : i32 to vector<16xi32>
      %and3A_83 = arith.andi %add3A_80, %and3A_82 : vector<16xi32>
      %swap3A_84 = arith.constant 0 : index
      %swap3A_85 = tpu.vector_load %arg11[%swap3A_84] {strides = array<i32>} : memref<16xi32, #tpu.memory_space<vmem>>, vector<16xi32>,
      tpu.vector_store %arg11[%swap3A_84], %masked_sort3A_35 {strides = array<i32>} : memref<16xi32, #tpu.memory_space<vmem>>, vector<16xi32>,
      %gather3A_86 = tpu.vector_load_idx %arg11[%and3A_83] : memref<16xi32, #tpu.memory_space<vmem>>[vector<16xi32>], vector<16xi32>,
      %eq3A_87 = arith.cmpi eq, %gather3A_86, %masked_sort3A_35 : vector<16xi32>
      %swap3A_88 = arith.constant 0 : index
      %swap3A_89 = tpu.vector_load %arg12[%swap3A_88] {strides = array<i32>} : memref<16xf32, #tpu.memory_space<vmem>>, vector<16xf32>,
      tpu.vector_store %arg12[%swap3A_88], %select_n3A_72 {strides = array<i32>} : memref<16xf32, #tpu.memory_space<vmem>>, vector<16xf32>,
      %gather3A_90 = tpu.vector_load_idx %arg12[%and3A_83] : memref<16xf32, #tpu.memory_space<vmem>>[vector<16xi32>], vector<16xf32>,
      %max3A_91 = arith.maximumf %select_n3A_72, %gather3A_90 : vector<16xf32>
      %select_n3A_92 = arith.select %eq3A_87, %max3A_91, %select_n3A_72 : vector<16xi1>, vector<16xf32>
      %swap3A_93 = arith.constant 0 : index
      %swap3A_94 = tpu.vector_load %arg12[%swap3A_93] {strides = array<i32>} : memref<16xf32, #tpu.memory_space<vmem>>, vector<16xf32>,
      tpu.vector_store %arg12[%swap3A_93], %select_n3A_77 {strides = array<i32>} : memref<16xf32, #tpu.memory_space<vmem>>, vector<16xf32>,
      %gather3A_95 = tpu.vector_load_idx %arg12[%and3A_83] : memref<16xf32, #tpu.memory_space<vmem>>[vector<16xi32>], vector<16xf32>,
      %max3A_96 = arith.maximumf %select_n3A_77, %gather3A_95 : vector<16xf32>
      %select_n3A_97 = arith.select %eq3A_87, %max3A_96, %select_n3A_77 : vector<16xi1>, vector<16xf32>
      %add3A_98 = arith.constant 8 : i32
      %add3A_99 = vector.broadcast %add3A_98 : i32 to vector<16xi32>
      %add3A_100 = arith.addi %iota3A, %add3A_99 : vector<16xi32>
      %and3A_101 = arith.constant 15 : i32
      %and3A_102 = vector.broadcast %and3A_101 : i32 to vector<16xi32>
      %and3A_103 = arith.andi %add3A_100, %and3A_102 : vector<16xi32>
      %swap3A_104 = arith.constant 0 : index
      %swap3A_105 = tpu.vector_load %arg11[%swap3A_104] {strides = array<i32>} : memref<16xi32, #tpu.memory_space<vmem>>, vector<16xi32>,
      tpu.vector_store %arg11[%swap3A_104], %masked_sort3A_35 {strides = array<i32>} : memref<16xi32, #tpu.memory_space<vmem>>, vector<16xi32>,
      %gather3A_106 = tpu.vector_load_idx %arg11[%and3A_103] : memref<16xi32, #tpu.memory_space<vmem>>[vector<16xi32>], vector<16xi32>,
      %eq3A_107 = arith.cmpi eq, %gather3A_106, %masked_sort3A_35 : vector<16xi32>
      %swap3A_108 = arith.constant 0 : index
      %swap3A_109 = tpu.vector_load %arg12[%swap3A_108] {strides = array<i32>} : memref<16xf32, #tpu.memory_space<vmem>>, vector<16xf32>,
      tpu.vector_store %arg12[%swap3A_108], %select_n3A_92 {strides = array<i32>} : memref<16xf32, #tpu.memory_space<vmem>>, vector<16xf32>,
      %gather3A_110 = tpu.vector_load_idx %arg12[%and3A_103] : memref<16xf32, #tpu.memory_space<vmem>>[vector<16xi32>], vector<16xf32>,
      %max3A_111 = arith.maximumf %select_n3A_92, %gather3A_110 : vector<16xf32>
      %select_n3A_112 = arith.select %eq3A_107, %max3A_111, %select_n3A_92 : vector<16xi1>, vector<16xf32>
      %swap3A_113 = arith.constant 0 : index
      %swap3A_114 = tpu.vector_load %arg12[%swap3A_113] {strides = array<i32>} : memref<16xf32, #tpu.memory_space<vmem>>, vector<16xf32>,
      tpu.vector_store %arg12[%swap3A_113], %select_n3A_97 {strides = array<i32>} : memref<16xf32, #tpu.memory_space<vmem>>, vector<16xf32>,
      %gather3A_115 = tpu.vector_load_idx %arg12[%and3A_103] : memref<16xf32, #tpu.memory_space<vmem>>[vector<16xi32>], vector<16xf32>,
      %max3A_116 = arith.maximumf %select_n3A_97, %gather3A_115 : vector<16xf32>
      %select_n3A_117 = arith.select %eq3A_107, %max3A_116, %select_n3A_97 : vector<16xi1>, vector<16xf32>
      %add3A_118 = arith.constant 16 : i32
      %add3A_119 = vector.broadcast %add3A_118 : i32 to vector<16xi32>
      %add3A_120 = arith.addi %iota3A, %add3A_119 : vector<16xi32>
      %sub3A = arith.constant 1 : i32
      %sub3A_121 = vector.broadcast %sub3A : i32 to vector<16xi32>
      %sub3A_122 = arith.subi %add3A_120, %sub3A_121 : vector<16xi32>
      %and3A_123 = arith.constant 15 : i32
      %and3A_124 = vector.broadcast %and3A_123 : i32 to vector<16xi32>
      %and3A_125 = arith.andi %sub3A_122, %and3A_124 : vector<16xi32>
      %swap3A_126 = arith.constant 0 : index
      %swap3A_127 = tpu.vector_load %arg11[%swap3A_126] {strides = array<i32>} : memref<16xi32, #tpu.memory_space<vmem>>, vector<16xi32>,
      tpu.vector_store %arg11[%swap3A_126], %masked_sort3A_35 {strides = array<i32>} : memref<16xi32, #tpu.memory_space<vmem>>, vector<16xi32>,
      %gather3A_128 = tpu.vector_load_idx %arg11[%and3A_125] : memref<16xi32, #tpu.memory_space<vmem>>[vector<16xi32>], vector<16xi32>,
      %eq3A_129 = arith.constant 0 : i32
      %eq3A_130 = vector.broadcast %eq3A_129 : i32 to vector<16xi32>
      %eq3A_131 = arith.cmpi eq, %iota3A, %eq3A_130 : vector<16xi32>
      %ne3A = arith.cmpi ne, %masked_sort3A_35, %gather3A_128 : vector<16xi32>
      %or3A = arith.ori %eq3A_131, %ne3A : vector<16xi1>
      %gather3A_132 = tpu.vector_load_idx %arg9[%masked_sort3A_35] : memref<10016xf32, #tpu.memory_space<vmem>>[vector<16xi32>], vector<16xf32>,
      %max3A_133 = arith.maximumf %gather3A_132, %select_n3A_112 : vector<16xf32>
      tpu.vector_store_idx %arg9[%masked_sort3A_35], %max3A_133 masked %or3A : memref<10016xf32, #tpu.memory_space<vmem>>[vector<16xi32>], vector<16xf32>, vector<16xi1>
      %gather3A_134 = tpu.vector_load_idx %arg10[%masked_sort3A_35] : memref<10016xf32, #tpu.memory_space<vmem>>[vector<16xi32>], vector<16xf32>,
      %max3A_135 = arith.maximumf %gather3A_134, %select_n3A_117 : vector<16xf32>
      tpu.vector_store_idx %arg10[%masked_sort3A_35], %max3A_135 masked %or3A : memref<10016xf32, #tpu.memory_space<vmem>>[vector<16xi32>], vector<16xf32>, vector<16xi1>
    }
    %scan3A_12 = arith.constant 316 : i32
    %mul3A_13 = arith.constant 2 : i32
    %mul3A_14 = arith.muli %add3A, %mul3A_13 : i32
    %mul3A_15 = arith.constant 10016 : i32
    %mul3A_16 = arith.muli %mul3A_14, %mul3A_15 : i32
    %multiple_of3A_17 = tpu.assume_multiple %mul3A_16, 8 : i32
    "tpu.region"() ({
      %run_scoped3A = tpu.sem_alloc : memref<!tpu.dma_semaphore, #tpu.memory_space<semaphore_mem>>
      %dma_start3A = tpu.memref_slice %arg5[%multiple_of3A_17] : memref<641024xf32, #tpu.memory_space<hbm>> -> memref<10016xf32, #tpu.memory_space<hbm>>
      %dma_start3A_20 = tpu.memref_slice %arg5[%multiple_of3A_17] : memref<641024xf32, #tpu.memory_space<hbm>> -> memref<10016xf32, #tpu.memory_space<hbm>>
      tpu.enqueue_dma source(%arg9 : memref<10016xf32, #tpu.memory_space<vmem>>) target(%dma_start3A_20 : memref<10016xf32, #tpu.memory_space<hbm>>) target_semaphore(%run_scoped3A : memref<!tpu.dma_semaphore, #tpu.memory_space<semaphore_mem>>)
      %dma_wait3A = tpu.memref_slice %arg5[%multiple_of3A_17] : memref<641024xf32, #tpu.memory_space<hbm>> -> memref<10016xf32, #tpu.memory_space<hbm>>
      %dma_wait3A_21 = tpu.memref_slice %arg5[%multiple_of3A_17] : memref<641024xf32, #tpu.memory_space<hbm>> -> memref<10016xf32, #tpu.memory_space<hbm>>
      tpu.wait_dma2 semaphore(%run_scoped3A : memref<!tpu.dma_semaphore, #tpu.memory_space<semaphore_mem>>) src(%arg9 : memref<10016xf32, #tpu.memory_space<vmem>>) dst(%dma_wait3A_21 : memref<10016xf32, #tpu.memory_space<hbm>>)
      tpu.yield
    }) : () -> ()
    %add3A_18 = arith.constant 10016 : i32
    %add3A_19 = arith.addi %multiple_of3A_17, %add3A_18 : i32
    "tpu.region"() ({
      %run_scoped3A = tpu.sem_alloc : memref<!tpu.dma_semaphore, #tpu.memory_space<semaphore_mem>>
      %dma_start3A = tpu.memref_slice %arg5[%add3A_19] : memref<641024xf32, #tpu.memory_space<hbm>> -> memref<10016xf32, #tpu.memory_space<hbm>>
      %dma_start3A_20 = tpu.memref_slice %arg5[%add3A_19] : memref<641024xf32, #tpu.memory_space<hbm>> -> memref<10016xf32, #tpu.memory_space<hbm>>
      tpu.enqueue_dma source(%arg10 : memref<10016xf32, #tpu.memory_space<vmem>>) target(%dma_start3A_20 : memref<10016xf32, #tpu.memory_space<hbm>>) target_semaphore(%run_scoped3A : memref<!tpu.dma_semaphore, #tpu.memory_space<semaphore_mem>>)
      %dma_wait3A = tpu.memref_slice %arg5[%add3A_19] : memref<641024xf32, #tpu.memory_space<hbm>> -> memref<10016xf32, #tpu.memory_space<hbm>>
      %dma_wait3A_21 = tpu.memref_slice %arg5[%add3A_19] : memref<641024xf32, #tpu.memory_space<hbm>> -> memref<10016xf32, #tpu.memory_space<hbm>>
      tpu.wait_dma2 semaphore(%run_scoped3A : memref<!tpu.dma_semaphore, #tpu.memory_space<semaphore_mem>>) src(%arg10 : memref<10016xf32, #tpu.memory_space<vmem>>) dst(%dma_wait3A_21 : memref<10016xf32, #tpu.memory_space<hbm>>)
      tpu.yield
    }) : () -> ()
    return
  }
}

module attributes {stable_mosaic.version = 14 : i64} {
  func.func @body(%arg0: memref<32x2x10016xf32, #tpu.memory_space<vmem>>, %arg1: memref<10016xf32, #tpu.memory_space<vmem>>, %arg2: memref<10016xf32, #tpu.memory_space<vmem>>) attributes {dimension_semantics = [], scalar_prefetch = 0 : i64, scratch_operands = 0 : i64, tpu.core_type = #tpu.core_type<tc>} {
    %get3A = arith.constant 0 : index
    %get3A_0 = arith.constant 0 : index
    %get3A_1 = arith.constant 0 : index
    %get3A_2 = vector.load %arg0[%get3A, %get3A_0, %get3A_1] : memref<32x2x10016xf32, #tpu.memory_space<vmem>>, vector<32x2x10016xf32>
    %reduce_max3A = arith.constant dense<0xFF800000> : vector<2x10016xf32>
    %reduce_max3A_3 = vector.multi_reduction <maximumf>, %get3A_2, %reduce_max3A [0] : vector<32x2x10016xf32> to vector<2x10016xf32>
    %is_finite3A = tpu.weird %reduce_max3A_3 : vector<2x10016xf32> -> vector<2x10016xi1>
    %is_finite3A_4 = arith.constant dense<true> : vector<2x10016xi1>
    %is_finite3A_5 = arith.xori %is_finite3A, %is_finite3A_4 : vector<2x10016xi1>
    %jit3A = arith.constant 0.000000e+00 : f32
    %broadcast_in_dim3A = vector.broadcast %jit3A : f32 to vector<2x10016xf32>
    %select_n3A = arith.select %is_finite3A_5, %reduce_max3A_3, %broadcast_in_dim3A : vector<2x10016xi1>, vector<2x10016xf32>
    %slice3A = vector.extract_strided_slice %select_n3A {offsets = [0, 0], sizes = [1, 10016], strides = [1, 1]} : vector<2x10016xf32> to vector<1x10016xf32>
    %squeeze3A = vector.shape_cast %slice3A : vector<1x10016xf32> to vector<10016xf32>
    %swap3A = arith.constant 0 : index
    %swap3A_6 = vector.load %arg1[%swap3A] : memref<10016xf32, #tpu.memory_space<vmem>>, vector<10016xf32>
    tpu.vector_store %arg1[%swap3A], %squeeze3A {strides = array<i32>} : memref<10016xf32, #tpu.memory_space<vmem>>, vector<10016xf32>,
    %slice3A_7 = vector.extract_strided_slice %select_n3A {offsets = [1, 0], sizes = [1, 10016], strides = [1, 1]} : vector<2x10016xf32> to vector<1x10016xf32>
    %squeeze3A_8 = vector.shape_cast %slice3A_7 : vector<1x10016xf32> to vector<10016xf32>
    %swap3A_9 = arith.constant 0 : index
    %swap3A_10 = vector.load %arg2[%swap3A_9] : memref<10016xf32, #tpu.memory_space<vmem>>, vector<10016xf32>
    tpu.vector_store %arg2[%swap3A_9], %squeeze3A_8 {strides = array<i32>} : memref<10016xf32, #tpu.memory_space<vmem>>, vector<10016xf32>,
    return
  }
}

module attributes {stable_mosaic.version = 14 : i64} {
  func.func @body(%arg0: memref<32x3x10016xf32, #tpu.memory_space<vmem>>, %arg1: memref<10016xf32, #tpu.memory_space<vmem>>, %arg2: memref<10016xf32, #tpu.memory_space<vmem>>, %arg3: memref<1x1xf32, #tpu.memory_space<smem>>) attributes {dimension_semantics = [], scalar_prefetch = 0 : i64, scratch_operands = 0 : i64, tpu.core_type = #tpu.core_type<tc>} {
    %get3A = arith.constant 0 : index
    %get3A_0 = arith.constant 0 : index
    %get3A_1 = arith.constant 0 : index
    %get3A_2 = vector.load %arg0[%get3A, %get3A_0, %get3A_1] : memref<32x3x10016xf32, #tpu.memory_space<vmem>>, vector<32x3x10016xf32>
    %reduce_sum3A = arith.constant dense<0.000000e+00> : vector<3x10016xf32>
    %reduce_sum3A_3 = vector.multi_reduction <add>, %get3A_2, %reduce_sum3A [0] : vector<32x3x10016xf32> to vector<3x10016xf32>
    %slice3A = vector.extract_strided_slice %reduce_sum3A_3 {offsets = [0, 0], sizes = [1, 10016], strides = [1, 1]} : vector<3x10016xf32> to vector<1x10016xf32>
    %slice3A_4 = vector.extract_strided_slice %reduce_sum3A_3 {offsets = [1, 0], sizes = [1, 10016], strides = [1, 1]} : vector<3x10016xf32> to vector<1x10016xf32>
    %slice3A_5 = vector.extract_strided_slice %reduce_sum3A_3 {offsets = [2, 0], sizes = [1, 10016], strides = [1, 1]} : vector<3x10016xf32> to vector<1x10016xf32>
    %get3A_6 = arith.constant 0 : index
    %get3A_7 = vector.load %arg1[%get3A_6] : memref<10016xf32, #tpu.memory_space<vmem>>, vector<10016xf32>
    %reshape3A = vector.shape_cast %get3A_7 : vector<10016xf32> to vector<1x10016xf32>
    %get3A_8 = arith.constant 0 : index
    %get3A_9 = vector.load %arg2[%get3A_8] : memref<10016xf32, #tpu.memory_space<vmem>>, vector<10016xf32>
    %reshape3A_10 = vector.shape_cast %get3A_9 : vector<10016xf32> to vector<1x10016xf32>
    %iota3A = tpu.iota {dimensions = array<i32: 1>} : vector<1x10016xi32>
    %ge3A = arith.constant 5.000000e-01 : f32
    %ge3A_11 = vector.broadcast %ge3A : f32 to vector<1x10016xf32>
    %ge3A_12 = arith.cmpf oge, %slice3A_4, %ge3A_11 : vector<1x10016xf32>
    %lt3A = arith.constant 10000 : i32
    %lt3A_13 = vector.broadcast %lt3A : i32 to vector<1x10016xi32>
    %lt3A_14 = arith.cmpi slt, %iota3A, %lt3A_13 : vector<1x10016xi32>
    %and3A = arith.andi %ge3A_12, %lt3A_14 : vector<1x10016xi1>
    %jit3A = arith.constant 1.000000e+00 : f32
    %broadcast_in_dim3A = vector.broadcast %jit3A : f32 to vector<1x10016xf32>
    %select_n3A = arith.select %and3A, %slice3A_4, %broadcast_in_dim3A : vector<1x10016xi1>, vector<1x10016xf32>
    %jit3A_15 = arith.constant 1.000000e+00 : f32
    %broadcast_in_dim3A_16 = vector.broadcast %jit3A_15 : f32 to vector<1x10016xf32>
    %select_n3A_17 = arith.select %and3A, %slice3A, %broadcast_in_dim3A_16 : vector<1x10016xi1>, vector<1x10016xf32>
    %div3A = arith.divf %slice3A_5, %select_n3A : vector<1x10016xf32>
    %add3A = arith.addf %div3A, %reshape3A : vector<1x10016xf32>
    %sub3A = arith.subf %add3A, %reshape3A_10 : vector<1x10016xf32>
    %log3A = math.log %select_n3A_17 : vector<1x10016xf32>
    %add3A_18 = arith.addf %sub3A, %log3A : vector<1x10016xf32>
    %log3A_19 = math.log %select_n3A : vector<1x10016xf32>
    %sub3A_20 = arith.subf %add3A_18, %log3A_19 : vector<1x10016xf32>
    %jit3A_21 = arith.constant 0.000000e+00 : f32
    %broadcast_in_dim3A_22 = vector.broadcast %jit3A_21 : f32 to vector<1x10016xf32>
    %select_n3A_23 = arith.select %and3A, %sub3A_20, %broadcast_in_dim3A_22 : vector<1x10016xi1>, vector<1x10016xf32>
    %reduce_sum3A_24 = vector.shape_cast %select_n3A_23 : vector<1x10016xf32> to vector<1x1x10016xf32>
    %reduce_sum3A_25 = arith.constant dense<0.000000e+00> : vector<1xf32>
    %reduce_sum3A_26 = vector.multi_reduction <add>, %reduce_sum3A_24, %reduce_sum3A_25 [1, 2] : vector<1x1x10016xf32> to vector<1xf32>
    %reduce_sum3A_27 = vector.shape_cast %reduce_sum3A_26 : vector<1xf32> to vector<1x1x1xf32>
    %reduce_sum3A_28 = vector.extract %reduce_sum3A_27[0, 0, 0] : f32 from vector<1x1x1xf32>
    %div3A_29 = arith.constant 1.000000e+04 : f32
    %div3A_30 = arith.divf %reduce_sum3A_28, %div3A_29 : f32
    %swap3A = arith.constant 0 : index
    %swap3A_31 = arith.constant 0 : index
    %swap3A_32 = memref.load %arg3[%swap3A, %swap3A_31] : memref<1x1xf32, #tpu.memory_space<smem>>
    memref.store %div3A_30, %arg3[%swap3A, %swap3A_31] : memref<1x1xf32, #tpu.memory_space<smem>>
    return
  }
}

</mosaic_0001>

<sc_bundles>
// kernel: kernel.10.cloned.1.call-start
scs
__scs_entry_jumppad:
0x0: {  	(pc) =	sbr.rel $0x88, $3  }
0x1: {  	(tag) =	ssettag $0x0;
	lr =	simm.s32 $0x1  }
0x2: {  	[smem:$0x3F9E] =	sst lr;
	_ =	strace $0xD0000000  }
0x3: {  	_ = 	snop  }
0x4: {  	_ = 	snop  }
0x5: {  	_ = 	snop  }
0x6: {  	_ = 	snop  }
0x7: {  	_ = 	snop  }
__scs_overlays_trampoline_lowered:
0x8: {  	[smem:$0x3FAD] =	sst s0  }
0x9: {  	[smem:$0x3FAE] =	sst s1  }
0xa: {  	[smem:$0x3FAF] =	sst s2  }
0xb: {  	[smem:$0x3FB0] =	sst s3  }
0xc: {  	[smem:$0x3FB1] =	sst s4  }
0xd: {  	[smem:$0x3FB2] =	sst s5  }
0xe: {  	[smem:$0x3FB3] =	sst s6  }
0xf: {  	[smem:$0x3FB4] =	sst s7  }
0x10: {  	[smem:$0x3FB5] =	sst s8  }
0x11: {  	[smem:$0x3FB6] =	sst s9;
	s0 =	simm.s32 @!p0 $0x0  }
0x12: {  	s1 =	sld [smem:$0x3F9C];
	s0 =	simm.s32 @p0 $0x1  }
0x13: {  	[smem:$0x3FB7] =	sst s0;
	s0 =	simm.s32 @!p1 $0x0  }
0x14: {  	s2 =	sld [smem:$0x3F9B];
	s0 =	simm.s32 @p1 $0x1  }
0x15: {  	[smem:$0x3FB8] =	sst s0;
	s0 =	simm.s32 @!p2 $0x0  }
0x16: {  	s3 =	sld [smem:$0x3FDB];
	s0 =	simm.s32 @p2 $0x1  }
0x17: {  	s4 =	simm.s32 $0x1BF5;
	[smem:$0x3FBA] =	sst s0  }
0x18: {  	s0 =	sld [smem:$0x3F9D];
	_ =	swait.ge [sflag:s4], $0x0  }
0x19: {  	s7 =	sld [smem:$0x3F9E]  }
0x1a: {  	s8 =	sadd.s32 $0xFFFFE003, lr  }
0x1b: {  	s9 =	sadd.s32 $0xFFFFFEF7, lr;
	s5 =	simm.s32 $0xFFFFFFFF;
	p2 =	slt.u32 s8, $0xFFFFF086  }
0x1c: {  	p1 =	slt.u32 s9, $0xF7A;
	s5 =	simm.s32 @!p2 $0x0  }
0x1d: {  	s5 =	simm.s32 @p1 $0x1;
	p0 =	seq.s32 s7, s2  }
0x1e: {  	s7 =	smul.u32 @!p0 $0xF7A, s2;
	p2 =	seq.s32 @!p0 s5, $0x0  }
0x1f: {  	s9 =	smul.u32 $0xF7A, s1;
	s8 =	simm.s32 @!p0 $0x1BF5;
	p2 =	por !p2, p0  }
0x20: {  	[sflag:s8] =	ssyncset.s32 @!p0 $0xFFFFF086;
	s6 =	sadd.s32 @!p0 s3, s7;
	s7 =	simm.s32 @!p0 $0x108  }
0x21: {  	s3 =	sadd.s32 s3, s9;
	s6 =	sadd.s32 @!p0 $0x88, s6;
	s7 =	simm.s32 @p2 $0x1082  }
0x22: {  	[simem:s7], [sflag:s8] =	dma.local @!p0 [hbm:s6], $0xF7A  }
0x23: {  	s9 =	sor.u32 $0xD0000000, s2;
	s6 =	simm.s32 $0x108;
	_ =	swait.ge @!p0 [sflag:s8], $0x0  }
0x24: {  	s3 =	sadd.s32 $0x88, s3;
	s6 =	simm.s32 @!p1 $0x1082;
	[sflag:s4] =	ssyncset.s32 $0xFFFFF086  }
0x25: {  	[simem:s6], [sflag:s4] =	dma.local [hbm:s3], $0xF7A  }
0x26: {  	[smem:$0x3F9E] =	sst s1;
	(tag) =	ssettag s2;
	_ =	strace s9  }
0x27: {  	s1 =	sld [smem:$0x3FAE]  }
0x28: {  	s2 =	sld [smem:$0x3FAF]  }
0x29: {  	s4 =	sld [smem:$0x3FB1]  }
0x2a: {  	p0 =	seq.s32 s5, $0x0;
	s5 =	sld [smem:$0x3FB2]  }
0x2b: {  	s6 =	sld [smem:$0x3FB3]  }
0x2c: {  	s7 =	sld [smem:$0x3FB4]  }
0x2d: {  	s3 =	simm.s32 $0x108;
	s8 =	sld [smem:$0x3FB5]  }
0x2e: {  	s3 =	simm.s32 @!p0 $0x1082;
	s9 =	sld [smem:$0x3FB6]  }
0x2f: {  	lr =	sadd.s32 s0, s3;
	s0 =	sld [smem:$0x3FAD]  }
0x30: {  	s3 =	sld [smem:$0x3FB0]  }
0x31: {  	[smem:$0x3FB9] =	sst s10  }
0x32: {  	s10 =	sld [smem:$0x3FB7];
	_ =	sdelay $0x3  }
0x33: {  	p0 =	seq.s32 s10, $0x1;
	s10 =	sld [smem:$0x3FB9];
	_ =	sdelay $0x3  }
0x34: {  	[smem:$0x3FB9] =	sst s10  }
0x35: {  	s10 =	sld [smem:$0x3FB8];
	_ =	sdelay $0x3  }
0x36: {  	p1 =	seq.s32 s10, $0x1;
	s10 =	sld [smem:$0x3FB9];
	_ =	sdelay $0x3  }
0x37: {  	[smem:$0x3FB9] =	sst s10  }
0x38: {  	s10 =	sld [smem:$0x3FBA]  }
0x39: {  	_ = 	snop;
	(pc) =	sbr.ind lr, $3  }
0x3a: {  	_ = 	snop  }
0x3b: {  	_ = 	snop  }
0x3c: {  	p2 =	seq.s32 s10, $0x1;
	s10 =	sld [smem:$0x3FB9]  }
0x3d: {  	_ =	shalt  }
0x3e: {  	_ =	shalt  }
0x3f: {  	_ =	shalt  }
0x40: {  	_ =	shalt  }
0x41: {  	_ =	shalt  }
0x42: {  	_ =	shalt  }
0x43: {  	_ =	shalt  }
0x44: {  	_ =	shalt  }
0x45: {  	_ =	shalt  }
0x46: {  	_ =	shalt  }
0x47: {  	_ =	shalt  }
0x48: {  	_ =	shalt  }
0x49: {  	_ =	shalt  }
0x4a: {  	_ =	shalt  }
0x4b: {  	_ =	shalt  }
0x4c: {  	_ =	shalt  }
0x4d: {  	_ =	shalt  }
0x4e: {  	_ =	shalt  }
0x4f: {  	_ =	shalt  }
0x50: {  	_ =	shalt  }
0x51: {  	_ =	shalt  }
0x52: {  	_ =	shalt  }
0x53: {  	_ =	shalt  }
0x54: {  	_ =	shalt  }
0x55: {  	_ =	shalt  }
0x56: {  	_ =	shalt  }
0x57: {  	_ =	shalt  }
0x58: {  	_ =	shalt  }
0x59: {  	_ =	shalt  }
0x5a: {  	_ =	shalt  }
0x5b: {  	_ =	shalt  }
0x5c: {  	_ =	shalt  }
0x5d: {  	_ =	shalt  }
0x5e: {  	_ =	shalt  }
0x5f: {  	_ =	shalt  }
0x60: {  	_ =	shalt  }
0x61: {  	_ =	shalt  }
0x62: {  	_ =	shalt  }
0x63: {  	_ =	shalt  }
0x64: {  	_ =	shalt  }
0x65: {  	_ =	shalt  }
0x66: {  	_ =	shalt  }
0x67: {  	_ =	shalt  }
0x68: {  	_ =	shalt  }
0x69: {  	_ =	shalt  }
0x6a: {  	_ =	shalt  }
0x6b: {  	_ =	shalt  }
0x6c: {  	_ =	shalt  }
0x6d: {  	_ =	shalt  }
0x6e: {  	_ =	shalt  }
0x6f: {  	_ =	shalt  }
0x70: {  	_ =	shalt  }
0x71: {  	_ =	shalt  }
0x72: {  	_ =	shalt  }
0x73: {  	_ =	shalt  }
0x74: {  	_ =	shalt  }
0x75: {  	_ =	shalt  }
0x76: {  	_ =	shalt  }
0x77: {  	_ =	shalt  }
0x78: {  	_ =	shalt  }
0x79: {  	_ =	shalt  }
0x7a: {  	_ =	shalt  }
0x7b: {  	_ =	shalt  }
0x7c: {  	_ =	shalt  }
0x7d: {  	_ =	shalt  }
0x7e: {  	_ =	shalt  }
0x7f: {  	_ =	shalt  }
0x80: {  	_ =	shalt  }
0x81: {  	_ =	shalt  }
0x82: {  	_ =	shalt  }
0x83: {  	_ =	shalt  }
0x84: {  	_ =	shalt  }
0x85: {  	_ =	shalt  }
0x86: {  	_ =	shalt  }
0x87: {  	_ =	shalt  }
.Lfunc_end0:
.L_simem_size_0:
called_computation.1_lowered:
.L_overlay_start_0:
0x88: {  	s2 =	sld [smem:$0x3FD9]  }
0x89: {  	s3 =	sld [smem:$0x3FFE];
	_ =	sdelay $0x1  }
0x8a: {  	s1 =	srdreg.scid  }
0x8b: {  	s0 =	sand.u32 $0x1, s1  }
0x8c: {  	s16 =	sshll.u32 s0, $0xA;
	s2 =	sadd.s32 s3, s2  }
0x8d: {  	s2 =	sadd.s32 s2, s16  }
0x8e: {  	[smem:$0x3FC5] =	sst s2  }
0x8f: {  	_ = 	snop  }
0x90: {  	(tm) =	ssettm $0x1  }
0x91: {  	s17 =	sld [smem:$0x3FFB];
	_ =	sdelay $0x3  }
0x92: {  	_ =	strace s17  }
0x93: {  	s2 =	sld [smem:$0x3FFC];
	_ =	sdelay $0x3  }
0x94: {  	_ =	strace s2  }
0x95: {  	s2 =	sld [smem:$0x3FFD];
	_ =	sdelay $0x3  }
0x96: {  	_ =	strace s2  }
0x97: {  	_ =	strace $0x8FFFFFFF  }
0x98: {  	s18 =	sld [smem:$0x3FDB];
	_ =	sdelay $0x1  }
0x99: {  	s19 =	simm.s32 $_scs_section_size  }
0x9a: {  	s4 =	simm.s32 $_size__tile_overlayer_lowered;
	s5 =	simm.s32 $_tile_overlayer_lowered  }
0x9b: {  	s22 =	simm.s32 $0x1BFF;
	s21 =	sshll.u32 s5, $0x1;
	s2 =	sadd.s32 s19, s18  }
0x9c: {  	s6 =	simm.s32 $0x0;
	s20 =	sshll.u32 s4, $0x1;
	s4 =	sadd.s32 s21, s2  }
0x9d: {  	[timem:s6], [sflag:s22] =	dma.local [hbm:s4], s20  }
0x9e: {  	_ =	swait.ge [sflag:s22], s20  }
0x9f: {  	s3 =	ssub.s32 $0x0, s20;
	[sflag:s22] =	ssyncset.done $0x0  }
0xa0: {  	[sflag:s22] =	ssyncadd.s32 s3;
	_ =	sdelay $0x1  }
0xa1: {  	s23 =	simm.s32 $0x1B8B  }
0xa2: {  	_ =	swait.ge [sflag:s23], $0x1  }
0xa3: {  	[sflag:s23] =	ssyncset.done $0x0  }
0xa4: {  	s25 =	simm.s32 $0x1B8E;
	s24 =	sld [smem:$0x3FFE];
	[sflag:s23] =	ssyncadd.s32 $0xFFFFFFFF  }
0xa5: {  	s26 =	simm.s32 $execute0_lowered;
	[smem:$0x3FD2] =	sst s25  }
0xa6: {  	s4 =	sshll.u32 s26, $0x1;
	_ =	strace $0x80000049;
	[dreg:$0x1] =	wrdreg $0xFFFFFFFF  }
0xa7: {  	s28 =	simm.s32 $_size_execute0_lowered;
	s2 =	sadd.s32 s2, s4;
	[dreg:$0x0] =	wrdreg $0x0  }
0xa8: {  	s4 =	sshll.u32 s28, $0x1;
	[dreg:$0x2] =	wrdreg s2  }
0xa9: {  	[dreg:$0x3] =	wrdreg s4  }
0xaa: {  	[dreg:$0x4] =	wrdreg $0xC0  }
0xab: {  	_ =	task [dreg:s6], $0x5FFFF  }
0xac: {  	[dreg:$0x1] =	wrdreg $0xFFFFFFFF  }
0xad: {  	[dreg:$0x0] =	wrdreg $0x60  }
0xae: {  	[dreg:$0x2] =	wrdreg s24  }
0xaf: {  	[dreg:$0x3] =	wrdreg $0x9  }
0xb0: {  	_ =	task.clear_ibuf [dreg:s6], $0x4FFFF;
	_ =	strace $0x90000049  }
0xb1: {  	s29 =	simm.s32 $0x9;
	_ =	strace $0x8000004B  }
0xb2: {  	_ =	swait.ge [sflag:s29], $0x1  }
0xb3: {  	[sflag:s29] =	ssyncadd.s32 $0xFFFFFFFF  }
0xb4: {  	_ =	strace $0x9000004B  }
0xb5: {  	_ =	sfence  }
0xb6: {  	s30 =	sld [smem:$0x0];
	_ =	sdelay $0x2  }
0xb7: {  	s31 =	sshll.u32 s1, $0xD;
	s1 =	sshrl.u32 s1, $0x2  }
0xb8: {  	s3 =	sand.u32 $0x4000, s31;
	s1 =	sadd.s32 s1, s30  }
0xb9: {  	s0 =	sor.u32 s3, s0;
	s1 =	sshll.u32 s1, $0x11  }
0xba: {  	s0 =	sor.u32 s1, s0  }
0xbb: {  	s0 =	sadd.s32 $0x8F2B, s0  }
0xbc: {  	[sflag:s0] =	ssyncadd.remote.s32 $0x1  }
0xbd: {  	_ =	sfence.sel $0xFFFF  }
0xbe: {  	[dreg:$0x0] =	wrdreg $0xFFFFFFFF;
	(pc) =	sbr.abs _section_cstart, $3  }
0xbf: {  	[dreg:$0x1] =	wrdreg $0xFFFFFFFF  }
0xc0: {  	_ =	task.clear_ibuf [dreg:s6], $0x2FFFF;
	_ =	strace $0x9FFFFFFF  }
0xc1: {  	(tm) =	ssettm $0x7FFFFFFF  }
tec
execute0_lowered:
.L_overlay_start_1:
0x0: {  	(tag) =	ssettag $0x1  }
0x1: {  	v0 =	vimm.s32 $0xFEDCBA9;
	v1 =	vimm.s32 $0x87654321;
	v2 =	vimm.s32 $0x10FEDCBA  }
0x2: {  	v3 =	vimm.s32 $0x98765432;
	v4 =	vimm.s32 $0x3210FEDC;
	v5 =	vimm.s32 $0xBA987654  }
0x3: {  	v6 =	vimm.s32 $0xEDCBA987;
	v7 =	vimm.s32 $0x6543210F;
	v8 =	vimm.s32 $0x76543210  }
0x4: {  	s1 =	srdreg.scid;
	s0 =	stileid.u32;
	v9 =	vimm.s32 $0xFEDCBA98;
	vm0 =	vmmov $0x1;
	v0 =	vunpack.c.l.s4.s8 v0  }
0x5: {  	s4 =	rddreg [dreg:$0x0];
	s2 =	simm.s32 $0x0;
	s9 =	simm.s32 $0x1;
	v1 =	vunpack.c.l.s4.s8 v1;
	v2 =	vunpack.c.l.s4.s8 v2;
	v3 =	vunpack.c.l.s4.s8 v3  }
0x6: {  	s10 =	simm.s32 $0x1400;
	s11 =	simm.s32 $0x2800;
	s12 =	simm.s32 $0x8B00;
	v4 =	vunpack.c.l.s4.s8 v4;
	v5 =	vunpack.c.l.s4.s8 v5;
	v6 =	vunpack.c.l.s4.s8 v6  }
0x7: {  	s13 =	simm.s32 $0x8B80;
	s3 =	sand.u32 $0x1, s1;
	s30 =	sshll.u32 s0, $0x1;
	v7 =	vunpack.c.l.s4.s8 v7;
	v9 =	vunpack.c.l.s4.s8 v9;
	v0 =	vunpack.c.0.s8.s32 v0  }
0x8: {  	s14 =	simm.s32 $0x3C00;
	s15 =	simm.s32 $0x6380;
	s5 =	sor.u32 s3, s30;
	v1 =	vunpack.c.0.s8.s32 v1;
	v2 =	vunpack.c.0.s8.s32 v2;
	v3 =	vunpack.c.0.s8.s32 v3  }
0x9: {  	s16 =	simm.s32 $0x0;
	s3 =	ssub.s32 $0x2, s3;
	s6 =	smul.u32 $0x4E40, s5;
	v4 =	vunpack.c.0.s8.s32 v4;
	v5 =	vunpack.c.0.s8.s32 v5;
	v6 =	vunpack.c.0.s8.s32 v6  }
0xa: {  	[smem:$0x7FF] =	sst s2;
	s5 =	smul.u32 $0x278, s5;
	s31 =	sshrl.u32 s3, $0x1;
	v7 =	vunpack.c.0.s8.s32 v7;
	v2 =	vcombine.low v3, v2;
	v3 =	vunpack.c.l.s4.s8 v8  }
0xb: {  	s1 =	rddreg [dreg:$0x1];
	_ =	strace $0x8000004A;
	s8 =	ssub.s32 s3, s31;
	v1 =	vcombine.low v1, v0;
	v4 =	vcombine.low v5, v4;
	v5 =	vunpack.c.0.s8.s32 v9  }
0xc: {  	s6 =	sshrl.u32 s6, $0x3;
	s5 =	sadd.s32 s5, s4;
	v6 =	vcombine.low v7, v6;
	s8 =	smax.u32 s8, $0x1;
	v0 =	vimm.f32 $-Inf;
	v7 =	vunpack.c.0.s8.s32 v3  }
0xd: {  	s7 =	sadd.s32 s6, s4;
	s3 =	sadd.s32 $0xB1A00, s5;
	s4 =	sadd.s32 $0xA7A00, s5;
	v1 =	vand.u32 $0xF, v1;
	v3 =	vand.u32 $0xF, v4;
	v4 =	vand.u32 $0xF, v5  }
0xe: {  	s5 =	sadd.s32 $0xACA00, s5;
	s6 =	sadd.s32 $0x1600, s7;
	s7 =	sadd.s32 $0x1AE4, s7;
	v2 =	vand.u32 $0xF, v2;
	v5 =	vand.u32 $0xF, v6;
	v4 =	vcombine.low v4, v7  }
.LBB2_1:
0xf: {  	[tilespmem:s2], [sflag:$0x1] =	stream.linear.gather [hbm4b:s3+s2], $0x13C0, $0x38;
	[tilespmem:$0x8C00] =	vst v63  }
0x10: {  	_ =	swait.ge [sflag:s9], $0x13C0  }
0x11: {  	[sflag:s9] =	ssyncset.done $0x0  }
0x12: {  	[sflag:s9] =	ssyncadd.s32 $0xFFFFEC40  }
0x13: {  	[tilespmem:s10], [sflag:$0x1] =	stream.linear.gather [hbm4b:s4+s2], $0x13C0, $0x38;
	[tilespmem:$0x8C00] =	vst v63  }
0x14: {  	_ =	swait.ge [sflag:s9], $0x13C0  }
0x15: {  	[sflag:s9] =	ssyncset.done $0x0  }
0x16: {  	[sflag:s9] =	ssyncadd.s32 $0xFFFFEC40  }
0x17: {  	[tilespmem:s11], [sflag:$0x1] =	stream.linear.gather [hbm4b:s5+s2], $0x13C0, $0x38;
	[tilespmem:$0x8C00] =	vst v63  }
0x18: {  	_ =	swait.ge [sflag:s9], $0x13C0  }
0x19: {  	[sflag:s9] =	ssyncset.done $0x0  }
0x1a: {  	s17 =	simm.s32 $0x0;
	[sflag:s9] =	ssyncadd.s32 $0xFFFFEC40  }
.LBB2_2:
0x1b: {  	p0 =	sne.s32 s17, $0x9C40  }
.Ltmp0:
0x1c: {  	_ = 	snop;
	(pc) =	sbr.rel @p0 .LBB2_2-.Ltmp0, $4  }
0x1d: {  	_ = 	snop  }
0x1e: {  	s18 =	sshra.s32 s17, $0x2  }
0x1f: {  	[tilespmem:s18+$0x3C00] =	vst v0  }
0x20: {  	s17 =	sadd.s32 $0x40, s17;
	[tilespmem:s18+$0x6380] =	vst v0  }
0x21: {  	s17 =	simm.s32 $0x0  }
.LBB2_4:
0x22: {  	s18 =	sshra.s32 s17, $0x2  }
0x23: {  	v6 =	vld [tilespmem:s18+$0x0]  }
0x24: {  	v7 =	vld [tilespmem:s18+$0x1400];
	_ =	sdelay $0x2  }
0x25: {  	v8 =	vld [tilespmem:s18+$0x2800]  }
0x26: {  	v6 =	vxor.u32 $0x80000000, v6  }
0x27: {  	(xrf1) =	vsort.ascd.msk.u32 $0xffff, v6, v7;
	_ =	sdelay $0x2  }
0x28: {  	(xrf1) =	vsort.ascd.msk.u32 $0xffff, v6, v8;
	_ =	sdelay $0xa  }
0x29: {  	v6, v7, _ =	vpop (xrf1)  }
0x2a: {  	v6 =	vxor.u32 $0x80000000, v6  }
0x2b: {  	[tilespmem:$0x8B00] =	vst v6  }
0x2c: {  	_, v9, _ =	vpop (xrf1);
	v45 =	vld.idx.msk [tilespmem:v1+s12+$0x0], $0xffff;
	[tilespmem:$0x8B80] =	vst v7  }
0x2d: {  	v10 =	vld.idx.msk [tilespmem:v1+s13+$0x0], $0xffff;
	[tilespmem:$0x8B80] =	vst v9  }
0x2e: {  	v11 =	vld.idx.msk [tilespmem:v1+s13+$0x0], $0xffff;
	_ =	sdelay $0x3  }
0x2f: {  	vm1 =	veq.s32 v45, v6;
	v46 =	vmax.f32 v7, v10  }
0x30: {  	[tilespmem:$0x8B00] =	vst v6;
	v7 =	vsel vm1, v46, v7;
	v48 =	vmax.f32 v9, v11  }
0x31: {  	v47 =	vld.idx.msk [tilespmem:v2+s12+$0x0], $0xffff;
	[tilespmem:$0x8B80] =	vst v7;
	v9 =	vsel vm1, v48, v9  }
0x32: {  	v49 =	vld.idx.msk [tilespmem:v2+s13+$0x0], $0xffff;
	[tilespmem:$0x8B80] =	vst v9  }
0x33: {  	v50 =	vld.idx.msk [tilespmem:v2+s13+$0x0], $0xffff;
	_ =	sdelay $0x3  }
0x34: {  	vm1 =	veq.s32 v47, v6;
	v51 =	vmax.f32 v7, v49  }
0x35: {  	[tilespmem:$0x8B00] =	vst v6;
	v7 =	vsel vm1, v51, v7;
	v53 =	vmax.f32 v9, v50  }
0x36: {  	v52 =	vld.idx.msk [tilespmem:v3+s12+$0x0], $0xffff;
	[tilespmem:$0x8B80] =	vst v7;
	v9 =	vsel vm1, v53, v9  }
0x37: {  	v54 =	vld.idx.msk [tilespmem:v3+s13+$0x0], $0xffff;
	[tilespmem:$0x8B80] =	vst v9  }
0x38: {  	v55 =	vld.idx.msk [tilespmem:v3+s13+$0x0], $0xffff;
	_ =	sdelay $0x3  }
0x39: {  	vm1 =	veq.s32 v52, v6;
	v56 =	vmax.f32 v7, v54  }
0x3a: {  	[tilespmem:$0x8B00] =	vst v6;
	v7 =	vsel vm1, v56, v7;
	v58 =	vmax.f32 v9, v55  }
0x3b: {  	v57 =	vld.idx.msk [tilespmem:v4+s12+$0x0], $0xffff;
	[tilespmem:$0x8B80] =	vst v7;
	v9 =	vsel vm1, v58, v9  }
0x3c: {  	v59 =	vld.idx.msk [tilespmem:v4+s13+$0x0], $0xffff;
	[tilespmem:$0x8B80] =	vst v9  }
0x3d: {  	v60 =	vld.idx.msk [tilespmem:v4+s13+$0x0], $0xffff;
	[tilespmem:$0x8B00] =	vst v6  }
0x3e: {  	v12 =	vld.idx.msk [tilespmem:v5+s12+$0x0], $0xffff;
	_ =	sdelay $0x4  }
0x3f: {  	vm1 =	vne.s32 v6, v12  }
0x40: {  	v61 =	vld.idx.msk [tilespmem:v6+s14+$0x0], $0xffff;
	vm1 =	vmor vm1, vm0;
	_ =	sdelay $0x2  }
0x41: {  	vm2 =	veq.s32 v57, v6;
	v62 =	vmax.f32 v7, v59  }
0x42: {  	v7 =	vsel vm2, v62, v7  }
0x43: {  	v7 =	vmax.f32 v61, v7  }
0x44: {  	[tilespmem:v6+s14+$0x0] =	vst.idx.msk vm1, v7  }
0x45: {  	v7 =	vld.idx.msk [tilespmem:v6+s15+$0x0], $0xffff  }
0x46: {  	p0 =	sne.s32 s17, $0x4EC0  }
.Ltmp1:
0x47: {  	_ = 	snop;
	(pc) =	sbr.rel @p0 .LBB2_4-.Ltmp1, $4  }
0x48: {  	v63 =	vmax.f32 v9, v60  }
0x49: {  	v8 =	vsel vm2, v63, v9  }
0x4a: {  	v7 =	vmax.f32 v7, v8  }
0x4b: {  	s17 =	sadd.s32 $0x40, s17;
	[tilespmem:v6+s15+$0x0] =	vst.idx.msk vm1, v7  }
0x4c: {  	[hbm4b:s6+s2] =	stream.linear.scatter [tilespmem:s14], [sflag:$0x1], $0x2720, $0x38;
	[tilespmem:$0x8C00] =	vst v63  }
0x4d: {  	s16 =	sadd.s32 $0x1, s16;
	_ =	swait.ge [sflag:s9], $0x2720  }
0x4e: {  	p0 =	sne.s32 s16, s8;
	[sflag:s9] =	ssyncset.done $0x0  }
.Ltmp2:
0x4f: {  	[sflag:s9] =	ssyncadd.s32 $0xFFFFD8E0;
	(pc) =	sbr.rel @p0 .LBB2_1-.Ltmp2, $4  }
0x50: {  	[hbm4b:s7+s2] =	stream.linear.scatter [tilespmem:s15], [sflag:$0x1], $0x2720, $0x38;
	[tilespmem:$0x8C00] =	vst v63  }
0x51: {  	_ =	swait.ge [sflag:s9], $0x2720  }
0x52: {  	[sflag:s9] =	ssyncset.done $0x0  }
0x53: {  	[sflag:s9] =	ssyncadd.s32 $0xFFFFD8E0  }
0x54: {  	_ =	sfence.sel $0x180000  }
0x55: {  	[bflag:$0x0] =	sbarrier.arrive $0xFFFF  }
0x56: {  	p0 =	sne.s32 s0, $0x0;
	_ =	strace $0x9000004A  }
0x57: {  	s0 =	sadd.s32 @!p0 $0x100000, s1;
	[bflag:$0x2] =	sbarrier.arrive $0xFFFF  }
0x58: {  	[sflag:s0] =	ssyncadd.tile.s32 @!p0 $0x1;
	_ =	shalt  }
.Lfunc_end2:
_tile_overlayer_lowered:
.L_overlay_start_2:
0x59: {  	(tag) =	ssettag $0x2  }
0x5a: {  	s0 =	rddreg [dreg:$0x0];
	s2 =	stileid.u32  }
0x5b: {  	s1 =	rddreg [dreg:$0x1];
	p0 =	sne.s32 s2, $0x0  }
0x5c: {  	s3 =	rddreg [dreg:$0x2];
	[bflag:$0x3] =	sbarrier.arrive $0xFFFF;
	s2 =	simm.s32 @!p0 $0x1C01  }
0x5d: {  	[timem:s3], [sflag:s2] =	dma.local @!p0 [hbm:s0], s1  }
0x5e: {  	s0 =	simm.s32 @!p0 $0x1  }
0x5f: {  	_ =	swait.ge @!p0 [sflag:s0], s1  }
0x60: {  	s1 =	ssub.s32 @!p0 $0x0, s1;
	[sflag:s0] =	ssyncset.done @!p0 $0x0  }
0x61: {  	[sflag:s0] =	ssyncadd.s32 @!p0 s1  }
0x62: {  	[bflag:$0x3] =	sbarrier.arrive $0xFFFF  }
0x63: {  	_ =	shalt  }

// kernel: kernel.13.cloned.1.call-start
scs
__scs_entry_jumppad:
0x0: {  	(pc) =	sbr.rel $0x88, $3  }
0x1: {  	(tag) =	ssettag $0x0;
	lr =	simm.s32 $0x1  }
0x2: {  	[smem:$0x3F9E] =	sst lr;
	_ =	strace $0xD0000000  }
0x3: {  	_ = 	snop  }
0x4: {  	_ = 	snop  }
0x5: {  	_ = 	snop  }
0x6: {  	_ = 	snop  }
0x7: {  	_ = 	snop  }
__scs_overlays_trampoline_lowered:
0x8: {  	[smem:$0x3FAD] =	sst s0  }
0x9: {  	[smem:$0x3FAE] =	sst s1  }
0xa: {  	[smem:$0x3FAF] =	sst s2  }
0xb: {  	[smem:$0x3FB0] =	sst s3  }
0xc: {  	[smem:$0x3FB1] =	sst s4  }
0xd: {  	[smem:$0x3FB2] =	sst s5  }
0xe: {  	[smem:$0x3FB3] =	sst s6  }
0xf: {  	[smem:$0x3FB4] =	sst s7  }
0x10: {  	[smem:$0x3FB5] =	sst s8  }
0x11: {  	[smem:$0x3FB6] =	sst s9;
	s0 =	simm.s32 @!p0 $0x0  }
0x12: {  	s1 =	sld [smem:$0x3F9C];
	s0 =	simm.s32 @p0 $0x1  }
0x13: {  	[smem:$0x3FB7] =	sst s0;
	s0 =	simm.s32 @!p1 $0x0  }
0x14: {  	s2 =	sld [smem:$0x3F9B];
	s0 =	simm.s32 @p1 $0x1  }
0x15: {  	[smem:$0x3FB8] =	sst s0;
	s0 =	simm.s32 @!p2 $0x0  }
0x16: {  	s3 =	sld [smem:$0x3FDB];
	s0 =	simm.s32 @p2 $0x1  }
0x17: {  	s4 =	simm.s32 $0x1BF5;
	[smem:$0x3FBA] =	sst s0  }
0x18: {  	s0 =	sld [smem:$0x3F9D];
	_ =	swait.ge [sflag:s4], $0x0  }
0x19: {  	s7 =	sld [smem:$0x3F9E]  }
0x1a: {  	s8 =	sadd.s32 $0xFFFFE003, lr  }
0x1b: {  	s9 =	sadd.s32 $0xFFFFFEF7, lr;
	s5 =	simm.s32 $0xFFFFFFFF;
	p2 =	slt.u32 s8, $0xFFFFF086  }
0x1c: {  	p1 =	slt.u32 s9, $0xF7A;
	s5 =	simm.s32 @!p2 $0x0  }
0x1d: {  	s5 =	simm.s32 @p1 $0x1;
	p0 =	seq.s32 s7, s2  }
0x1e: {  	s7 =	smul.u32 @!p0 $0xF7A, s2;
	p2 =	seq.s32 @!p0 s5, $0x0  }
0x1f: {  	s9 =	smul.u32 $0xF7A, s1;
	s8 =	simm.s32 @!p0 $0x1BF5;
	p2 =	por !p2, p0  }
0x20: {  	[sflag:s8] =	ssyncset.s32 @!p0 $0xFFFFF086;
	s6 =	sadd.s32 @!p0 s3, s7;
	s7 =	simm.s32 @!p0 $0x108  }
0x21: {  	s3 =	sadd.s32 s3, s9;
	s6 =	sadd.s32 @!p0 $0x88, s6;
	s7 =	simm.s32 @p2 $0x1082  }
0x22: {  	[simem:s7], [sflag:s8] =	dma.local @!p0 [hbm:s6], $0xF7A  }
0x23: {  	s9 =	sor.u32 $0xD0000000, s2;
	s6 =	simm.s32 $0x108;
	_ =	swait.ge @!p0 [sflag:s8], $0x0  }
0x24: {  	s3 =	sadd.s32 $0x88, s3;
	s6 =	simm.s32 @!p1 $0x1082;
	[sflag:s4] =	ssyncset.s32 $0xFFFFF086  }
0x25: {  	[simem:s6], [sflag:s4] =	dma.local [hbm:s3], $0xF7A  }
0x26: {  	[smem:$0x3F9E] =	sst s1;
	(tag) =	ssettag s2;
	_ =	strace s9  }
0x27: {  	s1 =	sld [smem:$0x3FAE]  }
0x28: {  	s2 =	sld [smem:$0x3FAF]  }
0x29: {  	s4 =	sld [smem:$0x3FB1]  }
0x2a: {  	p0 =	seq.s32 s5, $0x0;
	s5 =	sld [smem:$0x3FB2]  }
0x2b: {  	s6 =	sld [smem:$0x3FB3]  }
0x2c: {  	s7 =	sld [smem:$0x3FB4]  }
0x2d: {  	s3 =	simm.s32 $0x108;
	s8 =	sld [smem:$0x3FB5]  }
0x2e: {  	s3 =	simm.s32 @!p0 $0x1082;
	s9 =	sld [smem:$0x3FB6]  }
0x2f: {  	lr =	sadd.s32 s0, s3;
	s0 =	sld [smem:$0x3FAD]  }
0x30: {  	s3 =	sld [smem:$0x3FB0]  }
0x31: {  	[smem:$0x3FB9] =	sst s10  }
0x32: {  	s10 =	sld [smem:$0x3FB7];
	_ =	sdelay $0x3  }
0x33: {  	p0 =	seq.s32 s10, $0x1;
	s10 =	sld [smem:$0x3FB9];
	_ =	sdelay $0x3  }
0x34: {  	[smem:$0x3FB9] =	sst s10  }
0x35: {  	s10 =	sld [smem:$0x3FB8];
	_ =	sdelay $0x3  }
0x36: {  	p1 =	seq.s32 s10, $0x1;
	s10 =	sld [smem:$0x3FB9];
	_ =	sdelay $0x3  }
0x37: {  	[smem:$0x3FB9] =	sst s10  }
0x38: {  	s10 =	sld [smem:$0x3FBA]  }
0x39: {  	_ = 	snop;
	(pc) =	sbr.ind lr, $3  }
0x3a: {  	_ = 	snop  }
0x3b: {  	_ = 	snop  }
0x3c: {  	p2 =	seq.s32 s10, $0x1;
	s10 =	sld [smem:$0x3FB9]  }
0x3d: {  	_ =	shalt  }
0x3e: {  	_ =	shalt  }
0x3f: {  	_ =	shalt  }
0x40: {  	_ =	shalt  }
0x41: {  	_ =	shalt  }
0x42: {  	_ =	shalt  }
0x43: {  	_ =	shalt  }
0x44: {  	_ =	shalt  }
0x45: {  	_ =	shalt  }
0x46: {  	_ =	shalt  }
0x47: {  	_ =	shalt  }
0x48: {  	_ =	shalt  }
0x49: {  	_ =	shalt  }
0x4a: {  	_ =	shalt  }
0x4b: {  	_ =	shalt  }
0x4c: {  	_ =	shalt  }
0x4d: {  	_ =	shalt  }
0x4e: {  	_ =	shalt  }
0x4f: {  	_ =	shalt  }
0x50: {  	_ =	shalt  }
0x51: {  	_ =	shalt  }
0x52: {  	_ =	shalt  }
0x53: {  	_ =	shalt  }
0x54: {  	_ =	shalt  }
0x55: {  	_ =	shalt  }
0x56: {  	_ =	shalt  }
0x57: {  	_ =	shalt  }
0x58: {  	_ =	shalt  }
0x59: {  	_ =	shalt  }
0x5a: {  	_ =	shalt  }
0x5b: {  	_ =	shalt  }
0x5c: {  	_ =	shalt  }
0x5d: {  	_ =	shalt  }
0x5e: {  	_ =	shalt  }
0x5f: {  	_ =	shalt  }
0x60: {  	_ =	shalt  }
0x61: {  	_ =	shalt  }
0x62: {  	_ =	shalt  }
0x63: {  	_ =	shalt  }
0x64: {  	_ =	shalt  }
0x65: {  	_ =	shalt  }
0x66: {  	_ =	shalt  }
0x67: {  	_ =	shalt  }
0x68: {  	_ =	shalt  }
0x69: {  	_ =	shalt  }
0x6a: {  	_ =	shalt  }
0x6b: {  	_ =	shalt  }
0x6c: {  	_ =	shalt  }
0x6d: {  	_ =	shalt  }
0x6e: {  	_ =	shalt  }
0x6f: {  	_ =	shalt  }
0x70: {  	_ =	shalt  }
0x71: {  	_ =	shalt  }
0x72: {  	_ =	shalt  }
0x73: {  	_ =	shalt  }
0x74: {  	_ =	shalt  }
0x75: {  	_ =	shalt  }
0x76: {  	_ =	shalt  }
0x77: {  	_ =	shalt  }
0x78: {  	_ =	shalt  }
0x79: {  	_ =	shalt  }
0x7a: {  	_ =	shalt  }
0x7b: {  	_ =	shalt  }
0x7c: {  	_ =	shalt  }
0x7d: {  	_ =	shalt  }
0x7e: {  	_ =	shalt  }
0x7f: {  	_ =	shalt  }
0x80: {  	_ =	shalt  }
0x81: {  	_ =	shalt  }
0x82: {  	_ =	shalt  }
0x83: {  	_ =	shalt  }
0x84: {  	_ =	shalt  }
0x85: {  	_ =	shalt  }
0x86: {  	_ =	shalt  }
0x87: {  	_ =	shalt  }
.Lfunc_end0:
.L_simem_size_0:
called_computation.2_lowered:
.L_overlay_start_0:
0x88: {  	s2 =	sld [smem:$0x3FD9]  }
0x89: {  	s3 =	sld [smem:$0x3FFE];
	_ =	sdelay $0x1  }
0x8a: {  	s1 =	srdreg.scid  }
0x8b: {  	s0 =	sand.u32 $0x1, s1  }
0x8c: {  	s16 =	sshll.u32 s0, $0xA;
	s2 =	sadd.s32 s3, s2  }
0x8d: {  	s2 =	sadd.s32 s2, s16  }
0x8e: {  	[smem:$0x3FC5] =	sst s2  }
0x8f: {  	_ = 	snop  }
0x90: {  	(tm) =	ssettm $0x1  }
0x91: {  	s17 =	sld [smem:$0x3FFB];
	_ =	sdelay $0x3  }
0x92: {  	_ =	strace s17  }
0x93: {  	s2 =	sld [smem:$0x3FFC];
	_ =	sdelay $0x3  }
0x94: {  	_ =	strace s2  }
0x95: {  	s2 =	sld [smem:$0x3FFD];
	_ =	sdelay $0x3  }
0x96: {  	_ =	strace s2  }
0x97: {  	_ =	strace $0x8FFFFFFF  }
0x98: {  	s18 =	sld [smem:$0x3FDB];
	_ =	sdelay $0x1  }
0x99: {  	s19 =	simm.s32 $_scs_section_size  }
0x9a: {  	s4 =	simm.s32 $_size__tile_overlayer_lowered;
	s5 =	simm.s32 $_tile_overlayer_lowered  }
0x9b: {  	s22 =	simm.s32 $0x1BFF;
	s21 =	sshll.u32 s5, $0x1;
	s2 =	sadd.s32 s19, s18  }
0x9c: {  	s6 =	simm.s32 $0x0;
	s20 =	sshll.u32 s4, $0x1;
	s4 =	sadd.s32 s21, s2  }
0x9d: {  	[timem:s6], [sflag:s22] =	dma.local [hbm:s4], s20  }
0x9e: {  	_ =	swait.ge [sflag:s22], s20  }
0x9f: {  	s3 =	ssub.s32 $0x0, s20;
	[sflag:s22] =	ssyncset.done $0x0  }
0xa0: {  	[sflag:s22] =	ssyncadd.s32 s3;
	_ =	sdelay $0x1  }
0xa1: {  	s23 =	simm.s32 $0x1B8B  }
0xa2: {  	_ =	swait.ge [sflag:s23], $0x1  }
0xa3: {  	[sflag:s23] =	ssyncset.done $0x0  }
0xa4: {  	s25 =	simm.s32 $0x1B8E;
	s24 =	sld [smem:$0x3FFE];
	[sflag:s23] =	ssyncadd.s32 $0xFFFFFFFF  }
0xa5: {  	s26 =	simm.s32 $execute0_lowered;
	[smem:$0x3FD2] =	sst s25  }
0xa6: {  	s4 =	sshll.u32 s26, $0x1;
	_ =	strace $0x8000004C;
	[dreg:$0x1] =	wrdreg $0xFFFFFFFF  }
0xa7: {  	s28 =	simm.s32 $_size_execute0_lowered;
	s2 =	sadd.s32 s2, s4;
	[dreg:$0x0] =	wrdreg $0x0  }
0xa8: {  	s4 =	sshll.u32 s28, $0x1;
	[dreg:$0x2] =	wrdreg s2  }
0xa9: {  	[dreg:$0x3] =	wrdreg s4  }
0xaa: {  	[dreg:$0x4] =	wrdreg $0xC0  }
0xab: {  	_ =	task [dreg:s6], $0x5FFFF  }
0xac: {  	[dreg:$0x1] =	wrdreg $0xFFFFFFFF  }
0xad: {  	[dreg:$0x0] =	wrdreg $0x60  }
0xae: {  	[dreg:$0x2] =	wrdreg s24  }
0xaf: {  	[dreg:$0x3] =	wrdreg $0x9  }
0xb0: {  	_ =	task.clear_ibuf [dreg:s6], $0x4FFFF;
	_ =	strace $0x9000004C  }
0xb1: {  	s29 =	simm.s32 $0x9;
	_ =	strace $0x8000004E  }
0xb2: {  	_ =	swait.ge [sflag:s29], $0x1  }
0xb3: {  	[sflag:s29] =	ssyncadd.s32 $0xFFFFFFFF  }
0xb4: {  	_ =	strace $0x9000004E  }
0xb5: {  	_ =	sfence  }
0xb6: {  	s30 =	sld [smem:$0x0];
	_ =	sdelay $0x2  }
0xb7: {  	s31 =	sshll.u32 s1, $0xD;
	s1 =	sshrl.u32 s1, $0x2  }
0xb8: {  	s3 =	sand.u32 $0x4000, s31;
	s1 =	sadd.s32 s1, s30  }
0xb9: {  	s0 =	sor.u32 s3, s0;
	s1 =	sshll.u32 s1, $0x11  }
0xba: {  	s0 =	sor.u32 s1, s0  }
0xbb: {  	s0 =	sadd.s32 $0x8F2B, s0  }
0xbc: {  	[sflag:s0] =	ssyncadd.remote.s32 $0x1  }
0xbd: {  	_ =	sfence.sel $0xFFFF  }
0xbe: {  	[dreg:$0x0] =	wrdreg $0xFFFFFFFF;
	(pc) =	sbr.abs _section_cstart, $3  }
0xbf: {  	[dreg:$0x1] =	wrdreg $0xFFFFFFFF  }
0xc0: {  	_ =	task.clear_ibuf [dreg:s6], $0x2FFFF;
	_ =	strace $0x9FFFFFFF  }
0xc1: {  	(tm) =	ssettm $0x7FFFFFFF  }
tec
execute0_lowered:
.L_overlay_start_1:
0x0: {  	(tag) =	ssettag $0x1  }
0x1: {  	v0 =	vimm.s32 $0xFFEDCBA9;
	v1 =	vimm.s32 $0x87654321;
	v2 =	vimm.s32 $0xFFFEDCBA  }
0x2: {  	v3 =	vimm.s32 $0x98765432;
	vm0 =	vmmov $0x7fff;
	v4 =	vimm.s32 $0xEDCBA987  }
0x3: {  	s1 =	srdreg.scid;
	s0 =	stileid.u32;
	v5 =	vimm.s32 $0x6543210F;
	v6 =	vimm.s32 $0xBA987654;
	vm1 =	vmmov $0x3fff  }
0x4: {  	s5 =	rddreg [dreg:$0x0];
	s2 =	simm.s32 $0x0;
	s12 =	simm.s32 $0x1;
	vm3 =	vcmask $0x1F00;
	v2 =	vunpack.c.l.s4.s8 v2;
	v3 =	vunpack.c.l.s4.s8 v3  }
0x5: {  	s13 =	simm.s32 $0x1400;
	s14 =	simm.s32 $0x2800;
	s15 =	simm.s32 $0x3C00;
	vm2 =	vcmask $0x2F20;
	vm4 =	vmmov $0x1;
	v0 =	vunpack.c.l.s4.s8 v0  }
0x6: {  	s16 =	simm.s32 $0x6380;
	s17 =	simm.s32 $0x10180;
	s18 =	simm.s32 $0x10200;
	v1 =	vunpack.c.l.s4.s8 v1;
	v2 =	vunpack.c.0.s8.s32 v2;
	v3 =	vunpack.c.0.s8.s32 v3  }
0x7: {  	s19 =	simm.s32 $0x8B00;
	s3 =	sand.u32 $0x1, s1;
	s30 =	sshll.u32 s0, $0x1;
	v4 =	vunpack.c.l.s4.s8 v4;
	v5 =	vunpack.c.l.s4.s8 v5;
	v0 =	vunpack.c.0.s8.s32 v0  }
0x8: {  	s20 =	simm.s32 $0xB280;
	s21 =	simm.s32 $0xDA00;
	s4 =	sor.u32 s3, s30;
	v1 =	vunpack.c.0.s8.s32 v1;
	v2 =	vcombine.low v3, v2;
	v3 =	vunpack.c.l.s4.s8 v6  }
0x9: {  	s22 =	simm.s32 $0x0;
	s1 =	rddreg [dreg:$0x1];
	s6 =	smul.u32 $0x278, s4;
	v4 =	vunpack.c.0.s8.s32 v4;
	v5 =	vunpack.c.0.s8.s32 v5;
	v6 =	vimm.s32 $0xFEDCBA98  }
0xa: {  	[smem:$0x7FF] =	sst s2;
	s31 =	ssub.s32 $0x2, s3;
	s4 =	smul.u32 $0x7560, s4;
	v1 =	vcombine.low v1, v0;
	v6 =	vunpack.c.l.s4.s8 v6;
	v3 =	vunpack.c.0.s8.s32 v3  }
0xb: {  	_ =	strace $0x8000004D;
	s3 =	sadd.s32 $0x1600, s5;
	s9 =	sshrl.u32 s31, $0x1;
	v0 =	vimm.f32 $0.0e+00;
	v5 =	vcombine.low v5, v4;
	v4 =	vimm.s32 $0xF0E0D0C  }
0xc: {  	s11 =	ssub.s32 s31, s9;
	s7 =	sadd.s32 s6, s5;
	s8 =	sshrl.u32 s4, $0x3;
	v4 =	vunpack.c.0.s8.s32 v4;
	v6 =	vunpack.c.0.s8.s32 v6;
	v3 =	vand.u32 $0xF, v3  }
0xd: {  	s4 =	sadd.s32 $0x1C00, s5;
	s11 =	smax.u32 s11, $0x1;
	s10 =	sadd.s32 s8, s5;
	v1 =	vand.u32 $0xF, v1;
	v2 =	vand.u32 $0xF, v2;
	v3 =	vnsel vm3, $0xF, v3  }
0xe: {  	s5 =	sadd.s32 $0xB1A00, s7;
	s6 =	sadd.s32 $0xA7A00, s7;
	s7 =	sadd.s32 $0xACA00, s7;
	v5 =	vand.u32 $0xF, v5;
	v6 =	vand.u32 $0xF, v6;
	v3 =	vsel vm2, v4, v3  }
0xf: {  	s8 =	sadd.s32 $0x2200, s10;
	s9 =	sadd.s32 $0x26E4, s10;
	s10 =	sadd.s32 $0x2BC8, s10;
	vm2 =	vmmov $0xfff;
	v4 =	vnsel vm3, $0xF, v6;
	vm3 =	vmmov $0xff  }
.LBB2_1:
0x10: {  	[tilespmem:s2], [sflag:$0x1] =	stream.linear.gather [hbm4b:s5+s2], $0x13C0, $0x38;
	[tilespmem:$0x10280] =	vst v63  }
0x11: {  	_ =	swait.ge [sflag:s12], $0x13C0  }
0x12: {  	[sflag:s12] =	ssyncset.done $0x0  }
0x13: {  	[sflag:s12] =	ssyncadd.s32 $0xFFFFEC40  }
0x14: {  	[tilespmem:s13], [sflag:$0x1] =	stream.linear.gather [hbm4b:s6+s2], $0x13C0, $0x38;
	[tilespmem:$0x10280] =	vst v63  }
0x15: {  	_ =	swait.ge [sflag:s12], $0x13C0  }
0x16: {  	[sflag:s12] =	ssyncset.done $0x0  }
0x17: {  	[sflag:s12] =	ssyncadd.s32 $0xFFFFEC40  }
0x18: {  	[tilespmem:s14], [sflag:$0x1] =	stream.linear.gather [hbm4b:s7+s2], $0x13C0, $0x38;
	[tilespmem:$0x10280] =	vst v63  }
0x19: {  	_ =	swait.ge [sflag:s12], $0x13C0  }
0x1a: {  	[sflag:s12] =	ssyncset.done $0x0  }
0x1b: {  	[sflag:s12] =	ssyncadd.s32 $0xFFFFEC40  }
0x1c: {  	[tilespmem:s15], [sflag:$0x1] =	stream.linear.gather [hbm4b:s3+s2], $0x2780, $0x38;
	[tilespmem:$0x10280] =	vst v63  }
0x1d: {  	_ =	swait.ge [sflag:s12], $0x2780  }
0x1e: {  	[sflag:s12] =	ssyncset.done $0x0  }
0x1f: {  	[sflag:s12] =	ssyncadd.s32 $0xFFFFD880  }
0x20: {  	[tilespmem:s16], [sflag:$0x1] =	stream.linear.gather [hbm4b:s4+s2], $0x2780, $0x38;
	[tilespmem:$0x10280] =	vst v63  }
0x21: {  	_ =	swait.ge [sflag:s12], $0x2780  }
0x22: {  	[sflag:s12] =	ssyncset.done $0x0  }
0x23: {  	s23 =	simm.s32 $0x0;
	[sflag:s12] =	ssyncadd.s32 $0xFFFFD880  }
.LBB2_2:
0x24: {  	p0 =	sne.s32 s23, $0x9C40  }
.Ltmp0:
0x25: {  	_ = 	snop;
	(pc) =	sbr.rel @p0 .LBB2_2-.Ltmp0, $4  }
0x26: {  	s24 =	sshra.s32 s23, $0x2  }
0x27: {  	[tilespmem:s24+$0x8B00] =	vst v0  }
0x28: {  	[tilespmem:s24+$0xB280] =	vst v0  }
0x29: {  	s23 =	sadd.s32 $0x40, s23;
	[tilespmem:s24+$0xDA00] =	vst v0  }
0x2a: {  	s23 =	simm.s32 $0x0  }
.LBB2_4:
0x2b: {  	s24 =	sshra.s32 s23, $0x2  }
0x2c: {  	v6 =	vld [tilespmem:s24+$0x0];
	_ =	sdelay $0x6  }
0x2d: {  	v7 =	vld [tilespmem:s24+$0x1400]  }
0x2e: {  	v8 =	vld.idx.msk [tilespmem:v6+s15+$0x0], $0xffff;
	_ =	sdelay $0x1  }
0x2f: {  	v9 =	vld [tilespmem:s24+$0x2800]  }
0x30: {  	v10 =	vld.idx.msk [tilespmem:v6+s16+$0x0], $0xffff;
	_ =	sdelay $0x1  }
0x31: {  	v8 =	vsub.f32 v7, v8;
	_ =	sdelay $0x1  }
0x32: {  	v8 =	vmul.f32 $1.442695020e+00, v8  }
0x33: {  	v40 =	vsub.f32 v9, v10  }
0x34: {  	(erf) = vpow2.f32 v8  }
0x35: {  	v8 =	vmul.f32 $1.442695020e+00, v40;
	_ =	sdelay $0x1  }
0x36: {  	(erf) = vpow2.f32 v8;
	_ =	sdelay $0x5  }
0x37: {  	v6 =	vxor.u32 $0x80000000, v6;
	v41 =	vpop (erf)  }
0x38: {  	(xrf1) =	vsort.ascd.msk.u32 $0xffff, v6, v41  }
0x39: {  	v7 =	vsub.f32 v9, v7  }
0x3a: {  	v42 =	vpop (erf)  }
0x3b: {  	v7 =	vmul.f32 v42, v7  }
0x3c: {  	(xrf1) =	vsort.ascd.msk.u32 $0xffff, v6, v42  }
0x3d: {  	(xrf1) =	vsort.ascd.msk.u32 $0xffff, v6, v7;
	_ =	sdelay $0x8  }
0x3e: {  	v6, v7, _ =	vpop (xrf1)  }
0x3f: {  	v6 =	vxor.u32 $0x80000000, v6  }
0x40: {  	[tilespmem:$0x10180] =	vst v6  }
0x41: {  	v43 =	vld.idx.msk [tilespmem:v1+s17+$0x0], $0xffff  }
0x42: {  	_, v44, _ =	vpop (xrf1);
	[tilespmem:$0x10200] =	vst v7  }
0x43: {  	v45 =	vld.idx.msk [tilespmem:v1+s18+$0x0], $0xffff;
	[tilespmem:$0x10200] =	vst v44;
	_, v11, _ =	vpop (xrf1)  }
0x44: {  	v12 =	vld.idx.msk [tilespmem:v1+s18+$0x0], $0xffff;
	[tilespmem:$0x10200] =	vst v11  }
0x45: {  	v46 =	vld.idx.msk [tilespmem:v1+s18+$0x0], $0xffff  }
0x46: {  	vm5 =	veq.s32 v43, v6  }
0x47: {  	vm5 =	vmand vm5, vm0  }
0x48: {  	v10 =	vnsel vm5, $0x0, v45  }
0x49: {  	[tilespmem:$0x10180] =	vst v6;
	v47 =	vnsel vm5, $0x0, v12;
	v7 =	vadd.f32 v10, v7  }
0x4a: {  	v48 =	vld.idx.msk [tilespmem:v2+s17+$0x0], $0xffff;
	v9 =	vadd.f32 v47, v44;
	v8 =	vnsel vm5, $0x0, v46  }
0x4b: {  	v8 =	vadd.f32 v8, v11;
	[tilespmem:$0x10200] =	vst v7  }
0x4c: {  	v49 =	vld.idx.msk [tilespmem:v2+s18+$0x0], $0xffff;
	[tilespmem:$0x10200] =	vst v9  }
0x4d: {  	v50 =	vld.idx.msk [tilespmem:v2+s18+$0x0], $0xffff;
	[tilespmem:$0x10200] =	vst v8  }
0x4e: {  	v51 =	vld.idx.msk [tilespmem:v2+s18+$0x0], $0xffff  }
0x4f: {  	vm5 =	veq.s32 v48, v6  }
0x50: {  	vm5 =	vmand vm5, vm1  }
0x51: {  	v10 =	vnsel vm5, $0x0, v49  }
0x52: {  	[tilespmem:$0x10180] =	vst v6;
	v7 =	vadd.f32 v10, v7;
	v52 =	vnsel vm5, $0x0, v50  }
0x53: {  	v53 =	vld.idx.msk [tilespmem:v3+s17+$0x0], $0xffff;
	v9 =	vadd.f32 v52, v9;
	v54 =	vnsel vm5, $0x0, v51  }
0x54: {  	[tilespmem:$0x10200] =	vst v7;
	v8 =	vadd.f32 v54, v8  }
0x55: {  	v55 =	vld.idx.msk [tilespmem:v3+s18+$0x0], $0xffff;
	[tilespmem:$0x10200] =	vst v9  }
0x56: {  	v56 =	vld.idx.msk [tilespmem:v3+s18+$0x0], $0xffff;
	[tilespmem:$0x10200] =	vst v8  }
0x57: {  	v57 =	vld.idx.msk [tilespmem:v3+s18+$0x0], $0xffff  }
0x58: {  	vm5 =	veq.s32 v53, v6  }
0x59: {  	vm5 =	vmand vm5, vm2  }
0x5a: {  	v12 =	vnsel vm5, $0x0, v55  }
0x5b: {  	v7 =	vadd.f32 v12, v7;
	v10 =	vnsel vm5, $0x0, v56  }
0x5c: {  	[tilespmem:$0x10180] =	vst v6;
	v9 =	vadd.f32 v10, v9;
	v59 =	vnsel vm5, $0x0, v57  }
0x5d: {  	v58 =	vld.idx.msk [tilespmem:v4+s17+$0x0], $0xffff;
	[tilespmem:$0x10200] =	vst v7;
	v8 =	vadd.f32 v59, v8  }
0x5e: {  	v60 =	vld.idx.msk [tilespmem:v4+s18+$0x0], $0xffff;
	[tilespmem:$0x10200] =	vst v9  }
0x5f: {  	v61 =	vld.idx.msk [tilespmem:v4+s18+$0x0], $0xffff;
	[tilespmem:$0x10200] =	vst v8  }
0x60: {  	v13 =	vld.idx.msk [tilespmem:v4+s18+$0x0], $0xffff;
	[tilespmem:$0x10180] =	vst v6  }
0x61: {  	v14 =	vld.idx.msk [tilespmem:v5+s17+$0x0], $0xffff;
	_ =	sdelay $0x4  }
0x62: {  	vm5 =	veq.s32 v58, v6;
	v62 =	vld.idx.msk [tilespmem:v6+s19+$0x0], $0xffff;
	vm6 =	vne.s32 v6, v14  }
0x63: {  	vm5 =	vmand vm5, vm3;
	vm6 =	vmor vm6, vm4  }
0x64: {  	v11 =	vnsel vm5, $0x0, v60  }
0x65: {  	v7 =	vadd.f32 v11, v7;
	_ =	sdelay $0x1  }
0x66: {  	v7 =	vadd.f32 v62, v7;
	_ =	sdelay $0x1  }
0x67: {  	[tilespmem:v6+s19+$0x0] =	vst.idx.msk vm6, v7  }
0x68: {  	v7 =	vld.idx.msk [tilespmem:v6+s20+$0x0], $0xffff;
	_ =	sdelay $0x1  }
0x69: {  	v10 =	vnsel vm5, $0x0, v61  }
0x6a: {  	v9 =	vadd.f32 v10, v9;
	_ =	sdelay $0x1  }
0x6b: {  	v7 =	vadd.f32 v7, v9;
	_ =	sdelay $0x1  }
0x6c: {  	[tilespmem:v6+s20+$0x0] =	vst.idx.msk vm6, v7  }
0x6d: {  	v7 =	vld.idx.msk [tilespmem:v6+s21+$0x0], $0xffff;
	_ =	sdelay $0x1  }
0x6e: {  	p0 =	sne.s32 s23, $0x4EC0;
	v63 =	vnsel vm5, $0x0, v13  }
.Ltmp1:
0x6f: {  	v8 =	vadd.f32 v63, v8;
	(pc) =	sbr.rel @p0 .LBB2_4-.Ltmp1, $3  }
0x70: {  	_ = 	snop  }
0x71: {  	v7 =	vadd.f32 v7, v8;
	_ =	sdelay $0x1  }
0x72: {  	s23 =	sadd.s32 $0x40, s23;
	[tilespmem:v6+s21+$0x0] =	vst.idx.msk vm6, v7  }
0x73: {  	[hbm4b:s8+s2] =	stream.linear.scatter [tilespmem:s19], [sflag:$0x1], $0x2720, $0x38;
	[tilespmem:$0x10280] =	vst v63  }
0x74: {  	_ =	swait.ge [sflag:s12], $0x2720  }
0x75: {  	[sflag:s12] =	ssyncset.done $0x0  }
0x76: {  	[sflag:s12] =	ssyncadd.s32 $0xFFFFD8E0  }
0x77: {  	[hbm4b:s9+s2] =	stream.linear.scatter [tilespmem:s20], [sflag:$0x1], $0x2720, $0x38;
	[tilespmem:$0x10280] =	vst v63  }
0x78: {  	s22 =	sadd.s32 $0x1, s22;
	_ =	swait.ge [sflag:s12], $0x2720  }
0x79: {  	p0 =	sne.s32 s22, s11;
	[sflag:s12] =	ssyncset.done $0x0  }
.Ltmp2:
0x7a: {  	[sflag:s12] =	ssyncadd.s32 $0xFFFFD8E0;
	(pc) =	sbr.rel @p0 .LBB2_1-.Ltmp2, $4  }
0x7b: {  	[hbm4b:s10+s2] =	stream.linear.scatter [tilespmem:s21], [sflag:$0x1], $0x2720, $0x38;
	[tilespmem:$0x10280] =	vst v63  }
0x7c: {  	_ =	swait.ge [sflag:s12], $0x2720  }
0x7d: {  	[sflag:s12] =	ssyncset.done $0x0  }
0x7e: {  	[sflag:s12] =	ssyncadd.s32 $0xFFFFD8E0  }
0x7f: {  	_ =	sfence.sel $0x180000  }
0x80: {  	[bflag:$0x0] =	sbarrier.arrive $0xFFFF  }
0x81: {  	p0 =	sne.s32 s0, $0x0;
	_ =	strace $0x9000004D  }
0x82: {  	s0 =	sadd.s32 @!p0 $0x100000, s1;
	[bflag:$0x2] =	sbarrier.arrive $0xFFFF  }
0x83: {  	[sflag:s0] =	ssyncadd.tile.s32 @!p0 $0x1;
	_ =	shalt  }
.Lfunc_end2:
_tile_overlayer_lowered:
.L_overlay_start_2:
0x84: {  	(tag) =	ssettag $0x2  }
0x85: {  	s0 =	rddreg [dreg:$0x0];
	s2 =	stileid.u32  }
0x86: {  	s1 =	rddreg [dreg:$0x1];
	p0 =	sne.s32 s2, $0x0  }
0x87: {  	s3 =	rddreg [dreg:$0x2];
	[bflag:$0x3] =	sbarrier.arrive $0xFFFF;
	s2 =	simm.s32 @!p0 $0x1C01  }
0x88: {  	[timem:s3], [sflag:s2] =	dma.local @!p0 [hbm:s0], s1  }
0x89: {  	s0 =	simm.s32 @!p0 $0x1  }
0x8a: {  	_ =	swait.ge @!p0 [sflag:s0], s1  }
0x8b: {  	s1 =	ssub.s32 @!p0 $0x0, s1;
	[sflag:s0] =	ssyncset.done @!p0 $0x0  }
0x8c: {  	[sflag:s0] =	ssyncadd.s32 @!p0 s1  }
0x8d: {  	[bflag:$0x3] =	sbarrier.arrive $0xFFFF  }
0x8e: {  	_ =	shalt  }

// kernel: kernel.7.cloned.1.call-start
scs
__scs_entry_jumppad:
0x0: {  	(pc) =	sbr.rel $0x88, $3  }
0x1: {  	(tag) =	ssettag $0x0;
	lr =	simm.s32 $0x1  }
0x2: {  	[smem:$0x3F9E] =	sst lr;
	_ =	strace $0xD0000000  }
0x3: {  	_ = 	snop  }
0x4: {  	_ = 	snop  }
0x5: {  	_ = 	snop  }
0x6: {  	_ = 	snop  }
0x7: {  	_ = 	snop  }
__scs_overlays_trampoline_lowered:
0x8: {  	[smem:$0x3FAD] =	sst s0  }
0x9: {  	[smem:$0x3FAE] =	sst s1  }
0xa: {  	[smem:$0x3FAF] =	sst s2  }
0xb: {  	[smem:$0x3FB0] =	sst s3  }
0xc: {  	[smem:$0x3FB1] =	sst s4  }
0xd: {  	[smem:$0x3FB2] =	sst s5  }
0xe: {  	[smem:$0x3FB3] =	sst s6  }
0xf: {  	[smem:$0x3FB4] =	sst s7  }
0x10: {  	[smem:$0x3FB5] =	sst s8  }
0x11: {  	[smem:$0x3FB6] =	sst s9;
	s0 =	simm.s32 @!p0 $0x0  }
0x12: {  	s1 =	sld [smem:$0x3F9C];
	s0 =	simm.s32 @p0 $0x1  }
0x13: {  	[smem:$0x3FB7] =	sst s0;
	s0 =	simm.s32 @!p1 $0x0  }
0x14: {  	s2 =	sld [smem:$0x3F9B];
	s0 =	simm.s32 @p1 $0x1  }
0x15: {  	[smem:$0x3FB8] =	sst s0;
	s0 =	simm.s32 @!p2 $0x0  }
0x16: {  	s3 =	sld [smem:$0x3FDB];
	s0 =	simm.s32 @p2 $0x1  }
0x17: {  	s4 =	simm.s32 $0x1BF5;
	[smem:$0x3FBA] =	sst s0  }
0x18: {  	s0 =	sld [smem:$0x3F9D];
	_ =	swait.ge [sflag:s4], $0x0  }
0x19: {  	s7 =	sld [smem:$0x3F9E]  }
0x1a: {  	s8 =	sadd.s32 $0xFFFFE003, lr  }
0x1b: {  	s9 =	sadd.s32 $0xFFFFFEF7, lr;
	s5 =	simm.s32 $0xFFFFFFFF;
	p2 =	slt.u32 s8, $0xFFFFF086  }
0x1c: {  	p1 =	slt.u32 s9, $0xF7A;
	s5 =	simm.s32 @!p2 $0x0  }
0x1d: {  	s5 =	simm.s32 @p1 $0x1;
	p0 =	seq.s32 s7, s2  }
0x1e: {  	s7 =	smul.u32 @!p0 $0xF7A, s2;
	p2 =	seq.s32 @!p0 s5, $0x0  }
0x1f: {  	s9 =	smul.u32 $0xF7A, s1;
	s8 =	simm.s32 @!p0 $0x1BF5;
	p2 =	por !p2, p0  }
0x20: {  	[sflag:s8] =	ssyncset.s32 @!p0 $0xFFFFF086;
	s6 =	sadd.s32 @!p0 s3, s7;
	s7 =	simm.s32 @!p0 $0x108  }
0x21: {  	s3 =	sadd.s32 s3, s9;
	s6 =	sadd.s32 @!p0 $0x88, s6;
	s7 =	simm.s32 @p2 $0x1082  }
0x22: {  	[simem:s7], [sflag:s8] =	dma.local @!p0 [hbm:s6], $0xF7A  }
0x23: {  	s9 =	sor.u32 $0xD0000000, s2;
	s6 =	simm.s32 $0x108;
	_ =	swait.ge @!p0 [sflag:s8], $0x0  }
0x24: {  	s3 =	sadd.s32 $0x88, s3;
	s6 =	simm.s32 @!p1 $0x1082;
	[sflag:s4] =	ssyncset.s32 $0xFFFFF086  }
0x25: {  	[simem:s6], [sflag:s4] =	dma.local [hbm:s3], $0xF7A  }
0x26: {  	[smem:$0x3F9E] =	sst s1;
	(tag) =	ssettag s2;
	_ =	strace s9  }
0x27: {  	s1 =	sld [smem:$0x3FAE]  }
0x28: {  	s2 =	sld [smem:$0x3FAF]  }
0x29: {  	s4 =	sld [smem:$0x3FB1]  }
0x2a: {  	p0 =	seq.s32 s5, $0x0;
	s5 =	sld [smem:$0x3FB2]  }
0x2b: {  	s6 =	sld [smem:$0x3FB3]  }
0x2c: {  	s7 =	sld [smem:$0x3FB4]  }
0x2d: {  	s3 =	simm.s32 $0x108;
	s8 =	sld [smem:$0x3FB5]  }
0x2e: {  	s3 =	simm.s32 @!p0 $0x1082;
	s9 =	sld [smem:$0x3FB6]  }
0x2f: {  	lr =	sadd.s32 s0, s3;
	s0 =	sld [smem:$0x3FAD]  }
0x30: {  	s3 =	sld [smem:$0x3FB0]  }
0x31: {  	[smem:$0x3FB9] =	sst s10  }
0x32: {  	s10 =	sld [smem:$0x3FB7];
	_ =	sdelay $0x3  }
0x33: {  	p0 =	seq.s32 s10, $0x1;
	s10 =	sld [smem:$0x3FB9];
	_ =	sdelay $0x3  }
0x34: {  	[smem:$0x3FB9] =	sst s10  }
0x35: {  	s10 =	sld [smem:$0x3FB8];
	_ =	sdelay $0x3  }
0x36: {  	p1 =	seq.s32 s10, $0x1;
	s10 =	sld [smem:$0x3FB9];
	_ =	sdelay $0x3  }
0x37: {  	[smem:$0x3FB9] =	sst s10  }
0x38: {  	s10 =	sld [smem:$0x3FBA]  }
0x39: {  	_ = 	snop;
	(pc) =	sbr.ind lr, $3  }
0x3a: {  	_ = 	snop  }
0x3b: {  	_ = 	snop  }
0x3c: {  	p2 =	seq.s32 s10, $0x1;
	s10 =	sld [smem:$0x3FB9]  }
0x3d: {  	_ =	shalt  }
0x3e: {  	_ =	shalt  }
0x3f: {  	_ =	shalt  }
0x40: {  	_ =	shalt  }
0x41: {  	_ =	shalt  }
0x42: {  	_ =	shalt  }
0x43: {  	_ =	shalt  }
0x44: {  	_ =	shalt  }
0x45: {  	_ =	shalt  }
0x46: {  	_ =	shalt  }
0x47: {  	_ =	shalt  }
0x48: {  	_ =	shalt  }
0x49: {  	_ =	shalt  }
0x4a: {  	_ =	shalt  }
0x4b: {  	_ =	shalt  }
0x4c: {  	_ =	shalt  }
0x4d: {  	_ =	shalt  }
0x4e: {  	_ =	shalt  }
0x4f: {  	_ =	shalt  }
0x50: {  	_ =	shalt  }
0x51: {  	_ =	shalt  }
0x52: {  	_ =	shalt  }
0x53: {  	_ =	shalt  }
0x54: {  	_ =	shalt  }
0x55: {  	_ =	shalt  }
0x56: {  	_ =	shalt  }
0x57: {  	_ =	shalt  }
0x58: {  	_ =	shalt  }
0x59: {  	_ =	shalt  }
0x5a: {  	_ =	shalt  }
0x5b: {  	_ =	shalt  }
0x5c: {  	_ =	shalt  }
0x5d: {  	_ =	shalt  }
0x5e: {  	_ =	shalt  }
0x5f: {  	_ =	shalt  }
0x60: {  	_ =	shalt  }
0x61: {  	_ =	shalt  }
0x62: {  	_ =	shalt  }
0x63: {  	_ =	shalt  }
0x64: {  	_ =	shalt  }
0x65: {  	_ =	shalt  }
0x66: {  	_ =	shalt  }
0x67: {  	_ =	shalt  }
0x68: {  	_ =	shalt  }
0x69: {  	_ =	shalt  }
0x6a: {  	_ =	shalt  }
0x6b: {  	_ =	shalt  }
0x6c: {  	_ =	shalt  }
0x6d: {  	_ =	shalt  }
0x6e: {  	_ =	shalt  }
0x6f: {  	_ =	shalt  }
0x70: {  	_ =	shalt  }
0x71: {  	_ =	shalt  }
0x72: {  	_ =	shalt  }
0x73: {  	_ =	shalt  }
0x74: {  	_ =	shalt  }
0x75: {  	_ =	shalt  }
0x76: {  	_ =	shalt  }
0x77: {  	_ =	shalt  }
0x78: {  	_ =	shalt  }
0x79: {  	_ =	shalt  }
0x7a: {  	_ =	shalt  }
0x7b: {  	_ =	shalt  }
0x7c: {  	_ =	shalt  }
0x7d: {  	_ =	shalt  }
0x7e: {  	_ =	shalt  }
0x7f: {  	_ =	shalt  }
0x80: {  	_ =	shalt  }
0x81: {  	_ =	shalt  }
0x82: {  	_ =	shalt  }
0x83: {  	_ =	shalt  }
0x84: {  	_ =	shalt  }
0x85: {  	_ =	shalt  }
0x86: {  	_ =	shalt  }
0x87: {  	_ =	shalt  }
.Lfunc_end0:
.L_simem_size_0:
called_computation_lowered:
.L_overlay_start_0:
0x88: {  	s2 =	sld [smem:$0x3FD9]  }
0x89: {  	s3 =	sld [smem:$0x3FFE];
	_ =	sdelay $0x1  }
0x8a: {  	s1 =	srdreg.scid  }
0x8b: {  	s0 =	sand.u32 $0x1, s1  }
0x8c: {  	s16 =	sshll.u32 s0, $0xA;
	s2 =	sadd.s32 s3, s2  }
0x8d: {  	s2 =	sadd.s32 s2, s16  }
0x8e: {  	[smem:$0x3FC5] =	sst s2  }
0x8f: {  	_ = 	snop  }
0x90: {  	(tm) =	ssettm $0x1  }
0x91: {  	s17 =	sld [smem:$0x3FFB];
	_ =	sdelay $0x3  }
0x92: {  	_ =	strace s17  }
0x93: {  	s2 =	sld [smem:$0x3FFC];
	_ =	sdelay $0x3  }
0x94: {  	_ =	strace s2  }
0x95: {  	s2 =	sld [smem:$0x3FFD];
	_ =	sdelay $0x3  }
0x96: {  	_ =	strace s2  }
0x97: {  	_ =	strace $0x8FFFFFFF  }
0x98: {  	s18 =	sld [smem:$0x3FDB];
	_ =	sdelay $0x1  }
0x99: {  	s19 =	simm.s32 $_scs_section_size  }
0x9a: {  	s4 =	simm.s32 $_size__tile_overlayer_lowered;
	s5 =	simm.s32 $_tile_overlayer_lowered  }
0x9b: {  	s22 =	simm.s32 $0x1BFF;
	s21 =	sshll.u32 s5, $0x1;
	s2 =	sadd.s32 s19, s18  }
0x9c: {  	s6 =	simm.s32 $0x0;
	s20 =	sshll.u32 s4, $0x1;
	s4 =	sadd.s32 s21, s2  }
0x9d: {  	[timem:s6], [sflag:s22] =	dma.local [hbm:s4], s20  }
0x9e: {  	_ =	swait.ge [sflag:s22], s20  }
0x9f: {  	s3 =	ssub.s32 $0x0, s20;
	[sflag:s22] =	ssyncset.done $0x0  }
0xa0: {  	[sflag:s22] =	ssyncadd.s32 s3;
	_ =	sdelay $0x1  }
0xa1: {  	s23 =	simm.s32 $0x1B8B  }
0xa2: {  	_ =	swait.ge [sflag:s23], $0x1  }
0xa3: {  	[sflag:s23] =	ssyncset.done $0x0  }
0xa4: {  	s25 =	simm.s32 $0x1B8E;
	s24 =	sld [smem:$0x3FFE];
	[sflag:s23] =	ssyncadd.s32 $0xFFFFFFFF  }
0xa5: {  	s26 =	simm.s32 $execute0_lowered;
	[smem:$0x3FD2] =	sst s25  }
0xa6: {  	s4 =	sshll.u32 s26, $0x1;
	_ =	strace $0x80000046;
	[dreg:$0x1] =	wrdreg $0xFFFFFFFF  }
0xa7: {  	s28 =	simm.s32 $_size_execute0_lowered;
	s2 =	sadd.s32 s2, s4;
	[dreg:$0x0] =	wrdreg $0x0  }
0xa8: {  	s4 =	sshll.u32 s28, $0x1;
	[dreg:$0x2] =	wrdreg s2  }
0xa9: {  	[dreg:$0x3] =	wrdreg s4  }
0xaa: {  	[dreg:$0x4] =	wrdreg $0xC0  }
0xab: {  	_ =	task [dreg:s6], $0x5FFFF  }
0xac: {  	[dreg:$0x1] =	wrdreg $0xFFFFFFFF  }
0xad: {  	[dreg:$0x0] =	wrdreg $0x60  }
0xae: {  	[dreg:$0x2] =	wrdreg s24  }
0xaf: {  	[dreg:$0x3] =	wrdreg $0x9  }
0xb0: {  	_ =	task.clear_ibuf [dreg:s6], $0x4FFFF;
	_ =	strace $0x90000046  }
0xb1: {  	s29 =	simm.s32 $0x9;
	_ =	strace $0x80000048  }
0xb2: {  	_ =	swait.ge [sflag:s29], $0x1  }
0xb3: {  	[sflag:s29] =	ssyncadd.s32 $0xFFFFFFFF  }
0xb4: {  	_ =	strace $0x90000048  }
0xb5: {  	_ =	sfence  }
0xb6: {  	s30 =	sld [smem:$0x0];
	_ =	sdelay $0x2  }
0xb7: {  	s31 =	sshll.u32 s1, $0xD;
	s1 =	sshrl.u32 s1, $0x2  }
0xb8: {  	s3 =	sand.u32 $0x4000, s31;
	s1 =	sadd.s32 s1, s30  }
0xb9: {  	s0 =	sor.u32 s3, s0;
	s1 =	sshll.u32 s1, $0x11  }
0xba: {  	s0 =	sor.u32 s1, s0  }
0xbb: {  	s0 =	sadd.s32 $0x8F2B, s0  }
0xbc: {  	[sflag:s0] =	ssyncadd.remote.s32 $0x1  }
0xbd: {  	_ =	sfence.sel $0xFFFF  }
0xbe: {  	[dreg:$0x0] =	wrdreg $0xFFFFFFFF;
	(pc) =	sbr.abs _section_cstart, $3  }
0xbf: {  	[dreg:$0x1] =	wrdreg $0xFFFFFFFF  }
0xc0: {  	_ =	task.clear_ibuf [dreg:s6], $0x2FFFF;
	_ =	strace $0x9FFFFFFF  }
0xc1: {  	(tm) =	ssettm $0x7FFFFFFF  }
tec
execute0_lowered:
.L_overlay_start_1:
0x0: {  	(tag) =	ssettag $0x1  }
0x1: {  	s0 =	srdreg.scid  }
0x2: {  	s1 =	stileid.u32;
	s4 =	rddreg [dreg:$0x0]  }
0x3: {  	s2 =	simm.s32 $0x0;
	s23 =	simm.s32 $0x5;
	s31 =	simm.s32 $0xB800  }
0x4: {  	s11 =	simm.s32 $0xD000;
	s7 =	simm.s32 $0xE800;
	s8 =	simm.s32 $0xF000  }
0x5: {  	s9 =	simm.s32 $0xF800;
	s10 =	simm.s32 $0x10000;
	s12 =	simm.s32 $0x10800  }
0x6: {  	s13 =	simm.s32 $0x11000;
	s14 =	simm.s32 $0x11800;
	s15 =	simm.s32 $0x12000  }
0x7: {  	s16 =	simm.s32 $0x1;
	s17 =	simm.s32 $0x2;
	s18 =	simm.s32 $0x3  }
0x8: {  	s19 =	simm.s32 $0x4;
	s0 =	sand.u32 $0x1, s0;
	s1 =	sshll.u32 s1, $0x1  }
0x9: {  	s20 =	simm.s32 $0x15000;
	s1 =	sor.u32 s0, s1;
	s0 =	ssub.s32 $0x2, s0  }
0xa: {  	v3 =	vlaneseq.u32;
	s21 =	simm.s32 $0x15100;
	s1 =	smul.u32 $0x278, s1;
	s5 =	sshrl.u32 s0, $0x1  }
0xb: {  	vm0 =	vmmov $0xffff;
	s24 =	simm.s32 $0x0;
	[smem:$0x7FF] =	sst s2;
	v2 =	vshrl.u32 v3, $0x3;
	v1 =	vmul.u32 $0x10, v3;
	s0 =	ssub.s32 s0, s5  }
0xc: {  	s3 =	sadd.s32 $0xB600, s4;
	v0 =	vand.u32 $0x7, v3;
	v3 =	vor.u32 $0x8, v3;
	v2 =	vmul.u32 $0x8, v2;
	s1 =	sadd.s32 s1, s4;
	s0 =	smax.u32 s0, $0x1  }
0xd: {  	_ =	strace $0x80000047;
	v4 =	vor.u32 $0x1, v1;
	v5 =	vor.u32 $0x2, v1;
	v6 =	vor.u32 $0x3, v1;
	s28 =	sadd.s32 $0x6600, s1;
	[dreg:$0x6] =	wrdreg s0  }
0xe: {  	s6 =	sadd.s32 $0xB700, s4;
	v7 =	vor.u32 $0x4, v1;
	v8 =	vor.u32 $0x5, v1;
	v9 =	vor.u32 $0x6, v1;
	s29 =	sadd.s32 $0x1600, s1;
	[dreg:$0x2] =	wrdreg s28  }
0xf: {  	v10 =	vor.u32 $0x7, v1;
	v11 =	vor.u32 $0x8, v1;
	v12 =	vor.u32 $0x9, v1;
	s5 =	simm.s32 $0xE000;
	s30 =	sadd.s32 $0xA7A00, s1;
	[dreg:$0x3] =	wrdreg s29  }
0x10: {  	v13 =	vor.u32 $0xA, v1;
	v14 =	vor.u32 $0xB, v1;
	v15 =	vor.u32 $0xC, v1;
	s4 =	simm.s32 $0xD800;
	s1 =	sadd.s32 $0xACA00, s1;
	[dreg:$0x4] =	wrdreg s30  }
0x11: {  	v16 =	vor.u32 $0xD, v1;
	v17 =	vor.u32 $0xE, v1;
	v18 =	vor.u32 $0xF, v1;
	s0 =	simm.s32 $0xC800;
	[dreg:$0x5] =	wrdreg s1;
	s1 =	simm.s32 $0xC000  }
.LBB2_1:
0x12: {  	[dreg:$0x7] =	wrdreg s24  }
0x13: {  	s22 =	rddreg [dreg:$0x2]  }
0x14: {  	[tilespmem:s2], [sflag:$0x5] =	stream.linear.gather [hbm4b:s22+s2], $0x1400, $0x38;
	[tilespmem:$0x15200] =	vst v63  }
0x15: {  	_ =	swait.ge [sflag:s23], $0x1400  }
0x16: {  	[sflag:s23] =	ssyncset.done $0x0  }
0x17: {  	s25 =	simm.s32 $0x1400;
	s24 =	rddreg [dreg:$0x3];
	[sflag:s23] =	ssyncadd.s32 $0xFFFFEC00  }
0x18: {  	[tilespmem:s25], [sflag:$0x5] =	stream.linear.gather [hbm4b:s24+s2], $0x1400, $0x38;
	[tilespmem:$0x15200] =	vst v63  }
0x19: {  	_ =	swait.ge [sflag:s23], $0x1400  }
0x1a: {  	[sflag:s23] =	ssyncset.done $0x0  }
0x1b: {  	[sflag:s23] =	ssyncadd.s32 $0xFFFFEC00  }
0x1c: {  	v19 =	vld [tilespmem:$0x0];
	_ =	sdelay $0x4  }
0x1d: {  	v20 =	vshll.u32 v19, $0x2  }
0x1e: {  	v19 =	vand.u32 $0x7, v19;
	v20 =	vand.u32 $0xFFFFFFE0, v20  }
0x1f: {  	v19 =	vor.u32 v19, v20  }
0x20: {  	v20 =	vperm.xlane v19, v0;
	_ =	sdelay $0x1  }
0x21: {  	v20 =	vadd.s32 v2, v20;
	_ =	sdelay $0x1  }
0x22: {  	v19 =	vperm.xlane v19, v3;
	_ =	sdelay $0x1  }
0x23: {  	s26 =	simm.s32 $0x2800;
	v19 =	vadd.s32 v2, v19  }
0x24: {  	[tilespmem:s26], [sflag:$0x1] =	stream.indirect_vreg.gather [hbm4b:s3+s2], $0x80, v20, vm0, $0xb8;
	[tilespmem:$0x15200] =	vst v63  }
0x25: {  	s28 =	simm.s32 $0x3000  }
0x26: {  	[tilespmem:s28], [sflag:$0x1] =	stream.indirect_vreg.gather [hbm4b:s6+s2], $0x80, v20, vm0, $0xb8;
	[tilespmem:$0x15200] =	vst v63  }
0x27: {  	s29 =	simm.s32 $0x3800  }
0x28: {  	[tilespmem:s29], [sflag:$0x1] =	stream.indirect_vreg.gather [hbm4b:s3+s2], $0x80, v19, vm0, $0xb8;
	[tilespmem:$0x15200] =	vst v63  }
0x29: {  	s30 =	simm.s32 $0x4000  }
0x2a: {  	[tilespmem:s30], [sflag:$0x1] =	stream.indirect_vreg.gather [hbm4b:s6+s2], $0x80, v19, vm0, $0xb8;
	[tilespmem:$0x15200] =	vst v63  }
0x2b: {  	v19 =	vld [tilespmem:$0x1400];
	_ =	sdelay $0x4  }
0x2c: {  	v20 =	vshll.u32 v19, $0x2  }
0x2d: {  	v19 =	vand.u32 $0x7, v19;
	v20 =	vand.u32 $0xFFFFFFE0, v20  }
0x2e: {  	v19 =	vor.u32 v19, v20  }
0x2f: {  	v20 =	vperm.xlane v19, v0;
	_ =	sdelay $0x1  }
0x30: {  	v20 =	vadd.s32 v2, v20;
	_ =	sdelay $0x1  }
0x31: {  	v19 =	vperm.xlane v19, v3;
	_ =	sdelay $0x1  }
0x32: {  	s23 =	simm.s32 $0x4800;
	v19 =	vadd.s32 v2, v19  }
0x33: {  	[tilespmem:s23], [sflag:$0x1] =	stream.indirect_vreg.gather [hbm4b:s3+s2], $0x80, v20, vm0, $0xb8;
	[tilespmem:$0x15200] =	vst v63  }
0x34: {  	s24 =	simm.s32 $0x5000  }
0x35: {  	[tilespmem:s24], [sflag:$0x1] =	stream.indirect_vreg.gather [hbm4b:s6+s2], $0x80, v20, vm0, $0xb8;
	[tilespmem:$0x15200] =	vst v63  }
0x36: {  	s25 =	simm.s32 $0x5800  }
0x37: {  	[tilespmem:s25], [sflag:$0x1] =	stream.indirect_vreg.gather [hbm4b:s3+s2], $0x80, v19, vm0, $0xb8;
	[tilespmem:$0x15200] =	vst v63  }
0x38: {  	s26 =	simm.s32 $0x6000  }
0x39: {  	[tilespmem:s26], [sflag:$0x1] =	stream.indirect_vreg.gather [hbm4b:s6+s2], $0x80, v19, vm0, $0xb8;
	[tilespmem:$0x15200] =	vst v63  }
0x3a: {  	v19 =	vld [tilespmem:$0x10];
	_ =	sdelay $0x4  }
0x3b: {  	v20 =	vshll.u32 v19, $0x2  }
0x3c: {  	v19 =	vand.u32 $0x7, v19;
	v20 =	vand.u32 $0xFFFFFFE0, v20  }
0x3d: {  	v19 =	vor.u32 v19, v20  }
0x3e: {  	v20 =	vperm.xlane v19, v0;
	_ =	sdelay $0x1  }
0x3f: {  	v20 =	vadd.s32 v2, v20;
	_ =	sdelay $0x1  }
0x40: {  	v19 =	vperm.xlane v19, v3;
	_ =	sdelay $0x1  }
0x41: {  	s28 =	simm.s32 $0x6800;
	v19 =	vadd.s32 v2, v19  }
0x42: {  	[tilespmem:s28], [sflag:$0x2] =	stream.indirect_vreg.gather [hbm4b:s3+s2], $0x80, v20, vm0, $0xb8;
	[tilespmem:$0x15200] =	vst v63  }
0x43: {  	s29 =	simm.s32 $0x7000  }
0x44: {  	[tilespmem:s29], [sflag:$0x2] =	stream.indirect_vreg.gather [hbm4b:s6+s2], $0x80, v20, vm0, $0xb8;
	[tilespmem:$0x15200] =	vst v63  }
0x45: {  	s30 =	simm.s32 $0x7800  }
0x46: {  	[tilespmem:s30], [sflag:$0x2] =	stream.indirect_vreg.gather [hbm4b:s3+s2], $0x80, v19, vm0, $0xb8;
	[tilespmem:$0x15200] =	vst v63  }
0x47: {  	s23 =	simm.s32 $0x8000  }
0x48: {  	[tilespmem:s23], [sflag:$0x2] =	stream.indirect_vreg.gather [hbm4b:s6+s2], $0x80, v19, vm0, $0xb8;
	[tilespmem:$0x15200] =	vst v63  }
0x49: {  	v19 =	vld [tilespmem:$0x1410];
	_ =	sdelay $0x4  }
0x4a: {  	v20 =	vshll.u32 v19, $0x2  }
0x4b: {  	v19 =	vand.u32 $0x7, v19;
	v20 =	vand.u32 $0xFFFFFFE0, v20  }
0x4c: {  	v19 =	vor.u32 v19, v20  }
0x4d: {  	v20 =	vperm.xlane v19, v0;
	_ =	sdelay $0x1  }
0x4e: {  	v20 =	vadd.s32 v2, v20;
	_ =	sdelay $0x1  }
0x4f: {  	v19 =	vperm.xlane v19, v3;
	_ =	sdelay $0x1  }
0x50: {  	s24 =	simm.s32 $0x8800;
	v19 =	vadd.s32 v2, v19  }
0x51: {  	[tilespmem:s24], [sflag:$0x2] =	stream.indirect_vreg.gather [hbm4b:s3+s2], $0x80, v20, vm0, $0xb8;
	[tilespmem:$0x15200] =	vst v63  }
0x52: {  	s25 =	simm.s32 $0x9000  }
0x53: {  	[tilespmem:s25], [sflag:$0x2] =	stream.indirect_vreg.gather [hbm4b:s6+s2], $0x80, v20, vm0, $0xb8;
	[tilespmem:$0x15200] =	vst v63  }
0x54: {  	s26 =	simm.s32 $0x9800  }
0x55: {  	[tilespmem:s26], [sflag:$0x2] =	stream.indirect_vreg.gather [hbm4b:s3+s2], $0x80, v19, vm0, $0xb8;
	[tilespmem:$0x15200] =	vst v63  }
0x56: {  	s28 =	simm.s32 $0xA000  }
0x57: {  	[tilespmem:s28], [sflag:$0x2] =	stream.indirect_vreg.gather [hbm4b:s6+s2], $0x80, v19, vm0, $0xb8;
	[tilespmem:$0x15200] =	vst v63  }
0x58: {  	v19 =	vld [tilespmem:$0x20];
	_ =	sdelay $0x4  }
0x59: {  	v20 =	vshll.u32 v19, $0x2  }
0x5a: {  	v19 =	vand.u32 $0x7, v19;
	v20 =	vand.u32 $0xFFFFFFE0, v20  }
0x5b: {  	v19 =	vor.u32 v19, v20  }
0x5c: {  	v20 =	vperm.xlane v19, v0;
	_ =	sdelay $0x1  }
0x5d: {  	v20 =	vadd.s32 v2, v20;
	_ =	sdelay $0x1  }
0x5e: {  	v19 =	vperm.xlane v19, v3;
	_ =	sdelay $0x1  }
0x5f: {  	s29 =	simm.s32 $0xA800;
	v19 =	vadd.s32 v2, v19  }
0x60: {  	[tilespmem:s29], [sflag:$0x3] =	stream.indirect_vreg.gather [hbm4b:s3+s2], $0x80, v20, vm0, $0xb8;
	[tilespmem:$0x15200] =	vst v63  }
0x61: {  	s30 =	simm.s32 $0xB000  }
0x62: {  	[tilespmem:s30], [sflag:$0x3] =	stream.indirect_vreg.gather [hbm4b:s6+s2], $0x80, v20, vm0, $0xb8;
	[tilespmem:$0x15200] =	vst v63  }
0x63: {  	_ = 	snop  }
0x64: {  	[tilespmem:s31], [sflag:$0x3] =	stream.indirect_vreg.gather [hbm4b:s3+s2], $0x80, v19, vm0, $0xb8;
	[tilespmem:$0x15200] =	vst v63  }
0x65: {  	_ = 	snop  }
0x66: {  	[tilespmem:s1], [sflag:$0x3] =	stream.indirect_vreg.gather [hbm4b:s6+s2], $0x80, v19, vm0, $0xb8;
	[tilespmem:$0x15200] =	vst v63  }
0x67: {  	v19 =	vld [tilespmem:$0x1420];
	_ =	sdelay $0x4  }
0x68: {  	v20 =	vshll.u32 v19, $0x2  }
0x69: {  	v19 =	vand.u32 $0x7, v19;
	v20 =	vand.u32 $0xFFFFFFE0, v20  }
0x6a: {  	v19 =	vor.u32 v19, v20  }
0x6b: {  	v20 =	vperm.xlane v19, v0;
	_ =	sdelay $0x1  }
0x6c: {  	v20 =	vadd.s32 v2, v20;
	_ =	sdelay $0x1  }
0x6d: {  	v19 =	vperm.xlane v19, v3;
	_ =	sdelay $0x1  }
0x6e: {  	v19 =	vadd.s32 v2, v19  }
0x6f: {  	[tilespmem:s0], [sflag:$0x3] =	stream.indirect_vreg.gather [hbm4b:s3+s2], $0x80, v20, vm0, $0xb8;
	[tilespmem:$0x15200] =	vst v63  }
0x70: {  	_ = 	snop  }
0x71: {  	[tilespmem:s11], [sflag:$0x3] =	stream.indirect_vreg.gather [hbm4b:s6+s2], $0x80, v20, vm0, $0xb8;
	[tilespmem:$0x15200] =	vst v63  }
0x72: {  	_ = 	snop  }
0x73: {  	[tilespmem:s4], [sflag:$0x3] =	stream.indirect_vreg.gather [hbm4b:s3+s2], $0x80, v19, vm0, $0xb8;
	[tilespmem:$0x15200] =	vst v63  }
0x74: {  	_ = 	snop  }
0x75: {  	[tilespmem:s5], [sflag:$0x3] =	stream.indirect_vreg.gather [hbm4b:s6+s2], $0x80, v19, vm0, $0xb8;
	[tilespmem:$0x15200] =	vst v63  }
0x76: {  	v19 =	vld [tilespmem:$0x30];
	_ =	sdelay $0x4  }
0x77: {  	v20 =	vshll.u32 v19, $0x2  }
0x78: {  	v19 =	vand.u32 $0x7, v19;
	v20 =	vand.u32 $0xFFFFFFE0, v20  }
0x79: {  	v19 =	vor.u32 v19, v20  }
0x7a: {  	v20 =	vperm.xlane v19, v0;
	_ =	sdelay $0x1  }
0x7b: {  	v20 =	vadd.s32 v2, v20;
	_ =	sdelay $0x1  }
0x7c: {  	v19 =	vperm.xlane v19, v3;
	_ =	sdelay $0x1  }
0x7d: {  	v19 =	vadd.s32 v2, v19  }
0x7e: {  	[tilespmem:s7], [sflag:$0x4] =	stream.indirect_vreg.gather [hbm4b:s3+s2], $0x80, v20, vm0, $0xb8;
	[tilespmem:$0x15200] =	vst v63  }
0x7f: {  	_ = 	snop  }
0x80: {  	[tilespmem:s8], [sflag:$0x4] =	stream.indirect_vreg.gather [hbm4b:s6+s2], $0x80, v20, vm0, $0xb8;
	[tilespmem:$0x15200] =	vst v63  }
0x81: {  	_ = 	snop  }
0x82: {  	[tilespmem:s9], [sflag:$0x4] =	stream.indirect_vreg.gather [hbm4b:s3+s2], $0x80, v19, vm0, $0xb8;
	[tilespmem:$0x15200] =	vst v63  }
0x83: {  	_ = 	snop  }
0x84: {  	[tilespmem:s10], [sflag:$0x4] =	stream.indirect_vreg.gather [hbm4b:s6+s2], $0x80, v19, vm0, $0xb8;
	[tilespmem:$0x15200] =	vst v63  }
0x85: {  	v19 =	vld [tilespmem:$0x1430];
	_ =	sdelay $0x4  }
0x86: {  	v20 =	vshll.u32 v19, $0x2  }
0x87: {  	v19 =	vand.u32 $0x7, v19;
	v20 =	vand.u32 $0xFFFFFFE0, v20  }
0x88: {  	v19 =	vor.u32 v19, v20  }
0x89: {  	v20 =	vperm.xlane v19, v0;
	_ =	sdelay $0x1  }
0x8a: {  	v20 =	vadd.s32 v2, v20;
	_ =	sdelay $0x1  }
0x8b: {  	v19 =	vperm.xlane v19, v3;
	_ =	sdelay $0x1  }
0x8c: {  	v19 =	vadd.s32 v2, v19  }
0x8d: {  	[tilespmem:s12], [sflag:$0x4] =	stream.indirect_vreg.gather [hbm4b:s3+s2], $0x80, v20, vm0, $0xb8;
	[tilespmem:$0x15200] =	vst v63  }
0x8e: {  	_ = 	snop  }
0x8f: {  	[tilespmem:s13], [sflag:$0x4] =	stream.indirect_vreg.gather [hbm4b:s6+s2], $0x80, v20, vm0, $0xb8;
	[tilespmem:$0x15200] =	vst v63  }
0x90: {  	_ = 	snop  }
0x91: {  	[tilespmem:s14], [sflag:$0x4] =	stream.indirect_vreg.gather [hbm4b:s3+s2], $0x80, v19, vm0, $0xb8;
	[tilespmem:$0x15200] =	vst v63  }
0x92: {  	s22 =	simm.s32 $0x0  }
0x93: {  	[tilespmem:s15], [sflag:$0x4] =	stream.indirect_vreg.gather [hbm4b:s6+s2], $0x80, v19, vm0, $0xb8;
	[tilespmem:$0x15200] =	vst v63  }
.LBB2_2:
0x94: {  	_ =	swait.ge [sflag:s16], $0x2000  }
0x95: {  	[sflag:s16] =	ssyncset.done $0x0  }
0x96: {  	[sflag:s16] =	ssyncadd.s32 $0xFFFFE000  }
0x97: {  	s23 =	simm.s32 $0x0;
	_ =	swait.ge [sflag:s16], $0x2000  }
0x98: {  	s24 =	sand.u32 $0x1000, s23;
	s23 =	sand.u32 $0x380, s23;
	[sflag:s16] =	ssyncset.done $0x0  }
0x99: {  	s23 =	sor.u32 s23, s24;
	[sflag:s16] =	ssyncadd.s32 $0xFFFFE000  }
0x9a: {  	v19 =	vld [tilespmem:s23+$0x5470]  }
0x9b: {  	v20 =	vld [tilespmem:s23+$0x2C70]  }
0x9c: {  	v21 =	vld [tilespmem:s23+$0x5460]  }
0x9d: {  	v22 =	vld [tilespmem:s23+$0x2C60]  }
0x9e: {  	v23 =	vld [tilespmem:s23+$0x5450]  }
0x9f: {  	v24 =	vld [tilespmem:s23+$0x2C50]  }
0xa0: {  	v25 =	vld [tilespmem:s23+$0x5440]  }
0xa1: {  	v26 =	vld [tilespmem:s23+$0x2C40]  }
0xa2: {  	v27 =	vld [tilespmem:s23+$0x5430]  }
0xa3: {  	v28 =	vld [tilespmem:s23+$0x2C30]  }
0xa4: {  	v29 =	vld [tilespmem:s23+$0x5420]  }
0xa5: {  	v30 =	vld [tilespmem:s23+$0x2C20]  }
0xa6: {  	v31 =	vld [tilespmem:s23+$0x5410]  }
0xa7: {  	v32 =	vld [tilespmem:s23+$0x2C10]  }
0xa8: {  	v33 =	vld [tilespmem:s23+$0x5400]  }
0xa9: {  	v34 =	vld [tilespmem:s23+$0x2C00]  }
0xaa: {  	v35 =	vld [tilespmem:s23+$0x5070]  }
0xab: {  	v36 =	vld [tilespmem:s23+$0x2870]  }
0xac: {  	v37 =	vld [tilespmem:s23+$0x5060]  }
0xad: {  	v38 =	vld [tilespmem:s23+$0x2860]  }
0xae: {  	v39 =	vld [tilespmem:s23+$0x5050]  }
0xaf: {  	v40 =	vld [tilespmem:s23+$0x2850]  }
0xb0: {  	v41 =	vld [tilespmem:s23+$0x5040]  }
0xb1: {  	v42 =	vld [tilespmem:s23+$0x2840]  }
0xb2: {  	v43 =	vld [tilespmem:s23+$0x5030]  }
0xb3: {  	v44 =	vld [tilespmem:s23+$0x2830]  }
0xb4: {  	v45 =	vld [tilespmem:s23+$0x5020]  }
0xb5: {  	v46 =	vld [tilespmem:s23+$0x2820]  }
0xb6: {  	v47 =	vld [tilespmem:s23+$0x5000]  }
0xb7: {  	v48 =	vld [tilespmem:s23+$0x3000]  }
0xb8: {  	v49 =	vld [tilespmem:s23+$0x5010]  }
0xb9: {  	v50 =	vld [tilespmem:s23+$0x4800]  }
0xba: {  	v51 =	vld [tilespmem:s23+$0x2800]  }
0xbb: {  	v52 =	vld [tilespmem:s23+$0x2810]  }
0xbc: {  	v53 =	vld [tilespmem:s23+$0x4810]  }
0xbd: {  	v54 =	vld [tilespmem:s23+$0x3010]  }
0xbe: {  	v55 =	vld [tilespmem:s23+$0x4820]  }
0xbf: {  	v56 =	vld [tilespmem:s23+$0x3020]  }
0xc0: {  	v57 =	vld [tilespmem:s23+$0x4830]  }
0xc1: {  	v63 =	vld [tilespmem:s23+$0x3030];
	v50 =	vmul.f32 v50, v51;
	v62 =	vmul.f32 v53, v52  }
0xc2: {  	v58 =	vld [tilespmem:s23+$0x4840];
	v47 =	vmul.f32 v47, v48;
	v54 =	vmul.f32 v49, v54  }
0xc3: {  	v59 =	vld [tilespmem:s23+$0x3040];
	v46 =	vmul.f32 v55, v46;
	v50 =	vadd.f32 v62, v50  }
0xc4: {  	v60 =	vld [tilespmem:s23+$0x4850];
	v45 =	vmul.f32 v45, v56;
	v47 =	vadd.f32 v54, v47  }
0xc5: {  	v61 =	vld [tilespmem:s23+$0x3050];
	v44 =	vmul.f32 v57, v44;
	v46 =	vadd.f32 v46, v50  }
0xc6: {  	v43 =	vmul.f32 v43, v63;
	v62 =	vld [tilespmem:s23+$0x4860];
	v45 =	vadd.f32 v45, v47  }
0xc7: {  	v42 =	vmul.f32 v58, v42;
	v63 =	vld [tilespmem:s23+$0x3060];
	v44 =	vadd.f32 v44, v46  }
0xc8: {  	v41 =	vmul.f32 v41, v59;
	v49 =	vld [tilespmem:s23+$0x4870];
	v43 =	vadd.f32 v43, v45  }
0xc9: {  	v40 =	vmul.f32 v60, v40;
	v51 =	vld [tilespmem:s23+$0x3070];
	v42 =	vadd.f32 v42, v44  }
0xca: {  	v39 =	vmul.f32 v39, v61;
	v52 =	vld [tilespmem:s23+$0x4C00];
	v41 =	vadd.f32 v41, v43  }
0xcb: {  	v53 =	vld [tilespmem:s23+$0x3400];
	v38 =	vmul.f32 v62, v38;
	v40 =	vadd.f32 v40, v42  }
0xcc: {  	v54 =	vld [tilespmem:s23+$0x4C10];
	v37 =	vmul.f32 v37, v63;
	v39 =	vadd.f32 v39, v41  }
0xcd: {  	v55 =	vld [tilespmem:s23+$0x3410];
	v36 =	vmul.f32 v49, v36;
	v38 =	vadd.f32 v38, v40  }
0xce: {  	v56 =	vld [tilespmem:s23+$0x4C20];
	v35 =	vmul.f32 v35, v51;
	v37 =	vadd.f32 v37, v39  }
0xcf: {  	v57 =	vld [tilespmem:s23+$0x3420];
	v34 =	vmul.f32 v52, v34;
	v36 =	vadd.f32 v36, v38  }
0xd0: {  	v58 =	vld [tilespmem:s23+$0x4C30];
	v33 =	vmul.f32 v33, v53;
	v35 =	vadd.f32 v35, v37  }
0xd1: {  	v59 =	vld [tilespmem:s23+$0x3430];
	v32 =	vmul.f32 v54, v32;
	v34 =	vadd.f32 v34, v36  }
0xd2: {  	v60 =	vld [tilespmem:s23+$0x4C40];
	v31 =	vmul.f32 v31, v55;
	v33 =	vadd.f32 v33, v35  }
0xd3: {  	v61 =	vld [tilespmem:s23+$0x3440];
	v30 =	vmul.f32 v56, v30;
	v32 =	vadd.f32 v32, v34  }
0xd4: {  	v29 =	vmul.f32 v29, v57;
	v62 =	vld [tilespmem:s23+$0x4C50];
	v31 =	vadd.f32 v31, v33  }
0xd5: {  	v28 =	vmul.f32 v58, v28;
	v63 =	vld [tilespmem:s23+$0x3450];
	v30 =	vadd.f32 v30, v32  }
0xd6: {  	v27 =	vmul.f32 v27, v59;
	v29 =	vadd.f32 v29, v31;
	v31 =	vld [tilespmem:s23+$0x4C60]  }
0xd7: {  	v26 =	vmul.f32 v60, v26;
	v28 =	vadd.f32 v28, v30;
	v30 =	vld [tilespmem:s23+$0x3460]  }
0xd8: {  	v25 =	vmul.f32 v25, v61;
	v27 =	vadd.f32 v27, v29;
	v29 =	vld [tilespmem:s23+$0x4C70]  }
0xd9: {  	v24 =	vmul.f32 v62, v24;
	v26 =	vadd.f32 v26, v28;
	v28 =	vld [tilespmem:s23+$0x3470]  }
0xda: {  	v23 =	vmul.f32 v23, v63;
	v25 =	vadd.f32 v25, v27  }
0xdb: {  	v22 =	vmul.f32 v31, v22;
	v24 =	vadd.f32 v24, v26  }
0xdc: {  	v23 =	vadd.f32 v23, v25;
	v21 =	vmul.f32 v21, v30  }
0xdd: {  	v20 =	vmul.f32 v29, v20;
	v22 =	vadd.f32 v22, v24  }
0xde: {  	v21 =	vadd.f32 v21, v23;
	v19 =	vmul.f32 v19, v28  }
0xdf: {  	v20 =	vadd.f32 v20, v22  }
0xe0: {  	s25 =	simm.s32 $0x200;
	s26 =	simm.s32 $0x80;
	s23 =	simm.s32 $0x15000;
	v19 =	vadd.f32 v19, v21  }
0xe1: {  	s25 =	sand.u32 $0x1000, s25;
	s28 =	sand.u32 $0x380, s26;
	s24 =	simm.s32 $0x15100;
	[tilespmem:s23+$0x0] =	vst v20  }
0xe2: {  	s25 =	sor.u32 s28, s25;
	[tilespmem:s24+$0x0] =	vst v19  }
0xe3: {  	v19 =	vld [tilespmem:s25+$0x5470]  }
0xe4: {  	v20 =	vld [tilespmem:s25+$0x2C70]  }
0xe5: {  	v21 =	vld [tilespmem:s25+$0x5460]  }
0xe6: {  	v22 =	vld [tilespmem:s25+$0x2C60]  }
0xe7: {  	v23 =	vld [tilespmem:s25+$0x5450]  }
0xe8: {  	v24 =	vld [tilespmem:s25+$0x2C50]  }
0xe9: {  	v25 =	vld [tilespmem:s25+$0x5440]  }
0xea: {  	v26 =	vld [tilespmem:s25+$0x2C40]  }
0xeb: {  	v27 =	vld [tilespmem:s25+$0x5430]  }
0xec: {  	v28 =	vld [tilespmem:s25+$0x2C30]  }
0xed: {  	v29 =	vld [tilespmem:s25+$0x5420]  }
0xee: {  	v30 =	vld [tilespmem:s25+$0x2C20]  }
0xef: {  	v31 =	vld [tilespmem:s25+$0x5410]  }
0xf0: {  	v32 =	vld [tilespmem:s25+$0x2C10]  }
0xf1: {  	v33 =	vld [tilespmem:s25+$0x5400]  }
0xf2: {  	v34 =	vld [tilespmem:s25+$0x2C00]  }
0xf3: {  	v35 =	vld [tilespmem:s25+$0x5070]  }
0xf4: {  	v36 =	vld [tilespmem:s25+$0x2870]  }
0xf5: {  	v37 =	vld [tilespmem:s25+$0x5060]  }
0xf6: {  	v38 =	vld [tilespmem:s25+$0x2860]  }
0xf7: {  	v39 =	vld [tilespmem:s25+$0x5050]  }
0xf8: {  	v40 =	vld [tilespmem:s25+$0x2850]  }
0xf9: {  	v41 =	vld [tilespmem:s25+$0x5040]  }
0xfa: {  	v42 =	vld [tilespmem:s25+$0x2840]  }
0xfb: {  	v43 =	vld [tilespmem:s25+$0x5030]  }
0xfc: {  	v44 =	vld [tilespmem:s25+$0x2830]  }
0xfd: {  	v45 =	vld [tilespmem:s25+$0x5020]  }
0xfe: {  	v46 =	vld [tilespmem:s25+$0x2820]  }
0xff: {  	v47 =	vld [tilespmem:s25+$0x5000]  }
0x100: {  	v48 =	vld [tilespmem:s25+$0x3000]  }
0x101: {  	v49 =	vld [tilespmem:s25+$0x5010]  }
0x102: {  	v50 =	vld [tilespmem:s25+$0x4800]  }
0x103: {  	v51 =	vld [tilespmem:s25+$0x2800]  }
0x104: {  	s28 =	simm.s32 $0x400;
	v52 =	vld [tilespmem:s25+$0x2810]  }
.LBB2_3:
0x105: {  	p0 =	sne.s32 s28, $0x1E00;
	v53 =	vld [tilespmem:s25+$0x4810]  }
0x106: {  	v54 =	vld [tilespmem:s25+$0x3010]  }
0x107: {  	v55 =	vld [tilespmem:s25+$0x4820]  }
0x108: {  	v56 =	vld [tilespmem:s25+$0x3020]  }
0x109: {  	v57 =	vld [tilespmem:s25+$0x4830]  }
0x10a: {  	v50 =	vmul.f32 v50, v51;
	v51 =	vmul.f32 v53, v52;
	v52 =	vld [tilespmem:s25+$0x3030]  }
0x10b: {  	v47 =	vmul.f32 v47, v48;
	v48 =	vmul.f32 v49, v54;
	v49 =	vld [tilespmem:s25+$0x4840]  }
0x10c: {  	v50 =	vadd.f32 v51, v50;
	v46 =	vmul.f32 v55, v46;
	v51 =	vld [tilespmem:s25+$0x3040]  }
0x10d: {  	v47 =	vadd.f32 v48, v47;
	v45 =	vmul.f32 v45, v56;
	v48 =	vld [tilespmem:s25+$0x4850]  }
0x10e: {  	v46 =	vadd.f32 v46, v50;
	v44 =	vmul.f32 v57, v44;
	v50 =	vld [tilespmem:s25+$0x3050]  }
0x10f: {  	v45 =	vadd.f32 v45, v47;
	v43 =	vmul.f32 v43, v52;
	v47 =	vld [tilespmem:s25+$0x4860]  }
0x110: {  	v44 =	vadd.f32 v44, v46;
	v42 =	vmul.f32 v49, v42;
	v46 =	vld [tilespmem:s25+$0x3060]  }
0x111: {  	v43 =	vadd.f32 v43, v45;
	v41 =	vmul.f32 v41, v51;
	v45 =	vld [tilespmem:s25+$0x4870]  }
0x112: {  	v42 =	vadd.f32 v42, v44;
	v40 =	vmul.f32 v48, v40;
	v44 =	vld [tilespmem:s25+$0x3070]  }
0x113: {  	v41 =	vadd.f32 v41, v43;
	v39 =	vmul.f32 v39, v50;
	v43 =	vld [tilespmem:s25+$0x4C00]  }
0x114: {  	v40 =	vadd.f32 v40, v42;
	v38 =	vmul.f32 v47, v38;
	v42 =	vld [tilespmem:s25+$0x3400]  }
0x115: {  	v39 =	vadd.f32 v39, v41;
	v37 =	vmul.f32 v37, v46;
	v41 =	vld [tilespmem:s25+$0x4C10]  }
0x116: {  	v38 =	vadd.f32 v38, v40;
	v36 =	vmul.f32 v45, v36;
	v40 =	vld [tilespmem:s25+$0x3410]  }
0x117: {  	v37 =	vadd.f32 v37, v39;
	v35 =	vmul.f32 v35, v44;
	v39 =	vld [tilespmem:s25+$0x4C20]  }
0x118: {  	v36 =	vadd.f32 v36, v38;
	v34 =	vmul.f32 v43, v34;
	v38 =	vld [tilespmem:s25+$0x3420]  }
0x119: {  	v35 =	vadd.f32 v35, v37;
	v33 =	vmul.f32 v33, v42;
	v37 =	vld [tilespmem:s25+$0x4C30]  }
0x11a: {  	v34 =	vadd.f32 v34, v36;
	v32 =	vmul.f32 v41, v32;
	v36 =	vld [tilespmem:s25+$0x3430]  }
0x11b: {  	v33 =	vadd.f32 v33, v35;
	v31 =	vmul.f32 v31, v40;
	v35 =	vld [tilespmem:s25+$0x4C40]  }
0x11c: {  	v32 =	vadd.f32 v32, v34;
	v30 =	vmul.f32 v39, v30;
	v34 =	vld [tilespmem:s25+$0x3440]  }
0x11d: {  	v31 =	vadd.f32 v31, v33;
	v29 =	vmul.f32 v29, v38;
	v33 =	vld [tilespmem:s25+$0x4C50]  }
0x11e: {  	v30 =	vadd.f32 v30, v32;
	v28 =	vmul.f32 v37, v28;
	v32 =	vld [tilespmem:s25+$0x3450]  }
0x11f: {  	v29 =	vadd.f32 v29, v31;
	v27 =	vmul.f32 v27, v36;
	v31 =	vld [tilespmem:s25+$0x4C60]  }
0x120: {  	v28 =	vadd.f32 v28, v30;
	v26 =	vmul.f32 v35, v26;
	v30 =	vld [tilespmem:s25+$0x3460]  }
0x121: {  	v27 =	vadd.f32 v27, v29;
	v25 =	vmul.f32 v25, v34;
	v29 =	vld [tilespmem:s25+$0x4C70]  }
0x122: {  	v26 =	vadd.f32 v26, v28;
	v24 =	vmul.f32 v33, v24;
	v28 =	vld [tilespmem:s25+$0x3470]  }
0x123: {  	v25 =	vadd.f32 v25, v27;
	v23 =	vmul.f32 v23, v32  }
0x124: {  	v24 =	vadd.f32 v24, v26;
	v22 =	vmul.f32 v31, v22  }
0x125: {  	v23 =	vadd.f32 v23, v25;
	v21 =	vmul.f32 v21, v30  }
0x126: {  	v22 =	vadd.f32 v22, v24;
	v20 =	vmul.f32 v29, v20  }
0x127: {  	v21 =	vadd.f32 v21, v23;
	v19 =	vmul.f32 v19, v28  }
0x128: {  	v20 =	vadd.f32 v20, v22  }
0x129: {  	s26 =	sadd.s32 $0x80, s26;
	s23 =	sadd.s32 $0x10, s23;
	v19 =	vadd.f32 v19, v21  }
0x12a: {  	s24 =	sadd.s32 $0x10, s24;
	s29 =	sand.u32 $0x380, s26;
	s25 =	sand.u32 $0x1000, s28;
	[tilespmem:s23+$0x0] =	vst v20  }
0x12b: {  	s25 =	sor.u32 s29, s25;
	[tilespmem:s24+$0x0] =	vst v19  }
0x12c: {  	v19 =	vld [tilespmem:s25+$0x5470]  }
0x12d: {  	v20 =	vld [tilespmem:s25+$0x2C70]  }
0x12e: {  	v21 =	vld [tilespmem:s25+$0x5460]  }
0x12f: {  	v22 =	vld [tilespmem:s25+$0x2C60]  }
0x130: {  	v23 =	vld [tilespmem:s25+$0x5450]  }
0x131: {  	v24 =	vld [tilespmem:s25+$0x2C50]  }
0x132: {  	v25 =	vld [tilespmem:s25+$0x5440]  }
0x133: {  	v26 =	vld [tilespmem:s25+$0x2C40]  }
0x134: {  	v27 =	vld [tilespmem:s25+$0x5430]  }
0x135: {  	v28 =	vld [tilespmem:s25+$0x2C30]  }
0x136: {  	v29 =	vld [tilespmem:s25+$0x5420]  }
0x137: {  	v30 =	vld [tilespmem:s25+$0x2C20]  }
0x138: {  	v31 =	vld [tilespmem:s25+$0x5410]  }
0x139: {  	v32 =	vld [tilespmem:s25+$0x2C10]  }
0x13a: {  	v33 =	vld [tilespmem:s25+$0x5400]  }
0x13b: {  	v34 =	vld [tilespmem:s25+$0x2C00]  }
0x13c: {  	v35 =	vld [tilespmem:s25+$0x5070]  }
0x13d: {  	v36 =	vld [tilespmem:s25+$0x2870]  }
0x13e: {  	v37 =	vld [tilespmem:s25+$0x5060]  }
0x13f: {  	v38 =	vld [tilespmem:s25+$0x2860]  }
0x140: {  	v39 =	vld [tilespmem:s25+$0x5050]  }
0x141: {  	v40 =	vld [tilespmem:s25+$0x2850]  }
0x142: {  	v41 =	vld [tilespmem:s25+$0x5040]  }
0x143: {  	v42 =	vld [tilespmem:s25+$0x2840]  }
0x144: {  	v43 =	vld [tilespmem:s25+$0x5030]  }
0x145: {  	v44 =	vld [tilespmem:s25+$0x2830]  }
0x146: {  	v45 =	vld [tilespmem:s25+$0x5020]  }
0x147: {  	v46 =	vld [tilespmem:s25+$0x2820]  }
0x148: {  	v47 =	vld [tilespmem:s25+$0x5000]  }
.Ltmp0:
0x149: {  	v48 =	vld [tilespmem:s25+$0x3000];
	(pc) =	sbr.rel @p0 .LBB2_3-.Ltmp0, $4  }
0x14a: {  	v49 =	vld [tilespmem:s25+$0x5010]  }
0x14b: {  	v50 =	vld [tilespmem:s25+$0x4800]  }
0x14c: {  	v51 =	vld [tilespmem:s25+$0x2800]  }
0x14d: {  	s28 =	sadd.s32 $0x200, s28;
	v52 =	vld [tilespmem:s25+$0x2810]  }
0x14e: {  	v53 =	vld [tilespmem:s25+$0x4810]  }
0x14f: {  	v54 =	vld [tilespmem:s25+$0x3010]  }
0x150: {  	v55 =	vld [tilespmem:s25+$0x4820]  }
0x151: {  	v56 =	vld [tilespmem:s25+$0x3020]  }
0x152: {  	v57 =	vld [tilespmem:s25+$0x4830]  }
0x153: {  	v62 =	vld [tilespmem:s25+$0x3030];
	v50 =	vmul.f32 v50, v51;
	v61 =	vmul.f32 v53, v52  }
0x154: {  	v47 =	vmul.f32 v47, v48;
	v63 =	vmul.f32 v49, v54;
	v54 =	vld [tilespmem:s25+$0x4840]  }
0x155: {  	v58 =	vld [tilespmem:s25+$0x3040];
	v46 =	vmul.f32 v55, v46;
	v50 =	vadd.f32 v61, v50  }
0x156: {  	v59 =	vld [tilespmem:s25+$0x4850];
	v45 =	vmul.f32 v45, v56;
	v47 =	vadd.f32 v63, v47  }
0x157: {  	v60 =	vld [tilespmem:s25+$0x3050];
	v44 =	vmul.f32 v57, v44;
	v46 =	vadd.f32 v46, v50  }
0x158: {  	v43 =	vmul.f32 v43, v62;
	v61 =	vld [tilespmem:s25+$0x4860];
	v45 =	vadd.f32 v45, v47  }
0x159: {  	v62 =	vld [tilespmem:s25+$0x3060];
	v42 =	vmul.f32 v54, v42;
	v44 =	vadd.f32 v44, v46  }
0x15a: {  	v41 =	vmul.f32 v41, v58;
	v63 =	vld [tilespmem:s25+$0x4870];
	v43 =	vadd.f32 v43, v45  }
0x15b: {  	v40 =	vmul.f32 v59, v40;
	v49 =	vld [tilespmem:s25+$0x3070];
	v42 =	vadd.f32 v42, v44  }
0x15c: {  	v39 =	vmul.f32 v39, v60;
	v50 =	vld [tilespmem:s25+$0x4C00];
	v41 =	vadd.f32 v41, v43  }
0x15d: {  	v51 =	vld [tilespmem:s25+$0x3400];
	v38 =	vmul.f32 v61, v38;
	v40 =	vadd.f32 v40, v42  }
0x15e: {  	v52 =	vld [tilespmem:s25+$0x4C10];
	v37 =	vmul.f32 v37, v62;
	v39 =	vadd.f32 v39, v41  }
0x15f: {  	v53 =	vld [tilespmem:s25+$0x3410];
	v36 =	vmul.f32 v63, v36;
	v38 =	vadd.f32 v38, v40  }
0x160: {  	v35 =	vmul.f32 v35, v49;
	v54 =	vld [tilespmem:s25+$0x4C20];
	v37 =	vadd.f32 v37, v39  }
0x161: {  	v55 =	vld [tilespmem:s25+$0x3420];
	v34 =	vmul.f32 v50, v34;
	v36 =	vadd.f32 v36, v38  }
0x162: {  	v56 =	vld [tilespmem:s25+$0x4C30];
	v33 =	vmul.f32 v33, v51;
	v35 =	vadd.f32 v35, v37  }
0x163: {  	v57 =	vld [tilespmem:s25+$0x3430];
	v32 =	vmul.f32 v52, v32;
	v34 =	vadd.f32 v34, v36  }
0x164: {  	v58 =	vld [tilespmem:s25+$0x4C40];
	v31 =	vmul.f32 v31, v53;
	v33 =	vadd.f32 v33, v35  }
0x165: {  	v59 =	vld [tilespmem:s25+$0x3440];
	v30 =	vmul.f32 v54, v30;
	v32 =	vadd.f32 v32, v34  }
0x166: {  	v60 =	vld [tilespmem:s25+$0x4C50];
	v29 =	vmul.f32 v29, v55;
	v31 =	vadd.f32 v31, v33  }
0x167: {  	v28 =	vmul.f32 v56, v28;
	v61 =	vld [tilespmem:s25+$0x3450];
	v30 =	vadd.f32 v30, v32  }
0x168: {  	v27 =	vmul.f32 v27, v57;
	v29 =	vadd.f32 v29, v31;
	v31 =	vld [tilespmem:s25+$0x4C60]  }
0x169: {  	v26 =	vmul.f32 v58, v26;
	v28 =	vadd.f32 v28, v30;
	v30 =	vld [tilespmem:s25+$0x3460]  }
0x16a: {  	v25 =	vmul.f32 v25, v59;
	v27 =	vadd.f32 v27, v29;
	v29 =	vld [tilespmem:s25+$0x4C70]  }
0x16b: {  	v24 =	vmul.f32 v60, v24;
	v26 =	vadd.f32 v26, v28;
	v28 =	vld [tilespmem:s25+$0x3470]  }
0x16c: {  	v23 =	vmul.f32 v23, v61;
	v25 =	vadd.f32 v25, v27  }
0x16d: {  	v22 =	vmul.f32 v31, v22;
	v24 =	vadd.f32 v24, v26  }
0x16e: {  	v23 =	vadd.f32 v23, v25;
	v21 =	vmul.f32 v21, v30  }
0x16f: {  	v20 =	vmul.f32 v29, v20;
	v22 =	vadd.f32 v22, v24  }
0x170: {  	v21 =	vadd.f32 v21, v23;
	v19 =	vmul.f32 v19, v28  }
0x171: {  	v20 =	vadd.f32 v20, v22  }
0x172: {  	s23 =	sadd.s32 $0x10, s23;
	v19 =	vadd.f32 v19, v21  }
0x173: {  	s26 =	sadd.s32 $0x10, s24;
	[tilespmem:s23+$0x0] =	vst v20  }
0x174: {  	s24 =	simm.s32 $0x15000;
	[tilespmem:s26+$0x0] =	vst v19  }
0x175: {  	s25 =	simm.s32 $0x15100;
	v19 =	vld.idx.msk [tilespmem:v1+s24+$0x0], $0xffff  }
0x176: {  	v20 =	vld.idx.msk [tilespmem:v1+s25+$0x0], $0xffff  }
0x177: {  	v21 =	vld.idx.msk [tilespmem:v4+s24+$0x0], $0xffff  }
0x178: {  	v22 =	vld.idx.msk [tilespmem:v4+s25+$0x0], $0xffff  }
0x179: {  	v23 =	vld.idx.msk [tilespmem:v5+s24+$0x0], $0xffff  }
0x17a: {  	v24 =	vld.idx.msk [tilespmem:v5+s25+$0x0], $0xffff  }
0x17b: {  	v25 =	vld.idx.msk [tilespmem:v6+s24+$0x0], $0xffff  }
0x17c: {  	v26 =	vld.idx.msk [tilespmem:v6+s25+$0x0], $0xffff  }
0x17d: {  	v19 =	vadd.f32 v21, v19;
	v21 =	vld.idx.msk [tilespmem:v7+s24+$0x0], $0xffff  }
0x17e: {  	v20 =	vadd.f32 v22, v20;
	v22 =	vld.idx.msk [tilespmem:v7+s25+$0x0], $0xffff  }
0x17f: {  	v19 =	vadd.f32 v23, v19;
	v23 =	vld.idx.msk [tilespmem:v8+s24+$0x0], $0xffff  }
0x180: {  	v20 =	vadd.f32 v24, v20;
	v24 =	vld.idx.msk [tilespmem:v8+s25+$0x0], $0xffff  }
0x181: {  	v19 =	vadd.f32 v25, v19;
	v25 =	vld.idx.msk [tilespmem:v9+s24+$0x0], $0xffff  }
0x182: {  	v20 =	vadd.f32 v26, v20;
	v26 =	vld.idx.msk [tilespmem:v9+s25+$0x0], $0xffff  }
0x183: {  	v19 =	vadd.f32 v21, v19;
	v21 =	vld.idx.msk [tilespmem:v10+s24+$0x0], $0xffff  }
0x184: {  	v20 =	vadd.f32 v22, v20;
	v22 =	vld.idx.msk [tilespmem:v10+s25+$0x0], $0xffff  }
0x185: {  	v19 =	vadd.f32 v23, v19;
	v23 =	vld.idx.msk [tilespmem:v11+s24+$0x0], $0xffff  }
0x186: {  	v20 =	vadd.f32 v24, v20;
	v24 =	vld.idx.msk [tilespmem:v11+s25+$0x0], $0xffff  }
0x187: {  	v19 =	vadd.f32 v25, v19;
	v25 =	vld.idx.msk [tilespmem:v12+s24+$0x0], $0xffff  }
0x188: {  	v20 =	vadd.f32 v26, v20;
	v26 =	vld.idx.msk [tilespmem:v12+s25+$0x0], $0xffff  }
0x189: {  	v19 =	vadd.f32 v21, v19;
	v21 =	vld.idx.msk [tilespmem:v13+s24+$0x0], $0xffff  }
0x18a: {  	v20 =	vadd.f32 v22, v20;
	v22 =	vld.idx.msk [tilespmem:v13+s25+$0x0], $0xffff  }
0x18b: {  	v19 =	vadd.f32 v23, v19;
	v23 =	vld.idx.msk [tilespmem:v14+s24+$0x0], $0xffff  }
0x18c: {  	v20 =	vadd.f32 v24, v20;
	v24 =	vld.idx.msk [tilespmem:v14+s25+$0x0], $0xffff  }
0x18d: {  	s23 =	sshll.u32 s22, $0x6;
	v19 =	vadd.f32 v25, v19;
	v25 =	vld.idx.msk [tilespmem:v15+s24+$0x0], $0xffff  }
0x18e: {  	v20 =	vadd.f32 v26, v20;
	v26 =	vld [tilespmem:s23+$0x40]  }
0x18f: {  	v19 =	vadd.f32 v21, v19;
	v21 =	vld.idx.msk [tilespmem:v15+s25+$0x0], $0xffff  }
0x190: {  	v20 =	vadd.f32 v22, v20;
	v22 =	vld.idx.msk [tilespmem:v16+s24+$0x0], $0xffff  }
0x191: {  	v19 =	vadd.f32 v23, v19;
	v23 =	vld.idx.msk [tilespmem:v16+s25+$0x0], $0xffff  }
0x192: {  	v20 =	vadd.f32 v24, v20;
	v24 =	vld.idx.msk [tilespmem:v17+s24+$0x0], $0xffff  }
0x193: {  	v27 =	vshll.u32 v26, $0x2;
	v19 =	vadd.f32 v25, v19;
	v25 =	vld.idx.msk [tilespmem:v17+s25+$0x0], $0xffff  }
0x194: {  	v26 =	vand.u32 $0x7, v26;
	v27 =	vand.u32 $0xFFFFFFE0, v27;
	v20 =	vadd.f32 v21, v20;
	v21 =	vld.idx.msk [tilespmem:v18+s24+$0x0], $0xffff  }
0x195: {  	v26 =	vor.u32 v26, v27;
	v19 =	vadd.f32 v22, v19;
	v22 =	vld.idx.msk [tilespmem:v18+s25+$0x0], $0xffff  }
0x196: {  	v20 =	vadd.f32 v23, v20;
	v23 =	vperm.xlane v26, v0  }
0x197: {  	v19 =	vadd.f32 v24, v19  }
0x198: {  	v20 =	vadd.f32 v25, v20;
	v23 =	vadd.s32 v2, v23  }
0x199: {  	v19 =	vadd.f32 v21, v19  }
0x19a: {  	v21 =	vperm.xlane v26, v3;
	v20 =	vadd.f32 v22, v20  }
0x19b: {  	[tilespmem:s23+$0x12800] =	vst v19  }
0x19c: {  	s28 =	simm.s32 $0x2800;
	s26 =	simm.s32 $0x0;
	v19 =	vadd.s32 v2, v21;
	[tilespmem:s23+$0x13C00] =	vst v20  }
0x19d: {  	[tilespmem:s28], [sflag:$0x1] =	stream.indirect_vreg.gather [hbm4b:s3+s26], $0x80, v23, vm0, $0xb8;
	[tilespmem:$0x15200] =	vst v63  }
0x19e: {  	s28 =	simm.s32 $0x3000  }
0x19f: {  	[tilespmem:s28], [sflag:$0x1] =	stream.indirect_vreg.gather [hbm4b:s6+s26], $0x80, v23, vm0, $0xb8;
	[tilespmem:$0x15200] =	vst v63  }
0x1a0: {  	s28 =	simm.s32 $0x3800  }
0x1a1: {  	[tilespmem:s28], [sflag:$0x1] =	stream.indirect_vreg.gather [hbm4b:s3+s26], $0x80, v19, vm0, $0xb8;
	[tilespmem:$0x15200] =	vst v63  }
0x1a2: {  	s28 =	simm.s32 $0x4000  }
0x1a3: {  	[tilespmem:s28], [sflag:$0x1] =	stream.indirect_vreg.gather [hbm4b:s6+s26], $0x80, v19, vm0, $0xb8;
	[tilespmem:$0x15200] =	vst v63  }
0x1a4: {  	v19 =	vld [tilespmem:s23+$0x1440];
	_ =	sdelay $0x4  }
0x1a5: {  	v20 =	vshll.u32 v19, $0x2  }
0x1a6: {  	v19 =	vand.u32 $0x7, v19;
	v20 =	vand.u32 $0xFFFFFFE0, v20  }
0x1a7: {  	v19 =	vor.u32 v19, v20  }
0x1a8: {  	v20 =	vperm.xlane v19, v0;
	_ =	sdelay $0x1  }
0x1a9: {  	v20 =	vadd.s32 v2, v20;
	_ =	sdelay $0x1  }
0x1aa: {  	v19 =	vperm.xlane v19, v3;
	_ =	sdelay $0x1  }
0x1ab: {  	s28 =	simm.s32 $0x4800;
	v19 =	vadd.s32 v2, v19  }
0x1ac: {  	[tilespmem:s28], [sflag:$0x1] =	stream.indirect_vreg.gather [hbm4b:s3+s26], $0x80, v20, vm0, $0xb8;
	[tilespmem:$0x15200] =	vst v63  }
0x1ad: {  	s28 =	simm.s32 $0x5000  }
0x1ae: {  	[tilespmem:s28], [sflag:$0x1] =	stream.indirect_vreg.gather [hbm4b:s6+s26], $0x80, v20, vm0, $0xb8;
	[tilespmem:$0x15200] =	vst v63  }
0x1af: {  	s28 =	simm.s32 $0x5800  }
0x1b0: {  	[tilespmem:s28], [sflag:$0x1] =	stream.indirect_vreg.gather [hbm4b:s3+s26], $0x80, v19, vm0, $0xb8;
	[tilespmem:$0x15200] =	vst v63  }
0x1b1: {  	s28 =	simm.s32 $0x6000  }
0x1b2: {  	[tilespmem:s28], [sflag:$0x1] =	stream.indirect_vreg.gather [hbm4b:s6+s26], $0x80, v19, vm0, $0xb8;
	[tilespmem:$0x15200] =	vst v63  }
0x1b3: {  	_ =	swait.ge [sflag:s17], $0x2000  }
0x1b4: {  	[sflag:s17] =	ssyncset.done $0x0  }
0x1b5: {  	[sflag:s17] =	ssyncadd.s32 $0xFFFFE000  }
0x1b6: {  	_ =	swait.ge [sflag:s17], $0x2000  }
0x1b7: {  	s28 =	sand.u32 $0x1000, s26;
	s26 =	sand.u32 $0x380, s26;
	[sflag:s17] =	ssyncset.done $0x0  }
0x1b8: {  	s26 =	sor.u32 s26, s28;
	[sflag:s17] =	ssyncadd.s32 $0xFFFFE000  }
0x1b9: {  	v19 =	vld [tilespmem:s26+$0x9470]  }
0x1ba: {  	v20 =	vld [tilespmem:s26+$0x6C70]  }
0x1bb: {  	v21 =	vld [tilespmem:s26+$0x9460]  }
0x1bc: {  	v22 =	vld [tilespmem:s26+$0x6C60]  }
0x1bd: {  	v23 =	vld [tilespmem:s26+$0x9450]  }
0x1be: {  	v24 =	vld [tilespmem:s26+$0x6C50]  }
0x1bf: {  	v25 =	vld [tilespmem:s26+$0x9440]  }
0x1c0: {  	v26 =	vld [tilespmem:s26+$0x6C40]  }
0x1c1: {  	v27 =	vld [tilespmem:s26+$0x9430]  }
0x1c2: {  	v28 =	vld [tilespmem:s26+$0x6C30]  }
0x1c3: {  	v29 =	vld [tilespmem:s26+$0x9420]  }
0x1c4: {  	v30 =	vld [tilespmem:s26+$0x6C20]  }
0x1c5: {  	v31 =	vld [tilespmem:s26+$0x9410]  }
0x1c6: {  	v32 =	vld [tilespmem:s26+$0x6C10]  }
0x1c7: {  	v33 =	vld [tilespmem:s26+$0x9400]  }
0x1c8: {  	v34 =	vld [tilespmem:s26+$0x6C00]  }
0x1c9: {  	v35 =	vld [tilespmem:s26+$0x9070]  }
0x1ca: {  	v36 =	vld [tilespmem:s26+$0x6870]  }
0x1cb: {  	v37 =	vld [tilespmem:s26+$0x9060]  }
0x1cc: {  	v38 =	vld [tilespmem:s26+$0x6860]  }
0x1cd: {  	v39 =	vld [tilespmem:s26+$0x9050]  }
0x1ce: {  	v40 =	vld [tilespmem:s26+$0x6850]  }
0x1cf: {  	v41 =	vld [tilespmem:s26+$0x9040]  }
0x1d0: {  	v42 =	vld [tilespmem:s26+$0x6840]  }
0x1d1: {  	v43 =	vld [tilespmem:s26+$0x9030]  }
0x1d2: {  	v44 =	vld [tilespmem:s26+$0x6830]  }
0x1d3: {  	v45 =	vld [tilespmem:s26+$0x9020]  }
0x1d4: {  	v46 =	vld [tilespmem:s26+$0x6820]  }
0x1d5: {  	v47 =	vld [tilespmem:s26+$0x9000]  }
0x1d6: {  	v48 =	vld [tilespmem:s26+$0x7000]  }
0x1d7: {  	v49 =	vld [tilespmem:s26+$0x9010]  }
0x1d8: {  	v50 =	vld [tilespmem:s26+$0x8800]  }
0x1d9: {  	v51 =	vld [tilespmem:s26+$0x6800]  }
0x1da: {  	v62 =	vld [tilespmem:s26+$0x6810]  }
0x1db: {  	v63 =	vld [tilespmem:s26+$0x8810]  }
0x1dc: {  	v54 =	vld [tilespmem:s26+$0x7010]  }
0x1dd: {  	v55 =	vld [tilespmem:s26+$0x8820]  }
0x1de: {  	v60 =	vld [tilespmem:s26+$0x7020]  }
0x1df: {  	v61 =	vld [tilespmem:s26+$0x8830]  }
0x1e0: {  	v50 =	vmul.f32 v50, v51;
	v62 =	vmul.f32 v63, v62;
	v63 =	vld [tilespmem:s26+$0x7030]  }
0x1e1: {  	v58 =	vld [tilespmem:s26+$0x8840];
	v47 =	vmul.f32 v47, v48;
	v54 =	vmul.f32 v49, v54  }
0x1e2: {  	v59 =	vld [tilespmem:s26+$0x7040];
	v46 =	vmul.f32 v55, v46;
	v50 =	vadd.f32 v62, v50  }
0x1e3: {  	v45 =	vmul.f32 v45, v60;
	v60 =	vld [tilespmem:s26+$0x8850];
	v47 =	vadd.f32 v54, v47  }
0x1e4: {  	v44 =	vmul.f32 v61, v44;
	v61 =	vld [tilespmem:s26+$0x7050];
	v46 =	vadd.f32 v46, v50  }
0x1e5: {  	v62 =	vld [tilespmem:s26+$0x8860];
	v45 =	vadd.f32 v45, v47;
	v43 =	vmul.f32 v43, v63  }
0x1e6: {  	v42 =	vmul.f32 v58, v42;
	v63 =	vld [tilespmem:s26+$0x7060];
	v44 =	vadd.f32 v44, v46  }
0x1e7: {  	v41 =	vmul.f32 v41, v59;
	v49 =	vld [tilespmem:s26+$0x8870];
	v43 =	vadd.f32 v43, v45  }
0x1e8: {  	v51 =	vld [tilespmem:s26+$0x7070];
	v40 =	vmul.f32 v60, v40;
	v42 =	vadd.f32 v42, v44  }
0x1e9: {  	v52 =	vld [tilespmem:s26+$0x8C00];
	v39 =	vmul.f32 v39, v61;
	v41 =	vadd.f32 v41, v43  }
0x1ea: {  	v53 =	vld [tilespmem:s26+$0x7400];
	v38 =	vmul.f32 v62, v38;
	v40 =	vadd.f32 v40, v42  }
0x1eb: {  	v54 =	vld [tilespmem:s26+$0x8C10];
	v37 =	vmul.f32 v37, v63;
	v39 =	vadd.f32 v39, v41  }
0x1ec: {  	v55 =	vld [tilespmem:s26+$0x7410];
	v36 =	vmul.f32 v49, v36;
	v38 =	vadd.f32 v38, v40  }
0x1ed: {  	v56 =	vld [tilespmem:s26+$0x8C20];
	v35 =	vmul.f32 v35, v51;
	v37 =	vadd.f32 v37, v39  }
0x1ee: {  	v57 =	vld [tilespmem:s26+$0x7420];
	v34 =	vmul.f32 v52, v34;
	v36 =	vadd.f32 v36, v38  }
0x1ef: {  	v33 =	vmul.f32 v33, v53;
	v58 =	vld [tilespmem:s26+$0x8C30];
	v35 =	vadd.f32 v35, v37  }
0x1f0: {  	v59 =	vld [tilespmem:s26+$0x7430];
	v32 =	vmul.f32 v54, v32;
	v34 =	vadd.f32 v34, v36  }
0x1f1: {  	v31 =	vmul.f32 v31, v55;
	v60 =	vld [tilespmem:s26+$0x8C40];
	v33 =	vadd.f32 v33, v35  }
0x1f2: {  	v30 =	vmul.f32 v56, v30;
	v61 =	vld [tilespmem:s26+$0x7440];
	v32 =	vadd.f32 v32, v34  }
0x1f3: {  	v29 =	vmul.f32 v29, v57;
	v62 =	vld [tilespmem:s26+$0x8C50];
	v31 =	vadd.f32 v31, v33  }
0x1f4: {  	v28 =	vmul.f32 v58, v28;
	v63 =	vld [tilespmem:s26+$0x7450];
	v30 =	vadd.f32 v30, v32  }
0x1f5: {  	v27 =	vmul.f32 v27, v59;
	v29 =	vadd.f32 v29, v31;
	v31 =	vld [tilespmem:s26+$0x8C60]  }
0x1f6: {  	v26 =	vmul.f32 v60, v26;
	v28 =	vadd.f32 v28, v30;
	v30 =	vld [tilespmem:s26+$0x7460]  }
0x1f7: {  	v25 =	vmul.f32 v25, v61;
	v27 =	vadd.f32 v27, v29;
	v29 =	vld [tilespmem:s26+$0x8C70]  }
0x1f8: {  	v24 =	vmul.f32 v62, v24;
	v26 =	vadd.f32 v26, v28;
	v28 =	vld [tilespmem:s26+$0x7470]  }
0x1f9: {  	v23 =	vmul.f32 v23, v63;
	v25 =	vadd.f32 v25, v27  }
0x1fa: {  	v24 =	vadd.f32 v24, v26;
	v22 =	vmul.f32 v31, v22  }
0x1fb: {  	v23 =	vadd.f32 v23, v25;
	v21 =	vmul.f32 v21, v30  }
0x1fc: {  	v22 =	vadd.f32 v22, v24;
	v20 =	vmul.f32 v29, v20  }
0x1fd: {  	v21 =	vadd.f32 v21, v23;
	v19 =	vmul.f32 v19, v28  }
0x1fe: {  	v20 =	vadd.f32 v20, v22  }
0x1ff: {  	s30 =	simm.s32 $0x200;
	s28 =	simm.s32 $0x80;
	v19 =	vadd.f32 v19, v21  }
0x200: {  	s29 =	sand.u32 $0x380, s28;
	s26 =	sand.u32 $0x1000, s30;
	[tilespmem:s24+$0x0] =	vst v20  }
0x201: {  	s26 =	sor.u32 s29, s26;
	[tilespmem:s25+$0x0] =	vst v19  }
0x202: {  	v19 =	vld [tilespmem:s26+$0x9470]  }
0x203: {  	v20 =	vld [tilespmem:s26+$0x6C70]  }
0x204: {  	v21 =	vld [tilespmem:s26+$0x9460]  }
0x205: {  	v22 =	vld [tilespmem:s26+$0x6C60]  }
0x206: {  	v23 =	vld [tilespmem:s26+$0x9450]  }
0x207: {  	v24 =	vld [tilespmem:s26+$0x6C50]  }
0x208: {  	v25 =	vld [tilespmem:s26+$0x9440]  }
0x209: {  	v26 =	vld [tilespmem:s26+$0x6C40]  }
0x20a: {  	v27 =	vld [tilespmem:s26+$0x9430]  }
0x20b: {  	v28 =	vld [tilespmem:s26+$0x6C30]  }
0x20c: {  	v29 =	vld [tilespmem:s26+$0x9420]  }
0x20d: {  	v30 =	vld [tilespmem:s26+$0x6C20]  }
0x20e: {  	v31 =	vld [tilespmem:s26+$0x9410]  }
0x20f: {  	v32 =	vld [tilespmem:s26+$0x6C10]  }
0x210: {  	v33 =	vld [tilespmem:s26+$0x9400]  }
0x211: {  	v34 =	vld [tilespmem:s26+$0x6C00]  }
0x212: {  	v35 =	vld [tilespmem:s26+$0x9070]  }
0x213: {  	v36 =	vld [tilespmem:s26+$0x6870]  }
0x214: {  	v37 =	vld [tilespmem:s26+$0x9060]  }
0x215: {  	v38 =	vld [tilespmem:s26+$0x6860]  }
0x216: {  	v39 =	vld [tilespmem:s26+$0x9050]  }
0x217: {  	v40 =	vld [tilespmem:s26+$0x6850]  }
0x218: {  	v41 =	vld [tilespmem:s26+$0x9040]  }
0x219: {  	v42 =	vld [tilespmem:s26+$0x6840]  }
0x21a: {  	v43 =	vld [tilespmem:s26+$0x9030]  }
0x21b: {  	v44 =	vld [tilespmem:s26+$0x6830]  }
0x21c: {  	v45 =	vld [tilespmem:s26+$0x9020]  }
0x21d: {  	v46 =	vld [tilespmem:s26+$0x6820]  }
0x21e: {  	v47 =	vld [tilespmem:s26+$0x9000]  }
0x21f: {  	v48 =	vld [tilespmem:s26+$0x7000]  }
0x220: {  	v49 =	vld [tilespmem:s26+$0x9010]  }
0x221: {  	v50 =	vld [tilespmem:s26+$0x8800]  }
0x222: {  	v51 =	vld [tilespmem:s26+$0x6800]  }
0x223: {  	s29 =	simm.s32 $0x400;
	v52 =	vld [tilespmem:s26+$0x6810]  }
.LBB2_5:
0x224: {  	p0 =	sne.s32 s29, $0x1E00;
	v53 =	vld [tilespmem:s26+$0x8810]  }
0x225: {  	v54 =	vld [tilespmem:s26+$0x7010]  }
0x226: {  	v55 =	vld [tilespmem:s26+$0x8820]  }
0x227: {  	v56 =	vld [tilespmem:s26+$0x7020]  }
0x228: {  	v57 =	vld [tilespmem:s26+$0x8830]  }
0x229: {  	v50 =	vmul.f32 v50, v51;
	v51 =	vmul.f32 v53, v52;
	v52 =	vld [tilespmem:s26+$0x7030]  }
0x22a: {  	v47 =	vmul.f32 v47, v48;
	v48 =	vmul.f32 v49, v54;
	v49 =	vld [tilespmem:s26+$0x8840]  }
0x22b: {  	v50 =	vadd.f32 v51, v50;
	v46 =	vmul.f32 v55, v46;
	v51 =	vld [tilespmem:s26+$0x7040]  }
0x22c: {  	v47 =	vadd.f32 v48, v47;
	v45 =	vmul.f32 v45, v56;
	v48 =	vld [tilespmem:s26+$0x8850]  }
0x22d: {  	v46 =	vadd.f32 v46, v50;
	v44 =	vmul.f32 v57, v44;
	v50 =	vld [tilespmem:s26+$0x7050]  }
0x22e: {  	v45 =	vadd.f32 v45, v47;
	v43 =	vmul.f32 v43, v52;
	v47 =	vld [tilespmem:s26+$0x8860]  }
0x22f: {  	v44 =	vadd.f32 v44, v46;
	v42 =	vmul.f32 v49, v42;
	v46 =	vld [tilespmem:s26+$0x7060]  }
0x230: {  	v43 =	vadd.f32 v43, v45;
	v41 =	vmul.f32 v41, v51;
	v45 =	vld [tilespmem:s26+$0x8870]  }
0x231: {  	v42 =	vadd.f32 v42, v44;
	v40 =	vmul.f32 v48, v40;
	v44 =	vld [tilespmem:s26+$0x7070]  }
0x232: {  	v41 =	vadd.f32 v41, v43;
	v39 =	vmul.f32 v39, v50;
	v43 =	vld [tilespmem:s26+$0x8C00]  }
0x233: {  	v40 =	vadd.f32 v40, v42;
	v38 =	vmul.f32 v47, v38;
	v42 =	vld [tilespmem:s26+$0x7400]  }
0x234: {  	v39 =	vadd.f32 v39, v41;
	v37 =	vmul.f32 v37, v46;
	v41 =	vld [tilespmem:s26+$0x8C10]  }
0x235: {  	v38 =	vadd.f32 v38, v40;
	v36 =	vmul.f32 v45, v36;
	v40 =	vld [tilespmem:s26+$0x7410]  }
0x236: {  	v37 =	vadd.f32 v37, v39;
	v35 =	vmul.f32 v35, v44;
	v39 =	vld [tilespmem:s26+$0x8C20]  }
0x237: {  	v36 =	vadd.f32 v36, v38;
	v34 =	vmul.f32 v43, v34;
	v38 =	vld [tilespmem:s26+$0x7420]  }
0x238: {  	v35 =	vadd.f32 v35, v37;
	v33 =	vmul.f32 v33, v42;
	v37 =	vld [tilespmem:s26+$0x8C30]  }
0x239: {  	v34 =	vadd.f32 v34, v36;
	v32 =	vmul.f32 v41, v32;
	v36 =	vld [tilespmem:s26+$0x7430]  }
0x23a: {  	v33 =	vadd.f32 v33, v35;
	v31 =	vmul.f32 v31, v40;
	v35 =	vld [tilespmem:s26+$0x8C40]  }
0x23b: {  	v32 =	vadd.f32 v32, v34;
	v30 =	vmul.f32 v39, v30;
	v34 =	vld [tilespmem:s26+$0x7440]  }
0x23c: {  	v31 =	vadd.f32 v31, v33;
	v29 =	vmul.f32 v29, v38;
	v33 =	vld [tilespmem:s26+$0x8C50]  }
0x23d: {  	v30 =	vadd.f32 v30, v32;
	v28 =	vmul.f32 v37, v28;
	v32 =	vld [tilespmem:s26+$0x7450]  }
0x23e: {  	v29 =	vadd.f32 v29, v31;
	v27 =	vmul.f32 v27, v36;
	v31 =	vld [tilespmem:s26+$0x8C60]  }
0x23f: {  	v28 =	vadd.f32 v28, v30;
	v26 =	vmul.f32 v35, v26;
	v30 =	vld [tilespmem:s26+$0x7460]  }
0x240: {  	v27 =	vadd.f32 v27, v29;
	v25 =	vmul.f32 v25, v34;
	v29 =	vld [tilespmem:s26+$0x8C70]  }
0x241: {  	v26 =	vadd.f32 v26, v28;
	v24 =	vmul.f32 v33, v24;
	v28 =	vld [tilespmem:s26+$0x7470]  }
0x242: {  	v25 =	vadd.f32 v25, v27;
	v23 =	vmul.f32 v23, v32  }
0x243: {  	v24 =	vadd.f32 v24, v26;
	v22 =	vmul.f32 v31, v22  }
0x244: {  	v23 =	vadd.f32 v23, v25;
	v21 =	vmul.f32 v21, v30  }
0x245: {  	v22 =	vadd.f32 v22, v24;
	v20 =	vmul.f32 v29, v20  }
0x246: {  	v21 =	vadd.f32 v21, v23;
	v19 =	vmul.f32 v19, v28  }
0x247: {  	v20 =	vadd.f32 v20, v22  }
0x248: {  	s28 =	sadd.s32 $0x80, s28;
	s24 =	sadd.s32 $0x10, s24;
	v19 =	vadd.f32 v19, v21  }
0x249: {  	s25 =	sadd.s32 $0x10, s25;
	s30 =	sand.u32 $0x380, s28;
	s26 =	sand.u32 $0x1000, s29;
	[tilespmem:s24+$0x0] =	vst v20  }
0x24a: {  	s26 =	sor.u32 s30, s26;
	[tilespmem:s25+$0x0] =	vst v19  }
0x24b: {  	v19 =	vld [tilespmem:s26+$0x9470]  }
0x24c: {  	v20 =	vld [tilespmem:s26+$0x6C70]  }
0x24d: {  	v21 =	vld [tilespmem:s26+$0x9460]  }
0x24e: {  	v22 =	vld [tilespmem:s26+$0x6C60]  }
0x24f: {  	v23 =	vld [tilespmem:s26+$0x9450]  }
0x250: {  	v24 =	vld [tilespmem:s26+$0x6C50]  }
0x251: {  	v25 =	vld [tilespmem:s26+$0x9440]  }
0x252: {  	v26 =	vld [tilespmem:s26+$0x6C40]  }
0x253: {  	v27 =	vld [tilespmem:s26+$0x9430]  }
0x254: {  	v28 =	vld [tilespmem:s26+$0x6C30]  }
0x255: {  	v29 =	vld [tilespmem:s26+$0x9420]  }
0x256: {  	v30 =	vld [tilespmem:s26+$0x6C20]  }
0x257: {  	v31 =	vld [tilespmem:s26+$0x9410]  }
0x258: {  	v32 =	vld [tilespmem:s26+$0x6C10]  }
0x259: {  	v33 =	vld [tilespmem:s26+$0x9400]  }
0x25a: {  	v34 =	vld [tilespmem:s26+$0x6C00]  }
0x25b: {  	v35 =	vld [tilespmem:s26+$0x9070]  }
0x25c: {  	v36 =	vld [tilespmem:s26+$0x6870]  }
0x25d: {  	v37 =	vld [tilespmem:s26+$0x9060]  }
0x25e: {  	v38 =	vld [tilespmem:s26+$0x6860]  }
0x25f: {  	v39 =	vld [tilespmem:s26+$0x9050]  }
0x260: {  	v40 =	vld [tilespmem:s26+$0x6850]  }
0x261: {  	v41 =	vld [tilespmem:s26+$0x9040]  }
0x262: {  	v42 =	vld [tilespmem:s26+$0x6840]  }
0x263: {  	v43 =	vld [tilespmem:s26+$0x9030]  }
0x264: {  	v44 =	vld [tilespmem:s26+$0x6830]  }
0x265: {  	v45 =	vld [tilespmem:s26+$0x9020]  }
0x266: {  	v46 =	vld [tilespmem:s26+$0x6820]  }
0x267: {  	v47 =	vld [tilespmem:s26+$0x9000]  }
.Ltmp1:
0x268: {  	v48 =	vld [tilespmem:s26+$0x7000];
	(pc) =	sbr.rel @p0 .LBB2_5-.Ltmp1, $4  }
0x269: {  	v49 =	vld [tilespmem:s26+$0x9010]  }
0x26a: {  	v50 =	vld [tilespmem:s26+$0x8800]  }
0x26b: {  	v51 =	vld [tilespmem:s26+$0x6800]  }
0x26c: {  	s29 =	sadd.s32 $0x200, s29;
	v52 =	vld [tilespmem:s26+$0x6810]  }
0x26d: {  	v53 =	vld [tilespmem:s26+$0x8810]  }
0x26e: {  	v54 =	vld [tilespmem:s26+$0x7010]  }
0x26f: {  	v55 =	vld [tilespmem:s26+$0x8820]  }
0x270: {  	v56 =	vld [tilespmem:s26+$0x7020]  }
0x271: {  	v57 =	vld [tilespmem:s26+$0x8830]  }
0x272: {  	v62 =	vld [tilespmem:s26+$0x7030];
	v50 =	vmul.f32 v50, v51;
	v61 =	vmul.f32 v53, v52  }
0x273: {  	v47 =	vmul.f32 v47, v48;
	v63 =	vmul.f32 v49, v54;
	v54 =	vld [tilespmem:s26+$0x8840]  }
0x274: {  	v58 =	vld [tilespmem:s26+$0x7040];
	v46 =	vmul.f32 v55, v46;
	v50 =	vadd.f32 v61, v50  }
0x275: {  	v59 =	vld [tilespmem:s26+$0x8850];
	v45 =	vmul.f32 v45, v56;
	v47 =	vadd.f32 v63, v47  }
0x276: {  	v60 =	vld [tilespmem:s26+$0x7050];
	v44 =	vmul.f32 v57, v44;
	v46 =	vadd.f32 v46, v50  }
0x277: {  	v43 =	vmul.f32 v43, v62;
	v61 =	vld [tilespmem:s26+$0x8860];
	v45 =	vadd.f32 v45, v47  }
0x278: {  	v62 =	vld [tilespmem:s26+$0x7060];
	v42 =	vmul.f32 v54, v42;
	v44 =	vadd.f32 v44, v46  }
0x279: {  	v41 =	vmul.f32 v41, v58;
	v63 =	vld [tilespmem:s26+$0x8870];
	v43 =	vadd.f32 v43, v45  }
0x27a: {  	v40 =	vmul.f32 v59, v40;
	v49 =	vld [tilespmem:s26+$0x7070];
	v42 =	vadd.f32 v42, v44  }
0x27b: {  	v39 =	vmul.f32 v39, v60;
	v50 =	vld [tilespmem:s26+$0x8C00];
	v41 =	vadd.f32 v41, v43  }
0x27c: {  	v51 =	vld [tilespmem:s26+$0x7400];
	v38 =	vmul.f32 v61, v38;
	v40 =	vadd.f32 v40, v42  }
0x27d: {  	v52 =	vld [tilespmem:s26+$0x8C10];
	v37 =	vmul.f32 v37, v62;
	v39 =	vadd.f32 v39, v41  }
0x27e: {  	v53 =	vld [tilespmem:s26+$0x7410];
	v36 =	vmul.f32 v63, v36;
	v38 =	vadd.f32 v38, v40  }
0x27f: {  	v35 =	vmul.f32 v35, v49;
	v54 =	vld [tilespmem:s26+$0x8C20];
	v37 =	vadd.f32 v37, v39  }
0x280: {  	v55 =	vld [tilespmem:s26+$0x7420];
	v34 =	vmul.f32 v50, v34;
	v36 =	vadd.f32 v36, v38  }
0x281: {  	v56 =	vld [tilespmem:s26+$0x8C30];
	v33 =	vmul.f32 v33, v51;
	v35 =	vadd.f32 v35, v37  }
0x282: {  	v57 =	vld [tilespmem:s26+$0x7430];
	v32 =	vmul.f32 v52, v32;
	v34 =	vadd.f32 v34, v36  }
0x283: {  	v58 =	vld [tilespmem:s26+$0x8C40];
	v31 =	vmul.f32 v31, v53;
	v33 =	vadd.f32 v33, v35  }
0x284: {  	v59 =	vld [tilespmem:s26+$0x7440];
	v30 =	vmul.f32 v54, v30;
	v32 =	vadd.f32 v32, v34  }
0x285: {  	v60 =	vld [tilespmem:s26+$0x8C50];
	v29 =	vmul.f32 v29, v55;
	v31 =	vadd.f32 v31, v33  }
0x286: {  	v28 =	vmul.f32 v56, v28;
	v61 =	vld [tilespmem:s26+$0x7450];
	v30 =	vadd.f32 v30, v32  }
0x287: {  	v27 =	vmul.f32 v27, v57;
	v29 =	vadd.f32 v29, v31;
	v31 =	vld [tilespmem:s26+$0x8C60]  }
0x288: {  	v26 =	vmul.f32 v58, v26;
	v28 =	vadd.f32 v28, v30;
	v30 =	vld [tilespmem:s26+$0x7460]  }
0x289: {  	v25 =	vmul.f32 v25, v59;
	v27 =	vadd.f32 v27, v29;
	v29 =	vld [tilespmem:s26+$0x8C70]  }
0x28a: {  	v24 =	vmul.f32 v60, v24;
	v26 =	vadd.f32 v26, v28;
	v28 =	vld [tilespmem:s26+$0x7470]  }
0x28b: {  	v23 =	vmul.f32 v23, v61;
	v25 =	vadd.f32 v25, v27  }
0x28c: {  	v22 =	vmul.f32 v31, v22;
	v24 =	vadd.f32 v24, v26  }
0x28d: {  	v23 =	vadd.f32 v23, v25;
	v21 =	vmul.f32 v21, v30  }
0x28e: {  	v20 =	vmul.f32 v29, v20;
	v22 =	vadd.f32 v22, v24  }
0x28f: {  	v21 =	vadd.f32 v21, v23;
	v19 =	vmul.f32 v19, v28  }
0x290: {  	v20 =	vadd.f32 v20, v22  }
0x291: {  	s24 =	sadd.s32 $0x10, s24;
	v19 =	vadd.f32 v19, v21  }
0x292: {  	s26 =	sadd.s32 $0x10, s25;
	[tilespmem:s24+$0x0] =	vst v20  }
0x293: {  	s24 =	simm.s32 $0x15000;
	[tilespmem:s26+$0x0] =	vst v19  }
0x294: {  	s25 =	simm.s32 $0x15100;
	v19 =	vld.idx.msk [tilespmem:v1+s24+$0x0], $0xffff  }
0x295: {  	v20 =	vld.idx.msk [tilespmem:v1+s25+$0x0], $0xffff  }
0x296: {  	v21 =	vld.idx.msk [tilespmem:v4+s24+$0x0], $0xffff  }
0x297: {  	v22 =	vld.idx.msk [tilespmem:v4+s25+$0x0], $0xffff  }
0x298: {  	v23 =	vld.idx.msk [tilespmem:v5+s24+$0x0], $0xffff  }
0x299: {  	v24 =	vld.idx.msk [tilespmem:v5+s25+$0x0], $0xffff  }
0x29a: {  	v25 =	vld.idx.msk [tilespmem:v6+s24+$0x0], $0xffff  }
0x29b: {  	v26 =	vld.idx.msk [tilespmem:v6+s25+$0x0], $0xffff  }
0x29c: {  	v19 =	vadd.f32 v21, v19;
	v21 =	vld.idx.msk [tilespmem:v7+s24+$0x0], $0xffff  }
0x29d: {  	v20 =	vadd.f32 v22, v20;
	v22 =	vld.idx.msk [tilespmem:v7+s25+$0x0], $0xffff  }
0x29e: {  	v19 =	vadd.f32 v23, v19;
	v23 =	vld.idx.msk [tilespmem:v8+s24+$0x0], $0xffff  }
0x29f: {  	v20 =	vadd.f32 v24, v20;
	v24 =	vld.idx.msk [tilespmem:v8+s25+$0x0], $0xffff  }
0x2a0: {  	v19 =	vadd.f32 v25, v19;
	v25 =	vld.idx.msk [tilespmem:v9+s24+$0x0], $0xffff  }
0x2a1: {  	v20 =	vadd.f32 v26, v20;
	v26 =	vld.idx.msk [tilespmem:v9+s25+$0x0], $0xffff  }
0x2a2: {  	v19 =	vadd.f32 v21, v19;
	v21 =	vld.idx.msk [tilespmem:v10+s24+$0x0], $0xffff  }
0x2a3: {  	v20 =	vadd.f32 v22, v20;
	v22 =	vld.idx.msk [tilespmem:v10+s25+$0x0], $0xffff  }
0x2a4: {  	v19 =	vadd.f32 v23, v19;
	v23 =	vld.idx.msk [tilespmem:v11+s24+$0x0], $0xffff  }
0x2a5: {  	v20 =	vadd.f32 v24, v20;
	v24 =	vld.idx.msk [tilespmem:v11+s25+$0x0], $0xffff  }
0x2a6: {  	v19 =	vadd.f32 v25, v19;
	v25 =	vld.idx.msk [tilespmem:v12+s24+$0x0], $0xffff  }
0x2a7: {  	v20 =	vadd.f32 v26, v20;
	v26 =	vld.idx.msk [tilespmem:v12+s25+$0x0], $0xffff  }
0x2a8: {  	v19 =	vadd.f32 v21, v19;
	v21 =	vld.idx.msk [tilespmem:v13+s24+$0x0], $0xffff  }
0x2a9: {  	v20 =	vadd.f32 v22, v20;
	v22 =	vld.idx.msk [tilespmem:v13+s25+$0x0], $0xffff  }
0x2aa: {  	v19 =	vadd.f32 v23, v19;
	v23 =	vld.idx.msk [tilespmem:v14+s24+$0x0], $0xffff  }
0x2ab: {  	v20 =	vadd.f32 v24, v20;
	v24 =	vld.idx.msk [tilespmem:v14+s25+$0x0], $0xffff  }
0x2ac: {  	v19 =	vadd.f32 v25, v19;
	v25 =	vld.idx.msk [tilespmem:v15+s24+$0x0], $0xffff  }
0x2ad: {  	v20 =	vadd.f32 v26, v20;
	v26 =	vld [tilespmem:s23+$0x50]  }
0x2ae: {  	v19 =	vadd.f32 v21, v19;
	v21 =	vld.idx.msk [tilespmem:v15+s25+$0x0], $0xffff  }
0x2af: {  	v20 =	vadd.f32 v22, v20;
	v22 =	vld.idx.msk [tilespmem:v16+s24+$0x0], $0xffff  }
0x2b0: {  	v19 =	vadd.f32 v23, v19;
	v23 =	vld.idx.msk [tilespmem:v16+s25+$0x0], $0xffff  }
0x2b1: {  	v20 =	vadd.f32 v24, v20;
	v24 =	vld.idx.msk [tilespmem:v17+s24+$0x0], $0xffff  }
0x2b2: {  	v27 =	vshll.u32 v26, $0x2;
	v19 =	vadd.f32 v25, v19;
	v25 =	vld.idx.msk [tilespmem:v17+s25+$0x0], $0xffff  }
0x2b3: {  	v26 =	vand.u32 $0x7, v26;
	v27 =	vand.u32 $0xFFFFFFE0, v27;
	v20 =	vadd.f32 v21, v20;
	v21 =	vld.idx.msk [tilespmem:v18+s24+$0x0], $0xffff  }
0x2b4: {  	v26 =	vor.u32 v26, v27;
	v19 =	vadd.f32 v22, v19;
	v22 =	vld.idx.msk [tilespmem:v18+s25+$0x0], $0xffff  }
0x2b5: {  	v20 =	vadd.f32 v23, v20;
	v23 =	vperm.xlane v26, v0  }
0x2b6: {  	v19 =	vadd.f32 v24, v19  }
0x2b7: {  	v20 =	vadd.f32 v25, v20;
	v23 =	vadd.s32 v2, v23  }
0x2b8: {  	v19 =	vadd.f32 v21, v19  }
0x2b9: {  	v21 =	vperm.xlane v26, v3;
	v20 =	vadd.f32 v22, v20  }
0x2ba: {  	[tilespmem:s23+$0x12810] =	vst v19  }
0x2bb: {  	s30 =	simm.s32 $0x0;
	s28 =	simm.s32 $0x6800;
	v19 =	vadd.s32 v2, v21;
	[tilespmem:s23+$0x13C10] =	vst v20  }
0x2bc: {  	[tilespmem:s28], [sflag:$0x2] =	stream.indirect_vreg.gather [hbm4b:s3+s30], $0x80, v23, vm0, $0xb8;
	[tilespmem:$0x15200] =	vst v63  }
0x2bd: {  	s28 =	simm.s32 $0x7000  }
0x2be: {  	[tilespmem:s28], [sflag:$0x2] =	stream.indirect_vreg.gather [hbm4b:s6+s30], $0x80, v23, vm0, $0xb8;
	[tilespmem:$0x15200] =	vst v63  }
0x2bf: {  	s28 =	simm.s32 $0x7800  }
0x2c0: {  	[tilespmem:s28], [sflag:$0x2] =	stream.indirect_vreg.gather [hbm4b:s3+s30], $0x80, v19, vm0, $0xb8;
	[tilespmem:$0x15200] =	vst v63  }
0x2c1: {  	s28 =	simm.s32 $0x8000  }
0x2c2: {  	[tilespmem:s28], [sflag:$0x2] =	stream.indirect_vreg.gather [hbm4b:s6+s30], $0x80, v19, vm0, $0xb8;
	[tilespmem:$0x15200] =	vst v63  }
0x2c3: {  	v19 =	vld [tilespmem:s23+$0x1450];
	_ =	sdelay $0x4  }
0x2c4: {  	v20 =	vshll.u32 v19, $0x2  }
0x2c5: {  	v19 =	vand.u32 $0x7, v19;
	v20 =	vand.u32 $0xFFFFFFE0, v20  }
0x2c6: {  	v19 =	vor.u32 v19, v20  }
0x2c7: {  	v20 =	vperm.xlane v19, v0;
	_ =	sdelay $0x1  }
0x2c8: {  	v20 =	vadd.s32 v2, v20;
	_ =	sdelay $0x1  }
0x2c9: {  	v19 =	vperm.xlane v19, v3;
	_ =	sdelay $0x1  }
0x2ca: {  	s28 =	simm.s32 $0x8800;
	v19 =	vadd.s32 v2, v19  }
0x2cb: {  	[tilespmem:s28], [sflag:$0x2] =	stream.indirect_vreg.gather [hbm4b:s3+s30], $0x80, v20, vm0, $0xb8;
	[tilespmem:$0x15200] =	vst v63  }
0x2cc: {  	s28 =	simm.s32 $0x9000  }
0x2cd: {  	[tilespmem:s28], [sflag:$0x2] =	stream.indirect_vreg.gather [hbm4b:s6+s30], $0x80, v20, vm0, $0xb8;
	[tilespmem:$0x15200] =	vst v63  }
0x2ce: {  	s28 =	simm.s32 $0x9800  }
0x2cf: {  	[tilespmem:s28], [sflag:$0x2] =	stream.indirect_vreg.gather [hbm4b:s3+s30], $0x80, v19, vm0, $0xb8;
	[tilespmem:$0x15200] =	vst v63  }
0x2d0: {  	s28 =	simm.s32 $0xA000  }
0x2d1: {  	[tilespmem:s28], [sflag:$0x2] =	stream.indirect_vreg.gather [hbm4b:s6+s30], $0x80, v19, vm0, $0xb8;
	[tilespmem:$0x15200] =	vst v63  }
0x2d2: {  	_ =	swait.ge [sflag:s18], $0x2000  }
0x2d3: {  	[sflag:s18] =	ssyncset.done $0x0  }
0x2d4: {  	[sflag:s18] =	ssyncadd.s32 $0xFFFFE000  }
0x2d5: {  	_ =	swait.ge [sflag:s18], $0x2000  }
0x2d6: {  	s26 =	sand.u32 $0x380, s30;
	s28 =	sand.u32 $0x1000, s30;
	[sflag:s18] =	ssyncset.done $0x0  }
0x2d7: {  	s26 =	sor.u32 s26, s28;
	[sflag:s18] =	ssyncadd.s32 $0xFFFFE000  }
0x2d8: {  	v19 =	vld [tilespmem:s26+$0xD470]  }
0x2d9: {  	v20 =	vld [tilespmem:s26+$0xAC70]  }
0x2da: {  	v21 =	vld [tilespmem:s26+$0xD460]  }
0x2db: {  	v22 =	vld [tilespmem:s26+$0xAC60]  }
0x2dc: {  	v23 =	vld [tilespmem:s26+$0xD450]  }
0x2dd: {  	v24 =	vld [tilespmem:s26+$0xAC50]  }
0x2de: {  	v25 =	vld [tilespmem:s26+$0xD440]  }
0x2df: {  	v26 =	vld [tilespmem:s26+$0xAC40]  }
0x2e0: {  	v27 =	vld [tilespmem:s26+$0xD430]  }
0x2e1: {  	v28 =	vld [tilespmem:s26+$0xAC30]  }
0x2e2: {  	v29 =	vld [tilespmem:s26+$0xD420]  }
0x2e3: {  	v30 =	vld [tilespmem:s26+$0xAC20]  }
0x2e4: {  	v31 =	vld [tilespmem:s26+$0xD410]  }
0x2e5: {  	v32 =	vld [tilespmem:s26+$0xAC10]  }
0x2e6: {  	v33 =	vld [tilespmem:s26+$0xD400]  }
0x2e7: {  	v34 =	vld [tilespmem:s26+$0xAC00]  }
0x2e8: {  	v35 =	vld [tilespmem:s26+$0xD070]  }
0x2e9: {  	v36 =	vld [tilespmem:s26+$0xA870]  }
0x2ea: {  	v37 =	vld [tilespmem:s26+$0xD060]  }
0x2eb: {  	v38 =	vld [tilespmem:s26+$0xA860]  }
0x2ec: {  	v39 =	vld [tilespmem:s26+$0xD050]  }
0x2ed: {  	v40 =	vld [tilespmem:s26+$0xA850]  }
0x2ee: {  	v41 =	vld [tilespmem:s26+$0xD040]  }
0x2ef: {  	v42 =	vld [tilespmem:s26+$0xA840]  }
0x2f0: {  	v43 =	vld [tilespmem:s26+$0xD030]  }
0x2f1: {  	v44 =	vld [tilespmem:s26+$0xA830]  }
0x2f2: {  	v45 =	vld [tilespmem:s26+$0xD020]  }
0x2f3: {  	v46 =	vld [tilespmem:s26+$0xA820]  }
0x2f4: {  	v47 =	vld [tilespmem:s26+$0xD000]  }
0x2f5: {  	v48 =	vld [tilespmem:s26+$0xB000]  }
0x2f6: {  	v49 =	vld [tilespmem:s26+$0xD010]  }
0x2f7: {  	v50 =	vld [tilespmem:s26+$0xC800]  }
0x2f8: {  	v51 =	vld [tilespmem:s26+$0xA800]  }
0x2f9: {  	v62 =	vld [tilespmem:s26+$0xA810]  }
0x2fa: {  	v63 =	vld [tilespmem:s26+$0xC810]  }
0x2fb: {  	v54 =	vld [tilespmem:s26+$0xB010]  }
0x2fc: {  	v55 =	vld [tilespmem:s26+$0xC820]  }
0x2fd: {  	v60 =	vld [tilespmem:s26+$0xB020]  }
0x2fe: {  	v61 =	vld [tilespmem:s26+$0xC830]  }
0x2ff: {  	v50 =	vmul.f32 v50, v51;
	v62 =	vmul.f32 v63, v62;
	v63 =	vld [tilespmem:s26+$0xB030]  }
0x300: {  	v58 =	vld [tilespmem:s26+$0xC840];
	v47 =	vmul.f32 v47, v48;
	v54 =	vmul.f32 v49, v54  }
0x301: {  	v59 =	vld [tilespmem:s26+$0xB040];
	v46 =	vmul.f32 v55, v46;
	v50 =	vadd.f32 v62, v50  }
0x302: {  	v45 =	vmul.f32 v45, v60;
	v60 =	vld [tilespmem:s26+$0xC850];
	v47 =	vadd.f32 v54, v47  }
0x303: {  	v44 =	vmul.f32 v61, v44;
	v61 =	vld [tilespmem:s26+$0xB050];
	v46 =	vadd.f32 v46, v50  }
0x304: {  	v62 =	vld [tilespmem:s26+$0xC860];
	v45 =	vadd.f32 v45, v47;
	v43 =	vmul.f32 v43, v63  }
0x305: {  	v42 =	vmul.f32 v58, v42;
	v63 =	vld [tilespmem:s26+$0xB060];
	v44 =	vadd.f32 v44, v46  }
0x306: {  	v41 =	vmul.f32 v41, v59;
	v49 =	vld [tilespmem:s26+$0xC870];
	v43 =	vadd.f32 v43, v45  }
0x307: {  	v51 =	vld [tilespmem:s26+$0xB070];
	v40 =	vmul.f32 v60, v40;
	v42 =	vadd.f32 v42, v44  }
0x308: {  	v52 =	vld [tilespmem:s26+$0xCC00];
	v39 =	vmul.f32 v39, v61;
	v41 =	vadd.f32 v41, v43  }
0x309: {  	v53 =	vld [tilespmem:s26+$0xB400];
	v38 =	vmul.f32 v62, v38;
	v40 =	vadd.f32 v40, v42  }
0x30a: {  	v54 =	vld [tilespmem:s26+$0xCC10];
	v37 =	vmul.f32 v37, v63;
	v39 =	vadd.f32 v39, v41  }
0x30b: {  	v55 =	vld [tilespmem:s26+$0xB410];
	v36 =	vmul.f32 v49, v36;
	v38 =	vadd.f32 v38, v40  }
0x30c: {  	v56 =	vld [tilespmem:s26+$0xCC20];
	v35 =	vmul.f32 v35, v51;
	v37 =	vadd.f32 v37, v39  }
0x30d: {  	v57 =	vld [tilespmem:s26+$0xB420];
	v34 =	vmul.f32 v52, v34;
	v36 =	vadd.f32 v36, v38  }
0x30e: {  	v33 =	vmul.f32 v33, v53;
	v58 =	vld [tilespmem:s26+$0xCC30];
	v35 =	vadd.f32 v35, v37  }
0x30f: {  	v59 =	vld [tilespmem:s26+$0xB430];
	v32 =	vmul.f32 v54, v32;
	v34 =	vadd.f32 v34, v36  }
0x310: {  	v31 =	vmul.f32 v31, v55;
	v60 =	vld [tilespmem:s26+$0xCC40];
	v33 =	vadd.f32 v33, v35  }
0x311: {  	v30 =	vmul.f32 v56, v30;
	v61 =	vld [tilespmem:s26+$0xB440];
	v32 =	vadd.f32 v32, v34  }
0x312: {  	v29 =	vmul.f32 v29, v57;
	v62 =	vld [tilespmem:s26+$0xCC50];
	v31 =	vadd.f32 v31, v33  }
0x313: {  	v28 =	vmul.f32 v58, v28;
	v63 =	vld [tilespmem:s26+$0xB450];
	v30 =	vadd.f32 v30, v32  }
0x314: {  	v27 =	vmul.f32 v27, v59;
	v29 =	vadd.f32 v29, v31;
	v31 =	vld [tilespmem:s26+$0xCC60]  }
0x315: {  	v26 =	vmul.f32 v60, v26;
	v28 =	vadd.f32 v28, v30;
	v30 =	vld [tilespmem:s26+$0xB460]  }
0x316: {  	v25 =	vmul.f32 v25, v61;
	v27 =	vadd.f32 v27, v29;
	v29 =	vld [tilespmem:s26+$0xCC70]  }
0x317: {  	v24 =	vmul.f32 v62, v24;
	v26 =	vadd.f32 v26, v28;
	v28 =	vld [tilespmem:s26+$0xB470]  }
0x318: {  	v23 =	vmul.f32 v23, v63;
	v25 =	vadd.f32 v25, v27  }
0x319: {  	v24 =	vadd.f32 v24, v26;
	v22 =	vmul.f32 v31, v22  }
0x31a: {  	v23 =	vadd.f32 v23, v25;
	v21 =	vmul.f32 v21, v30  }
0x31b: {  	v22 =	vadd.f32 v22, v24;
	v20 =	vmul.f32 v29, v20  }
0x31c: {  	v21 =	vadd.f32 v21, v23;
	v19 =	vmul.f32 v19, v28  }
0x31d: {  	v20 =	vadd.f32 v20, v22  }
0x31e: {  	s30 =	simm.s32 $0x200;
	s28 =	simm.s32 $0x80;
	v19 =	vadd.f32 v19, v21  }
0x31f: {  	s29 =	sand.u32 $0x380, s28;
	s26 =	sand.u32 $0x1000, s30;
	[tilespmem:s24+$0x0] =	vst v20  }
0x320: {  	s26 =	sor.u32 s29, s26;
	[tilespmem:s25+$0x0] =	vst v19  }
0x321: {  	v19 =	vld [tilespmem:s26+$0xD470]  }
0x322: {  	v20 =	vld [tilespmem:s26+$0xAC70]  }
0x323: {  	v21 =	vld [tilespmem:s26+$0xD460]  }
0x324: {  	v22 =	vld [tilespmem:s26+$0xAC60]  }
0x325: {  	v23 =	vld [tilespmem:s26+$0xD450]  }
0x326: {  	v24 =	vld [tilespmem:s26+$0xAC50]  }
0x327: {  	v25 =	vld [tilespmem:s26+$0xD440]  }
0x328: {  	v26 =	vld [tilespmem:s26+$0xAC40]  }
0x329: {  	v27 =	vld [tilespmem:s26+$0xD430]  }
0x32a: {  	v28 =	vld [tilespmem:s26+$0xAC30]  }
0x32b: {  	v29 =	vld [tilespmem:s26+$0xD420]  }
0x32c: {  	v30 =	vld [tilespmem:s26+$0xAC20]  }
0x32d: {  	v31 =	vld [tilespmem:s26+$0xD410]  }
0x32e: {  	v32 =	vld [tilespmem:s26+$0xAC10]  }
0x32f: {  	v33 =	vld [tilespmem:s26+$0xD400]  }
0x330: {  	v34 =	vld [tilespmem:s26+$0xAC00]  }
0x331: {  	v35 =	vld [tilespmem:s26+$0xD070]  }
0x332: {  	v36 =	vld [tilespmem:s26+$0xA870]  }
0x333: {  	v37 =	vld [tilespmem:s26+$0xD060]  }
0x334: {  	v38 =	vld [tilespmem:s26+$0xA860]  }
0x335: {  	v39 =	vld [tilespmem:s26+$0xD050]  }
0x336: {  	v40 =	vld [tilespmem:s26+$0xA850]  }
0x337: {  	v41 =	vld [tilespmem:s26+$0xD040]  }
0x338: {  	v42 =	vld [tilespmem:s26+$0xA840]  }
0x339: {  	v43 =	vld [tilespmem:s26+$0xD030]  }
0x33a: {  	v44 =	vld [tilespmem:s26+$0xA830]  }
0x33b: {  	v45 =	vld [tilespmem:s26+$0xD020]  }
0x33c: {  	v46 =	vld [tilespmem:s26+$0xA820]  }
0x33d: {  	v47 =	vld [tilespmem:s26+$0xD000]  }
0x33e: {  	v48 =	vld [tilespmem:s26+$0xB000]  }
0x33f: {  	v49 =	vld [tilespmem:s26+$0xD010]  }
0x340: {  	v50 =	vld [tilespmem:s26+$0xC800]  }
0x341: {  	v51 =	vld [tilespmem:s26+$0xA800]  }
0x342: {  	s29 =	simm.s32 $0x400;
	v52 =	vld [tilespmem:s26+$0xA810]  }
.LBB2_7:
0x343: {  	p0 =	sne.s32 s29, $0x1E00;
	v53 =	vld [tilespmem:s26+$0xC810]  }
0x344: {  	v54 =	vld [tilespmem:s26+$0xB010]  }
0x345: {  	v55 =	vld [tilespmem:s26+$0xC820]  }
0x346: {  	v56 =	vld [tilespmem:s26+$0xB020]  }
0x347: {  	v57 =	vld [tilespmem:s26+$0xC830]  }
0x348: {  	v50 =	vmul.f32 v50, v51;
	v51 =	vmul.f32 v53, v52;
	v52 =	vld [tilespmem:s26+$0xB030]  }
0x349: {  	v47 =	vmul.f32 v47, v48;
	v48 =	vmul.f32 v49, v54;
	v49 =	vld [tilespmem:s26+$0xC840]  }
0x34a: {  	v50 =	vadd.f32 v51, v50;
	v46 =	vmul.f32 v55, v46;
	v51 =	vld [tilespmem:s26+$0xB040]  }
0x34b: {  	v47 =	vadd.f32 v48, v47;
	v45 =	vmul.f32 v45, v56;
	v48 =	vld [tilespmem:s26+$0xC850]  }
0x34c: {  	v46 =	vadd.f32 v46, v50;
	v44 =	vmul.f32 v57, v44;
	v50 =	vld [tilespmem:s26+$0xB050]  }
0x34d: {  	v45 =	vadd.f32 v45, v47;
	v43 =	vmul.f32 v43, v52;
	v47 =	vld [tilespmem:s26+$0xC860]  }
0x34e: {  	v44 =	vadd.f32 v44, v46;
	v42 =	vmul.f32 v49, v42;
	v46 =	vld [tilespmem:s26+$0xB060]  }
0x34f: {  	v43 =	vadd.f32 v43, v45;
	v41 =	vmul.f32 v41, v51;
	v45 =	vld [tilespmem:s26+$0xC870]  }
0x350: {  	v42 =	vadd.f32 v42, v44;
	v40 =	vmul.f32 v48, v40;
	v44 =	vld [tilespmem:s26+$0xB070]  }
0x351: {  	v41 =	vadd.f32 v41, v43;
	v39 =	vmul.f32 v39, v50;
	v43 =	vld [tilespmem:s26+$0xCC00]  }
0x352: {  	v40 =	vadd.f32 v40, v42;
	v38 =	vmul.f32 v47, v38;
	v42 =	vld [tilespmem:s26+$0xB400]  }
0x353: {  	v39 =	vadd.f32 v39, v41;
	v37 =	vmul.f32 v37, v46;
	v41 =	vld [tilespmem:s26+$0xCC10]  }
0x354: {  	v38 =	vadd.f32 v38, v40;
	v36 =	vmul.f32 v45, v36;
	v40 =	vld [tilespmem:s26+$0xB410]  }
0x355: {  	v37 =	vadd.f32 v37, v39;
	v35 =	vmul.f32 v35, v44;
	v39 =	vld [tilespmem:s26+$0xCC20]  }
0x356: {  	v36 =	vadd.f32 v36, v38;
	v34 =	vmul.f32 v43, v34;
	v38 =	vld [tilespmem:s26+$0xB420]  }
0x357: {  	v35 =	vadd.f32 v35, v37;
	v33 =	vmul.f32 v33, v42;
	v37 =	vld [tilespmem:s26+$0xCC30]  }
0x358: {  	v34 =	vadd.f32 v34, v36;
	v32 =	vmul.f32 v41, v32;
	v36 =	vld [tilespmem:s26+$0xB430]  }
0x359: {  	v33 =	vadd.f32 v33, v35;
	v31 =	vmul.f32 v31, v40;
	v35 =	vld [tilespmem:s26+$0xCC40]  }
0x35a: {  	v32 =	vadd.f32 v32, v34;
	v30 =	vmul.f32 v39, v30;
	v34 =	vld [tilespmem:s26+$0xB440]  }
0x35b: {  	v31 =	vadd.f32 v31, v33;
	v29 =	vmul.f32 v29, v38;
	v33 =	vld [tilespmem:s26+$0xCC50]  }
0x35c: {  	v30 =	vadd.f32 v30, v32;
	v28 =	vmul.f32 v37, v28;
	v32 =	vld [tilespmem:s26+$0xB450]  }
0x35d: {  	v29 =	vadd.f32 v29, v31;
	v27 =	vmul.f32 v27, v36;
	v31 =	vld [tilespmem:s26+$0xCC60]  }
0x35e: {  	v28 =	vadd.f32 v28, v30;
	v26 =	vmul.f32 v35, v26;
	v30 =	vld [tilespmem:s26+$0xB460]  }
0x35f: {  	v27 =	vadd.f32 v27, v29;
	v25 =	vmul.f32 v25, v34;
	v29 =	vld [tilespmem:s26+$0xCC70]  }
0x360: {  	v26 =	vadd.f32 v26, v28;
	v24 =	vmul.f32 v33, v24;
	v28 =	vld [tilespmem:s26+$0xB470]  }
0x361: {  	v25 =	vadd.f32 v25, v27;
	v23 =	vmul.f32 v23, v32  }
0x362: {  	v24 =	vadd.f32 v24, v26;
	v22 =	vmul.f32 v31, v22  }
0x363: {  	v23 =	vadd.f32 v23, v25;
	v21 =	vmul.f32 v21, v30  }
0x364: {  	v22 =	vadd.f32 v22, v24;
	v20 =	vmul.f32 v29, v20  }
0x365: {  	v21 =	vadd.f32 v21, v23;
	v19 =	vmul.f32 v19, v28  }
0x366: {  	v20 =	vadd.f32 v20, v22  }
0x367: {  	s28 =	sadd.s32 $0x80, s28;
	s24 =	sadd.s32 $0x10, s24;
	v19 =	vadd.f32 v19, v21  }
0x368: {  	s25 =	sadd.s32 $0x10, s25;
	s30 =	sand.u32 $0x380, s28;
	s26 =	sand.u32 $0x1000, s29;
	[tilespmem:s24+$0x0] =	vst v20  }
0x369: {  	s26 =	sor.u32 s30, s26;
	[tilespmem:s25+$0x0] =	vst v19  }
0x36a: {  	v19 =	vld [tilespmem:s26+$0xD470]  }
0x36b: {  	v20 =	vld [tilespmem:s26+$0xAC70]  }
0x36c: {  	v21 =	vld [tilespmem:s26+$0xD460]  }
0x36d: {  	v22 =	vld [tilespmem:s26+$0xAC60]  }
0x36e: {  	v23 =	vld [tilespmem:s26+$0xD450]  }
0x36f: {  	v24 =	vld [tilespmem:s26+$0xAC50]  }
0x370: {  	v25 =	vld [tilespmem:s26+$0xD440]  }
0x371: {  	v26 =	vld [tilespmem:s26+$0xAC40]  }
0x372: {  	v27 =	vld [tilespmem:s26+$0xD430]  }
0x373: {  	v28 =	vld [tilespmem:s26+$0xAC30]  }
0x374: {  	v29 =	vld [tilespmem:s26+$0xD420]  }
0x375: {  	v30 =	vld [tilespmem:s26+$0xAC20]  }
0x376: {  	v31 =	vld [tilespmem:s26+$0xD410]  }
0x377: {  	v32 =	vld [tilespmem:s26+$0xAC10]  }
0x378: {  	v33 =	vld [tilespmem:s26+$0xD400]  }
0x379: {  	v34 =	vld [tilespmem:s26+$0xAC00]  }
0x37a: {  	v35 =	vld [tilespmem:s26+$0xD070]  }
0x37b: {  	v36 =	vld [tilespmem:s26+$0xA870]  }
0x37c: {  	v37 =	vld [tilespmem:s26+$0xD060]  }
0x37d: {  	v38 =	vld [tilespmem:s26+$0xA860]  }
0x37e: {  	v39 =	vld [tilespmem:s26+$0xD050]  }
0x37f: {  	v40 =	vld [tilespmem:s26+$0xA850]  }
0x380: {  	v41 =	vld [tilespmem:s26+$0xD040]  }
0x381: {  	v42 =	vld [tilespmem:s26+$0xA840]  }
0x382: {  	v43 =	vld [tilespmem:s26+$0xD030]  }
0x383: {  	v44 =	vld [tilespmem:s26+$0xA830]  }
0x384: {  	v45 =	vld [tilespmem:s26+$0xD020]  }
0x385: {  	v46 =	vld [tilespmem:s26+$0xA820]  }
0x386: {  	v47 =	vld [tilespmem:s26+$0xD000]  }
.Ltmp2:
0x387: {  	v48 =	vld [tilespmem:s26+$0xB000];
	(pc) =	sbr.rel @p0 .LBB2_7-.Ltmp2, $4  }
0x388: {  	v49 =	vld [tilespmem:s26+$0xD010]  }
0x389: {  	v50 =	vld [tilespmem:s26+$0xC800]  }
0x38a: {  	v51 =	vld [tilespmem:s26+$0xA800]  }
0x38b: {  	s29 =	sadd.s32 $0x200, s29;
	v52 =	vld [tilespmem:s26+$0xA810]  }
0x38c: {  	v53 =	vld [tilespmem:s26+$0xC810]  }
0x38d: {  	v54 =	vld [tilespmem:s26+$0xB010]  }
0x38e: {  	v55 =	vld [tilespmem:s26+$0xC820]  }
0x38f: {  	v56 =	vld [tilespmem:s26+$0xB020]  }
0x390: {  	v57 =	vld [tilespmem:s26+$0xC830]  }
0x391: {  	v62 =	vld [tilespmem:s26+$0xB030];
	v50 =	vmul.f32 v50, v51;
	v61 =	vmul.f32 v53, v52  }
0x392: {  	v47 =	vmul.f32 v47, v48;
	v63 =	vmul.f32 v49, v54;
	v54 =	vld [tilespmem:s26+$0xC840]  }
0x393: {  	v58 =	vld [tilespmem:s26+$0xB040];
	v46 =	vmul.f32 v55, v46;
	v50 =	vadd.f32 v61, v50  }
0x394: {  	v59 =	vld [tilespmem:s26+$0xC850];
	v45 =	vmul.f32 v45, v56;
	v47 =	vadd.f32 v63, v47  }
0x395: {  	v60 =	vld [tilespmem:s26+$0xB050];
	v44 =	vmul.f32 v57, v44;
	v46 =	vadd.f32 v46, v50  }
0x396: {  	v43 =	vmul.f32 v43, v62;
	v61 =	vld [tilespmem:s26+$0xC860];
	v45 =	vadd.f32 v45, v47  }
0x397: {  	v62 =	vld [tilespmem:s26+$0xB060];
	v42 =	vmul.f32 v54, v42;
	v44 =	vadd.f32 v44, v46  }
0x398: {  	v41 =	vmul.f32 v41, v58;
	v63 =	vld [tilespmem:s26+$0xC870];
	v43 =	vadd.f32 v43, v45  }
0x399: {  	v40 =	vmul.f32 v59, v40;
	v49 =	vld [tilespmem:s26+$0xB070];
	v42 =	vadd.f32 v42, v44  }
0x39a: {  	v39 =	vmul.f32 v39, v60;
	v50 =	vld [tilespmem:s26+$0xCC00];
	v41 =	vadd.f32 v41, v43  }
0x39b: {  	v51 =	vld [tilespmem:s26+$0xB400];
	v38 =	vmul.f32 v61, v38;
	v40 =	vadd.f32 v40, v42  }
0x39c: {  	v52 =	vld [tilespmem:s26+$0xCC10];
	v37 =	vmul.f32 v37, v62;
	v39 =	vadd.f32 v39, v41  }
0x39d: {  	v53 =	vld [tilespmem:s26+$0xB410];
	v36 =	vmul.f32 v63, v36;
	v38 =	vadd.f32 v38, v40  }
0x39e: {  	v35 =	vmul.f32 v35, v49;
	v54 =	vld [tilespmem:s26+$0xCC20];
	v37 =	vadd.f32 v37, v39  }
0x39f: {  	v55 =	vld [tilespmem:s26+$0xB420];
	v34 =	vmul.f32 v50, v34;
	v36 =	vadd.f32 v36, v38  }
0x3a0: {  	v56 =	vld [tilespmem:s26+$0xCC30];
	v33 =	vmul.f32 v33, v51;
	v35 =	vadd.f32 v35, v37  }
0x3a1: {  	v57 =	vld [tilespmem:s26+$0xB430];
	v32 =	vmul.f32 v52, v32;
	v34 =	vadd.f32 v34, v36  }
0x3a2: {  	v58 =	vld [tilespmem:s26+$0xCC40];
	v31 =	vmul.f32 v31, v53;
	v33 =	vadd.f32 v33, v35  }
0x3a3: {  	v59 =	vld [tilespmem:s26+$0xB440];
	v30 =	vmul.f32 v54, v30;
	v32 =	vadd.f32 v32, v34  }
0x3a4: {  	v60 =	vld [tilespmem:s26+$0xCC50];
	v29 =	vmul.f32 v29, v55;
	v31 =	vadd.f32 v31, v33  }
0x3a5: {  	v28 =	vmul.f32 v56, v28;
	v61 =	vld [tilespmem:s26+$0xB450];
	v30 =	vadd.f32 v30, v32  }
0x3a6: {  	v27 =	vmul.f32 v27, v57;
	v29 =	vadd.f32 v29, v31;
	v31 =	vld [tilespmem:s26+$0xCC60]  }
0x3a7: {  	v26 =	vmul.f32 v58, v26;
	v28 =	vadd.f32 v28, v30;
	v30 =	vld [tilespmem:s26+$0xB460]  }
0x3a8: {  	v25 =	vmul.f32 v25, v59;
	v27 =	vadd.f32 v27, v29;
	v29 =	vld [tilespmem:s26+$0xCC70]  }
0x3a9: {  	v24 =	vmul.f32 v60, v24;
	v26 =	vadd.f32 v26, v28;
	v28 =	vld [tilespmem:s26+$0xB470]  }
0x3aa: {  	v23 =	vmul.f32 v23, v61;
	v25 =	vadd.f32 v25, v27  }
0x3ab: {  	v22 =	vmul.f32 v31, v22;
	v24 =	vadd.f32 v24, v26  }
0x3ac: {  	v23 =	vadd.f32 v23, v25;
	v21 =	vmul.f32 v21, v30  }
0x3ad: {  	v20 =	vmul.f32 v29, v20;
	v22 =	vadd.f32 v22, v24  }
0x3ae: {  	v21 =	vadd.f32 v21, v23;
	v19 =	vmul.f32 v19, v28  }
0x3af: {  	v20 =	vadd.f32 v20, v22  }
0x3b0: {  	s24 =	sadd.s32 $0x10, s24;
	v19 =	vadd.f32 v19, v21  }
0x3b1: {  	s26 =	sadd.s32 $0x10, s25;
	[tilespmem:s24+$0x0] =	vst v20  }
0x3b2: {  	s24 =	simm.s32 $0x15000;
	[tilespmem:s26+$0x0] =	vst v19  }
0x3b3: {  	s25 =	simm.s32 $0x15100;
	v19 =	vld.idx.msk [tilespmem:v1+s24+$0x0], $0xffff  }
0x3b4: {  	v20 =	vld.idx.msk [tilespmem:v1+s25+$0x0], $0xffff  }
0x3b5: {  	v21 =	vld.idx.msk [tilespmem:v4+s24+$0x0], $0xffff  }
0x3b6: {  	v22 =	vld.idx.msk [tilespmem:v4+s25+$0x0], $0xffff  }
0x3b7: {  	v23 =	vld.idx.msk [tilespmem:v5+s24+$0x0], $0xffff  }
0x3b8: {  	v24 =	vld.idx.msk [tilespmem:v5+s25+$0x0], $0xffff  }
0x3b9: {  	v25 =	vld.idx.msk [tilespmem:v6+s24+$0x0], $0xffff  }
0x3ba: {  	v26 =	vld.idx.msk [tilespmem:v6+s25+$0x0], $0xffff  }
0x3bb: {  	v19 =	vadd.f32 v21, v19;
	v21 =	vld.idx.msk [tilespmem:v7+s24+$0x0], $0xffff  }
0x3bc: {  	v20 =	vadd.f32 v22, v20;
	v22 =	vld.idx.msk [tilespmem:v7+s25+$0x0], $0xffff  }
0x3bd: {  	v19 =	vadd.f32 v23, v19;
	v23 =	vld.idx.msk [tilespmem:v8+s24+$0x0], $0xffff  }
0x3be: {  	v20 =	vadd.f32 v24, v20;
	v24 =	vld.idx.msk [tilespmem:v8+s25+$0x0], $0xffff  }
0x3bf: {  	v19 =	vadd.f32 v25, v19;
	v25 =	vld.idx.msk [tilespmem:v9+s24+$0x0], $0xffff  }
0x3c0: {  	v20 =	vadd.f32 v26, v20;
	v26 =	vld.idx.msk [tilespmem:v9+s25+$0x0], $0xffff  }
0x3c1: {  	v19 =	vadd.f32 v21, v19;
	v21 =	vld.idx.msk [tilespmem:v10+s24+$0x0], $0xffff  }
0x3c2: {  	v20 =	vadd.f32 v22, v20;
	v22 =	vld.idx.msk [tilespmem:v10+s25+$0x0], $0xffff  }
0x3c3: {  	v19 =	vadd.f32 v23, v19;
	v23 =	vld.idx.msk [tilespmem:v11+s24+$0x0], $0xffff  }
0x3c4: {  	v20 =	vadd.f32 v24, v20;
	v24 =	vld.idx.msk [tilespmem:v11+s25+$0x0], $0xffff  }
0x3c5: {  	v19 =	vadd.f32 v25, v19;
	v25 =	vld.idx.msk [tilespmem:v12+s24+$0x0], $0xffff  }
0x3c6: {  	v20 =	vadd.f32 v26, v20;
	v26 =	vld.idx.msk [tilespmem:v12+s25+$0x0], $0xffff  }
0x3c7: {  	v19 =	vadd.f32 v21, v19;
	v21 =	vld.idx.msk [tilespmem:v13+s24+$0x0], $0xffff  }
0x3c8: {  	v20 =	vadd.f32 v22, v20;
	v22 =	vld.idx.msk [tilespmem:v13+s25+$0x0], $0xffff  }
0x3c9: {  	v19 =	vadd.f32 v23, v19;
	v23 =	vld.idx.msk [tilespmem:v14+s24+$0x0], $0xffff  }
0x3ca: {  	v20 =	vadd.f32 v24, v20;
	v24 =	vld.idx.msk [tilespmem:v14+s25+$0x0], $0xffff  }
0x3cb: {  	v19 =	vadd.f32 v25, v19;
	v25 =	vld.idx.msk [tilespmem:v15+s24+$0x0], $0xffff  }
0x3cc: {  	v20 =	vadd.f32 v26, v20;
	v26 =	vld [tilespmem:s23+$0x60]  }
0x3cd: {  	v19 =	vadd.f32 v21, v19;
	v21 =	vld.idx.msk [tilespmem:v15+s25+$0x0], $0xffff  }
0x3ce: {  	v20 =	vadd.f32 v22, v20;
	v22 =	vld.idx.msk [tilespmem:v16+s24+$0x0], $0xffff  }
0x3cf: {  	v19 =	vadd.f32 v23, v19;
	v23 =	vld.idx.msk [tilespmem:v16+s25+$0x0], $0xffff  }
0x3d0: {  	v20 =	vadd.f32 v24, v20;
	v24 =	vld.idx.msk [tilespmem:v17+s24+$0x0], $0xffff  }
0x3d1: {  	v27 =	vshll.u32 v26, $0x2;
	v19 =	vadd.f32 v25, v19;
	v25 =	vld.idx.msk [tilespmem:v17+s25+$0x0], $0xffff  }
0x3d2: {  	v26 =	vand.u32 $0x7, v26;
	v27 =	vand.u32 $0xFFFFFFE0, v27;
	v20 =	vadd.f32 v21, v20;
	v21 =	vld.idx.msk [tilespmem:v18+s24+$0x0], $0xffff  }
0x3d3: {  	v26 =	vor.u32 v26, v27;
	v19 =	vadd.f32 v22, v19;
	v22 =	vld.idx.msk [tilespmem:v18+s25+$0x0], $0xffff  }
0x3d4: {  	v20 =	vadd.f32 v23, v20;
	v23 =	vperm.xlane v26, v0  }
0x3d5: {  	v19 =	vadd.f32 v24, v19  }
0x3d6: {  	v20 =	vadd.f32 v25, v20;
	v23 =	vadd.s32 v2, v23  }
0x3d7: {  	v19 =	vadd.f32 v21, v19  }
0x3d8: {  	v21 =	vperm.xlane v26, v3;
	v20 =	vadd.f32 v22, v20  }
0x3d9: {  	[tilespmem:s23+$0x12820] =	vst v19  }
0x3da: {  	s30 =	simm.s32 $0x0;
	s28 =	simm.s32 $0xA800;
	v19 =	vadd.s32 v2, v21;
	[tilespmem:s23+$0x13C20] =	vst v20  }
0x3db: {  	[tilespmem:s28], [sflag:$0x3] =	stream.indirect_vreg.gather [hbm4b:s3+s30], $0x80, v23, vm0, $0xb8;
	[tilespmem:$0x15200] =	vst v63  }
0x3dc: {  	s28 =	simm.s32 $0xB000  }
0x3dd: {  	[tilespmem:s28], [sflag:$0x3] =	stream.indirect_vreg.gather [hbm4b:s6+s30], $0x80, v23, vm0, $0xb8;
	[tilespmem:$0x15200] =	vst v63  }
0x3de: {  	_ = 	snop  }
0x3df: {  	[tilespmem:s31], [sflag:$0x3] =	stream.indirect_vreg.gather [hbm4b:s3+s30], $0x80, v19, vm0, $0xb8;
	[tilespmem:$0x15200] =	vst v63  }
0x3e0: {  	_ = 	snop  }
0x3e1: {  	[tilespmem:s1], [sflag:$0x3] =	stream.indirect_vreg.gather [hbm4b:s6+s30], $0x80, v19, vm0, $0xb8;
	[tilespmem:$0x15200] =	vst v63  }
0x3e2: {  	v19 =	vld [tilespmem:s23+$0x1460];
	_ =	sdelay $0x4  }
0x3e3: {  	v20 =	vshll.u32 v19, $0x2  }
0x3e4: {  	v19 =	vand.u32 $0x7, v19;
	v20 =	vand.u32 $0xFFFFFFE0, v20  }
0x3e5: {  	v19 =	vor.u32 v19, v20  }
0x3e6: {  	v20 =	vperm.xlane v19, v0;
	_ =	sdelay $0x1  }
0x3e7: {  	v20 =	vadd.s32 v2, v20;
	_ =	sdelay $0x1  }
0x3e8: {  	v19 =	vperm.xlane v19, v3;
	_ =	sdelay $0x1  }
0x3e9: {  	v19 =	vadd.s32 v2, v19  }
0x3ea: {  	[tilespmem:s0], [sflag:$0x3] =	stream.indirect_vreg.gather [hbm4b:s3+s30], $0x80, v20, vm0, $0xb8;
	[tilespmem:$0x15200] =	vst v63  }
0x3eb: {  	_ = 	snop  }
0x3ec: {  	[tilespmem:s11], [sflag:$0x3] =	stream.indirect_vreg.gather [hbm4b:s6+s30], $0x80, v20, vm0, $0xb8;
	[tilespmem:$0x15200] =	vst v63  }
0x3ed: {  	_ = 	snop  }
0x3ee: {  	[tilespmem:s4], [sflag:$0x3] =	stream.indirect_vreg.gather [hbm4b:s3+s30], $0x80, v19, vm0, $0xb8;
	[tilespmem:$0x15200] =	vst v63  }
0x3ef: {  	_ = 	snop  }
0x3f0: {  	[tilespmem:s5], [sflag:$0x3] =	stream.indirect_vreg.gather [hbm4b:s6+s30], $0x80, v19, vm0, $0xb8;
	[tilespmem:$0x15200] =	vst v63  }
0x3f1: {  	_ =	swait.ge [sflag:s19], $0x2000  }
0x3f2: {  	[sflag:s19] =	ssyncset.done $0x0  }
0x3f3: {  	[sflag:s19] =	ssyncadd.s32 $0xFFFFE000  }
0x3f4: {  	_ =	swait.ge [sflag:s19], $0x2000  }
0x3f5: {  	s26 =	sand.u32 $0x380, s30;
	s28 =	sand.u32 $0x1000, s30;
	[sflag:s19] =	ssyncset.done $0x0  }
0x3f6: {  	s26 =	sor.u32 s26, s28;
	[sflag:s19] =	ssyncadd.s32 $0xFFFFE000  }
0x3f7: {  	v19 =	vld [tilespmem:s26+$0x11470]  }
0x3f8: {  	v20 =	vld [tilespmem:s26+$0xEC70]  }
0x3f9: {  	v21 =	vld [tilespmem:s26+$0x11460]  }
0x3fa: {  	v22 =	vld [tilespmem:s26+$0xEC60]  }
0x3fb: {  	v23 =	vld [tilespmem:s26+$0x11450]  }
0x3fc: {  	v24 =	vld [tilespmem:s26+$0xEC50]  }
0x3fd: {  	v25 =	vld [tilespmem:s26+$0x11440]  }
0x3fe: {  	v26 =	vld [tilespmem:s26+$0xEC40]  }
0x3ff: {  	v27 =	vld [tilespmem:s26+$0x11430]  }
0x400: {  	v28 =	vld [tilespmem:s26+$0xEC30]  }
0x401: {  	v29 =	vld [tilespmem:s26+$0x11420]  }
0x402: {  	v30 =	vld [tilespmem:s26+$0xEC20]  }
0x403: {  	v31 =	vld [tilespmem:s26+$0x11410]  }
0x404: {  	v32 =	vld [tilespmem:s26+$0xEC10]  }
0x405: {  	v33 =	vld [tilespmem:s26+$0x11400]  }
0x406: {  	v34 =	vld [tilespmem:s26+$0xEC00]  }
0x407: {  	v35 =	vld [tilespmem:s26+$0x11070]  }
0x408: {  	v36 =	vld [tilespmem:s26+$0xE870]  }
0x409: {  	v37 =	vld [tilespmem:s26+$0x11060]  }
0x40a: {  	v38 =	vld [tilespmem:s26+$0xE860]  }
0x40b: {  	v39 =	vld [tilespmem:s26+$0x11050]  }
0x40c: {  	v40 =	vld [tilespmem:s26+$0xE850]  }
0x40d: {  	v41 =	vld [tilespmem:s26+$0x11040]  }
0x40e: {  	v42 =	vld [tilespmem:s26+$0xE840]  }
0x40f: {  	v43 =	vld [tilespmem:s26+$0x11030]  }
0x410: {  	v44 =	vld [tilespmem:s26+$0xE830]  }
0x411: {  	v45 =	vld [tilespmem:s26+$0x11020]  }
0x412: {  	v46 =	vld [tilespmem:s26+$0xE820]  }
0x413: {  	v47 =	vld [tilespmem:s26+$0x11000]  }
0x414: {  	v48 =	vld [tilespmem:s26+$0xF000]  }
0x415: {  	v49 =	vld [tilespmem:s26+$0x11010]  }
0x416: {  	v50 =	vld [tilespmem:s26+$0x10800]  }
0x417: {  	v51 =	vld [tilespmem:s26+$0xE800]  }
0x418: {  	v62 =	vld [tilespmem:s26+$0xE810]  }
0x419: {  	v63 =	vld [tilespmem:s26+$0x10810]  }
0x41a: {  	v54 =	vld [tilespmem:s26+$0xF010]  }
0x41b: {  	v55 =	vld [tilespmem:s26+$0x10820]  }
0x41c: {  	v60 =	vld [tilespmem:s26+$0xF020]  }
0x41d: {  	v61 =	vld [tilespmem:s26+$0x10830]  }
0x41e: {  	v50 =	vmul.f32 v50, v51;
	v62 =	vmul.f32 v63, v62;
	v63 =	vld [tilespmem:s26+$0xF030]  }
0x41f: {  	v58 =	vld [tilespmem:s26+$0x10840];
	v47 =	vmul.f32 v47, v48;
	v54 =	vmul.f32 v49, v54  }
0x420: {  	v59 =	vld [tilespmem:s26+$0xF040];
	v46 =	vmul.f32 v55, v46;
	v50 =	vadd.f32 v62, v50  }
0x421: {  	v45 =	vmul.f32 v45, v60;
	v60 =	vld [tilespmem:s26+$0x10850];
	v47 =	vadd.f32 v54, v47  }
0x422: {  	v44 =	vmul.f32 v61, v44;
	v61 =	vld [tilespmem:s26+$0xF050];
	v46 =	vadd.f32 v46, v50  }
0x423: {  	v62 =	vld [tilespmem:s26+$0x10860];
	v45 =	vadd.f32 v45, v47;
	v43 =	vmul.f32 v43, v63  }
0x424: {  	v42 =	vmul.f32 v58, v42;
	v63 =	vld [tilespmem:s26+$0xF060];
	v44 =	vadd.f32 v44, v46  }
0x425: {  	v41 =	vmul.f32 v41, v59;
	v49 =	vld [tilespmem:s26+$0x10870];
	v43 =	vadd.f32 v43, v45  }
0x426: {  	v51 =	vld [tilespmem:s26+$0xF070];
	v40 =	vmul.f32 v60, v40;
	v42 =	vadd.f32 v42, v44  }
0x427: {  	v52 =	vld [tilespmem:s26+$0x10C00];
	v39 =	vmul.f32 v39, v61;
	v41 =	vadd.f32 v41, v43  }
0x428: {  	v53 =	vld [tilespmem:s26+$0xF400];
	v38 =	vmul.f32 v62, v38;
	v40 =	vadd.f32 v40, v42  }
0x429: {  	v54 =	vld [tilespmem:s26+$0x10C10];
	v37 =	vmul.f32 v37, v63;
	v39 =	vadd.f32 v39, v41  }
0x42a: {  	v55 =	vld [tilespmem:s26+$0xF410];
	v36 =	vmul.f32 v49, v36;
	v38 =	vadd.f32 v38, v40  }
0x42b: {  	v56 =	vld [tilespmem:s26+$0x10C20];
	v35 =	vmul.f32 v35, v51;
	v37 =	vadd.f32 v37, v39  }
0x42c: {  	v57 =	vld [tilespmem:s26+$0xF420];
	v34 =	vmul.f32 v52, v34;
	v36 =	vadd.f32 v36, v38  }
0x42d: {  	v33 =	vmul.f32 v33, v53;
	v58 =	vld [tilespmem:s26+$0x10C30];
	v35 =	vadd.f32 v35, v37  }
0x42e: {  	v59 =	vld [tilespmem:s26+$0xF430];
	v32 =	vmul.f32 v54, v32;
	v34 =	vadd.f32 v34, v36  }
0x42f: {  	v31 =	vmul.f32 v31, v55;
	v60 =	vld [tilespmem:s26+$0x10C40];
	v33 =	vadd.f32 v33, v35  }
0x430: {  	v30 =	vmul.f32 v56, v30;
	v61 =	vld [tilespmem:s26+$0xF440];
	v32 =	vadd.f32 v32, v34  }
0x431: {  	v29 =	vmul.f32 v29, v57;
	v62 =	vld [tilespmem:s26+$0x10C50];
	v31 =	vadd.f32 v31, v33  }
0x432: {  	v28 =	vmul.f32 v58, v28;
	v63 =	vld [tilespmem:s26+$0xF450];
	v30 =	vadd.f32 v30, v32  }
0x433: {  	v27 =	vmul.f32 v27, v59;
	v29 =	vadd.f32 v29, v31;
	v31 =	vld [tilespmem:s26+$0x10C60]  }
0x434: {  	v26 =	vmul.f32 v60, v26;
	v28 =	vadd.f32 v28, v30;
	v30 =	vld [tilespmem:s26+$0xF460]  }
0x435: {  	v25 =	vmul.f32 v25, v61;
	v27 =	vadd.f32 v27, v29;
	v29 =	vld [tilespmem:s26+$0x10C70]  }
0x436: {  	v24 =	vmul.f32 v62, v24;
	v26 =	vadd.f32 v26, v28;
	v28 =	vld [tilespmem:s26+$0xF470]  }
0x437: {  	v23 =	vmul.f32 v23, v63;
	v25 =	vadd.f32 v25, v27  }
0x438: {  	v24 =	vadd.f32 v24, v26;
	v22 =	vmul.f32 v31, v22  }
0x439: {  	v23 =	vadd.f32 v23, v25;
	v21 =	vmul.f32 v21, v30  }
0x43a: {  	v22 =	vadd.f32 v22, v24;
	v20 =	vmul.f32 v29, v20  }
0x43b: {  	v21 =	vadd.f32 v21, v23;
	v19 =	vmul.f32 v19, v28  }
0x43c: {  	v20 =	vadd.f32 v20, v22  }
0x43d: {  	s28 =	simm.s32 $0x80;
	s30 =	simm.s32 $0x200;
	v19 =	vadd.f32 v19, v21  }
0x43e: {  	s29 =	sand.u32 $0x380, s28;
	s26 =	sand.u32 $0x1000, s30;
	[tilespmem:s24+$0x0] =	vst v20  }
0x43f: {  	s26 =	sor.u32 s29, s26;
	[tilespmem:s25+$0x0] =	vst v19  }
0x440: {  	v19 =	vld [tilespmem:s26+$0x11470]  }
0x441: {  	v20 =	vld [tilespmem:s26+$0xEC70]  }
0x442: {  	v21 =	vld [tilespmem:s26+$0x11460]  }
0x443: {  	v22 =	vld [tilespmem:s26+$0xEC60]  }
0x444: {  	v23 =	vld [tilespmem:s26+$0x11450]  }
0x445: {  	v24 =	vld [tilespmem:s26+$0xEC50]  }
0x446: {  	v25 =	vld [tilespmem:s26+$0x11440]  }
0x447: {  	v26 =	vld [tilespmem:s26+$0xEC40]  }
0x448: {  	v27 =	vld [tilespmem:s26+$0x11430]  }
0x449: {  	v28 =	vld [tilespmem:s26+$0xEC30]  }
0x44a: {  	v29 =	vld [tilespmem:s26+$0x11420]  }
0x44b: {  	v30 =	vld [tilespmem:s26+$0xEC20]  }
0x44c: {  	v31 =	vld [tilespmem:s26+$0x11410]  }
0x44d: {  	v32 =	vld [tilespmem:s26+$0xEC10]  }
0x44e: {  	v33 =	vld [tilespmem:s26+$0x11400]  }
0x44f: {  	v34 =	vld [tilespmem:s26+$0xEC00]  }
0x450: {  	v35 =	vld [tilespmem:s26+$0x11070]  }
0x451: {  	v36 =	vld [tilespmem:s26+$0xE870]  }
0x452: {  	v37 =	vld [tilespmem:s26+$0x11060]  }
0x453: {  	v38 =	vld [tilespmem:s26+$0xE860]  }
0x454: {  	v39 =	vld [tilespmem:s26+$0x11050]  }
0x455: {  	v40 =	vld [tilespmem:s26+$0xE850]  }
0x456: {  	v41 =	vld [tilespmem:s26+$0x11040]  }
0x457: {  	v42 =	vld [tilespmem:s26+$0xE840]  }
0x458: {  	v43 =	vld [tilespmem:s26+$0x11030]  }
0x459: {  	v44 =	vld [tilespmem:s26+$0xE830]  }
0x45a: {  	v45 =	vld [tilespmem:s26+$0x11020]  }
0x45b: {  	v46 =	vld [tilespmem:s26+$0xE820]  }
0x45c: {  	v47 =	vld [tilespmem:s26+$0x11000]  }
0x45d: {  	v48 =	vld [tilespmem:s26+$0xF000]  }
0x45e: {  	v49 =	vld [tilespmem:s26+$0x11010]  }
0x45f: {  	v50 =	vld [tilespmem:s26+$0x10800]  }
0x460: {  	v51 =	vld [tilespmem:s26+$0xE800]  }
0x461: {  	s29 =	simm.s32 $0x400;
	v52 =	vld [tilespmem:s26+$0xE810]  }
.LBB2_9:
0x462: {  	p0 =	sne.s32 s29, $0x1E00;
	v53 =	vld [tilespmem:s26+$0x10810]  }
0x463: {  	v54 =	vld [tilespmem:s26+$0xF010]  }
0x464: {  	v55 =	vld [tilespmem:s26+$0x10820]  }
0x465: {  	v56 =	vld [tilespmem:s26+$0xF020]  }
0x466: {  	v57 =	vld [tilespmem:s26+$0x10830]  }
0x467: {  	v50 =	vmul.f32 v50, v51;
	v51 =	vmul.f32 v53, v52;
	v52 =	vld [tilespmem:s26+$0xF030]  }
0x468: {  	v47 =	vmul.f32 v47, v48;
	v48 =	vmul.f32 v49, v54;
	v49 =	vld [tilespmem:s26+$0x10840]  }
0x469: {  	v50 =	vadd.f32 v51, v50;
	v46 =	vmul.f32 v55, v46;
	v51 =	vld [tilespmem:s26+$0xF040]  }
0x46a: {  	v47 =	vadd.f32 v48, v47;
	v45 =	vmul.f32 v45, v56;
	v48 =	vld [tilespmem:s26+$0x10850]  }
0x46b: {  	v46 =	vadd.f32 v46, v50;
	v44 =	vmul.f32 v57, v44;
	v50 =	vld [tilespmem:s26+$0xF050]  }
0x46c: {  	v45 =	vadd.f32 v45, v47;
	v43 =	vmul.f32 v43, v52;
	v47 =	vld [tilespmem:s26+$0x10860]  }
0x46d: {  	v44 =	vadd.f32 v44, v46;
	v42 =	vmul.f32 v49, v42;
	v46 =	vld [tilespmem:s26+$0xF060]  }
0x46e: {  	v43 =	vadd.f32 v43, v45;
	v41 =	vmul.f32 v41, v51;
	v45 =	vld [tilespmem:s26+$0x10870]  }
0x46f: {  	v42 =	vadd.f32 v42, v44;
	v40 =	vmul.f32 v48, v40;
	v44 =	vld [tilespmem:s26+$0xF070]  }
0x470: {  	v41 =	vadd.f32 v41, v43;
	v39 =	vmul.f32 v39, v50;
	v43 =	vld [tilespmem:s26+$0x10C00]  }
0x471: {  	v40 =	vadd.f32 v40, v42;
	v38 =	vmul.f32 v47, v38;
	v42 =	vld [tilespmem:s26+$0xF400]  }
0x472: {  	v39 =	vadd.f32 v39, v41;
	v37 =	vmul.f32 v37, v46;
	v41 =	vld [tilespmem:s26+$0x10C10]  }
0x473: {  	v38 =	vadd.f32 v38, v40;
	v36 =	vmul.f32 v45, v36;
	v40 =	vld [tilespmem:s26+$0xF410]  }
0x474: {  	v37 =	vadd.f32 v37, v39;
	v35 =	vmul.f32 v35, v44;
	v39 =	vld [tilespmem:s26+$0x10C20]  }
0x475: {  	v36 =	vadd.f32 v36, v38;
	v34 =	vmul.f32 v43, v34;
	v38 =	vld [tilespmem:s26+$0xF420]  }
0x476: {  	v35 =	vadd.f32 v35, v37;
	v33 =	vmul.f32 v33, v42;
	v37 =	vld [tilespmem:s26+$0x10C30]  }
0x477: {  	v34 =	vadd.f32 v34, v36;
	v32 =	vmul.f32 v41, v32;
	v36 =	vld [tilespmem:s26+$0xF430]  }
0x478: {  	v33 =	vadd.f32 v33, v35;
	v31 =	vmul.f32 v31, v40;
	v35 =	vld [tilespmem:s26+$0x10C40]  }
0x479: {  	v32 =	vadd.f32 v32, v34;
	v30 =	vmul.f32 v39, v30;
	v34 =	vld [tilespmem:s26+$0xF440]  }
0x47a: {  	v31 =	vadd.f32 v31, v33;
	v29 =	vmul.f32 v29, v38;
	v33 =	vld [tilespmem:s26+$0x10C50]  }
0x47b: {  	v30 =	vadd.f32 v30, v32;
	v28 =	vmul.f32 v37, v28;
	v32 =	vld [tilespmem:s26+$0xF450]  }
0x47c: {  	v29 =	vadd.f32 v29, v31;
	v27 =	vmul.f32 v27, v36;
	v31 =	vld [tilespmem:s26+$0x10C60]  }
0x47d: {  	v28 =	vadd.f32 v28, v30;
	v26 =	vmul.f32 v35, v26;
	v30 =	vld [tilespmem:s26+$0xF460]  }
0x47e: {  	v27 =	vadd.f32 v27, v29;
	v25 =	vmul.f32 v25, v34;
	v29 =	vld [tilespmem:s26+$0x10C70]  }
0x47f: {  	v26 =	vadd.f32 v26, v28;
	v24 =	vmul.f32 v33, v24;
	v28 =	vld [tilespmem:s26+$0xF470]  }
0x480: {  	v25 =	vadd.f32 v25, v27;
	v23 =	vmul.f32 v23, v32  }
0x481: {  	v24 =	vadd.f32 v24, v26;
	v22 =	vmul.f32 v31, v22  }
0x482: {  	v23 =	vadd.f32 v23, v25;
	v21 =	vmul.f32 v21, v30  }
0x483: {  	v22 =	vadd.f32 v22, v24;
	v20 =	vmul.f32 v29, v20  }
0x484: {  	v21 =	vadd.f32 v21, v23;
	v19 =	vmul.f32 v19, v28  }
0x485: {  	v20 =	vadd.f32 v20, v22  }
0x486: {  	s28 =	sadd.s32 $0x80, s28;
	s24 =	sadd.s32 $0x10, s24;
	v19 =	vadd.f32 v19, v21  }
0x487: {  	s25 =	sadd.s32 $0x10, s25;
	s30 =	sand.u32 $0x380, s28;
	s26 =	sand.u32 $0x1000, s29;
	[tilespmem:s24+$0x0] =	vst v20  }
0x488: {  	s26 =	sor.u32 s30, s26;
	[tilespmem:s25+$0x0] =	vst v19  }
0x489: {  	v19 =	vld [tilespmem:s26+$0x11470]  }
0x48a: {  	v20 =	vld [tilespmem:s26+$0xEC70]  }
0x48b: {  	v21 =	vld [tilespmem:s26+$0x11460]  }
0x48c: {  	v22 =	vld [tilespmem:s26+$0xEC60]  }
0x48d: {  	v23 =	vld [tilespmem:s26+$0x11450]  }
0x48e: {  	v24 =	vld [tilespmem:s26+$0xEC50]  }
0x48f: {  	v25 =	vld [tilespmem:s26+$0x11440]  }
0x490: {  	v26 =	vld [tilespmem:s26+$0xEC40]  }
0x491: {  	v27 =	vld [tilespmem:s26+$0x11430]  }
0x492: {  	v28 =	vld [tilespmem:s26+$0xEC30]  }
0x493: {  	v29 =	vld [tilespmem:s26+$0x11420]  }
0x494: {  	v30 =	vld [tilespmem:s26+$0xEC20]  }
0x495: {  	v31 =	vld [tilespmem:s26+$0x11410]  }
0x496: {  	v32 =	vld [tilespmem:s26+$0xEC10]  }
0x497: {  	v33 =	vld [tilespmem:s26+$0x11400]  }
0x498: {  	v34 =	vld [tilespmem:s26+$0xEC00]  }
0x499: {  	v35 =	vld [tilespmem:s26+$0x11070]  }
0x49a: {  	v36 =	vld [tilespmem:s26+$0xE870]  }
0x49b: {  	v37 =	vld [tilespmem:s26+$0x11060]  }
0x49c: {  	v38 =	vld [tilespmem:s26+$0xE860]  }
0x49d: {  	v39 =	vld [tilespmem:s26+$0x11050]  }
0x49e: {  	v40 =	vld [tilespmem:s26+$0xE850]  }
0x49f: {  	v41 =	vld [tilespmem:s26+$0x11040]  }
0x4a0: {  	v42 =	vld [tilespmem:s26+$0xE840]  }
0x4a1: {  	v43 =	vld [tilespmem:s26+$0x11030]  }
0x4a2: {  	v44 =	vld [tilespmem:s26+$0xE830]  }
0x4a3: {  	v45 =	vld [tilespmem:s26+$0x11020]  }
0x4a4: {  	v46 =	vld [tilespmem:s26+$0xE820]  }
0x4a5: {  	v47 =	vld [tilespmem:s26+$0x11000]  }
.Ltmp3:
0x4a6: {  	v48 =	vld [tilespmem:s26+$0xF000];
	(pc) =	sbr.rel @p0 .LBB2_9-.Ltmp3, $4  }
0x4a7: {  	v49 =	vld [tilespmem:s26+$0x11010]  }
0x4a8: {  	v50 =	vld [tilespmem:s26+$0x10800]  }
0x4a9: {  	v51 =	vld [tilespmem:s26+$0xE800]  }
0x4aa: {  	s29 =	sadd.s32 $0x200, s29;
	v52 =	vld [tilespmem:s26+$0xE810]  }
0x4ab: {  	v53 =	vld [tilespmem:s26+$0x10810]  }
0x4ac: {  	v54 =	vld [tilespmem:s26+$0xF010]  }
0x4ad: {  	v55 =	vld [tilespmem:s26+$0x10820]  }
0x4ae: {  	v56 =	vld [tilespmem:s26+$0xF020]  }
0x4af: {  	v57 =	vld [tilespmem:s26+$0x10830]  }
0x4b0: {  	v62 =	vld [tilespmem:s26+$0xF030];
	v50 =	vmul.f32 v50, v51;
	v61 =	vmul.f32 v53, v52  }
0x4b1: {  	v47 =	vmul.f32 v47, v48;
	v63 =	vmul.f32 v49, v54;
	v54 =	vld [tilespmem:s26+$0x10840]  }
0x4b2: {  	v46 =	vmul.f32 v55, v46;
	v55 =	vld [tilespmem:s26+$0xF040];
	v50 =	vadd.f32 v61, v50  }
0x4b3: {  	v58 =	vld [tilespmem:s26+$0x10850];
	v45 =	vmul.f32 v45, v56;
	v47 =	vadd.f32 v63, v47  }
0x4b4: {  	v59 =	vld [tilespmem:s26+$0xF050];
	v44 =	vmul.f32 v57, v44;
	v46 =	vadd.f32 v46, v50  }
0x4b5: {  	v60 =	vld [tilespmem:s26+$0x10860];
	v43 =	vmul.f32 v43, v62;
	v45 =	vadd.f32 v45, v47  }
0x4b6: {  	v61 =	vld [tilespmem:s26+$0xF060];
	v42 =	vmul.f32 v54, v42;
	v44 =	vadd.f32 v44, v46  }
0x4b7: {  	v62 =	vld [tilespmem:s26+$0x10870];
	v41 =	vmul.f32 v41, v55;
	v43 =	vadd.f32 v43, v45  }
0x4b8: {  	v40 =	vmul.f32 v58, v40;
	v63 =	vld [tilespmem:s26+$0xF070];
	v42 =	vadd.f32 v42, v44  }
0x4b9: {  	v48 =	vld [tilespmem:s26+$0x10C00];
	v39 =	vmul.f32 v39, v59;
	v41 =	vadd.f32 v41, v43  }
0x4ba: {  	v38 =	vmul.f32 v60, v38;
	v49 =	vld [tilespmem:s26+$0xF400];
	v40 =	vadd.f32 v40, v42  }
0x4bb: {  	v50 =	vld [tilespmem:s26+$0x10C10];
	v37 =	vmul.f32 v37, v61;
	v39 =	vadd.f32 v39, v41  }
0x4bc: {  	v51 =	vld [tilespmem:s26+$0xF410];
	v36 =	vmul.f32 v62, v36;
	v38 =	vadd.f32 v38, v40  }
0x4bd: {  	v52 =	vld [tilespmem:s26+$0x10C20];
	v35 =	vmul.f32 v35, v63;
	v37 =	vadd.f32 v37, v39  }
0x4be: {  	v34 =	vmul.f32 v48, v34;
	v53 =	vld [tilespmem:s26+$0xF420];
	v36 =	vadd.f32 v36, v38  }
0x4bf: {  	v33 =	vmul.f32 v33, v49;
	v54 =	vld [tilespmem:s26+$0x10C30];
	v35 =	vadd.f32 v35, v37  }
0x4c0: {  	v55 =	vld [tilespmem:s26+$0xF430];
	v32 =	vmul.f32 v50, v32;
	v34 =	vadd.f32 v34, v36  }
0x4c1: {  	v56 =	vld [tilespmem:s26+$0x10C40];
	v31 =	vmul.f32 v31, v51;
	v33 =	vadd.f32 v33, v35  }
0x4c2: {  	v57 =	vld [tilespmem:s26+$0xF440];
	v30 =	vmul.f32 v52, v30;
	v32 =	vadd.f32 v32, v34  }
0x4c3: {  	v58 =	vld [tilespmem:s26+$0x10C50];
	v29 =	vmul.f32 v29, v53;
	v31 =	vadd.f32 v31, v33  }
0x4c4: {  	v59 =	vld [tilespmem:s26+$0xF450];
	v28 =	vmul.f32 v54, v28;
	v30 =	vadd.f32 v30, v32  }
0x4c5: {  	v60 =	vld [tilespmem:s26+$0x10C60];
	v27 =	vmul.f32 v27, v55;
	v29 =	vadd.f32 v29, v31  }
0x4c6: {  	v26 =	vmul.f32 v56, v26;
	v61 =	vld [tilespmem:s26+$0xF460];
	v28 =	vadd.f32 v28, v30  }
0x4c7: {  	v25 =	vmul.f32 v25, v57;
	v62 =	vld [tilespmem:s26+$0x10C70];
	v27 =	vadd.f32 v27, v29  }
0x4c8: {  	v24 =	vmul.f32 v58, v24;
	v63 =	vld [tilespmem:s26+$0xF470];
	v26 =	vadd.f32 v26, v28  }
0x4c9: {  	v23 =	vmul.f32 v23, v59;
	v25 =	vadd.f32 v25, v27  }
0x4ca: {  	v22 =	vmul.f32 v60, v22;
	v24 =	vadd.f32 v24, v26  }
0x4cb: {  	v21 =	vmul.f32 v21, v61;
	v23 =	vadd.f32 v23, v25  }
0x4cc: {  	v20 =	vmul.f32 v62, v20;
	v22 =	vadd.f32 v22, v24  }
0x4cd: {  	v19 =	vmul.f32 v19, v63;
	v21 =	vadd.f32 v21, v23  }
0x4ce: {  	v20 =	vadd.f32 v20, v22  }
0x4cf: {  	s24 =	sadd.s32 $0x10, s24;
	v19 =	vadd.f32 v19, v21  }
0x4d0: {  	s30 =	sadd.s32 $0x10, s25;
	[tilespmem:s24+$0x0] =	vst v20  }
0x4d1: {  	[tilespmem:s30+$0x0] =	vst v19  }
0x4d2: {  	v19 =	vld.idx.msk [tilespmem:v1+s20+$0x0], $0xffff  }
0x4d3: {  	v20 =	vld.idx.msk [tilespmem:v1+s21+$0x0], $0xffff  }
0x4d4: {  	v30 =	vld.idx.msk [tilespmem:v4+s20+$0x0], $0xffff  }
0x4d5: {  	v31 =	vld.idx.msk [tilespmem:v4+s21+$0x0], $0xffff  }
0x4d6: {  	v32 =	vld.idx.msk [tilespmem:v5+s20+$0x0], $0xffff  }
0x4d7: {  	v33 =	vld.idx.msk [tilespmem:v5+s21+$0x0], $0xffff  }
0x4d8: {  	v34 =	vld.idx.msk [tilespmem:v6+s20+$0x0], $0xffff  }
0x4d9: {  	v35 =	vld.idx.msk [tilespmem:v6+s21+$0x0], $0xffff  }
0x4da: {  	v36 =	vld.idx.msk [tilespmem:v7+s20+$0x0], $0xffff;
	v19 =	vadd.f32 v30, v19  }
0x4db: {  	v37 =	vld.idx.msk [tilespmem:v7+s21+$0x0], $0xffff;
	v20 =	vadd.f32 v31, v20  }
0x4dc: {  	v38 =	vld.idx.msk [tilespmem:v8+s20+$0x0], $0xffff;
	v19 =	vadd.f32 v32, v19  }
0x4dd: {  	v39 =	vld.idx.msk [tilespmem:v8+s21+$0x0], $0xffff;
	v20 =	vadd.f32 v33, v20  }
0x4de: {  	v40 =	vld.idx.msk [tilespmem:v9+s20+$0x0], $0xffff;
	v19 =	vadd.f32 v34, v19  }
0x4df: {  	v41 =	vld.idx.msk [tilespmem:v9+s21+$0x0], $0xffff;
	v20 =	vadd.f32 v35, v20  }
0x4e0: {  	v42 =	vld.idx.msk [tilespmem:v10+s20+$0x0], $0xffff;
	v19 =	vadd.f32 v36, v19  }
0x4e1: {  	v43 =	vld.idx.msk [tilespmem:v10+s21+$0x0], $0xffff;
	v20 =	vadd.f32 v37, v20  }
0x4e2: {  	v44 =	vld.idx.msk [tilespmem:v11+s20+$0x0], $0xffff;
	v19 =	vadd.f32 v38, v19  }
0x4e3: {  	v45 =	vld.idx.msk [tilespmem:v11+s21+$0x0], $0xffff;
	v20 =	vadd.f32 v39, v20  }
0x4e4: {  	v46 =	vld.idx.msk [tilespmem:v12+s20+$0x0], $0xffff;
	v19 =	vadd.f32 v40, v19  }
0x4e5: {  	v47 =	vld.idx.msk [tilespmem:v12+s21+$0x0], $0xffff;
	v20 =	vadd.f32 v41, v20  }
0x4e6: {  	v48 =	vld.idx.msk [tilespmem:v13+s20+$0x0], $0xffff;
	v19 =	vadd.f32 v42, v19  }
0x4e7: {  	v49 =	vld.idx.msk [tilespmem:v13+s21+$0x0], $0xffff;
	v20 =	vadd.f32 v43, v20  }
0x4e8: {  	v50 =	vld.idx.msk [tilespmem:v14+s20+$0x0], $0xffff;
	v19 =	vadd.f32 v44, v19  }
0x4e9: {  	v51 =	vld.idx.msk [tilespmem:v14+s21+$0x0], $0xffff;
	v20 =	vadd.f32 v45, v20  }
0x4ea: {  	v52 =	vld.idx.msk [tilespmem:v15+s20+$0x0], $0xffff;
	v19 =	vadd.f32 v46, v19  }
0x4eb: {  	v53 =	vld [tilespmem:s23+$0x70];
	v20 =	vadd.f32 v47, v20  }
0x4ec: {  	v54 =	vld.idx.msk [tilespmem:v15+s21+$0x0], $0xffff;
	v19 =	vadd.f32 v48, v19  }
0x4ed: {  	v55 =	vld.idx.msk [tilespmem:v16+s20+$0x0], $0xffff;
	v20 =	vadd.f32 v49, v20  }
0x4ee: {  	v56 =	vld.idx.msk [tilespmem:v16+s21+$0x0], $0xffff;
	v19 =	vadd.f32 v50, v19  }
0x4ef: {  	v57 =	vld.idx.msk [tilespmem:v17+s20+$0x0], $0xffff;
	v20 =	vadd.f32 v51, v20  }
0x4f0: {  	v58 =	vld.idx.msk [tilespmem:v17+s21+$0x0], $0xffff;
	v59 =	vshll.u32 v53, $0x2;
	v19 =	vadd.f32 v52, v19  }
0x4f1: {  	v60 =	vld.idx.msk [tilespmem:v18+s20+$0x0], $0xffff;
	v26 =	vand.u32 $0x7, v53;
	v27 =	vand.u32 $0xFFFFFFE0, v59;
	v20 =	vadd.f32 v54, v20  }
0x4f2: {  	v61 =	vld.idx.msk [tilespmem:v18+s21+$0x0], $0xffff;
	v26 =	vor.u32 v26, v27;
	v19 =	vadd.f32 v55, v19  }
0x4f3: {  	v62 =	vperm.xlane v26, v0;
	v20 =	vadd.f32 v56, v20  }
0x4f4: {  	v19 =	vadd.f32 v57, v19  }
0x4f5: {  	v23 =	vadd.s32 v2, v62;
	v20 =	vadd.f32 v58, v20  }
0x4f6: {  	v19 =	vadd.f32 v60, v19  }
0x4f7: {  	v63 =	vperm.xlane v26, v3;
	v20 =	vadd.f32 v61, v20  }
0x4f8: {  	[tilespmem:s23+$0x12830] =	vst v19  }
0x4f9: {  	[tilespmem:s23+$0x13C30] =	vst v20;
	v19 =	vadd.s32 v2, v63  }
0x4fa: {  	[tilespmem:s7], [sflag:$0x4] =	stream.indirect_vreg.gather [hbm4b:s3+s2], $0x80, v23, vm0, $0xb8;
	[tilespmem:$0x15200] =	vst v63  }
0x4fb: {  	_ = 	snop  }
0x4fc: {  	[tilespmem:s8], [sflag:$0x4] =	stream.indirect_vreg.gather [hbm4b:s6+s2], $0x80, v23, vm0, $0xb8;
	[tilespmem:$0x15200] =	vst v63  }
0x4fd: {  	_ = 	snop  }
0x4fe: {  	[tilespmem:s9], [sflag:$0x4] =	stream.indirect_vreg.gather [hbm4b:s3+s2], $0x80, v19, vm0, $0xb8;
	[tilespmem:$0x15200] =	vst v63  }
0x4ff: {  	_ = 	snop  }
0x500: {  	[tilespmem:s10], [sflag:$0x4] =	stream.indirect_vreg.gather [hbm4b:s6+s2], $0x80, v19, vm0, $0xb8;
	[tilespmem:$0x15200] =	vst v63  }
0x501: {  	v19 =	vld [tilespmem:s23+$0x1470];
	_ =	sdelay $0x4  }
0x502: {  	v20 =	vshll.u32 v19, $0x2  }
0x503: {  	v19 =	vand.u32 $0x7, v19;
	v20 =	vand.u32 $0xFFFFFFE0, v20  }
0x504: {  	v19 =	vor.u32 v19, v20  }
0x505: {  	v20 =	vperm.xlane v19, v0;
	_ =	sdelay $0x1  }
0x506: {  	v20 =	vadd.s32 v2, v20;
	_ =	sdelay $0x2  }
0x507: {  	v19 =	vperm.xlane v19, v3  }
0x508: {  	s22 =	sadd.s32 $0x1, s22  }
0x509: {  	v19 =	vadd.s32 v2, v19;
	[tilespmem:s12], [sflag:$0x4] =	stream.indirect_vreg.gather [hbm4b:s3+s2], $0x80, v20, vm0, $0xb8;
	[tilespmem:$0x15200] =	vst v63  }
0x50a: {  	p0 =	sne.s32 s22, $0x4F  }
0x50b: {  	[tilespmem:s13], [sflag:$0x4] =	stream.indirect_vreg.gather [hbm4b:s6+s2], $0x80, v20, vm0, $0xb8;
	[tilespmem:$0x15200] =	vst v63  }
.Ltmp4:
0x50c: {  	_ = 	snop;
	(pc) =	sbr.rel @p0 .LBB2_2-.Ltmp4, $4  }
0x50d: {  	_ = 	snop  }
0x50e: {  	[tilespmem:s14], [sflag:$0x4] =	stream.indirect_vreg.gather [hbm4b:s3+s2], $0x80, v19, vm0, $0xb8;
	[tilespmem:$0x15200] =	vst v63  }
0x50f: {  	_ = 	snop  }
0x510: {  	[tilespmem:s15], [sflag:$0x4] =	stream.indirect_vreg.gather [hbm4b:s6+s2], $0x80, v19, vm0, $0xb8;
	[tilespmem:$0x15200] =	vst v63  }
0x511: {  	_ =	swait.ge [sflag:s16], $0x2000  }
0x512: {  	[sflag:s16] =	ssyncset.done $0x0  }
0x513: {  	[sflag:s16] =	ssyncadd.s32 $0xFFFFE000  }
0x514: {  	_ =	swait.ge [sflag:s16], $0x2000  }
0x515: {  	[sflag:s16] =	ssyncset.done $0x0  }
0x516: {  	[sflag:s16] =	ssyncadd.s32 $0xFFFFE000  }
0x517: {  	_ =	swait.ge [sflag:s17], $0x2000  }
0x518: {  	[sflag:s17] =	ssyncset.done $0x0  }
0x519: {  	[sflag:s17] =	ssyncadd.s32 $0xFFFFE000  }
0x51a: {  	_ =	swait.ge [sflag:s17], $0x2000  }
0x51b: {  	[sflag:s17] =	ssyncset.done $0x0  }
0x51c: {  	[sflag:s17] =	ssyncadd.s32 $0xFFFFE000  }
0x51d: {  	_ =	swait.ge [sflag:s18], $0x2000  }
0x51e: {  	[sflag:s18] =	ssyncset.done $0x0  }
0x51f: {  	[sflag:s18] =	ssyncadd.s32 $0xFFFFE000  }
0x520: {  	_ =	swait.ge [sflag:s18], $0x2000  }
0x521: {  	[sflag:s18] =	ssyncset.done $0x0  }
0x522: {  	[sflag:s18] =	ssyncadd.s32 $0xFFFFE000  }
0x523: {  	_ =	swait.ge [sflag:s19], $0x2000  }
0x524: {  	[sflag:s19] =	ssyncset.done $0x0  }
0x525: {  	[sflag:s19] =	ssyncadd.s32 $0xFFFFE000  }
0x526: {  	_ =	swait.ge [sflag:s19], $0x2000  }
0x527: {  	[sflag:s19] =	ssyncset.done $0x0  }
0x528: {  	s23 =	simm.s32 $0x12800;
	s22 =	rddreg [dreg:$0x4];
	[sflag:s19] =	ssyncadd.s32 $0xFFFFE000  }
0x529: {  	[hbm4b:s22+s2] =	stream.linear.scatter [tilespmem:s23], [sflag:$0x5], $0x13C0, $0x38;
	[tilespmem:$0x15200] =	vst v63  }
0x52a: {  	s23 =	simm.s32 $0x5  }
0x52b: {  	_ =	swait.ge [sflag:s23], $0x13C0  }
0x52c: {  	[sflag:s23] =	ssyncset.done $0x0  }
0x52d: {  	s24 =	simm.s32 $0x13C00;
	s28 =	rddreg [dreg:$0x5];
	[sflag:s23] =	ssyncadd.s32 $0xFFFFEC40  }
0x52e: {  	[hbm4b:s28+s2] =	stream.linear.scatter [tilespmem:s24], [sflag:$0x5], $0x13C0, $0x38;
	[tilespmem:$0x15200] =	vst v63  }
0x52f: {  	_ =	swait.ge [sflag:s23], $0x13C0  }
0x530: {  	s29 =	rddreg [dreg:$0x7]  }
0x531: {  	s30 =	rddreg [dreg:$0x6];
	s24 =	sadd.s32 $0x1, s29  }
0x532: {  	p0 =	sne.s32 s24, s30  }
.Ltmp5:
0x533: {  	_ = 	snop;
	(pc) =	sbr.rel @p0 .LBB2_1-.Ltmp5, $3  }
0x534: {  	_ =	sdelay $0x1  }
0x535: {  	[sflag:s23] =	ssyncset.done $0x0  }
0x536: {  	[sflag:s23] =	ssyncadd.s32 $0xFFFFEC40  }
0x537: {  	_ =	sfence.sel $0x180000  }
0x538: {  	[bflag:$0x0] =	sbarrier.arrive $0xFFFF  }
0x539: {  	_ =	strace $0x90000047  }
0x53a: {  	s0 =	stileid.u32;
	[bflag:$0x2] =	sbarrier.arrive $0xFFFF  }
0x53b: {  	p0 =	sne.s32 s0, $0x0;
	s0 =	rddreg [dreg:$0x1]  }
0x53c: {  	s0 =	sadd.s32 @!p0 $0x100000, s0  }
0x53d: {  	[sflag:s0] =	ssyncadd.tile.s32 @!p0 $0x1;
	_ =	shalt  }
.Lfunc_end2:
_tile_overlayer_lowered:
.L_overlay_start_2:
0x53e: {  	(tag) =	ssettag $0x2  }
0x53f: {  	s0 =	rddreg [dreg:$0x0];
	s2 =	stileid.u32  }
0x540: {  	s1 =	rddreg [dreg:$0x1];
	p0 =	sne.s32 s2, $0x0  }
0x541: {  	s3 =	rddreg [dreg:$0x2];
	[bflag:$0x3] =	sbarrier.arrive $0xFFFF;
	s2 =	simm.s32 @!p0 $0x1C05  }
0x542: {  	[timem:s3], [sflag:s2] =	dma.local @!p0 [hbm:s0], s1  }
0x543: {  	s0 =	simm.s32 @!p0 $0x5  }
0x544: {  	_ =	swait.ge @!p0 [sflag:s0], s1  }
0x545: {  	s1 =	ssub.s32 @!p0 $0x0, s1;
	[sflag:s0] =	ssyncset.done @!p0 $0x0  }
0x546: {  	[sflag:s0] =	ssyncadd.s32 @!p0 s1  }
0x547: {  	[bflag:$0x3] =	sbarrier.arrive $0xFFFF  }
0x548: {  	_ =	shalt  }

</sc_bundles>
